<compile_context>
chip_gen: v7x
topology: tpu7x:2x2x1
jax: 0.10.2.dev20260603
libtpu: 0.0.44.dev20260713+nightly
codegen_flags: <defaults>
</compile_context>

<pallas_src>
import functools

import jax
import jax.numpy as jnp
from jax import lax
from jax.experimental import pallas as pl
from jax.experimental.pallas import tpu as pltpu
from jax.experimental.pallas import tpu_sc as plsc

N = 10000
E = 160000
HID = 256
OUT_CH = 64

NC = 2
NS = 16
CK = 128
CP = 79
EPS = CP * CK
EPAD = NS * EPS
NDP = 10112
DRAIN = 624
ZR = NDP // NS


def _leaky(x):
    return jnp.where(x >= 0.0, x, 0.2 * x)


def _segsum_body(h2, src2, dst3, seg_out, sidx, didx, rows, acc, sem):
    c = lax.axis_index("c")
    s = lax.axis_index("s")

    pltpu.sync_copy(src2.at[c, s], sidx)
    pltpu.sync_copy(dst3.at[s], didx)

    def _fill_rows(i, _):
        for k in range(8):
            rows[i, pl.ds(k * 16, 16)] = jnp.zeros((16,), jnp.float32)
        return 0
    lax.fori_loop(0, CK, _fill_rows, 0)

    b0 = s * ZR
    for t in range(4):
        pltpu.sync_copy(rows, acc.at[pl.ds(b0 + t * CK, CK)])
    pltpu.sync_copy(rows.at[pl.ds(0, ZR - 4 * CK)],
                    acc.at[pl.ds(b0 + 4 * CK, ZR - 4 * CK)])
    plsc.subcore_barrier()

    def _step(j, _):
        pltpu.async_copy(h2.at[sidx.at[j]], rows, sem).wait()
        pltpu.sync_copy(rows, acc.at[didx.at[j]], add=True)
        return 0
    lax.fori_loop(0, CP, _step, 0)

    plsc.subcore_barrier()

    d0 = s * DRAIN
    pltpu.sync_copy(acc.at[pl.ds(d0, DRAIN)], seg_out.at[c, pl.ds(d0, DRAIN)])

    tail0 = NS * DRAIN
    tail = N - tail0

    @pl.when(s == NS - 1)
    def _():
        pltpu.sync_copy(acc.at[pl.ds(tail0, tail)],
                        seg_out.at[c, pl.ds(tail0, tail)])


@functools.lru_cache(maxsize=None)
def _segsum_call():
    return pl.kernel(
        _segsum_body,
        out_type=jax.ShapeDtypeStruct((NC, N, 128), jnp.float32),
        mesh=plsc.VectorSubcoreMesh(core_axis_name="c", subcore_axis_name="s",
                                    num_cores=NC, num_subcores=NS),
        scratch_types=[
            pltpu.VMEM((CP, CK), jnp.int32),
            pltpu.VMEM((CP, CK), jnp.int32),
            pltpu.VMEM((CK, 128), jnp.float32),
            pltpu.VMEM_SHARED((NDP, 128), jnp.float32),
            pltpu.SemaphoreType.DMA,
        ],
    )


def _segsum(h, src2, dst3):
    h2 = h.reshape(2 * N, 128)
    return _segsum_call()(h2, src2, dst3)


def _count_body(dstall, cnt_out, didx, onesb, cacc):
    c = lax.axis_index("c")
    s = lax.axis_index("s")

    def _fill(i, _):
        for k in range(8):
            onesb[i, pl.ds(k * 16, 16)] = jnp.zeros((16,), jnp.float32)
        return 0
    lax.fori_loop(0, CK, _fill, 0)

    b0 = s * ZR
    for t in range(4):
        pltpu.sync_copy(onesb, cacc.at[pl.ds(b0 + t * CK, CK)])
    pltpu.sync_copy(onesb.at[pl.ds(0, ZR - 4 * CK)],
                    cacc.at[pl.ds(b0 + 4 * CK, ZR - 4 * CK)])
    plsc.subcore_barrier()

    for k in range(3):
        pltpu.sync_copy(dstall.at[k, s], didx)

        def _lane(i, _, k=k):
            if k > 0:
                onesb[i, pl.ds(16 * (k - 1), 16)] = jnp.zeros((16,),
                                                              jnp.float32)
            onesb[i, pl.ds(16 * k, 16)] = jnp.ones((16,), jnp.float32)
            return 0
        lax.fori_loop(0, CK, _lane, 0)

        def _step(t, _):
            pltpu.sync_copy(onesb, cacc.at[didx.at[2 * t + c]], add=True)
            return 0
        lax.fori_loop(0, CP // 2, _step, 0)

        if CP % 2:
            @pl.when(c == 1)
            def _():
                pltpu.sync_copy(onesb, cacc.at[didx.at[CP - 1]], add=True)

    plsc.subcore_barrier()

    d0 = s * DRAIN
    pltpu.sync_copy(cacc.at[pl.ds(d0, DRAIN)], cnt_out.at[c, pl.ds(d0, DRAIN)])

    tail0 = NS * DRAIN

    @pl.when(s == NS - 1)
    def _():
        pltpu.sync_copy(cacc.at[pl.ds(tail0, N - tail0)],
                        cnt_out.at[c, pl.ds(tail0, N - tail0)])


@functools.lru_cache(maxsize=None)
def _count_call():
    return pl.kernel(
        _count_body,
        out_type=jax.ShapeDtypeStruct((NC, N, 128), jnp.float32),
        mesh=plsc.VectorSubcoreMesh(core_axis_name="c", subcore_axis_name="s",
                                    num_cores=NC, num_subcores=NS),
        scratch_types=[
            pltpu.VMEM((CP, CK), jnp.int32),
            pltpu.VMEM((CK, 128), jnp.float32),
            pltpu.VMEM_SHARED((NDP, 128), jnp.float32),
        ],
    )


def _count3(dst_tt, dst_rr, dst_rt):
    parts = _count_call()(jnp.stack([dst_tt, dst_rr, dst_rt]))
    both = parts[0, :, 0:48] + parts[1, :, 0:48]
    return both[:, 0:16], both[:, 16:32], both[:, 32:48]


def _prep_edges(ei):
    src = ei[0]
    dst = ei[1]
    pad = EPAD - E
    ar = jnp.arange(pad, dtype=jnp.int32)
    srcp = jnp.concatenate([src, ar % N])
    dstp = jnp.concatenate([dst, N + ar % (NDP - N)])
    src2 = jnp.stack([2 * srcp, 2 * srcp + 1]).reshape(NC, NS, CP, CK)
    dst3 = dstp.reshape(NS, CP, CK)
    return src2, dst3


RB = 1000


def _post_body(x_ref, w1_ref, w2_ref, g_ref, b_ref, o_ref):
    h = _leaky(jnp.dot(x_ref[...], w1_ref[...],
                       preferred_element_type=jnp.float32))
    h = jnp.dot(h, w2_ref[...], preferred_element_type=jnp.float32)
    m = jnp.mean(h, axis=1, keepdims=True)
    v = jnp.mean((h - m) * (h - m), axis=1, keepdims=True)
    h = (h - m) * lax.rsqrt(v + 1e-5) * g_ref[...] + b_ref[...]
    o_ref[...] = _leaky(h)


def _post_tc(x, w1, w2, g, b):
    k = x.shape[1]
    return pl.pallas_call(
        _post_body,
        grid=(N // RB,),
        in_specs=[
            pl.BlockSpec((RB, k), lambda i: (i, 0)),
            pl.BlockSpec((k, HID), lambda i: (0, 0)),
            pl.BlockSpec((HID, HID), lambda i: (0, 0)),
            pl.BlockSpec((1, HID), lambda i: (0, 0)),
            pl.BlockSpec((1, HID), lambda i: (0, 0)),
        ],
        out_specs=pl.BlockSpec((RB, HID), lambda i: (i, 0)),
        out_shape=jax.ShapeDtypeStruct((N, HID), jnp.float32),
    )(x, w1, w2, g.reshape(1, HID), b.reshape(1, HID))


def _sage2_body(sa_ref, ca_ref, sb_ref, cb_ref, h_ref,
                wla_ref, wlb_ref, wr_ref, bb_ref, o_ref):
    ra = 1.0 / jnp.maximum(ca_ref[...][:, 0:1], 1.0)
    rb = 1.0 / jnp.maximum(cb_ref[...][:, 0:1], 1.0)
    acc = jnp.dot(h_ref[...], wr_ref[...], preferred_element_type=jnp.float32)
    acc += jnp.dot(sa_ref[0] * ra, wla_ref[0],
                   preferred_element_type=jnp.float32)
    acc += jnp.dot(sa_ref[1] * ra, wla_ref[1],
                   preferred_element_type=jnp.float32)
    acc += jnp.dot(sb_ref[0] * rb, wlb_ref[0],
                   preferred_element_type=jnp.float32)
    acc += jnp.dot(sb_ref[1] * rb, wlb_ref[1],
                   preferred_element_type=jnp.float32)
    o_ref[...] = _leaky(acc + bb_ref[...])


def _sage2_tc(sa, ca, sb, cb, h, wla, wlb, wr, bb):
    return pl.pallas_call(
        _sage2_body,
        grid=(N // RB,),
        in_specs=[
            pl.BlockSpec((NC, RB, 128), lambda i: (0, i, 0)),
            pl.BlockSpec((RB, 16), lambda i: (i, 0)),
            pl.BlockSpec((NC, RB, 128), lambda i: (0, i, 0)),
            pl.BlockSpec((RB, 16), lambda i: (i, 0)),
            pl.BlockSpec((RB, HID), lambda i: (i, 0)),
            pl.BlockSpec((NC, 128, HID), lambda i: (0, 0, 0)),
            pl.BlockSpec((NC, 128, HID), lambda i: (0, 0, 0)),
            pl.BlockSpec((HID, HID), lambda i: (0, 0)),
            pl.BlockSpec((1, HID), lambda i: (0, 0)),
        ],
        out_specs=pl.BlockSpec((RB, HID), lambda i: (i, 0)),
        out_shape=jax.ShapeDtypeStruct((N, HID), jnp.float32),
    )(sa, ca, sb, cb, h, wla, wlb, wr, bb)


def _sage1_body(sa_ref, ca_ref, h_ref, wla_ref, wr_ref, bb_ref, o_ref):
    ra = 1.0 / jnp.maximum(ca_ref[...][:, 0:1], 1.0)
    acc = jnp.dot(h_ref[...], wr_ref[...], preferred_element_type=jnp.float32)
    acc += jnp.dot(sa_ref[0] * ra, wla_ref[0],
                   preferred_element_type=jnp.float32)
    acc += jnp.dot(sa_ref[1] * ra, wla_ref[1],
                   preferred_element_type=jnp.float32)
    o_ref[...] = _leaky(acc + bb_ref[...])


def _sage1_tc(sa, ca, h, wla, wr, bb):
    return pl.pallas_call(
        _sage1_body,
        grid=(N // RB,),
        in_specs=[
            pl.BlockSpec((NC, RB, 128), lambda i: (0, i, 0)),
            pl.BlockSpec((RB, 16), lambda i: (i, 0)),
            pl.BlockSpec((RB, HID), lambda i: (i, 0)),
            pl.BlockSpec((NC, 128, HID), lambda i: (0, 0, 0)),
            pl.BlockSpec((HID, HID), lambda i: (0, 0)),
            pl.BlockSpec((1, HID), lambda i: (0, 0)),
        ],
        out_specs=pl.BlockSpec((RB, HID), lambda i: (i, 0)),
        out_shape=jax.ShapeDtypeStruct((N, HID), jnp.float32),
    )(sa, ca, h, wla, wr, bb)


@jax.jit
def kernel(x_target, x_reference, edge_index_tt, edge_index_rr,
           edge_index_rt, params):
    p = params
    e_tt = _prep_edges(edge_index_tt)
    e_rr = _prep_edges(edge_index_rr)
    e_rt = _prep_edges(edge_index_rt)
    cnt_tt, cnt_rr, cnt_rt = _count3(e_tt[1], e_rr[1], e_rt[1])

    h_tgt = _post_tc(x_target, p['W_win'], p['W_post'], p['ln_g'], p['ln_b'])
    h_ref = _post_tc(x_reference, p['W_exp'], p['W_post'], p['ln_g'], p['ln_b'])

    for layer in p['layers']:
        seg_tt = _segsum(h_tgt, *e_tt)
        seg_rr = _segsum(h_ref, *e_rr)
        seg_rt = _segsum(h_ref, *e_rt)

        wla = (0.5 * layer['Wl_tt']).reshape(NC, 128, HID)
        wlb = (0.5 * layer['Wl_rt']).reshape(NC, 128, HID)
        wr = 0.5 * (layer['Wr_tt'] + layer['Wr_rt'])
        bb = (0.5 * (layer['b_tt'] + layer['b_rt'])).reshape(1, HID)
        h_tgt_new = _sage2_tc(seg_tt, cnt_tt, seg_rt, cnt_rt, h_tgt,
                              wla, wlb, wr, bb)

        wlr = layer['Wl_rr'].reshape(NC, 128, HID)
        h_ref = _sage1_tc(seg_rr, cnt_rr, h_ref, wlr, layer['Wr_rr'],
                          layer['b_rr'].reshape(1, HID))
        h_tgt = h_tgt_new

    return (h_tgt, h_ref)

# --- scband reference (transcript-rebuilt; emitter-appended) ---
"""Pipeline reference for scband-hetero-gnn-5540507812022 (READ-ONLY COPY).

The authoritative reference and input builder live on the scoring server;
editing this copy changes nothing except your own understanding.
"""

import jax, jax.numpy as jnp
import numpy as np

N_T = 10000
N_R = 10000
E = 160000
HID = 256
IN_CH = 256
OUT_CH = 64
NUM_LAYERS = 2


def _lin(key, din, dout):
    return (jax.random.normal(key, (din, dout), jnp.float32) / np.sqrt(din)).astype(jnp.float32)


def _make_params(key):
    ks = jax.random.split(key, 6 + NUM_LAYERS * 9)
    p = {
        'W_win': _lin(ks[0], IN_CH, HID),
        'W_exp': _lin(ks[1], IN_CH + OUT_CH, HID),
        'W_ey': _lin(ks[2], OUT_CH, HID),
        'W_post': _lin(ks[3], HID, HID),
        'ln_g': jnp.ones((HID,), jnp.float32),
        'ln_b': jnp.zeros((HID,), jnp.float32),
    }
    layers = []
    idx = 6
    for _ in range(NUM_LAYERS):
        layer = {}
        for et in ('tt', 'rr', 'rt'):
            layer['Wl_' + et] = _lin(ks[idx], HID, HID); idx += 1
            layer['Wr_' + et] = _lin(ks[idx], HID, HID); idx += 1
            layer['b_' + et] = jnp.zeros((HID,), jnp.float32); idx += 1
        layers.append(layer)
    p['layers'] = tuple(layers)
    return p


def setup_inputs(seed: int = 0):
    key = jax.random.key(seed)
    ks = jax.random.split(key, 8)
    return {
        'x_target': jax.random.normal(ks[0], (N_T, IN_CH), jnp.float32),
        'x_reference': jax.random.normal(ks[1], (N_R, IN_CH + OUT_CH), jnp.float32),
        'edge_index_tt': jax.random.randint(ks[2], (2, E), 0, N_T, jnp.int32),
        'edge_index_rr': jax.random.randint(ks[3], (2, E), 0, N_R, jnp.int32),
        'edge_index_rt': jax.random.randint(ks[4], (2, E), 0, N_T, jnp.int32),
        'params': _make_params(ks[5]),
    }


def _leaky(x):
    return jnp.where(x >= 0.0, x, 0.2 * x)


def _ln(x, g, b):
    m = jnp.mean(x, axis=-1, keepdims=True)
    v = jnp.var(x, axis=-1, keepdims=True)
    return (x - m) / jnp.sqrt(v + 1e-5) * g + b


def _post(x, p):
    # LeakyReLU(0.2) -> Dropout(0.2) [identity in eval] -> Linear(no bias) -> LayerNorm -> LeakyReLU(0.2)
    x = _leaky(x)
    x = x @ p['W_post']
    x = _ln(x, p['ln_g'], p['ln_b'])
    return _leaky(x)


def _sage(x_src, x_dst, ei, Wl, Wr, b, n_dst):
    # SAGEConv (mean aggregation): lin_l(mean_j x_src[j]) + lin_r(x_dst) + bias
    src = ei[0]
    dst = ei[1]
    msgs = jnp.take(x_src, src, axis=0)
    s = jax.ops.segment_sum(msgs, dst, num_segments=n_dst)
    c = jax.ops.segment_sum(jnp.ones((ei.shape[1],), jnp.float32), dst, num_segments=n_dst)
    agg = s / jnp.maximum(c, 1.0)[:, None]
    return agg @ Wl + x_dst @ Wr + b


def reference(x_target, x_reference, edge_index_tt, edge_index_rr, edge_index_rt, params):
    # pretransform_ey on the last out_channels columns of reference; in pyg this entry is
    # dropped by the first HeteroConv (reference_y is not src/dst of any edge type),
    # so it is computed but does not reach the output (faithful dead computation).
    ref_y = x_reference[:, -OUT_CH:] @ params['W_ey']
    del ref_y
    h_ref = _post(x_reference @ params['W_exp'], params)
    h_tgt = _post(x_target @ params['W_win'], params)
    for layer in params['layers']:
        o_tt = _sage(h_tgt, h_tgt, edge_index_tt, layer['Wl_tt'], layer['Wr_tt'], layer['b_tt'], N_T)
        o_rr = _sage(h_ref, h_ref, edge_index_rr, layer['Wl_rr'], layer['Wr_rr'], layer['b_rr'], N_R)
        o_rt = _sage(h_ref, h_tgt, edge_index_rt, layer['Wl_rt'], layer['Wr_rt'], layer['b_rt'], N_T)
        # HeteroConv(aggr='mean'): target receives mean of ('near', 'refer') conv outputs
        h_tgt = _leaky(0.5 * (o_tt + o_rt))
        h_ref = _leaky(o_rr)
    return (h_tgt, h_ref)

if __name__ == "__main__":
    import jax
    _d = setup_inputs()
    print(jax.jit(kernel)(*tuple(_d.values())))

</pallas_src>

<mosaic_0001>
#map = affine_map<(d0, d1) -> (0, 0, 0, 0)>
#map1 = affine_map<(d0, d1) -> (0, 0, 0)>
module attributes {stable_mosaic.version = 14 : i64} {
  func.func @_count_body(%arg0: i32, %arg1: i32, %arg2: memref<3x16x79x128xi32, #tpu.memory_space<hbm>>, %arg3: memref<2x10000x128xf32, #tpu.memory_space<hbm>>, %arg4: memref<79x128xi32, #tpu.memory_space<vmem>>, %arg5: memref<128x128xf32, #tpu.memory_space<vmem>>, %arg6: memref<10112x128xf32, #tpu.memory_space<vmem_shared>>) attributes {dimension_semantics = [#tpu.dimension_semantics<core_parallel>, #tpu.dimension_semantics<subcore_parallel>], iteration_bounds = array<i64: 2, 16>, scalar_prefetch = 0 : i64, scratch_operands = 3 : i64, tpu.core_type = #tpu.core_type<sc_vector_subcore>, window_params = [{transform_indices = #map}, {transform_indices = #map1}]} {
    %scan3A = arith.constant 0 : i32
    %scan3A_0 = arith.constant 0 : i32
    %scan3A_1 = arith.constant 128 : i32
    %scan3A_2 = arith.addi %scan3A_0, %scan3A_1 : i32
    %scan3A_3 = arith.constant 1 : i32
    %scan3A_4 = scf.for %scan3A_80 = %scan3A_0 to %scan3A_2 step %scan3A_3 iter_args(%scan3A_81 = %scan3A) -> (i32)  : i32 {
      %broadcast_in_dim3A = arith.constant 0.000000e+00 : f32
      %broadcast_in_dim3A_82 = vector.broadcast %broadcast_in_dim3A : f32 to vector<16xf32>
      %swap3A = arith.index_cast %scan3A_80 : i32 to index
      %swap3A_83 = arith.constant 0 : index
      %swap3A_84 = tpu.vector_load %arg5[%swap3A, %swap3A_83] {strides = array<i32>} : memref<128x128xf32, #tpu.memory_space<vmem>>, vector<1x16xf32>,
      %swap3A_85 = vector.shape_cast %swap3A_84 : vector<1x16xf32> to vector<16xf32>
      %swap3A_86 = vector.shape_cast %broadcast_in_dim3A_82 : vector<16xf32> to vector<1x16xf32>
      tpu.vector_store %arg5[%swap3A, %swap3A_83], %swap3A_86 {strides = array<i32>} : memref<128x128xf32, #tpu.memory_space<vmem>>, vector<1x16xf32>,
      %broadcast_in_dim3A_87 = arith.constant 0.000000e+00 : f32
      %broadcast_in_dim3A_88 = vector.broadcast %broadcast_in_dim3A_87 : f32 to vector<16xf32>
      %swap3A_89 = arith.index_cast %scan3A_80 : i32 to index
      %swap3A_90 = arith.constant 16 : index
      %swap3A_91 = tpu.vector_load %arg5[%swap3A_89, %swap3A_90] {strides = array<i32>} : memref<128x128xf32, #tpu.memory_space<vmem>>, vector<1x16xf32>,
      %swap3A_92 = vector.shape_cast %swap3A_91 : vector<1x16xf32> to vector<16xf32>
      %swap3A_93 = vector.shape_cast %broadcast_in_dim3A_88 : vector<16xf32> to vector<1x16xf32>
      tpu.vector_store %arg5[%swap3A_89, %swap3A_90], %swap3A_93 {strides = array<i32>} : memref<128x128xf32, #tpu.memory_space<vmem>>, vector<1x16xf32>,
      %broadcast_in_dim3A_94 = arith.constant 0.000000e+00 : f32
      %broadcast_in_dim3A_95 = vector.broadcast %broadcast_in_dim3A_94 : f32 to vector<16xf32>
      %swap3A_96 = arith.index_cast %scan3A_80 : i32 to index
      %swap3A_97 = arith.constant 32 : index
      %swap3A_98 = tpu.vector_load %arg5[%swap3A_96, %swap3A_97] {strides = array<i32>} : memref<128x128xf32, #tpu.memory_space<vmem>>, vector<1x16xf32>,
      %swap3A_99 = vector.shape_cast %swap3A_98 : vector<1x16xf32> to vector<16xf32>
      %swap3A_100 = vector.shape_cast %broadcast_in_dim3A_95 : vector<16xf32> to vector<1x16xf32>
      tpu.vector_store %arg5[%swap3A_96, %swap3A_97], %swap3A_100 {strides = array<i32>} : memref<128x128xf32, #tpu.memory_space<vmem>>, vector<1x16xf32>,
      %broadcast_in_dim3A_101 = arith.constant 0.000000e+00 : f32
      %broadcast_in_dim3A_102 = vector.broadcast %broadcast_in_dim3A_101 : f32 to vector<16xf32>
      %swap3A_103 = arith.index_cast %scan3A_80 : i32 to index
      %swap3A_104 = arith.constant 48 : index
      %swap3A_105 = tpu.vector_load %arg5[%swap3A_103, %swap3A_104] {strides = array<i32>} : memref<128x128xf32, #tpu.memory_space<vmem>>, vector<1x16xf32>,
      %swap3A_106 = vector.shape_cast %swap3A_105 : vector<1x16xf32> to vector<16xf32>
      %swap3A_107 = vector.shape_cast %broadcast_in_dim3A_102 : vector<16xf32> to vector<1x16xf32>
      tpu.vector_store %arg5[%swap3A_103, %swap3A_104], %swap3A_107 {strides = array<i32>} : memref<128x128xf32, #tpu.memory_space<vmem>>, vector<1x16xf32>,
      %broadcast_in_dim3A_108 = arith.constant 0.000000e+00 : f32
      %broadcast_in_dim3A_109 = vector.broadcast %broadcast_in_dim3A_108 : f32 to vector<16xf32>
      %swap3A_110 = arith.index_cast %scan3A_80 : i32 to index
      %swap3A_111 = arith.constant 64 : index
      %swap3A_112 = tpu.vector_load %arg5[%swap3A_110, %swap3A_111] {strides = array<i32>} : memref<128x128xf32, #tpu.memory_space<vmem>>, vector<1x16xf32>,
      %swap3A_113 = vector.shape_cast %swap3A_112 : vector<1x16xf32> to vector<16xf32>
      %swap3A_114 = vector.shape_cast %broadcast_in_dim3A_109 : vector<16xf32> to vector<1x16xf32>
      tpu.vector_store %arg5[%swap3A_110, %swap3A_111], %swap3A_114 {strides = array<i32>} : memref<128x128xf32, #tpu.memory_space<vmem>>, vector<1x16xf32>,
      %broadcast_in_dim3A_115 = arith.constant 0.000000e+00 : f32
      %broadcast_in_dim3A_116 = vector.broadcast %broadcast_in_dim3A_115 : f32 to vector<16xf32>
      %swap3A_117 = arith.index_cast %scan3A_80 : i32 to index
      %swap3A_118 = arith.constant 80 : index
      %swap3A_119 = tpu.vector_load %arg5[%swap3A_117, %swap3A_118] {strides = array<i32>} : memref<128x128xf32, #tpu.memory_space<vmem>>, vector<1x16xf32>,
      %swap3A_120 = vector.shape_cast %swap3A_119 : vector<1x16xf32> to vector<16xf32>
      %swap3A_121 = vector.shape_cast %broadcast_in_dim3A_116 : vector<16xf32> to vector<1x16xf32>
      tpu.vector_store %arg5[%swap3A_117, %swap3A_118], %swap3A_121 {strides = array<i32>} : memref<128x128xf32, #tpu.memory_space<vmem>>, vector<1x16xf32>,
      %broadcast_in_dim3A_122 = arith.constant 0.000000e+00 : f32
      %broadcast_in_dim3A_123 = vector.broadcast %broadcast_in_dim3A_122 : f32 to vector<16xf32>
      %swap3A_124 = arith.index_cast %scan3A_80 : i32 to index
      %swap3A_125 = arith.constant 96 : index
      %swap3A_126 = tpu.vector_load %arg5[%swap3A_124, %swap3A_125] {strides = array<i32>} : memref<128x128xf32, #tpu.memory_space<vmem>>, vector<1x16xf32>,
      %swap3A_127 = vector.shape_cast %swap3A_126 : vector<1x16xf32> to vector<16xf32>
      %swap3A_128 = vector.shape_cast %broadcast_in_dim3A_123 : vector<16xf32> to vector<1x16xf32>
      tpu.vector_store %arg5[%swap3A_124, %swap3A_125], %swap3A_128 {strides = array<i32>} : memref<128x128xf32, #tpu.memory_space<vmem>>, vector<1x16xf32>,
      %broadcast_in_dim3A_129 = arith.constant 0.000000e+00 : f32
      %broadcast_in_dim3A_130 = vector.broadcast %broadcast_in_dim3A_129 : f32 to vector<16xf32>
      %swap3A_131 = arith.index_cast %scan3A_80 : i32 to index
      %swap3A_132 = arith.constant 112 : index
      %swap3A_133 = tpu.vector_load %arg5[%swap3A_131, %swap3A_132] {strides = array<i32>} : memref<128x128xf32, #tpu.memory_space<vmem>>, vector<1x16xf32>,
      %swap3A_134 = vector.shape_cast %swap3A_133 : vector<1x16xf32> to vector<16xf32>
      %swap3A_135 = vector.shape_cast %broadcast_in_dim3A_130 : vector<16xf32> to vector<1x16xf32>
      tpu.vector_store %arg5[%swap3A_131, %swap3A_132], %swap3A_135 {strides = array<i32>} : memref<128x128xf32, #tpu.memory_space<vmem>>, vector<1x16xf32>,
      %scan3A_136 = arith.constant 0 : i32
      scf.yield %scan3A_136 : i32
    }
    %scan3A_5 = arith.constant 128 : i32
    %mul3A = arith.constant 632 : i32
    %mul3A_6 = arith.muli %arg1, %mul3A : i32
    %add3A = arith.constant 0 : i32
    %add3A_7 = arith.addi %mul3A_6, %add3A : i32
    "tpu.region"() ({
      %run_scoped3A_80 = tpu.sem_alloc : memref<!tpu.dma_semaphore, #tpu.memory_space<semaphore_mem>>
      %dma_start3A = arith.constant 0 : i32
      %dma_start3A_81 = tpu.memref_slice %arg6[%add3A_7, %dma_start3A] : memref<10112x128xf32, #tpu.memory_space<vmem_shared>> -> memref<128x128xf32, #tpu.memory_space<vmem_shared>>
      %dma_start3A_82 = arith.constant 0 : i32
      %dma_start3A_83 = tpu.memref_slice %arg6[%add3A_7, %dma_start3A_82] : memref<10112x128xf32, #tpu.memory_space<vmem_shared>> -> memref<128x128xf32, #tpu.memory_space<vmem_shared>>
      tpu.enqueue_dma source(%arg5 : memref<128x128xf32, #tpu.memory_space<vmem>>) target(%dma_start3A_83 : memref<128x128xf32, #tpu.memory_space<vmem_shared>>) target_semaphore(%run_scoped3A_80 : memref<!tpu.dma_semaphore, #tpu.memory_space<semaphore_mem>>)
      %dma_wait3A = arith.constant 0 : i32
      %dma_wait3A_84 = tpu.memref_slice %arg6[%add3A_7, %dma_wait3A] : memref<10112x128xf32, #tpu.memory_space<vmem_shared>> -> memref<128x128xf32, #tpu.memory_space<vmem_shared>>
      %dma_wait3A_85 = arith.constant 0 : i32
      %dma_wait3A_86 = tpu.memref_slice %arg6[%add3A_7, %dma_wait3A_85] : memref<10112x128xf32, #tpu.memory_space<vmem_shared>> -> memref<128x128xf32, #tpu.memory_space<vmem_shared>>
      tpu.wait_dma2 semaphore(%run_scoped3A_80 : memref<!tpu.dma_semaphore, #tpu.memory_space<semaphore_mem>>) src(%arg5 : memref<128x128xf32, #tpu.memory_space<vmem>>) dst(%dma_wait3A_86 : memref<128x128xf32, #tpu.memory_space<vmem_shared>>)
      tpu.yield
    }) : () -> ()
    %add3A_8 = arith.constant 128 : i32
    %add3A_9 = arith.addi %mul3A_6, %add3A_8 : i32
    "tpu.region"() ({
      %run_scoped3A_80 = tpu.sem_alloc : memref<!tpu.dma_semaphore, #tpu.memory_space<semaphore_mem>>
      %dma_start3A = arith.constant 0 : i32
      %dma_start3A_81 = tpu.memref_slice %arg6[%add3A_9, %dma_start3A] : memref<10112x128xf32, #tpu.memory_space<vmem_shared>> -> memref<128x128xf32, #tpu.memory_space<vmem_shared>>
      %dma_start3A_82 = arith.constant 0 : i32
      %dma_start3A_83 = tpu.memref_slice %arg6[%add3A_9, %dma_start3A_82] : memref<10112x128xf32, #tpu.memory_space<vmem_shared>> -> memref<128x128xf32, #tpu.memory_space<vmem_shared>>
      tpu.enqueue_dma source(%arg5 : memref<128x128xf32, #tpu.memory_space<vmem>>) target(%dma_start3A_83 : memref<128x128xf32, #tpu.memory_space<vmem_shared>>) target_semaphore(%run_scoped3A_80 : memref<!tpu.dma_semaphore, #tpu.memory_space<semaphore_mem>>)
      %dma_wait3A = arith.constant 0 : i32
      %dma_wait3A_84 = tpu.memref_slice %arg6[%add3A_9, %dma_wait3A] : memref<10112x128xf32, #tpu.memory_space<vmem_shared>> -> memref<128x128xf32, #tpu.memory_space<vmem_shared>>
      %dma_wait3A_85 = arith.constant 0 : i32
      %dma_wait3A_86 = tpu.memref_slice %arg6[%add3A_9, %dma_wait3A_85] : memref<10112x128xf32, #tpu.memory_space<vmem_shared>> -> memref<128x128xf32, #tpu.memory_space<vmem_shared>>
      tpu.wait_dma2 semaphore(%run_scoped3A_80 : memref<!tpu.dma_semaphore, #tpu.memory_space<semaphore_mem>>) src(%arg5 : memref<128x128xf32, #tpu.memory_space<vmem>>) dst(%dma_wait3A_86 : memref<128x128xf32, #tpu.memory_space<vmem_shared>>)
      tpu.yield
    }) : () -> ()
    %add3A_10 = arith.constant 256 : i32
    %add3A_11 = arith.addi %mul3A_6, %add3A_10 : i32
    "tpu.region"() ({
      %run_scoped3A_80 = tpu.sem_alloc : memref<!tpu.dma_semaphore, #tpu.memory_space<semaphore_mem>>
      %dma_start3A = arith.constant 0 : i32
      %dma_start3A_81 = tpu.memref_slice %arg6[%add3A_11, %dma_start3A] : memref<10112x128xf32, #tpu.memory_space<vmem_shared>> -> memref<128x128xf32, #tpu.memory_space<vmem_shared>>
      %dma_start3A_82 = arith.constant 0 : i32
      %dma_start3A_83 = tpu.memref_slice %arg6[%add3A_11, %dma_start3A_82] : memref<10112x128xf32, #tpu.memory_space<vmem_shared>> -> memref<128x128xf32, #tpu.memory_space<vmem_shared>>
      tpu.enqueue_dma source(%arg5 : memref<128x128xf32, #tpu.memory_space<vmem>>) target(%dma_start3A_83 : memref<128x128xf32, #tpu.memory_space<vmem_shared>>) target_semaphore(%run_scoped3A_80 : memref<!tpu.dma_semaphore, #tpu.memory_space<semaphore_mem>>)
      %dma_wait3A = arith.constant 0 : i32
      %dma_wait3A_84 = tpu.memref_slice %arg6[%add3A_11, %dma_wait3A] : memref<10112x128xf32, #tpu.memory_space<vmem_shared>> -> memref<128x128xf32, #tpu.memory_space<vmem_shared>>
      %dma_wait3A_85 = arith.constant 0 : i32
      %dma_wait3A_86 = tpu.memref_slice %arg6[%add3A_11, %dma_wait3A_85] : memref<10112x128xf32, #tpu.memory_space<vmem_shared>> -> memref<128x128xf32, #tpu.memory_space<vmem_shared>>
      tpu.wait_dma2 semaphore(%run_scoped3A_80 : memref<!tpu.dma_semaphore, #tpu.memory_space<semaphore_mem>>) src(%arg5 : memref<128x128xf32, #tpu.memory_space<vmem>>) dst(%dma_wait3A_86 : memref<128x128xf32, #tpu.memory_space<vmem_shared>>)
      tpu.yield
    }) : () -> ()
    %add3A_12 = arith.constant 384 : i32
    %add3A_13 = arith.addi %mul3A_6, %add3A_12 : i32
    "tpu.region"() ({
      %run_scoped3A_80 = tpu.sem_alloc : memref<!tpu.dma_semaphore, #tpu.memory_space<semaphore_mem>>
      %dma_start3A = arith.constant 0 : i32
      %dma_start3A_81 = tpu.memref_slice %arg6[%add3A_13, %dma_start3A] : memref<10112x128xf32, #tpu.memory_space<vmem_shared>> -> memref<128x128xf32, #tpu.memory_space<vmem_shared>>
      %dma_start3A_82 = arith.constant 0 : i32
      %dma_start3A_83 = tpu.memref_slice %arg6[%add3A_13, %dma_start3A_82] : memref<10112x128xf32, #tpu.memory_space<vmem_shared>> -> memref<128x128xf32, #tpu.memory_space<vmem_shared>>
      tpu.enqueue_dma source(%arg5 : memref<128x128xf32, #tpu.memory_space<vmem>>) target(%dma_start3A_83 : memref<128x128xf32, #tpu.memory_space<vmem_shared>>) target_semaphore(%run_scoped3A_80 : memref<!tpu.dma_semaphore, #tpu.memory_space<semaphore_mem>>)
      %dma_wait3A = arith.constant 0 : i32
      %dma_wait3A_84 = tpu.memref_slice %arg6[%add3A_13, %dma_wait3A] : memref<10112x128xf32, #tpu.memory_space<vmem_shared>> -> memref<128x128xf32, #tpu.memory_space<vmem_shared>>
      %dma_wait3A_85 = arith.constant 0 : i32
      %dma_wait3A_86 = tpu.memref_slice %arg6[%add3A_13, %dma_wait3A_85] : memref<10112x128xf32, #tpu.memory_space<vmem_shared>> -> memref<128x128xf32, #tpu.memory_space<vmem_shared>>
      tpu.wait_dma2 semaphore(%run_scoped3A_80 : memref<!tpu.dma_semaphore, #tpu.memory_space<semaphore_mem>>) src(%arg5 : memref<128x128xf32, #tpu.memory_space<vmem>>) dst(%dma_wait3A_86 : memref<128x128xf32, #tpu.memory_space<vmem_shared>>)
      tpu.yield
    }) : () -> ()
    %add3A_14 = arith.constant 512 : i32
    %add3A_15 = arith.addi %mul3A_6, %add3A_14 : i32
    "tpu.region"() ({
      %run_scoped3A_80 = tpu.sem_alloc : memref<!tpu.dma_semaphore, #tpu.memory_space<semaphore_mem>>
      %dma_start3A = arith.constant 0 : i32
      %dma_start3A_81 = arith.constant 0 : i32
      %dma_start3A_82 = tpu.memref_slice %arg5[%dma_start3A, %dma_start3A_81] : memref<128x128xf32, #tpu.memory_space<vmem>> -> memref<120x128xf32, #tpu.memory_space<vmem>>
      %dma_start3A_83 = arith.constant 0 : i32
      %dma_start3A_84 = tpu.memref_slice %arg6[%add3A_15, %dma_start3A_83] : memref<10112x128xf32, #tpu.memory_space<vmem_shared>> -> memref<120x128xf32, #tpu.memory_space<vmem_shared>>
      %dma_start3A_85 = arith.constant 0 : i32
      %dma_start3A_86 = tpu.memref_slice %arg6[%add3A_15, %dma_start3A_85] : memref<10112x128xf32, #tpu.memory_space<vmem_shared>> -> memref<120x128xf32, #tpu.memory_space<vmem_shared>>
      %dma_start3A_87 = arith.constant 0 : i32
      %dma_start3A_88 = arith.constant 0 : i32
      %dma_start3A_89 = tpu.memref_slice %arg5[%dma_start3A_87, %dma_start3A_88] : memref<128x128xf32, #tpu.memory_space<vmem>> -> memref<120x128xf32, #tpu.memory_space<vmem>>
      tpu.enqueue_dma source(%dma_start3A_89 : memref<120x128xf32, #tpu.memory_space<vmem>>) target(%dma_start3A_86 : memref<120x128xf32, #tpu.memory_space<vmem_shared>>) target_semaphore(%run_scoped3A_80 : memref<!tpu.dma_semaphore, #tpu.memory_space<semaphore_mem>>)
      %dma_wait3A = arith.constant 0 : i32
      %dma_wait3A_90 = arith.constant 0 : i32
      %dma_wait3A_91 = tpu.memref_slice %arg5[%dma_wait3A, %dma_wait3A_90] : memref<128x128xf32, #tpu.memory_space<vmem>> -> memref<120x128xf32, #tpu.memory_space<vmem>>
      %dma_wait3A_92 = arith.constant 0 : i32
      %dma_wait3A_93 = tpu.memref_slice %arg6[%add3A_15, %dma_wait3A_92] : memref<10112x128xf32, #tpu.memory_space<vmem_shared>> -> memref<120x128xf32, #tpu.memory_space<vmem_shared>>
      %dma_wait3A_94 = arith.constant 0 : i32
      %dma_wait3A_95 = tpu.memref_slice %arg6[%add3A_15, %dma_wait3A_94] : memref<10112x128xf32, #tpu.memory_space<vmem_shared>> -> memref<120x128xf32, #tpu.memory_space<vmem_shared>>
      %dma_wait3A_96 = arith.constant 0 : i32
      %dma_wait3A_97 = arith.constant 0 : i32
      %dma_wait3A_98 = tpu.memref_slice %arg5[%dma_wait3A_96, %dma_wait3A_97] : memref<128x128xf32, #tpu.memory_space<vmem>> -> memref<120x128xf32, #tpu.memory_space<vmem>>
      tpu.wait_dma2 semaphore(%run_scoped3A_80 : memref<!tpu.dma_semaphore, #tpu.memory_space<semaphore_mem>>) src(%dma_wait3A_98 : memref<120x128xf32, #tpu.memory_space<vmem>>) dst(%dma_wait3A_95 : memref<120x128xf32, #tpu.memory_space<vmem_shared>>)
      tpu.yield
    }) : () -> ()
    %barrier3A = arith.constant 0 : index
    tpu.barrier barrier_id(%barrier3A)
    %run_scoped3A = arith.constant 0 : i32
    "tpu.region"() ({
      %run_scoped3A_80 = tpu.sem_alloc : memref<!tpu.dma_semaphore, #tpu.memory_space<semaphore_mem>>
      %dma_start3A = arith.constant 0 : i32
      %dma_start3A_81 = arith.constant 0 : i32
      %dma_start3A_82 = tpu.memref_slice %arg2[%run_scoped3A, %arg1, %dma_start3A, %dma_start3A_81] : memref<3x16x79x128xi32, #tpu.memory_space<hbm>> -> memref<1x1x79x128xi32, #tpu.memory_space<hbm>>
      %dma_start3A_83 = tpu.memref_squeeze %dma_start3A_82 : memref<1x1x79x128xi32, #tpu.memory_space<hbm>> -> memref<79x128xi32, #tpu.memory_space<hbm>>
      %dma_start3A_84 = arith.constant 0 : i32
      %dma_start3A_85 = arith.constant 0 : i32
      %dma_start3A_86 = tpu.memref_slice %arg2[%run_scoped3A, %arg1, %dma_start3A_84, %dma_start3A_85] : memref<3x16x79x128xi32, #tpu.memory_space<hbm>> -> memref<1x1x79x128xi32, #tpu.memory_space<hbm>>
      %dma_start3A_87 = tpu.memref_squeeze %dma_start3A_86 : memref<1x1x79x128xi32, #tpu.memory_space<hbm>> -> memref<79x128xi32, #tpu.memory_space<hbm>>
      tpu.enqueue_dma source(%dma_start3A_87 : memref<79x128xi32, #tpu.memory_space<hbm>>) target(%arg4 : memref<79x128xi32, #tpu.memory_space<vmem>>) target_semaphore(%run_scoped3A_80 : memref<!tpu.dma_semaphore, #tpu.memory_space<semaphore_mem>>)
      %dma_wait3A = arith.constant 0 : i32
      %dma_wait3A_88 = arith.constant 0 : i32
      %dma_wait3A_89 = tpu.memref_slice %arg2[%run_scoped3A, %arg1, %dma_wait3A, %dma_wait3A_88] : memref<3x16x79x128xi32, #tpu.memory_space<hbm>> -> memref<1x1x79x128xi32, #tpu.memory_space<hbm>>
      %dma_wait3A_90 = tpu.memref_squeeze %dma_wait3A_89 : memref<1x1x79x128xi32, #tpu.memory_space<hbm>> -> memref<79x128xi32, #tpu.memory_space<hbm>>
      %dma_wait3A_91 = arith.constant 0 : i32
      %dma_wait3A_92 = arith.constant 0 : i32
      %dma_wait3A_93 = tpu.memref_slice %arg2[%run_scoped3A, %arg1, %dma_wait3A_91, %dma_wait3A_92] : memref<3x16x79x128xi32, #tpu.memory_space<hbm>> -> memref<1x1x79x128xi32, #tpu.memory_space<hbm>>
      %dma_wait3A_94 = tpu.memref_squeeze %dma_wait3A_93 : memref<1x1x79x128xi32, #tpu.memory_space<hbm>> -> memref<79x128xi32, #tpu.memory_space<hbm>>
      tpu.wait_dma2 semaphore(%run_scoped3A_80 : memref<!tpu.dma_semaphore, #tpu.memory_space<semaphore_mem>>) src(%dma_wait3A_94 : memref<79x128xi32, #tpu.memory_space<hbm>>) dst(%arg4 : memref<79x128xi32, #tpu.memory_space<vmem>>)
      tpu.yield
    }) : () -> ()
    %scan3A_16 = arith.constant 0 : i32
    %scan3A_17 = arith.constant 0 : i32
    %scan3A_18 = arith.constant 128 : i32
    %scan3A_19 = arith.addi %scan3A_17, %scan3A_18 : i32
    %scan3A_20 = arith.constant 1 : i32
    %scan3A_21 = scf.for %scan3A_80 = %scan3A_17 to %scan3A_19 step %scan3A_20 iter_args(%scan3A_81 = %scan3A_16) -> (i32)  : i32 {
      %broadcast_in_dim3A = arith.constant 1.000000e+00 : f32
      %broadcast_in_dim3A_82 = vector.broadcast %broadcast_in_dim3A : f32 to vector<16xf32>
      %swap3A = arith.index_cast %scan3A_80 : i32 to index
      %swap3A_83 = arith.constant 0 : index
      %swap3A_84 = tpu.vector_load %arg5[%swap3A, %swap3A_83] {strides = array<i32>} : memref<128x128xf32, #tpu.memory_space<vmem>>, vector<1x16xf32>,
      %swap3A_85 = vector.shape_cast %swap3A_84 : vector<1x16xf32> to vector<16xf32>
      %swap3A_86 = vector.shape_cast %broadcast_in_dim3A_82 : vector<16xf32> to vector<1x16xf32>
      tpu.vector_store %arg5[%swap3A, %swap3A_83], %swap3A_86 {strides = array<i32>} : memref<128x128xf32, #tpu.memory_space<vmem>>, vector<1x16xf32>,
      %scan3A_87 = arith.constant 0 : i32
      scf.yield %scan3A_87 : i32
    }
    %scan3A_22 = arith.constant 128 : i32
    %scan3A_23 = arith.constant 0 : i32
    %scan3A_24 = arith.constant 0 : i32
    %scan3A_25 = arith.constant 39 : i32
    %scan3A_26 = arith.addi %scan3A_24, %scan3A_25 : i32
    %scan3A_27 = arith.constant 1 : i32
    %scan3A_28 = scf.for %scan3A_80 = %scan3A_24 to %scan3A_26 step %scan3A_27 iter_args(%scan3A_81 = %scan3A_23) -> (i32)  : i32 {
      %mul3A_82 = arith.constant 2 : i32
      %mul3A_83 = arith.muli %mul3A_82, %scan3A_80 : i32
      %add3A_84 = arith.addi %mul3A_83, %arg0 : i32
      "tpu.region"() ({
        %run_scoped3A_86 = tpu.sem_alloc : memref<!tpu.dma_semaphore, #tpu.memory_space<semaphore_mem>>
        %dma_start3A = arith.constant 0 : i32
        %dma_start3A_87 = tpu.memref_slice %arg4[%add3A_84, %dma_start3A] : memref<79x128xi32, #tpu.memory_space<vmem>> -> memref<1x128xi32, #tpu.memory_space<vmem>>
        %dma_start3A_88 = tpu.memref_squeeze %dma_start3A_87 : memref<1x128xi32, #tpu.memory_space<vmem>> -> memref<128xi32, #tpu.memory_space<vmem>>
        %dma_start3A_89 = arith.constant 0 : i32
        %dma_start3A_90 = arith.constant 0 : i32
        %dma_start3A_91 = tpu.memref_slice %arg6[%dma_start3A_89, %dma_start3A_90] : memref<10112x128xf32, #tpu.memory_space<vmem_shared>> -> memref<10112x128xf32, #tpu.memory_space<vmem_shared>>
        tpu.enqueue_indirect_dma source(%arg5 : memref<128x128xf32, #tpu.memory_space<vmem>>) target(%dma_start3A_91 : memref<10112x128xf32, #tpu.memory_space<vmem_shared>>) offsets(%dma_start3A_88 : memref<128xi32, #tpu.memory_space<vmem>>) semaphore(%run_scoped3A_86 : memref<!tpu.dma_semaphore, #tpu.memory_space<semaphore_mem>>) {add = true}
        %dma_wait3A = arith.constant 0 : i32
        %dma_wait3A_92 = tpu.memref_slice %arg4[%add3A_84, %dma_wait3A] : memref<79x128xi32, #tpu.memory_space<vmem>> -> memref<1x128xi32, #tpu.memory_space<vmem>>
        %dma_wait3A_93 = tpu.memref_squeeze %dma_wait3A_92 : memref<1x128xi32, #tpu.memory_space<vmem>> -> memref<128xi32, #tpu.memory_space<vmem>>
        %dma_wait3A_94 = arith.constant 0 : i32
        %dma_wait3A_95 = arith.constant 0 : i32
        %dma_wait3A_96 = tpu.memref_slice %arg6[%dma_wait3A_94, %dma_wait3A_95] : memref<10112x128xf32, #tpu.memory_space<vmem_shared>> -> memref<10112x128xf32, #tpu.memory_space<vmem_shared>>
        tpu.wait_indirect_dma semaphore(%run_scoped3A_86 : memref<!tpu.dma_semaphore, #tpu.memory_space<semaphore_mem>>) src(%arg5 : memref<128x128xf32, #tpu.memory_space<vmem>>) dst(%dma_wait3A_96 : memref<10112x128xf32, #tpu.memory_space<vmem_shared>>)
        tpu.yield
      }) : () -> ()
      %scan3A_85 = arith.constant 0 : i32
      scf.yield %scan3A_85 : i32
    }
    %scan3A_29 = arith.constant 39 : i32
    %eq3A = arith.constant 1 : i32
    %eq3A_30 = arith.cmpi eq, %arg0, %eq3A : i32
    %convert_element_type3A = arith.extui %eq3A_30 : i1 to i32
    %cond3A = arith.constant 0 : i32
    %cond3A_31 = arith.cmpi ne, %convert_element_type3A, %cond3A : i32
    scf.if %cond3A_31 {
      %run_scoped3A_80 = arith.constant 78 : i32
      "tpu.region"() ({
        %run_scoped3A_81 = tpu.sem_alloc : memref<!tpu.dma_semaphore, #tpu.memory_space<semaphore_mem>>
        %dma_start3A = arith.constant 0 : i32
        %dma_start3A_82 = tpu.memref_slice %arg4[%run_scoped3A_80, %dma_start3A] : memref<79x128xi32, #tpu.memory_space<vmem>> -> memref<1x128xi32, #tpu.memory_space<vmem>>
        %dma_start3A_83 = tpu.memref_squeeze %dma_start3A_82 : memref<1x128xi32, #tpu.memory_space<vmem>> -> memref<128xi32, #tpu.memory_space<vmem>>
        %dma_start3A_84 = arith.constant 0 : i32
        %dma_start3A_85 = arith.constant 0 : i32
        %dma_start3A_86 = tpu.memref_slice %arg6[%dma_start3A_84, %dma_start3A_85] : memref<10112x128xf32, #tpu.memory_space<vmem_shared>> -> memref<10112x128xf32, #tpu.memory_space<vmem_shared>>
        tpu.enqueue_indirect_dma source(%arg5 : memref<128x128xf32, #tpu.memory_space<vmem>>) target(%dma_start3A_86 : memref<10112x128xf32, #tpu.memory_space<vmem_shared>>) offsets(%dma_start3A_83 : memref<128xi32, #tpu.memory_space<vmem>>) semaphore(%run_scoped3A_81 : memref<!tpu.dma_semaphore, #tpu.memory_space<semaphore_mem>>) {add = true}
        %dma_wait3A = arith.constant 0 : i32
        %dma_wait3A_87 = tpu.memref_slice %arg4[%run_scoped3A_80, %dma_wait3A] : memref<79x128xi32, #tpu.memory_space<vmem>> -> memref<1x128xi32, #tpu.memory_space<vmem>>
        %dma_wait3A_88 = tpu.memref_squeeze %dma_wait3A_87 : memref<1x128xi32, #tpu.memory_space<vmem>> -> memref<128xi32, #tpu.memory_space<vmem>>
        %dma_wait3A_89 = arith.constant 0 : i32
        %dma_wait3A_90 = arith.constant 0 : i32
        %dma_wait3A_91 = tpu.memref_slice %arg6[%dma_wait3A_89, %dma_wait3A_90] : memref<10112x128xf32, #tpu.memory_space<vmem_shared>> -> memref<10112x128xf32, #tpu.memory_space<vmem_shared>>
        tpu.wait_indirect_dma semaphore(%run_scoped3A_81 : memref<!tpu.dma_semaphore, #tpu.memory_space<semaphore_mem>>) src(%arg5 : memref<128x128xf32, #tpu.memory_space<vmem>>) dst(%dma_wait3A_91 : memref<10112x128xf32, #tpu.memory_space<vmem_shared>>)
        tpu.yield
      }) : () -> ()
    } else {
    }
    %run_scoped3A_32 = arith.constant 1 : i32
    "tpu.region"() ({
      %run_scoped3A_80 = tpu.sem_alloc : memref<!tpu.dma_semaphore, #tpu.memory_space<semaphore_mem>>
      %dma_start3A = arith.constant 0 : i32
      %dma_start3A_81 = arith.constant 0 : i32
      %dma_start3A_82 = tpu.memref_slice %arg2[%run_scoped3A_32, %arg1, %dma_start3A, %dma_start3A_81] : memref<3x16x79x128xi32, #tpu.memory_space<hbm>> -> memref<1x1x79x128xi32, #tpu.memory_space<hbm>>
      %dma_start3A_83 = tpu.memref_squeeze %dma_start3A_82 : memref<1x1x79x128xi32, #tpu.memory_space<hbm>> -> memref<79x128xi32, #tpu.memory_space<hbm>>
      %dma_start3A_84 = arith.constant 0 : i32
      %dma_start3A_85 = arith.constant 0 : i32
      %dma_start3A_86 = tpu.memref_slice %arg2[%run_scoped3A_32, %arg1, %dma_start3A_84, %dma_start3A_85] : memref<3x16x79x128xi32, #tpu.memory_space<hbm>> -> memref<1x1x79x128xi32, #tpu.memory_space<hbm>>
      %dma_start3A_87 = tpu.memref_squeeze %dma_start3A_86 : memref<1x1x79x128xi32, #tpu.memory_space<hbm>> -> memref<79x128xi32, #tpu.memory_space<hbm>>
      tpu.enqueue_dma source(%dma_start3A_87 : memref<79x128xi32, #tpu.memory_space<hbm>>) target(%arg4 : memref<79x128xi32, #tpu.memory_space<vmem>>) target_semaphore(%run_scoped3A_80 : memref<!tpu.dma_semaphore, #tpu.memory_space<semaphore_mem>>)
      %dma_wait3A = arith.constant 0 : i32
      %dma_wait3A_88 = arith.constant 0 : i32
      %dma_wait3A_89 = tpu.memref_slice %arg2[%run_scoped3A_32, %arg1, %dma_wait3A, %dma_wait3A_88] : memref<3x16x79x128xi32, #tpu.memory_space<hbm>> -> memref<1x1x79x128xi32, #tpu.memory_space<hbm>>
      %dma_wait3A_90 = tpu.memref_squeeze %dma_wait3A_89 : memref<1x1x79x128xi32, #tpu.memory_space<hbm>> -> memref<79x128xi32, #tpu.memory_space<hbm>>
      %dma_wait3A_91 = arith.constant 0 : i32
      %dma_wait3A_92 = arith.constant 0 : i32
      %dma_wait3A_93 = tpu.memref_slice %arg2[%run_scoped3A_32, %arg1, %dma_wait3A_91, %dma_wait3A_92] : memref<3x16x79x128xi32, #tpu.memory_space<hbm>> -> memref<1x1x79x128xi32, #tpu.memory_space<hbm>>
      %dma_wait3A_94 = tpu.memref_squeeze %dma_wait3A_93 : memref<1x1x79x128xi32, #tpu.memory_space<hbm>> -> memref<79x128xi32, #tpu.memory_space<hbm>>
      tpu.wait_dma2 semaphore(%run_scoped3A_80 : memref<!tpu.dma_semaphore, #tpu.memory_space<semaphore_mem>>) src(%dma_wait3A_94 : memref<79x128xi32, #tpu.memory_space<hbm>>) dst(%arg4 : memref<79x128xi32, #tpu.memory_space<vmem>>)
      tpu.yield
    }) : () -> ()
    %scan3A_33 = arith.constant 0 : i32
    %scan3A_34 = arith.constant 0 : i32
    %scan3A_35 = arith.constant 128 : i32
    %scan3A_36 = arith.addi %scan3A_34, %scan3A_35 : i32
    %scan3A_37 = arith.constant 1 : i32
    %scan3A_38 = scf.for %scan3A_80 = %scan3A_34 to %scan3A_36 step %scan3A_37 iter_args(%scan3A_81 = %scan3A_33) -> (i32)  : i32 {
      %broadcast_in_dim3A = arith.constant 0.000000e+00 : f32
      %broadcast_in_dim3A_82 = vector.broadcast %broadcast_in_dim3A : f32 to vector<16xf32>
      %swap3A = arith.index_cast %scan3A_80 : i32 to index
      %swap3A_83 = arith.constant 0 : index
      %swap3A_84 = tpu.vector_load %arg5[%swap3A, %swap3A_83] {strides = array<i32>} : memref<128x128xf32, #tpu.memory_space<vmem>>, vector<1x16xf32>,
      %swap3A_85 = vector.shape_cast %swap3A_84 : vector<1x16xf32> to vector<16xf32>
      %swap3A_86 = vector.shape_cast %broadcast_in_dim3A_82 : vector<16xf32> to vector<1x16xf32>
      tpu.vector_store %arg5[%swap3A, %swap3A_83], %swap3A_86 {strides = array<i32>} : memref<128x128xf32, #tpu.memory_space<vmem>>, vector<1x16xf32>,
      %broadcast_in_dim3A_87 = arith.constant 1.000000e+00 : f32
      %broadcast_in_dim3A_88 = vector.broadcast %broadcast_in_dim3A_87 : f32 to vector<16xf32>
      %swap3A_89 = arith.index_cast %scan3A_80 : i32 to index
      %swap3A_90 = arith.constant 16 : index
      %swap3A_91 = tpu.vector_load %arg5[%swap3A_89, %swap3A_90] {strides = array<i32>} : memref<128x128xf32, #tpu.memory_space<vmem>>, vector<1x16xf32>,
      %swap3A_92 = vector.shape_cast %swap3A_91 : vector<1x16xf32> to vector<16xf32>
      %swap3A_93 = vector.shape_cast %broadcast_in_dim3A_88 : vector<16xf32> to vector<1x16xf32>
      tpu.vector_store %arg5[%swap3A_89, %swap3A_90], %swap3A_93 {strides = array<i32>} : memref<128x128xf32, #tpu.memory_space<vmem>>, vector<1x16xf32>,
      %scan3A_94 = arith.constant 0 : i32
      scf.yield %scan3A_94 : i32
    }
    %scan3A_39 = arith.constant 128 : i32
    %scan3A_40 = arith.constant 0 : i32
    %scan3A_41 = arith.constant 0 : i32
    %scan3A_42 = arith.constant 39 : i32
    %scan3A_43 = arith.addi %scan3A_41, %scan3A_42 : i32
    %scan3A_44 = arith.constant 1 : i32
    %scan3A_45 = scf.for %scan3A_80 = %scan3A_41 to %scan3A_43 step %scan3A_44 iter_args(%scan3A_81 = %scan3A_40) -> (i32)  : i32 {
      %mul3A_82 = arith.constant 2 : i32
      %mul3A_83 = arith.muli %mul3A_82, %scan3A_80 : i32
      %add3A_84 = arith.addi %mul3A_83, %arg0 : i32
      "tpu.region"() ({
        %run_scoped3A_86 = tpu.sem_alloc : memref<!tpu.dma_semaphore, #tpu.memory_space<semaphore_mem>>
        %dma_start3A = arith.constant 0 : i32
        %dma_start3A_87 = tpu.memref_slice %arg4[%add3A_84, %dma_start3A] : memref<79x128xi32, #tpu.memory_space<vmem>> -> memref<1x128xi32, #tpu.memory_space<vmem>>
        %dma_start3A_88 = tpu.memref_squeeze %dma_start3A_87 : memref<1x128xi32, #tpu.memory_space<vmem>> -> memref<128xi32, #tpu.memory_space<vmem>>
        %dma_start3A_89 = arith.constant 0 : i32
        %dma_start3A_90 = arith.constant 0 : i32
        %dma_start3A_91 = tpu.memref_slice %arg6[%dma_start3A_89, %dma_start3A_90] : memref<10112x128xf32, #tpu.memory_space<vmem_shared>> -> memref<10112x128xf32, #tpu.memory_space<vmem_shared>>
        tpu.enqueue_indirect_dma source(%arg5 : memref<128x128xf32, #tpu.memory_space<vmem>>) target(%dma_start3A_91 : memref<10112x128xf32, #tpu.memory_space<vmem_shared>>) offsets(%dma_start3A_88 : memref<128xi32, #tpu.memory_space<vmem>>) semaphore(%run_scoped3A_86 : memref<!tpu.dma_semaphore, #tpu.memory_space<semaphore_mem>>) {add = true}
        %dma_wait3A = arith.constant 0 : i32
        %dma_wait3A_92 = tpu.memref_slice %arg4[%add3A_84, %dma_wait3A] : memref<79x128xi32, #tpu.memory_space<vmem>> -> memref<1x128xi32, #tpu.memory_space<vmem>>
        %dma_wait3A_93 = tpu.memref_squeeze %dma_wait3A_92 : memref<1x128xi32, #tpu.memory_space<vmem>> -> memref<128xi32, #tpu.memory_space<vmem>>
        %dma_wait3A_94 = arith.constant 0 : i32
        %dma_wait3A_95 = arith.constant 0 : i32
        %dma_wait3A_96 = tpu.memref_slice %arg6[%dma_wait3A_94, %dma_wait3A_95] : memref<10112x128xf32, #tpu.memory_space<vmem_shared>> -> memref<10112x128xf32, #tpu.memory_space<vmem_shared>>
        tpu.wait_indirect_dma semaphore(%run_scoped3A_86 : memref<!tpu.dma_semaphore, #tpu.memory_space<semaphore_mem>>) src(%arg5 : memref<128x128xf32, #tpu.memory_space<vmem>>) dst(%dma_wait3A_96 : memref<10112x128xf32, #tpu.memory_space<vmem_shared>>)
        tpu.yield
      }) : () -> ()
      %scan3A_85 = arith.constant 0 : i32
      scf.yield %scan3A_85 : i32
    }
    %scan3A_46 = arith.constant 39 : i32
    %eq3A_47 = arith.constant 1 : i32
    %eq3A_48 = arith.cmpi eq, %arg0, %eq3A_47 : i32
    %convert_element_type3A_49 = arith.extui %eq3A_48 : i1 to i32
    %cond3A_50 = arith.constant 0 : i32
    %cond3A_51 = arith.cmpi ne, %convert_element_type3A_49, %cond3A_50 : i32
    scf.if %cond3A_51 {
      %run_scoped3A_80 = arith.constant 78 : i32
      "tpu.region"() ({
        %run_scoped3A_81 = tpu.sem_alloc : memref<!tpu.dma_semaphore, #tpu.memory_space<semaphore_mem>>
        %dma_start3A = arith.constant 0 : i32
        %dma_start3A_82 = tpu.memref_slice %arg4[%run_scoped3A_80, %dma_start3A] : memref<79x128xi32, #tpu.memory_space<vmem>> -> memref<1x128xi32, #tpu.memory_space<vmem>>
        %dma_start3A_83 = tpu.memref_squeeze %dma_start3A_82 : memref<1x128xi32, #tpu.memory_space<vmem>> -> memref<128xi32, #tpu.memory_space<vmem>>
        %dma_start3A_84 = arith.constant 0 : i32
        %dma_start3A_85 = arith.constant 0 : i32
        %dma_start3A_86 = tpu.memref_slice %arg6[%dma_start3A_84, %dma_start3A_85] : memref<10112x128xf32, #tpu.memory_space<vmem_shared>> -> memref<10112x128xf32, #tpu.memory_space<vmem_shared>>
        tpu.enqueue_indirect_dma source(%arg5 : memref<128x128xf32, #tpu.memory_space<vmem>>) target(%dma_start3A_86 : memref<10112x128xf32, #tpu.memory_space<vmem_shared>>) offsets(%dma_start3A_83 : memref<128xi32, #tpu.memory_space<vmem>>) semaphore(%run_scoped3A_81 : memref<!tpu.dma_semaphore, #tpu.memory_space<semaphore_mem>>) {add = true}
        %dma_wait3A = arith.constant 0 : i32
        %dma_wait3A_87 = tpu.memref_slice %arg4[%run_scoped3A_80, %dma_wait3A] : memref<79x128xi32, #tpu.memory_space<vmem>> -> memref<1x128xi32, #tpu.memory_space<vmem>>
        %dma_wait3A_88 = tpu.memref_squeeze %dma_wait3A_87 : memref<1x128xi32, #tpu.memory_space<vmem>> -> memref<128xi32, #tpu.memory_space<vmem>>
        %dma_wait3A_89 = arith.constant 0 : i32
        %dma_wait3A_90 = arith.constant 0 : i32
        %dma_wait3A_91 = tpu.memref_slice %arg6[%dma_wait3A_89, %dma_wait3A_90] : memref<10112x128xf32, #tpu.memory_space<vmem_shared>> -> memref<10112x128xf32, #tpu.memory_space<vmem_shared>>
        tpu.wait_indirect_dma semaphore(%run_scoped3A_81 : memref<!tpu.dma_semaphore, #tpu.memory_space<semaphore_mem>>) src(%arg5 : memref<128x128xf32, #tpu.memory_space<vmem>>) dst(%dma_wait3A_91 : memref<10112x128xf32, #tpu.memory_space<vmem_shared>>)
        tpu.yield
      }) : () -> ()
    } else {
    }
    %run_scoped3A_52 = arith.constant 2 : i32
    "tpu.region"() ({
      %run_scoped3A_80 = tpu.sem_alloc : memref<!tpu.dma_semaphore, #tpu.memory_space<semaphore_mem>>
      %dma_start3A = arith.constant 0 : i32
      %dma_start3A_81 = arith.constant 0 : i32
      %dma_start3A_82 = tpu.memref_slice %arg2[%run_scoped3A_52, %arg1, %dma_start3A, %dma_start3A_81] : memref<3x16x79x128xi32, #tpu.memory_space<hbm>> -> memref<1x1x79x128xi32, #tpu.memory_space<hbm>>
      %dma_start3A_83 = tpu.memref_squeeze %dma_start3A_82 : memref<1x1x79x128xi32, #tpu.memory_space<hbm>> -> memref<79x128xi32, #tpu.memory_space<hbm>>
      %dma_start3A_84 = arith.constant 0 : i32
      %dma_start3A_85 = arith.constant 0 : i32
      %dma_start3A_86 = tpu.memref_slice %arg2[%run_scoped3A_52, %arg1, %dma_start3A_84, %dma_start3A_85] : memref<3x16x79x128xi32, #tpu.memory_space<hbm>> -> memref<1x1x79x128xi32, #tpu.memory_space<hbm>>
      %dma_start3A_87 = tpu.memref_squeeze %dma_start3A_86 : memref<1x1x79x128xi32, #tpu.memory_space<hbm>> -> memref<79x128xi32, #tpu.memory_space<hbm>>
      tpu.enqueue_dma source(%dma_start3A_87 : memref<79x128xi32, #tpu.memory_space<hbm>>) target(%arg4 : memref<79x128xi32, #tpu.memory_space<vmem>>) target_semaphore(%run_scoped3A_80 : memref<!tpu.dma_semaphore, #tpu.memory_space<semaphore_mem>>)
      %dma_wait3A = arith.constant 0 : i32
      %dma_wait3A_88 = arith.constant 0 : i32
      %dma_wait3A_89 = tpu.memref_slice %arg2[%run_scoped3A_52, %arg1, %dma_wait3A, %dma_wait3A_88] : memref<3x16x79x128xi32, #tpu.memory_space<hbm>> -> memref<1x1x79x128xi32, #tpu.memory_space<hbm>>
      %dma_wait3A_90 = tpu.memref_squeeze %dma_wait3A_89 : memref<1x1x79x128xi32, #tpu.memory_space<hbm>> -> memref<79x128xi32, #tpu.memory_space<hbm>>
      %dma_wait3A_91 = arith.constant 0 : i32
      %dma_wait3A_92 = arith.constant 0 : i32
      %dma_wait3A_93 = tpu.memref_slice %arg2[%run_scoped3A_52, %arg1, %dma_wait3A_91, %dma_wait3A_92] : memref<3x16x79x128xi32, #tpu.memory_space<hbm>> -> memref<1x1x79x128xi32, #tpu.memory_space<hbm>>
      %dma_wait3A_94 = tpu.memref_squeeze %dma_wait3A_93 : memref<1x1x79x128xi32, #tpu.memory_space<hbm>> -> memref<79x128xi32, #tpu.memory_space<hbm>>
      tpu.wait_dma2 semaphore(%run_scoped3A_80 : memref<!tpu.dma_semaphore, #tpu.memory_space<semaphore_mem>>) src(%dma_wait3A_94 : memref<79x128xi32, #tpu.memory_space<hbm>>) dst(%arg4 : memref<79x128xi32, #tpu.memory_space<vmem>>)
      tpu.yield
    }) : () -> ()
    %scan3A_53 = arith.constant 0 : i32
    %scan3A_54 = arith.constant 0 : i32
    %scan3A_55 = arith.constant 128 : i32
    %scan3A_56 = arith.addi %scan3A_54, %scan3A_55 : i32
    %scan3A_57 = arith.constant 1 : i32
    %scan3A_58 = scf.for %scan3A_80 = %scan3A_54 to %scan3A_56 step %scan3A_57 iter_args(%scan3A_81 = %scan3A_53) -> (i32)  : i32 {
      %broadcast_in_dim3A = arith.constant 0.000000e+00 : f32
      %broadcast_in_dim3A_82 = vector.broadcast %broadcast_in_dim3A : f32 to vector<16xf32>
      %swap3A = arith.index_cast %scan3A_80 : i32 to index
      %swap3A_83 = arith.constant 16 : index
      %swap3A_84 = tpu.vector_load %arg5[%swap3A, %swap3A_83] {strides = array<i32>} : memref<128x128xf32, #tpu.memory_space<vmem>>, vector<1x16xf32>,
      %swap3A_85 = vector.shape_cast %swap3A_84 : vector<1x16xf32> to vector<16xf32>
      %swap3A_86 = vector.shape_cast %broadcast_in_dim3A_82 : vector<16xf32> to vector<1x16xf32>
      tpu.vector_store %arg5[%swap3A, %swap3A_83], %swap3A_86 {strides = array<i32>} : memref<128x128xf32, #tpu.memory_space<vmem>>, vector<1x16xf32>,
      %broadcast_in_dim3A_87 = arith.constant 1.000000e+00 : f32
      %broadcast_in_dim3A_88 = vector.broadcast %broadcast_in_dim3A_87 : f32 to vector<16xf32>
      %swap3A_89 = arith.index_cast %scan3A_80 : i32 to index
      %swap3A_90 = arith.constant 32 : index
      %swap3A_91 = tpu.vector_load %arg5[%swap3A_89, %swap3A_90] {strides = array<i32>} : memref<128x128xf32, #tpu.memory_space<vmem>>, vector<1x16xf32>,
      %swap3A_92 = vector.shape_cast %swap3A_91 : vector<1x16xf32> to vector<16xf32>
      %swap3A_93 = vector.shape_cast %broadcast_in_dim3A_88 : vector<16xf32> to vector<1x16xf32>
      tpu.vector_store %arg5[%swap3A_89, %swap3A_90], %swap3A_93 {strides = array<i32>} : memref<128x128xf32, #tpu.memory_space<vmem>>, vector<1x16xf32>,
      %scan3A_94 = arith.constant 0 : i32
      scf.yield %scan3A_94 : i32
    }
    %scan3A_59 = arith.constant 128 : i32
    %scan3A_60 = arith.constant 0 : i32
    %scan3A_61 = arith.constant 0 : i32
    %scan3A_62 = arith.constant 39 : i32
    %scan3A_63 = arith.addi %scan3A_61, %scan3A_62 : i32
    %scan3A_64 = arith.constant 1 : i32
    %scan3A_65 = scf.for %scan3A_80 = %scan3A_61 to %scan3A_63 step %scan3A_64 iter_args(%scan3A_81 = %scan3A_60) -> (i32)  : i32 {
      %mul3A_82 = arith.constant 2 : i32
      %mul3A_83 = arith.muli %mul3A_82, %scan3A_80 : i32
      %add3A_84 = arith.addi %mul3A_83, %arg0 : i32
      "tpu.region"() ({
        %run_scoped3A_86 = tpu.sem_alloc : memref<!tpu.dma_semaphore, #tpu.memory_space<semaphore_mem>>
        %dma_start3A = arith.constant 0 : i32
        %dma_start3A_87 = tpu.memref_slice %arg4[%add3A_84, %dma_start3A] : memref<79x128xi32, #tpu.memory_space<vmem>> -> memref<1x128xi32, #tpu.memory_space<vmem>>
        %dma_start3A_88 = tpu.memref_squeeze %dma_start3A_87 : memref<1x128xi32, #tpu.memory_space<vmem>> -> memref<128xi32, #tpu.memory_space<vmem>>
        %dma_start3A_89 = arith.constant 0 : i32
        %dma_start3A_90 = arith.constant 0 : i32
        %dma_start3A_91 = tpu.memref_slice %arg6[%dma_start3A_89, %dma_start3A_90] : memref<10112x128xf32, #tpu.memory_space<vmem_shared>> -> memref<10112x128xf32, #tpu.memory_space<vmem_shared>>
        tpu.enqueue_indirect_dma source(%arg5 : memref<128x128xf32, #tpu.memory_space<vmem>>) target(%dma_start3A_91 : memref<10112x128xf32, #tpu.memory_space<vmem_shared>>) offsets(%dma_start3A_88 : memref<128xi32, #tpu.memory_space<vmem>>) semaphore(%run_scoped3A_86 : memref<!tpu.dma_semaphore, #tpu.memory_space<semaphore_mem>>) {add = true}
        %dma_wait3A = arith.constant 0 : i32
        %dma_wait3A_92 = tpu.memref_slice %arg4[%add3A_84, %dma_wait3A] : memref<79x128xi32, #tpu.memory_space<vmem>> -> memref<1x128xi32, #tpu.memory_space<vmem>>
        %dma_wait3A_93 = tpu.memref_squeeze %dma_wait3A_92 : memref<1x128xi32, #tpu.memory_space<vmem>> -> memref<128xi32, #tpu.memory_space<vmem>>
        %dma_wait3A_94 = arith.constant 0 : i32
        %dma_wait3A_95 = arith.constant 0 : i32
        %dma_wait3A_96 = tpu.memref_slice %arg6[%dma_wait3A_94, %dma_wait3A_95] : memref<10112x128xf32, #tpu.memory_space<vmem_shared>> -> memref<10112x128xf32, #tpu.memory_space<vmem_shared>>
        tpu.wait_indirect_dma semaphore(%run_scoped3A_86 : memref<!tpu.dma_semaphore, #tpu.memory_space<semaphore_mem>>) src(%arg5 : memref<128x128xf32, #tpu.memory_space<vmem>>) dst(%dma_wait3A_96 : memref<10112x128xf32, #tpu.memory_space<vmem_shared>>)
        tpu.yield
      }) : () -> ()
      %scan3A_85 = arith.constant 0 : i32
      scf.yield %scan3A_85 : i32
    }
    %scan3A_66 = arith.constant 39 : i32
    %eq3A_67 = arith.constant 1 : i32
    %eq3A_68 = arith.cmpi eq, %arg0, %eq3A_67 : i32
    %convert_element_type3A_69 = arith.extui %eq3A_68 : i1 to i32
    %cond3A_70 = arith.constant 0 : i32
    %cond3A_71 = arith.cmpi ne, %convert_element_type3A_69, %cond3A_70 : i32
    scf.if %cond3A_71 {
      %run_scoped3A_80 = arith.constant 78 : i32
      "tpu.region"() ({
        %run_scoped3A_81 = tpu.sem_alloc : memref<!tpu.dma_semaphore, #tpu.memory_space<semaphore_mem>>
        %dma_start3A = arith.constant 0 : i32
        %dma_start3A_82 = tpu.memref_slice %arg4[%run_scoped3A_80, %dma_start3A] : memref<79x128xi32, #tpu.memory_space<vmem>> -> memref<1x128xi32, #tpu.memory_space<vmem>>
        %dma_start3A_83 = tpu.memref_squeeze %dma_start3A_82 : memref<1x128xi32, #tpu.memory_space<vmem>> -> memref<128xi32, #tpu.memory_space<vmem>>
        %dma_start3A_84 = arith.constant 0 : i32
        %dma_start3A_85 = arith.constant 0 : i32
        %dma_start3A_86 = tpu.memref_slice %arg6[%dma_start3A_84, %dma_start3A_85] : memref<10112x128xf32, #tpu.memory_space<vmem_shared>> -> memref<10112x128xf32, #tpu.memory_space<vmem_shared>>
        tpu.enqueue_indirect_dma source(%arg5 : memref<128x128xf32, #tpu.memory_space<vmem>>) target(%dma_start3A_86 : memref<10112x128xf32, #tpu.memory_space<vmem_shared>>) offsets(%dma_start3A_83 : memref<128xi32, #tpu.memory_space<vmem>>) semaphore(%run_scoped3A_81 : memref<!tpu.dma_semaphore, #tpu.memory_space<semaphore_mem>>) {add = true}
        %dma_wait3A = arith.constant 0 : i32
        %dma_wait3A_87 = tpu.memref_slice %arg4[%run_scoped3A_80, %dma_wait3A] : memref<79x128xi32, #tpu.memory_space<vmem>> -> memref<1x128xi32, #tpu.memory_space<vmem>>
        %dma_wait3A_88 = tpu.memref_squeeze %dma_wait3A_87 : memref<1x128xi32, #tpu.memory_space<vmem>> -> memref<128xi32, #tpu.memory_space<vmem>>
        %dma_wait3A_89 = arith.constant 0 : i32
        %dma_wait3A_90 = arith.constant 0 : i32
        %dma_wait3A_91 = tpu.memref_slice %arg6[%dma_wait3A_89, %dma_wait3A_90] : memref<10112x128xf32, #tpu.memory_space<vmem_shared>> -> memref<10112x128xf32, #tpu.memory_space<vmem_shared>>
        tpu.wait_indirect_dma semaphore(%run_scoped3A_81 : memref<!tpu.dma_semaphore, #tpu.memory_space<semaphore_mem>>) src(%arg5 : memref<128x128xf32, #tpu.memory_space<vmem>>) dst(%dma_wait3A_91 : memref<10112x128xf32, #tpu.memory_space<vmem_shared>>)
        tpu.yield
      }) : () -> ()
    } else {
    }
    %barrier3A_72 = arith.constant 0 : index
    tpu.barrier barrier_id(%barrier3A_72)
    %mul3A_73 = arith.constant 624 : i32
    %mul3A_74 = arith.muli %arg1, %mul3A_73 : i32
    "tpu.region"() ({
      %run_scoped3A_80 = tpu.sem_alloc : memref<!tpu.dma_semaphore, #tpu.memory_space<semaphore_mem>>
      %dma_start3A = arith.constant 0 : i32
      %dma_start3A_81 = tpu.memref_slice %arg3[%arg0, %mul3A_74, %dma_start3A] : memref<2x10000x128xf32, #tpu.memory_space<hbm>> -> memref<1x624x128xf32, #tpu.memory_space<hbm>>
      %dma_start3A_82 = tpu.memref_squeeze %dma_start3A_81 : memref<1x624x128xf32, #tpu.memory_space<hbm>> -> memref<624x128xf32, #tpu.memory_space<hbm>>
      %dma_start3A_83 = arith.constant 0 : i32
      %dma_start3A_84 = tpu.memref_slice %arg6[%mul3A_74, %dma_start3A_83] : memref<10112x128xf32, #tpu.memory_space<vmem_shared>> -> memref<624x128xf32, #tpu.memory_space<vmem_shared>>
      tpu.enqueue_dma source(%dma_start3A_84 : memref<624x128xf32, #tpu.memory_space<vmem_shared>>) target(%dma_start3A_82 : memref<624x128xf32, #tpu.memory_space<hbm>>) target_semaphore(%run_scoped3A_80 : memref<!tpu.dma_semaphore, #tpu.memory_space<semaphore_mem>>)
      %dma_wait3A = arith.constant 0 : i32
      %dma_wait3A_85 = tpu.memref_slice %arg3[%arg0, %mul3A_74, %dma_wait3A] : memref<2x10000x128xf32, #tpu.memory_space<hbm>> -> memref<1x624x128xf32, #tpu.memory_space<hbm>>
      %dma_wait3A_86 = tpu.memref_squeeze %dma_wait3A_85 : memref<1x624x128xf32, #tpu.memory_space<hbm>> -> memref<624x128xf32, #tpu.memory_space<hbm>>
      %dma_wait3A_87 = arith.constant 0 : i32
      %dma_wait3A_88 = tpu.memref_slice %arg6[%mul3A_74, %dma_wait3A_87] : memref<10112x128xf32, #tpu.memory_space<vmem_shared>> -> memref<624x128xf32, #tpu.memory_space<vmem_shared>>
      tpu.wait_dma2 semaphore(%run_scoped3A_80 : memref<!tpu.dma_semaphore, #tpu.memory_space<semaphore_mem>>) src(%dma_wait3A_88 : memref<624x128xf32, #tpu.memory_space<vmem_shared>>) dst(%dma_wait3A_86 : memref<624x128xf32, #tpu.memory_space<hbm>>)
      tpu.yield
    }) : () -> ()
    %eq3A_75 = arith.constant 15 : i32
    %eq3A_76 = arith.cmpi eq, %arg1, %eq3A_75 : i32
    %convert_element_type3A_77 = arith.extui %eq3A_76 : i1 to i32
    %cond3A_78 = arith.constant 0 : i32
    %cond3A_79 = arith.cmpi ne, %convert_element_type3A_77, %cond3A_78 : i32
    scf.if %cond3A_79 {
      "tpu.region"() ({
        %run_scoped3A_80 = tpu.sem_alloc : memref<!tpu.dma_semaphore, #tpu.memory_space<semaphore_mem>>
        %dma_start3A = arith.constant 9984 : i32
        %dma_start3A_81 = arith.constant 0 : i32
        %dma_start3A_82 = tpu.memref_slice %arg3[%arg0, %dma_start3A, %dma_start3A_81] : memref<2x10000x128xf32, #tpu.memory_space<hbm>> -> memref<1x16x128xf32, #tpu.memory_space<hbm>>
        %dma_start3A_83 = tpu.memref_squeeze %dma_start3A_82 : memref<1x16x128xf32, #tpu.memory_space<hbm>> -> memref<16x128xf32, #tpu.memory_space<hbm>>
        %dma_start3A_84 = arith.constant 9984 : i32
        %dma_start3A_85 = arith.constant 0 : i32
        %dma_start3A_86 = tpu.memref_slice %arg6[%dma_start3A_84, %dma_start3A_85] : memref<10112x128xf32, #tpu.memory_space<vmem_shared>> -> memref<16x128xf32, #tpu.memory_space<vmem_shared>>
        tpu.enqueue_dma source(%dma_start3A_86 : memref<16x128xf32, #tpu.memory_space<vmem_shared>>) target(%dma_start3A_83 : memref<16x128xf32, #tpu.memory_space<hbm>>) target_semaphore(%run_scoped3A_80 : memref<!tpu.dma_semaphore, #tpu.memory_space<semaphore_mem>>)
        %dma_wait3A = arith.constant 9984 : i32
        %dma_wait3A_87 = arith.constant 0 : i32
        %dma_wait3A_88 = tpu.memref_slice %arg3[%arg0, %dma_wait3A, %dma_wait3A_87] : memref<2x10000x128xf32, #tpu.memory_space<hbm>> -> memref<1x16x128xf32, #tpu.memory_space<hbm>>
        %dma_wait3A_89 = tpu.memref_squeeze %dma_wait3A_88 : memref<1x16x128xf32, #tpu.memory_space<hbm>> -> memref<16x128xf32, #tpu.memory_space<hbm>>
        %dma_wait3A_90 = arith.constant 9984 : i32
        %dma_wait3A_91 = arith.constant 0 : i32
        %dma_wait3A_92 = tpu.memref_slice %arg6[%dma_wait3A_90, %dma_wait3A_91] : memref<10112x128xf32, #tpu.memory_space<vmem_shared>> -> memref<16x128xf32, #tpu.memory_space<vmem_shared>>
        tpu.wait_dma2 semaphore(%run_scoped3A_80 : memref<!tpu.dma_semaphore, #tpu.memory_space<semaphore_mem>>) src(%dma_wait3A_92 : memref<16x128xf32, #tpu.memory_space<vmem_shared>>) dst(%dma_wait3A_89 : memref<16x128xf32, #tpu.memory_space<hbm>>)
        tpu.yield
      }) : () -> ()
    } else {
    }
    return
  }
}

#map = affine_map<(d0, d1) -> (0, 0)>
#map1 = affine_map<(d0, d1) -> (0, 0, 0, 0)>
#map2 = affine_map<(d0, d1) -> (0, 0, 0)>
module attributes {stable_mosaic.version = 14 : i64} {
  func.func @_segsum_body(%arg0: i32, %arg1: i32, %arg2: memref<20000x128xf32, #tpu.memory_space<hbm>>, %arg3: memref<2x16x79x128xi32, #tpu.memory_space<hbm>>, %arg4: memref<16x79x128xi32, #tpu.memory_space<hbm>>, %arg5: memref<2x10000x128xf32, #tpu.memory_space<hbm>>, %arg6: memref<79x128xi32, #tpu.memory_space<vmem>>, %arg7: memref<79x128xi32, #tpu.memory_space<vmem>>, %arg8: memref<128x128xf32, #tpu.memory_space<vmem>>, %arg9: memref<10112x128xf32, #tpu.memory_space<vmem_shared>>, %arg10: memref<!tpu.dma_semaphore, #tpu.memory_space<semaphore_mem>>) attributes {dimension_semantics = [#tpu.dimension_semantics<core_parallel>, #tpu.dimension_semantics<subcore_parallel>], iteration_bounds = array<i64: 2, 16>, scalar_prefetch = 0 : i64, scratch_operands = 5 : i64, tpu.core_type = #tpu.core_type<sc_vector_subcore>, window_params = [{transform_indices = #map}, {transform_indices = #map1}, {transform_indices = #map2}, {transform_indices = #map2}]} {
    "tpu.region"() ({
      %run_scoped3A = tpu.sem_alloc : memref<!tpu.dma_semaphore, #tpu.memory_space<semaphore_mem>>
      %dma_start3A = arith.constant 0 : i32
      %dma_start3A_28 = arith.constant 0 : i32
      %dma_start3A_29 = tpu.memref_slice %arg3[%arg0, %arg1, %dma_start3A, %dma_start3A_28] : memref<2x16x79x128xi32, #tpu.memory_space<hbm>> -> memref<1x1x79x128xi32, #tpu.memory_space<hbm>>
      %dma_start3A_30 = tpu.memref_squeeze %dma_start3A_29 : memref<1x1x79x128xi32, #tpu.memory_space<hbm>> -> memref<79x128xi32, #tpu.memory_space<hbm>>
      %dma_start3A_31 = arith.constant 0 : i32
      %dma_start3A_32 = arith.constant 0 : i32
      %dma_start3A_33 = tpu.memref_slice %arg3[%arg0, %arg1, %dma_start3A_31, %dma_start3A_32] : memref<2x16x79x128xi32, #tpu.memory_space<hbm>> -> memref<1x1x79x128xi32, #tpu.memory_space<hbm>>
      %dma_start3A_34 = tpu.memref_squeeze %dma_start3A_33 : memref<1x1x79x128xi32, #tpu.memory_space<hbm>> -> memref<79x128xi32, #tpu.memory_space<hbm>>
      tpu.enqueue_dma source(%dma_start3A_34 : memref<79x128xi32, #tpu.memory_space<hbm>>) target(%arg6 : memref<79x128xi32, #tpu.memory_space<vmem>>) target_semaphore(%run_scoped3A : memref<!tpu.dma_semaphore, #tpu.memory_space<semaphore_mem>>)
      %dma_wait3A = arith.constant 0 : i32
      %dma_wait3A_35 = arith.constant 0 : i32
      %dma_wait3A_36 = tpu.memref_slice %arg3[%arg0, %arg1, %dma_wait3A, %dma_wait3A_35] : memref<2x16x79x128xi32, #tpu.memory_space<hbm>> -> memref<1x1x79x128xi32, #tpu.memory_space<hbm>>
      %dma_wait3A_37 = tpu.memref_squeeze %dma_wait3A_36 : memref<1x1x79x128xi32, #tpu.memory_space<hbm>> -> memref<79x128xi32, #tpu.memory_space<hbm>>
      %dma_wait3A_38 = arith.constant 0 : i32
      %dma_wait3A_39 = arith.constant 0 : i32
      %dma_wait3A_40 = tpu.memref_slice %arg3[%arg0, %arg1, %dma_wait3A_38, %dma_wait3A_39] : memref<2x16x79x128xi32, #tpu.memory_space<hbm>> -> memref<1x1x79x128xi32, #tpu.memory_space<hbm>>
      %dma_wait3A_41 = tpu.memref_squeeze %dma_wait3A_40 : memref<1x1x79x128xi32, #tpu.memory_space<hbm>> -> memref<79x128xi32, #tpu.memory_space<hbm>>
      tpu.wait_dma2 semaphore(%run_scoped3A : memref<!tpu.dma_semaphore, #tpu.memory_space<semaphore_mem>>) src(%dma_wait3A_41 : memref<79x128xi32, #tpu.memory_space<hbm>>) dst(%arg6 : memref<79x128xi32, #tpu.memory_space<vmem>>)
      tpu.yield
    }) : () -> ()
    "tpu.region"() ({
      %run_scoped3A = tpu.sem_alloc : memref<!tpu.dma_semaphore, #tpu.memory_space<semaphore_mem>>
      %dma_start3A = arith.constant 0 : i32
      %dma_start3A_28 = arith.constant 0 : i32
      %dma_start3A_29 = tpu.memref_slice %arg4[%arg1, %dma_start3A, %dma_start3A_28] : memref<16x79x128xi32, #tpu.memory_space<hbm>> -> memref<1x79x128xi32, #tpu.memory_space<hbm>>
      %dma_start3A_30 = tpu.memref_squeeze %dma_start3A_29 : memref<1x79x128xi32, #tpu.memory_space<hbm>> -> memref<79x128xi32, #tpu.memory_space<hbm>>
      %dma_start3A_31 = arith.constant 0 : i32
      %dma_start3A_32 = arith.constant 0 : i32
      %dma_start3A_33 = tpu.memref_slice %arg4[%arg1, %dma_start3A_31, %dma_start3A_32] : memref<16x79x128xi32, #tpu.memory_space<hbm>> -> memref<1x79x128xi32, #tpu.memory_space<hbm>>
      %dma_start3A_34 = tpu.memref_squeeze %dma_start3A_33 : memref<1x79x128xi32, #tpu.memory_space<hbm>> -> memref<79x128xi32, #tpu.memory_space<hbm>>
      tpu.enqueue_dma source(%dma_start3A_34 : memref<79x128xi32, #tpu.memory_space<hbm>>) target(%arg7 : memref<79x128xi32, #tpu.memory_space<vmem>>) target_semaphore(%run_scoped3A : memref<!tpu.dma_semaphore, #tpu.memory_space<semaphore_mem>>)
      %dma_wait3A = arith.constant 0 : i32
      %dma_wait3A_35 = arith.constant 0 : i32
      %dma_wait3A_36 = tpu.memref_slice %arg4[%arg1, %dma_wait3A, %dma_wait3A_35] : memref<16x79x128xi32, #tpu.memory_space<hbm>> -> memref<1x79x128xi32, #tpu.memory_space<hbm>>
      %dma_wait3A_37 = tpu.memref_squeeze %dma_wait3A_36 : memref<1x79x128xi32, #tpu.memory_space<hbm>> -> memref<79x128xi32, #tpu.memory_space<hbm>>
      %dma_wait3A_38 = arith.constant 0 : i32
      %dma_wait3A_39 = arith.constant 0 : i32
      %dma_wait3A_40 = tpu.memref_slice %arg4[%arg1, %dma_wait3A_38, %dma_wait3A_39] : memref<16x79x128xi32, #tpu.memory_space<hbm>> -> memref<1x79x128xi32, #tpu.memory_space<hbm>>
      %dma_wait3A_41 = tpu.memref_squeeze %dma_wait3A_40 : memref<1x79x128xi32, #tpu.memory_space<hbm>> -> memref<79x128xi32, #tpu.memory_space<hbm>>
      tpu.wait_dma2 semaphore(%run_scoped3A : memref<!tpu.dma_semaphore, #tpu.memory_space<semaphore_mem>>) src(%dma_wait3A_41 : memref<79x128xi32, #tpu.memory_space<hbm>>) dst(%arg7 : memref<79x128xi32, #tpu.memory_space<vmem>>)
      tpu.yield
    }) : () -> ()
    %scan3A = arith.constant 0 : i32
    %scan3A_0 = arith.constant 0 : i32
    %scan3A_1 = arith.constant 128 : i32
    %scan3A_2 = arith.addi %scan3A_0, %scan3A_1 : i32
    %scan3A_3 = arith.constant 1 : i32
    %scan3A_4 = scf.for %scan3A_28 = %scan3A_0 to %scan3A_2 step %scan3A_3 iter_args(%scan3A_29 = %scan3A) -> (i32)  : i32 {
      %broadcast_in_dim3A = arith.constant 0.000000e+00 : f32
      %broadcast_in_dim3A_30 = vector.broadcast %broadcast_in_dim3A : f32 to vector<16xf32>
      %swap3A = arith.index_cast %scan3A_28 : i32 to index
      %swap3A_31 = arith.constant 0 : index
      %swap3A_32 = tpu.vector_load %arg8[%swap3A, %swap3A_31] {strides = array<i32>} : memref<128x128xf32, #tpu.memory_space<vmem>>, vector<1x16xf32>,
      %swap3A_33 = vector.shape_cast %swap3A_32 : vector<1x16xf32> to vector<16xf32>
      %swap3A_34 = vector.shape_cast %broadcast_in_dim3A_30 : vector<16xf32> to vector<1x16xf32>
      tpu.vector_store %arg8[%swap3A, %swap3A_31], %swap3A_34 {strides = array<i32>} : memref<128x128xf32, #tpu.memory_space<vmem>>, vector<1x16xf32>,
      %broadcast_in_dim3A_35 = arith.constant 0.000000e+00 : f32
      %broadcast_in_dim3A_36 = vector.broadcast %broadcast_in_dim3A_35 : f32 to vector<16xf32>
      %swap3A_37 = arith.index_cast %scan3A_28 : i32 to index
      %swap3A_38 = arith.constant 16 : index
      %swap3A_39 = tpu.vector_load %arg8[%swap3A_37, %swap3A_38] {strides = array<i32>} : memref<128x128xf32, #tpu.memory_space<vmem>>, vector<1x16xf32>,
      %swap3A_40 = vector.shape_cast %swap3A_39 : vector<1x16xf32> to vector<16xf32>
      %swap3A_41 = vector.shape_cast %broadcast_in_dim3A_36 : vector<16xf32> to vector<1x16xf32>
      tpu.vector_store %arg8[%swap3A_37, %swap3A_38], %swap3A_41 {strides = array<i32>} : memref<128x128xf32, #tpu.memory_space<vmem>>, vector<1x16xf32>,
      %broadcast_in_dim3A_42 = arith.constant 0.000000e+00 : f32
      %broadcast_in_dim3A_43 = vector.broadcast %broadcast_in_dim3A_42 : f32 to vector<16xf32>
      %swap3A_44 = arith.index_cast %scan3A_28 : i32 to index
      %swap3A_45 = arith.constant 32 : index
      %swap3A_46 = tpu.vector_load %arg8[%swap3A_44, %swap3A_45] {strides = array<i32>} : memref<128x128xf32, #tpu.memory_space<vmem>>, vector<1x16xf32>,
      %swap3A_47 = vector.shape_cast %swap3A_46 : vector<1x16xf32> to vector<16xf32>
      %swap3A_48 = vector.shape_cast %broadcast_in_dim3A_43 : vector<16xf32> to vector<1x16xf32>
      tpu.vector_store %arg8[%swap3A_44, %swap3A_45], %swap3A_48 {strides = array<i32>} : memref<128x128xf32, #tpu.memory_space<vmem>>, vector<1x16xf32>,
      %broadcast_in_dim3A_49 = arith.constant 0.000000e+00 : f32
      %broadcast_in_dim3A_50 = vector.broadcast %broadcast_in_dim3A_49 : f32 to vector<16xf32>
      %swap3A_51 = arith.index_cast %scan3A_28 : i32 to index
      %swap3A_52 = arith.constant 48 : index
      %swap3A_53 = tpu.vector_load %arg8[%swap3A_51, %swap3A_52] {strides = array<i32>} : memref<128x128xf32, #tpu.memory_space<vmem>>, vector<1x16xf32>,
      %swap3A_54 = vector.shape_cast %swap3A_53 : vector<1x16xf32> to vector<16xf32>
      %swap3A_55 = vector.shape_cast %broadcast_in_dim3A_50 : vector<16xf32> to vector<1x16xf32>
      tpu.vector_store %arg8[%swap3A_51, %swap3A_52], %swap3A_55 {strides = array<i32>} : memref<128x128xf32, #tpu.memory_space<vmem>>, vector<1x16xf32>,
      %broadcast_in_dim3A_56 = arith.constant 0.000000e+00 : f32
      %broadcast_in_dim3A_57 = vector.broadcast %broadcast_in_dim3A_56 : f32 to vector<16xf32>
      %swap3A_58 = arith.index_cast %scan3A_28 : i32 to index
      %swap3A_59 = arith.constant 64 : index
      %swap3A_60 = tpu.vector_load %arg8[%swap3A_58, %swap3A_59] {strides = array<i32>} : memref<128x128xf32, #tpu.memory_space<vmem>>, vector<1x16xf32>,
      %swap3A_61 = vector.shape_cast %swap3A_60 : vector<1x16xf32> to vector<16xf32>
      %swap3A_62 = vector.shape_cast %broadcast_in_dim3A_57 : vector<16xf32> to vector<1x16xf32>
      tpu.vector_store %arg8[%swap3A_58, %swap3A_59], %swap3A_62 {strides = array<i32>} : memref<128x128xf32, #tpu.memory_space<vmem>>, vector<1x16xf32>,
      %broadcast_in_dim3A_63 = arith.constant 0.000000e+00 : f32
      %broadcast_in_dim3A_64 = vector.broadcast %broadcast_in_dim3A_63 : f32 to vector<16xf32>
      %swap3A_65 = arith.index_cast %scan3A_28 : i32 to index
      %swap3A_66 = arith.constant 80 : index
      %swap3A_67 = tpu.vector_load %arg8[%swap3A_65, %swap3A_66] {strides = array<i32>} : memref<128x128xf32, #tpu.memory_space<vmem>>, vector<1x16xf32>,
      %swap3A_68 = vector.shape_cast %swap3A_67 : vector<1x16xf32> to vector<16xf32>
      %swap3A_69 = vector.shape_cast %broadcast_in_dim3A_64 : vector<16xf32> to vector<1x16xf32>
      tpu.vector_store %arg8[%swap3A_65, %swap3A_66], %swap3A_69 {strides = array<i32>} : memref<128x128xf32, #tpu.memory_space<vmem>>, vector<1x16xf32>,
      %broadcast_in_dim3A_70 = arith.constant 0.000000e+00 : f32
      %broadcast_in_dim3A_71 = vector.broadcast %broadcast_in_dim3A_70 : f32 to vector<16xf32>
      %swap3A_72 = arith.index_cast %scan3A_28 : i32 to index
      %swap3A_73 = arith.constant 96 : index
      %swap3A_74 = tpu.vector_load %arg8[%swap3A_72, %swap3A_73] {strides = array<i32>} : memref<128x128xf32, #tpu.memory_space<vmem>>, vector<1x16xf32>,
      %swap3A_75 = vector.shape_cast %swap3A_74 : vector<1x16xf32> to vector<16xf32>
      %swap3A_76 = vector.shape_cast %broadcast_in_dim3A_71 : vector<16xf32> to vector<1x16xf32>
      tpu.vector_store %arg8[%swap3A_72, %swap3A_73], %swap3A_76 {strides = array<i32>} : memref<128x128xf32, #tpu.memory_space<vmem>>, vector<1x16xf32>,
      %broadcast_in_dim3A_77 = arith.constant 0.000000e+00 : f32
      %broadcast_in_dim3A_78 = vector.broadcast %broadcast_in_dim3A_77 : f32 to vector<16xf32>
      %swap3A_79 = arith.index_cast %scan3A_28 : i32 to index
      %swap3A_80 = arith.constant 112 : index
      %swap3A_81 = tpu.vector_load %arg8[%swap3A_79, %swap3A_80] {strides = array<i32>} : memref<128x128xf32, #tpu.memory_space<vmem>>, vector<1x16xf32>,
      %swap3A_82 = vector.shape_cast %swap3A_81 : vector<1x16xf32> to vector<16xf32>
      %swap3A_83 = vector.shape_cast %broadcast_in_dim3A_78 : vector<16xf32> to vector<1x16xf32>
      tpu.vector_store %arg8[%swap3A_79, %swap3A_80], %swap3A_83 {strides = array<i32>} : memref<128x128xf32, #tpu.memory_space<vmem>>, vector<1x16xf32>,
      %scan3A_84 = arith.constant 0 : i32
      scf.yield %scan3A_84 : i32
    }
    %scan3A_5 = arith.constant 128 : i32
    %mul3A = arith.constant 632 : i32
    %mul3A_6 = arith.muli %arg1, %mul3A : i32
    %add3A = arith.constant 0 : i32
    %add3A_7 = arith.addi %mul3A_6, %add3A : i32
    "tpu.region"() ({
      %run_scoped3A = tpu.sem_alloc : memref<!tpu.dma_semaphore, #tpu.memory_space<semaphore_mem>>
      %dma_start3A = arith.constant 0 : i32
      %dma_start3A_28 = tpu.memref_slice %arg9[%add3A_7, %dma_start3A] : memref<10112x128xf32, #tpu.memory_space<vmem_shared>> -> memref<128x128xf32, #tpu.memory_space<vmem_shared>>
      %dma_start3A_29 = arith.constant 0 : i32
      %dma_start3A_30 = tpu.memref_slice %arg9[%add3A_7, %dma_start3A_29] : memref<10112x128xf32, #tpu.memory_space<vmem_shared>> -> memref<128x128xf32, #tpu.memory_space<vmem_shared>>
      tpu.enqueue_dma source(%arg8 : memref<128x128xf32, #tpu.memory_space<vmem>>) target(%dma_start3A_30 : memref<128x128xf32, #tpu.memory_space<vmem_shared>>) target_semaphore(%run_scoped3A : memref<!tpu.dma_semaphore, #tpu.memory_space<semaphore_mem>>)
      %dma_wait3A = arith.constant 0 : i32
      %dma_wait3A_31 = tpu.memref_slice %arg9[%add3A_7, %dma_wait3A] : memref<10112x128xf32, #tpu.memory_space<vmem_shared>> -> memref<128x128xf32, #tpu.memory_space<vmem_shared>>
      %dma_wait3A_32 = arith.constant 0 : i32
      %dma_wait3A_33 = tpu.memref_slice %arg9[%add3A_7, %dma_wait3A_32] : memref<10112x128xf32, #tpu.memory_space<vmem_shared>> -> memref<128x128xf32, #tpu.memory_space<vmem_shared>>
      tpu.wait_dma2 semaphore(%run_scoped3A : memref<!tpu.dma_semaphore, #tpu.memory_space<semaphore_mem>>) src(%arg8 : memref<128x128xf32, #tpu.memory_space<vmem>>) dst(%dma_wait3A_33 : memref<128x128xf32, #tpu.memory_space<vmem_shared>>)
      tpu.yield
    }) : () -> ()
    %add3A_8 = arith.constant 128 : i32
    %add3A_9 = arith.addi %mul3A_6, %add3A_8 : i32
    "tpu.region"() ({
      %run_scoped3A = tpu.sem_alloc : memref<!tpu.dma_semaphore, #tpu.memory_space<semaphore_mem>>
      %dma_start3A = arith.constant 0 : i32
      %dma_start3A_28 = tpu.memref_slice %arg9[%add3A_9, %dma_start3A] : memref<10112x128xf32, #tpu.memory_space<vmem_shared>> -> memref<128x128xf32, #tpu.memory_space<vmem_shared>>
      %dma_start3A_29 = arith.constant 0 : i32
      %dma_start3A_30 = tpu.memref_slice %arg9[%add3A_9, %dma_start3A_29] : memref<10112x128xf32, #tpu.memory_space<vmem_shared>> -> memref<128x128xf32, #tpu.memory_space<vmem_shared>>
      tpu.enqueue_dma source(%arg8 : memref<128x128xf32, #tpu.memory_space<vmem>>) target(%dma_start3A_30 : memref<128x128xf32, #tpu.memory_space<vmem_shared>>) target_semaphore(%run_scoped3A : memref<!tpu.dma_semaphore, #tpu.memory_space<semaphore_mem>>)
      %dma_wait3A = arith.constant 0 : i32
      %dma_wait3A_31 = tpu.memref_slice %arg9[%add3A_9, %dma_wait3A] : memref<10112x128xf32, #tpu.memory_space<vmem_shared>> -> memref<128x128xf32, #tpu.memory_space<vmem_shared>>
      %dma_wait3A_32 = arith.constant 0 : i32
      %dma_wait3A_33 = tpu.memref_slice %arg9[%add3A_9, %dma_wait3A_32] : memref<10112x128xf32, #tpu.memory_space<vmem_shared>> -> memref<128x128xf32, #tpu.memory_space<vmem_shared>>
      tpu.wait_dma2 semaphore(%run_scoped3A : memref<!tpu.dma_semaphore, #tpu.memory_space<semaphore_mem>>) src(%arg8 : memref<128x128xf32, #tpu.memory_space<vmem>>) dst(%dma_wait3A_33 : memref<128x128xf32, #tpu.memory_space<vmem_shared>>)
      tpu.yield
    }) : () -> ()
    %add3A_10 = arith.constant 256 : i32
    %add3A_11 = arith.addi %mul3A_6, %add3A_10 : i32
    "tpu.region"() ({
      %run_scoped3A = tpu.sem_alloc : memref<!tpu.dma_semaphore, #tpu.memory_space<semaphore_mem>>
      %dma_start3A = arith.constant 0 : i32
      %dma_start3A_28 = tpu.memref_slice %arg9[%add3A_11, %dma_start3A] : memref<10112x128xf32, #tpu.memory_space<vmem_shared>> -> memref<128x128xf32, #tpu.memory_space<vmem_shared>>
      %dma_start3A_29 = arith.constant 0 : i32
      %dma_start3A_30 = tpu.memref_slice %arg9[%add3A_11, %dma_start3A_29] : memref<10112x128xf32, #tpu.memory_space<vmem_shared>> -> memref<128x128xf32, #tpu.memory_space<vmem_shared>>
      tpu.enqueue_dma source(%arg8 : memref<128x128xf32, #tpu.memory_space<vmem>>) target(%dma_start3A_30 : memref<128x128xf32, #tpu.memory_space<vmem_shared>>) target_semaphore(%run_scoped3A : memref<!tpu.dma_semaphore, #tpu.memory_space<semaphore_mem>>)
      %dma_wait3A = arith.constant 0 : i32
      %dma_wait3A_31 = tpu.memref_slice %arg9[%add3A_11, %dma_wait3A] : memref<10112x128xf32, #tpu.memory_space<vmem_shared>> -> memref<128x128xf32, #tpu.memory_space<vmem_shared>>
      %dma_wait3A_32 = arith.constant 0 : i32
      %dma_wait3A_33 = tpu.memref_slice %arg9[%add3A_11, %dma_wait3A_32] : memref<10112x128xf32, #tpu.memory_space<vmem_shared>> -> memref<128x128xf32, #tpu.memory_space<vmem_shared>>
      tpu.wait_dma2 semaphore(%run_scoped3A : memref<!tpu.dma_semaphore, #tpu.memory_space<semaphore_mem>>) src(%arg8 : memref<128x128xf32, #tpu.memory_space<vmem>>) dst(%dma_wait3A_33 : memref<128x128xf32, #tpu.memory_space<vmem_shared>>)
      tpu.yield
    }) : () -> ()
    %add3A_12 = arith.constant 384 : i32
    %add3A_13 = arith.addi %mul3A_6, %add3A_12 : i32
    "tpu.region"() ({
      %run_scoped3A = tpu.sem_alloc : memref<!tpu.dma_semaphore, #tpu.memory_space<semaphore_mem>>
      %dma_start3A = arith.constant 0 : i32
      %dma_start3A_28 = tpu.memref_slice %arg9[%add3A_13, %dma_start3A] : memref<10112x128xf32, #tpu.memory_space<vmem_shared>> -> memref<128x128xf32, #tpu.memory_space<vmem_shared>>
      %dma_start3A_29 = arith.constant 0 : i32
      %dma_start3A_30 = tpu.memref_slice %arg9[%add3A_13, %dma_start3A_29] : memref<10112x128xf32, #tpu.memory_space<vmem_shared>> -> memref<128x128xf32, #tpu.memory_space<vmem_shared>>
      tpu.enqueue_dma source(%arg8 : memref<128x128xf32, #tpu.memory_space<vmem>>) target(%dma_start3A_30 : memref<128x128xf32, #tpu.memory_space<vmem_shared>>) target_semaphore(%run_scoped3A : memref<!tpu.dma_semaphore, #tpu.memory_space<semaphore_mem>>)
      %dma_wait3A = arith.constant 0 : i32
      %dma_wait3A_31 = tpu.memref_slice %arg9[%add3A_13, %dma_wait3A] : memref<10112x128xf32, #tpu.memory_space<vmem_shared>> -> memref<128x128xf32, #tpu.memory_space<vmem_shared>>
      %dma_wait3A_32 = arith.constant 0 : i32
      %dma_wait3A_33 = tpu.memref_slice %arg9[%add3A_13, %dma_wait3A_32] : memref<10112x128xf32, #tpu.memory_space<vmem_shared>> -> memref<128x128xf32, #tpu.memory_space<vmem_shared>>
      tpu.wait_dma2 semaphore(%run_scoped3A : memref<!tpu.dma_semaphore, #tpu.memory_space<semaphore_mem>>) src(%arg8 : memref<128x128xf32, #tpu.memory_space<vmem>>) dst(%dma_wait3A_33 : memref<128x128xf32, #tpu.memory_space<vmem_shared>>)
      tpu.yield
    }) : () -> ()
    %add3A_14 = arith.constant 512 : i32
    %add3A_15 = arith.addi %mul3A_6, %add3A_14 : i32
    "tpu.region"() ({
      %run_scoped3A = tpu.sem_alloc : memref<!tpu.dma_semaphore, #tpu.memory_space<semaphore_mem>>
      %dma_start3A = arith.constant 0 : i32
      %dma_start3A_28 = arith.constant 0 : i32
      %dma_start3A_29 = tpu.memref_slice %arg8[%dma_start3A, %dma_start3A_28] : memref<128x128xf32, #tpu.memory_space<vmem>> -> memref<120x128xf32, #tpu.memory_space<vmem>>
      %dma_start3A_30 = arith.constant 0 : i32
      %dma_start3A_31 = tpu.memref_slice %arg9[%add3A_15, %dma_start3A_30] : memref<10112x128xf32, #tpu.memory_space<vmem_shared>> -> memref<120x128xf32, #tpu.memory_space<vmem_shared>>
      %dma_start3A_32 = arith.constant 0 : i32
      %dma_start3A_33 = tpu.memref_slice %arg9[%add3A_15, %dma_start3A_32] : memref<10112x128xf32, #tpu.memory_space<vmem_shared>> -> memref<120x128xf32, #tpu.memory_space<vmem_shared>>
      %dma_start3A_34 = arith.constant 0 : i32
      %dma_start3A_35 = arith.constant 0 : i32
      %dma_start3A_36 = tpu.memref_slice %arg8[%dma_start3A_34, %dma_start3A_35] : memref<128x128xf32, #tpu.memory_space<vmem>> -> memref<120x128xf32, #tpu.memory_space<vmem>>
      tpu.enqueue_dma source(%dma_start3A_36 : memref<120x128xf32, #tpu.memory_space<vmem>>) target(%dma_start3A_33 : memref<120x128xf32, #tpu.memory_space<vmem_shared>>) target_semaphore(%run_scoped3A : memref<!tpu.dma_semaphore, #tpu.memory_space<semaphore_mem>>)
      %dma_wait3A = arith.constant 0 : i32
      %dma_wait3A_37 = arith.constant 0 : i32
      %dma_wait3A_38 = tpu.memref_slice %arg8[%dma_wait3A, %dma_wait3A_37] : memref<128x128xf32, #tpu.memory_space<vmem>> -> memref<120x128xf32, #tpu.memory_space<vmem>>
      %dma_wait3A_39 = arith.constant 0 : i32
      %dma_wait3A_40 = tpu.memref_slice %arg9[%add3A_15, %dma_wait3A_39] : memref<10112x128xf32, #tpu.memory_space<vmem_shared>> -> memref<120x128xf32, #tpu.memory_space<vmem_shared>>
      %dma_wait3A_41 = arith.constant 0 : i32
      %dma_wait3A_42 = tpu.memref_slice %arg9[%add3A_15, %dma_wait3A_41] : memref<10112x128xf32, #tpu.memory_space<vmem_shared>> -> memref<120x128xf32, #tpu.memory_space<vmem_shared>>
      %dma_wait3A_43 = arith.constant 0 : i32
      %dma_wait3A_44 = arith.constant 0 : i32
      %dma_wait3A_45 = tpu.memref_slice %arg8[%dma_wait3A_43, %dma_wait3A_44] : memref<128x128xf32, #tpu.memory_space<vmem>> -> memref<120x128xf32, #tpu.memory_space<vmem>>
      tpu.wait_dma2 semaphore(%run_scoped3A : memref<!tpu.dma_semaphore, #tpu.memory_space<semaphore_mem>>) src(%dma_wait3A_45 : memref<120x128xf32, #tpu.memory_space<vmem>>) dst(%dma_wait3A_42 : memref<120x128xf32, #tpu.memory_space<vmem_shared>>)
      tpu.yield
    }) : () -> ()
    %barrier3A = arith.constant 0 : index
    tpu.barrier barrier_id(%barrier3A)
    %scan3A_16 = arith.constant 0 : i32
    %scan3A_17 = arith.constant 0 : i32
    %scan3A_18 = arith.constant 79 : i32
    %scan3A_19 = arith.addi %scan3A_17, %scan3A_18 : i32
    %scan3A_20 = arith.constant 1 : i32
    %scan3A_21 = scf.for %scan3A_28 = %scan3A_17 to %scan3A_19 step %scan3A_20 iter_args(%scan3A_29 = %scan3A_16) -> (i32)  : i32 {
      %dma_start3A = arith.constant 0 : i32
      %dma_start3A_30 = tpu.memref_slice %arg6[%scan3A_28, %dma_start3A] : memref<79x128xi32, #tpu.memory_space<vmem>> -> memref<1x128xi32, #tpu.memory_space<vmem>>
      %dma_start3A_31 = tpu.memref_squeeze %dma_start3A_30 : memref<1x128xi32, #tpu.memory_space<vmem>> -> memref<128xi32, #tpu.memory_space<vmem>>
      %dma_start3A_32 = arith.constant 0 : i32
      %dma_start3A_33 = arith.constant 0 : i32
      %dma_start3A_34 = tpu.memref_slice %arg2[%dma_start3A_32, %dma_start3A_33] : memref<20000x128xf32, #tpu.memory_space<hbm>> -> memref<20000x128xf32, #tpu.memory_space<hbm>>
      tpu.enqueue_indirect_dma source(%dma_start3A_34 : memref<20000x128xf32, #tpu.memory_space<hbm>>) target(%arg8 : memref<128x128xf32, #tpu.memory_space<vmem>>) offsets(%dma_start3A_31 : memref<128xi32, #tpu.memory_space<vmem>>) semaphore(%arg10 : memref<!tpu.dma_semaphore, #tpu.memory_space<semaphore_mem>>)
      %dma_wait3A = arith.constant 0 : i32
      %dma_wait3A_35 = tpu.memref_slice %arg6[%scan3A_28, %dma_wait3A] : memref<79x128xi32, #tpu.memory_space<vmem>> -> memref<1x128xi32, #tpu.memory_space<vmem>>
      %dma_wait3A_36 = tpu.memref_squeeze %dma_wait3A_35 : memref<1x128xi32, #tpu.memory_space<vmem>> -> memref<128xi32, #tpu.memory_space<vmem>>
      %dma_wait3A_37 = arith.constant 0 : i32
      %dma_wait3A_38 = arith.constant 0 : i32
      %dma_wait3A_39 = tpu.memref_slice %arg2[%dma_wait3A_37, %dma_wait3A_38] : memref<20000x128xf32, #tpu.memory_space<hbm>> -> memref<20000x128xf32, #tpu.memory_space<hbm>>
      tpu.wait_indirect_dma semaphore(%arg10 : memref<!tpu.dma_semaphore, #tpu.memory_space<semaphore_mem>>) src(%dma_wait3A_39 : memref<20000x128xf32, #tpu.memory_space<hbm>>) dst(%arg8 : memref<128x128xf32, #tpu.memory_space<vmem>>)
      "tpu.region"() ({
        %run_scoped3A = tpu.sem_alloc : memref<!tpu.dma_semaphore, #tpu.memory_space<semaphore_mem>>
        %dma_start3A_41 = arith.constant 0 : i32
        %dma_start3A_42 = tpu.memref_slice %arg7[%scan3A_28, %dma_start3A_41] : memref<79x128xi32, #tpu.memory_space<vmem>> -> memref<1x128xi32, #tpu.memory_space<vmem>>
        %dma_start3A_43 = tpu.memref_squeeze %dma_start3A_42 : memref<1x128xi32, #tpu.memory_space<vmem>> -> memref<128xi32, #tpu.memory_space<vmem>>
        %dma_start3A_44 = arith.constant 0 : i32
        %dma_start3A_45 = arith.constant 0 : i32
        %dma_start3A_46 = tpu.memref_slice %arg9[%dma_start3A_44, %dma_start3A_45] : memref<10112x128xf32, #tpu.memory_space<vmem_shared>> -> memref<10112x128xf32, #tpu.memory_space<vmem_shared>>
        tpu.enqueue_indirect_dma source(%arg8 : memref<128x128xf32, #tpu.memory_space<vmem>>) target(%dma_start3A_46 : memref<10112x128xf32, #tpu.memory_space<vmem_shared>>) offsets(%dma_start3A_43 : memref<128xi32, #tpu.memory_space<vmem>>) semaphore(%run_scoped3A : memref<!tpu.dma_semaphore, #tpu.memory_space<semaphore_mem>>) {add = true}
        %dma_wait3A_47 = arith.constant 0 : i32
        %dma_wait3A_48 = tpu.memref_slice %arg7[%scan3A_28, %dma_wait3A_47] : memref<79x128xi32, #tpu.memory_space<vmem>> -> memref<1x128xi32, #tpu.memory_space<vmem>>
        %dma_wait3A_49 = tpu.memref_squeeze %dma_wait3A_48 : memref<1x128xi32, #tpu.memory_space<vmem>> -> memref<128xi32, #tpu.memory_space<vmem>>
        %dma_wait3A_50 = arith.constant 0 : i32
        %dma_wait3A_51 = arith.constant 0 : i32
        %dma_wait3A_52 = tpu.memref_slice %arg9[%dma_wait3A_50, %dma_wait3A_51] : memref<10112x128xf32, #tpu.memory_space<vmem_shared>> -> memref<10112x128xf32, #tpu.memory_space<vmem_shared>>
        tpu.wait_indirect_dma semaphore(%run_scoped3A : memref<!tpu.dma_semaphore, #tpu.memory_space<semaphore_mem>>) src(%arg8 : memref<128x128xf32, #tpu.memory_space<vmem>>) dst(%dma_wait3A_52 : memref<10112x128xf32, #tpu.memory_space<vmem_shared>>)
        tpu.yield
      }) : () -> ()
      %scan3A_40 = arith.constant 0 : i32
      scf.yield %scan3A_40 : i32
    }
    %scan3A_22 = arith.constant 79 : i32
    %barrier3A_23 = arith.constant 0 : index
    tpu.barrier barrier_id(%barrier3A_23)
    %mul3A_24 = arith.constant 624 : i32
    %mul3A_25 = arith.muli %arg1, %mul3A_24 : i32
    "tpu.region"() ({
      %run_scoped3A = tpu.sem_alloc : memref<!tpu.dma_semaphore, #tpu.memory_space<semaphore_mem>>
      %dma_start3A = arith.constant 0 : i32
      %dma_start3A_28 = tpu.memref_slice %arg5[%arg0, %mul3A_25, %dma_start3A] : memref<2x10000x128xf32, #tpu.memory_space<hbm>> -> memref<1x624x128xf32, #tpu.memory_space<hbm>>
      %dma_start3A_29 = tpu.memref_squeeze %dma_start3A_28 : memref<1x624x128xf32, #tpu.memory_space<hbm>> -> memref<624x128xf32, #tpu.memory_space<hbm>>
      %dma_start3A_30 = arith.constant 0 : i32
      %dma_start3A_31 = tpu.memref_slice %arg9[%mul3A_25, %dma_start3A_30] : memref<10112x128xf32, #tpu.memory_space<vmem_shared>> -> memref<624x128xf32, #tpu.memory_space<vmem_shared>>
      tpu.enqueue_dma source(%dma_start3A_31 : memref<624x128xf32, #tpu.memory_space<vmem_shared>>) target(%dma_start3A_29 : memref<624x128xf32, #tpu.memory_space<hbm>>) target_semaphore(%run_scoped3A : memref<!tpu.dma_semaphore, #tpu.memory_space<semaphore_mem>>)
      %dma_wait3A = arith.constant 0 : i32
      %dma_wait3A_32 = tpu.memref_slice %arg5[%arg0, %mul3A_25, %dma_wait3A] : memref<2x10000x128xf32, #tpu.memory_space<hbm>> -> memref<1x624x128xf32, #tpu.memory_space<hbm>>
      %dma_wait3A_33 = tpu.memref_squeeze %dma_wait3A_32 : memref<1x624x128xf32, #tpu.memory_space<hbm>> -> memref<624x128xf32, #tpu.memory_space<hbm>>
      %dma_wait3A_34 = arith.constant 0 : i32
      %dma_wait3A_35 = tpu.memref_slice %arg9[%mul3A_25, %dma_wait3A_34] : memref<10112x128xf32, #tpu.memory_space<vmem_shared>> -> memref<624x128xf32, #tpu.memory_space<vmem_shared>>
      tpu.wait_dma2 semaphore(%run_scoped3A : memref<!tpu.dma_semaphore, #tpu.memory_space<semaphore_mem>>) src(%dma_wait3A_35 : memref<624x128xf32, #tpu.memory_space<vmem_shared>>) dst(%dma_wait3A_33 : memref<624x128xf32, #tpu.memory_space<hbm>>)
      tpu.yield
    }) : () -> ()
    %eq3A = arith.constant 15 : i32
    %eq3A_26 = arith.cmpi eq, %arg1, %eq3A : i32
    %convert_element_type3A = arith.extui %eq3A_26 : i1 to i32
    %cond3A = arith.constant 0 : i32
    %cond3A_27 = arith.cmpi ne, %convert_element_type3A, %cond3A : i32
    scf.if %cond3A_27 {
      "tpu.region"() ({
        %run_scoped3A = tpu.sem_alloc : memref<!tpu.dma_semaphore, #tpu.memory_space<semaphore_mem>>
        %dma_start3A = arith.constant 9984 : i32
        %dma_start3A_28 = arith.constant 0 : i32
        %dma_start3A_29 = tpu.memref_slice %arg5[%arg0, %dma_start3A, %dma_start3A_28] : memref<2x10000x128xf32, #tpu.memory_space<hbm>> -> memref<1x16x128xf32, #tpu.memory_space<hbm>>
        %dma_start3A_30 = tpu.memref_squeeze %dma_start3A_29 : memref<1x16x128xf32, #tpu.memory_space<hbm>> -> memref<16x128xf32, #tpu.memory_space<hbm>>
        %dma_start3A_31 = arith.constant 9984 : i32
        %dma_start3A_32 = arith.constant 0 : i32
        %dma_start3A_33 = tpu.memref_slice %arg9[%dma_start3A_31, %dma_start3A_32] : memref<10112x128xf32, #tpu.memory_space<vmem_shared>> -> memref<16x128xf32, #tpu.memory_space<vmem_shared>>
        tpu.enqueue_dma source(%dma_start3A_33 : memref<16x128xf32, #tpu.memory_space<vmem_shared>>) target(%dma_start3A_30 : memref<16x128xf32, #tpu.memory_space<hbm>>) target_semaphore(%run_scoped3A : memref<!tpu.dma_semaphore, #tpu.memory_space<semaphore_mem>>)
        %dma_wait3A = arith.constant 9984 : i32
        %dma_wait3A_34 = arith.constant 0 : i32
        %dma_wait3A_35 = tpu.memref_slice %arg5[%arg0, %dma_wait3A, %dma_wait3A_34] : memref<2x10000x128xf32, #tpu.memory_space<hbm>> -> memref<1x16x128xf32, #tpu.memory_space<hbm>>
        %dma_wait3A_36 = tpu.memref_squeeze %dma_wait3A_35 : memref<1x16x128xf32, #tpu.memory_space<hbm>> -> memref<16x128xf32, #tpu.memory_space<hbm>>
        %dma_wait3A_37 = arith.constant 9984 : i32
        %dma_wait3A_38 = arith.constant 0 : i32
        %dma_wait3A_39 = tpu.memref_slice %arg9[%dma_wait3A_37, %dma_wait3A_38] : memref<10112x128xf32, #tpu.memory_space<vmem_shared>> -> memref<16x128xf32, #tpu.memory_space<vmem_shared>>
        tpu.wait_dma2 semaphore(%run_scoped3A : memref<!tpu.dma_semaphore, #tpu.memory_space<semaphore_mem>>) src(%dma_wait3A_39 : memref<16x128xf32, #tpu.memory_space<vmem_shared>>) dst(%dma_wait3A_36 : memref<16x128xf32, #tpu.memory_space<hbm>>)
        tpu.yield
      }) : () -> ()
    } else {
    }
    return
  }
}

#map = affine_map<(d0, d1) -> (0, 0)>
#map1 = affine_map<(d0, d1) -> (0, 0, 0, 0)>
#map2 = affine_map<(d0, d1) -> (0, 0, 0)>
module attributes {stable_mosaic.version = 14 : i64} {
  func.func @_segsum_body(%arg0: i32, %arg1: i32, %arg2: memref<20000x128xf32, #tpu.memory_space<hbm>>, %arg3: memref<2x16x79x128xi32, #tpu.memory_space<hbm>>, %arg4: memref<16x79x128xi32, #tpu.memory_space<hbm>>, %arg5: memref<2x10000x128xf32, #tpu.memory_space<hbm>>, %arg6: memref<79x128xi32, #tpu.memory_space<vmem>>, %arg7: memref<79x128xi32, #tpu.memory_space<vmem>>, %arg8: memref<128x128xf32, #tpu.memory_space<vmem>>, %arg9: memref<10112x128xf32, #tpu.memory_space<vmem_shared>>, %arg10: memref<!tpu.dma_semaphore, #tpu.memory_space<semaphore_mem>>) attributes {dimension_semantics = [#tpu.dimension_semantics<core_parallel>, #tpu.dimension_semantics<subcore_parallel>], iteration_bounds = array<i64: 2, 16>, scalar_prefetch = 0 : i64, scratch_operands = 5 : i64, tpu.core_type = #tpu.core_type<sc_vector_subcore>, window_params = [{transform_indices = #map}, {transform_indices = #map1}, {transform_indices = #map2}, {transform_indices = #map2}]} {
    "tpu.region"() ({
      %run_scoped3A = tpu.sem_alloc : memref<!tpu.dma_semaphore, #tpu.memory_space<semaphore_mem>>
      %dma_start3A = arith.constant 0 : i32
      %dma_start3A_28 = arith.constant 0 : i32
      %dma_start3A_29 = tpu.memref_slice %arg3[%arg0, %arg1, %dma_start3A, %dma_start3A_28] : memref<2x16x79x128xi32, #tpu.memory_space<hbm>> -> memref<1x1x79x128xi32, #tpu.memory_space<hbm>>
      %dma_start3A_30 = tpu.memref_squeeze %dma_start3A_29 : memref<1x1x79x128xi32, #tpu.memory_space<hbm>> -> memref<79x128xi32, #tpu.memory_space<hbm>>
      %dma_start3A_31 = arith.constant 0 : i32
      %dma_start3A_32 = arith.constant 0 : i32
      %dma_start3A_33 = tpu.memref_slice %arg3[%arg0, %arg1, %dma_start3A_31, %dma_start3A_32] : memref<2x16x79x128xi32, #tpu.memory_space<hbm>> -> memref<1x1x79x128xi32, #tpu.memory_space<hbm>>
      %dma_start3A_34 = tpu.memref_squeeze %dma_start3A_33 : memref<1x1x79x128xi32, #tpu.memory_space<hbm>> -> memref<79x128xi32, #tpu.memory_space<hbm>>
      tpu.enqueue_dma source(%dma_start3A_34 : memref<79x128xi32, #tpu.memory_space<hbm>>) target(%arg6 : memref<79x128xi32, #tpu.memory_space<vmem>>) target_semaphore(%run_scoped3A : memref<!tpu.dma_semaphore, #tpu.memory_space<semaphore_mem>>)
      %dma_wait3A = arith.constant 0 : i32
      %dma_wait3A_35 = arith.constant 0 : i32
      %dma_wait3A_36 = tpu.memref_slice %arg3[%arg0, %arg1, %dma_wait3A, %dma_wait3A_35] : memref<2x16x79x128xi32, #tpu.memory_space<hbm>> -> memref<1x1x79x128xi32, #tpu.memory_space<hbm>>
      %dma_wait3A_37 = tpu.memref_squeeze %dma_wait3A_36 : memref<1x1x79x128xi32, #tpu.memory_space<hbm>> -> memref<79x128xi32, #tpu.memory_space<hbm>>
      %dma_wait3A_38 = arith.constant 0 : i32
      %dma_wait3A_39 = arith.constant 0 : i32
      %dma_wait3A_40 = tpu.memref_slice %arg3[%arg0, %arg1, %dma_wait3A_38, %dma_wait3A_39] : memref<2x16x79x128xi32, #tpu.memory_space<hbm>> -> memref<1x1x79x128xi32, #tpu.memory_space<hbm>>
      %dma_wait3A_41 = tpu.memref_squeeze %dma_wait3A_40 : memref<1x1x79x128xi32, #tpu.memory_space<hbm>> -> memref<79x128xi32, #tpu.memory_space<hbm>>
      tpu.wait_dma2 semaphore(%run_scoped3A : memref<!tpu.dma_semaphore, #tpu.memory_space<semaphore_mem>>) src(%dma_wait3A_41 : memref<79x128xi32, #tpu.memory_space<hbm>>) dst(%arg6 : memref<79x128xi32, #tpu.memory_space<vmem>>)
      tpu.yield
    }) : () -> ()
    "tpu.region"() ({
      %run_scoped3A = tpu.sem_alloc : memref<!tpu.dma_semaphore, #tpu.memory_space<semaphore_mem>>
      %dma_start3A = arith.constant 0 : i32
      %dma_start3A_28 = arith.constant 0 : i32
      %dma_start3A_29 = tpu.memref_slice %arg4[%arg1, %dma_start3A, %dma_start3A_28] : memref<16x79x128xi32, #tpu.memory_space<hbm>> -> memref<1x79x128xi32, #tpu.memory_space<hbm>>
      %dma_start3A_30 = tpu.memref_squeeze %dma_start3A_29 : memref<1x79x128xi32, #tpu.memory_space<hbm>> -> memref<79x128xi32, #tpu.memory_space<hbm>>
      %dma_start3A_31 = arith.constant 0 : i32
      %dma_start3A_32 = arith.constant 0 : i32
      %dma_start3A_33 = tpu.memref_slice %arg4[%arg1, %dma_start3A_31, %dma_start3A_32] : memref<16x79x128xi32, #tpu.memory_space<hbm>> -> memref<1x79x128xi32, #tpu.memory_space<hbm>>
      %dma_start3A_34 = tpu.memref_squeeze %dma_start3A_33 : memref<1x79x128xi32, #tpu.memory_space<hbm>> -> memref<79x128xi32, #tpu.memory_space<hbm>>
      tpu.enqueue_dma source(%dma_start3A_34 : memref<79x128xi32, #tpu.memory_space<hbm>>) target(%arg7 : memref<79x128xi32, #tpu.memory_space<vmem>>) target_semaphore(%run_scoped3A : memref<!tpu.dma_semaphore, #tpu.memory_space<semaphore_mem>>)
      %dma_wait3A = arith.constant 0 : i32
      %dma_wait3A_35 = arith.constant 0 : i32
      %dma_wait3A_36 = tpu.memref_slice %arg4[%arg1, %dma_wait3A, %dma_wait3A_35] : memref<16x79x128xi32, #tpu.memory_space<hbm>> -> memref<1x79x128xi32, #tpu.memory_space<hbm>>
      %dma_wait3A_37 = tpu.memref_squeeze %dma_wait3A_36 : memref<1x79x128xi32, #tpu.memory_space<hbm>> -> memref<79x128xi32, #tpu.memory_space<hbm>>
      %dma_wait3A_38 = arith.constant 0 : i32
      %dma_wait3A_39 = arith.constant 0 : i32
      %dma_wait3A_40 = tpu.memref_slice %arg4[%arg1, %dma_wait3A_38, %dma_wait3A_39] : memref<16x79x128xi32, #tpu.memory_space<hbm>> -> memref<1x79x128xi32, #tpu.memory_space<hbm>>
      %dma_wait3A_41 = tpu.memref_squeeze %dma_wait3A_40 : memref<1x79x128xi32, #tpu.memory_space<hbm>> -> memref<79x128xi32, #tpu.memory_space<hbm>>
      tpu.wait_dma2 semaphore(%run_scoped3A : memref<!tpu.dma_semaphore, #tpu.memory_space<semaphore_mem>>) src(%dma_wait3A_41 : memref<79x128xi32, #tpu.memory_space<hbm>>) dst(%arg7 : memref<79x128xi32, #tpu.memory_space<vmem>>)
      tpu.yield
    }) : () -> ()
    %scan3A = arith.constant 0 : i32
    %scan3A_0 = arith.constant 0 : i32
    %scan3A_1 = arith.constant 128 : i32
    %scan3A_2 = arith.addi %scan3A_0, %scan3A_1 : i32
    %scan3A_3 = arith.constant 1 : i32
    %scan3A_4 = scf.for %scan3A_28 = %scan3A_0 to %scan3A_2 step %scan3A_3 iter_args(%scan3A_29 = %scan3A) -> (i32)  : i32 {
      %broadcast_in_dim3A = arith.constant 0.000000e+00 : f32
      %broadcast_in_dim3A_30 = vector.broadcast %broadcast_in_dim3A : f32 to vector<16xf32>
      %swap3A = arith.index_cast %scan3A_28 : i32 to index
      %swap3A_31 = arith.constant 0 : index
      %swap3A_32 = tpu.vector_load %arg8[%swap3A, %swap3A_31] {strides = array<i32>} : memref<128x128xf32, #tpu.memory_space<vmem>>, vector<1x16xf32>,
      %swap3A_33 = vector.shape_cast %swap3A_32 : vector<1x16xf32> to vector<16xf32>
      %swap3A_34 = vector.shape_cast %broadcast_in_dim3A_30 : vector<16xf32> to vector<1x16xf32>
      tpu.vector_store %arg8[%swap3A, %swap3A_31], %swap3A_34 {strides = array<i32>} : memref<128x128xf32, #tpu.memory_space<vmem>>, vector<1x16xf32>,
      %broadcast_in_dim3A_35 = arith.constant 0.000000e+00 : f32
      %broadcast_in_dim3A_36 = vector.broadcast %broadcast_in_dim3A_35 : f32 to vector<16xf32>
      %swap3A_37 = arith.index_cast %scan3A_28 : i32 to index
      %swap3A_38 = arith.constant 16 : index
      %swap3A_39 = tpu.vector_load %arg8[%swap3A_37, %swap3A_38] {strides = array<i32>} : memref<128x128xf32, #tpu.memory_space<vmem>>, vector<1x16xf32>,
      %swap3A_40 = vector.shape_cast %swap3A_39 : vector<1x16xf32> to vector<16xf32>
      %swap3A_41 = vector.shape_cast %broadcast_in_dim3A_36 : vector<16xf32> to vector<1x16xf32>
      tpu.vector_store %arg8[%swap3A_37, %swap3A_38], %swap3A_41 {strides = array<i32>} : memref<128x128xf32, #tpu.memory_space<vmem>>, vector<1x16xf32>,
      %broadcast_in_dim3A_42 = arith.constant 0.000000e+00 : f32
      %broadcast_in_dim3A_43 = vector.broadcast %broadcast_in_dim3A_42 : f32 to vector<16xf32>
      %swap3A_44 = arith.index_cast %scan3A_28 : i32 to index
      %swap3A_45 = arith.constant 32 : index
      %swap3A_46 = tpu.vector_load %arg8[%swap3A_44, %swap3A_45] {strides = array<i32>} : memref<128x128xf32, #tpu.memory_space<vmem>>, vector<1x16xf32>,
      %swap3A_47 = vector.shape_cast %swap3A_46 : vector<1x16xf32> to vector<16xf32>
      %swap3A_48 = vector.shape_cast %broadcast_in_dim3A_43 : vector<16xf32> to vector<1x16xf32>
      tpu.vector_store %arg8[%swap3A_44, %swap3A_45], %swap3A_48 {strides = array<i32>} : memref<128x128xf32, #tpu.memory_space<vmem>>, vector<1x16xf32>,
      %broadcast_in_dim3A_49 = arith.constant 0.000000e+00 : f32
      %broadcast_in_dim3A_50 = vector.broadcast %broadcast_in_dim3A_49 : f32 to vector<16xf32>
      %swap3A_51 = arith.index_cast %scan3A_28 : i32 to index
      %swap3A_52 = arith.constant 48 : index
      %swap3A_53 = tpu.vector_load %arg8[%swap3A_51, %swap3A_52] {strides = array<i32>} : memref<128x128xf32, #tpu.memory_space<vmem>>, vector<1x16xf32>,
      %swap3A_54 = vector.shape_cast %swap3A_53 : vector<1x16xf32> to vector<16xf32>
      %swap3A_55 = vector.shape_cast %broadcast_in_dim3A_50 : vector<16xf32> to vector<1x16xf32>
      tpu.vector_store %arg8[%swap3A_51, %swap3A_52], %swap3A_55 {strides = array<i32>} : memref<128x128xf32, #tpu.memory_space<vmem>>, vector<1x16xf32>,
      %broadcast_in_dim3A_56 = arith.constant 0.000000e+00 : f32
      %broadcast_in_dim3A_57 = vector.broadcast %broadcast_in_dim3A_56 : f32 to vector<16xf32>
      %swap3A_58 = arith.index_cast %scan3A_28 : i32 to index
      %swap3A_59 = arith.constant 64 : index
      %swap3A_60 = tpu.vector_load %arg8[%swap3A_58, %swap3A_59] {strides = array<i32>} : memref<128x128xf32, #tpu.memory_space<vmem>>, vector<1x16xf32>,
      %swap3A_61 = vector.shape_cast %swap3A_60 : vector<1x16xf32> to vector<16xf32>
      %swap3A_62 = vector.shape_cast %broadcast_in_dim3A_57 : vector<16xf32> to vector<1x16xf32>
      tpu.vector_store %arg8[%swap3A_58, %swap3A_59], %swap3A_62 {strides = array<i32>} : memref<128x128xf32, #tpu.memory_space<vmem>>, vector<1x16xf32>,
      %broadcast_in_dim3A_63 = arith.constant 0.000000e+00 : f32
      %broadcast_in_dim3A_64 = vector.broadcast %broadcast_in_dim3A_63 : f32 to vector<16xf32>
      %swap3A_65 = arith.index_cast %scan3A_28 : i32 to index
      %swap3A_66 = arith.constant 80 : index
      %swap3A_67 = tpu.vector_load %arg8[%swap3A_65, %swap3A_66] {strides = array<i32>} : memref<128x128xf32, #tpu.memory_space<vmem>>, vector<1x16xf32>,
      %swap3A_68 = vector.shape_cast %swap3A_67 : vector<1x16xf32> to vector<16xf32>
      %swap3A_69 = vector.shape_cast %broadcast_in_dim3A_64 : vector<16xf32> to vector<1x16xf32>
      tpu.vector_store %arg8[%swap3A_65, %swap3A_66], %swap3A_69 {strides = array<i32>} : memref<128x128xf32, #tpu.memory_space<vmem>>, vector<1x16xf32>,
      %broadcast_in_dim3A_70 = arith.constant 0.000000e+00 : f32
      %broadcast_in_dim3A_71 = vector.broadcast %broadcast_in_dim3A_70 : f32 to vector<16xf32>
      %swap3A_72 = arith.index_cast %scan3A_28 : i32 to index
      %swap3A_73 = arith.constant 96 : index
      %swap3A_74 = tpu.vector_load %arg8[%swap3A_72, %swap3A_73] {strides = array<i32>} : memref<128x128xf32, #tpu.memory_space<vmem>>, vector<1x16xf32>,
      %swap3A_75 = vector.shape_cast %swap3A_74 : vector<1x16xf32> to vector<16xf32>
      %swap3A_76 = vector.shape_cast %broadcast_in_dim3A_71 : vector<16xf32> to vector<1x16xf32>
      tpu.vector_store %arg8[%swap3A_72, %swap3A_73], %swap3A_76 {strides = array<i32>} : memref<128x128xf32, #tpu.memory_space<vmem>>, vector<1x16xf32>,
      %broadcast_in_dim3A_77 = arith.constant 0.000000e+00 : f32
      %broadcast_in_dim3A_78 = vector.broadcast %broadcast_in_dim3A_77 : f32 to vector<16xf32>
      %swap3A_79 = arith.index_cast %scan3A_28 : i32 to index
      %swap3A_80 = arith.constant 112 : index
      %swap3A_81 = tpu.vector_load %arg8[%swap3A_79, %swap3A_80] {strides = array<i32>} : memref<128x128xf32, #tpu.memory_space<vmem>>, vector<1x16xf32>,
      %swap3A_82 = vector.shape_cast %swap3A_81 : vector<1x16xf32> to vector<16xf32>
      %swap3A_83 = vector.shape_cast %broadcast_in_dim3A_78 : vector<16xf32> to vector<1x16xf32>
      tpu.vector_store %arg8[%swap3A_79, %swap3A_80], %swap3A_83 {strides = array<i32>} : memref<128x128xf32, #tpu.memory_space<vmem>>, vector<1x16xf32>,
      %scan3A_84 = arith.constant 0 : i32
      scf.yield %scan3A_84 : i32
    }
    %scan3A_5 = arith.constant 128 : i32
    %mul3A = arith.constant 632 : i32
    %mul3A_6 = arith.muli %arg1, %mul3A : i32
    %add3A = arith.constant 0 : i32
    %add3A_7 = arith.addi %mul3A_6, %add3A : i32
    "tpu.region"() ({
      %run_scoped3A = tpu.sem_alloc : memref<!tpu.dma_semaphore, #tpu.memory_space<semaphore_mem>>
      %dma_start3A = arith.constant 0 : i32
      %dma_start3A_28 = tpu.memref_slice %arg9[%add3A_7, %dma_start3A] : memref<10112x128xf32, #tpu.memory_space<vmem_shared>> -> memref<128x128xf32, #tpu.memory_space<vmem_shared>>
      %dma_start3A_29 = arith.constant 0 : i32
      %dma_start3A_30 = tpu.memref_slice %arg9[%add3A_7, %dma_start3A_29] : memref<10112x128xf32, #tpu.memory_space<vmem_shared>> -> memref<128x128xf32, #tpu.memory_space<vmem_shared>>
      tpu.enqueue_dma source(%arg8 : memref<128x128xf32, #tpu.memory_space<vmem>>) target(%dma_start3A_30 : memref<128x128xf32, #tpu.memory_space<vmem_shared>>) target_semaphore(%run_scoped3A : memref<!tpu.dma_semaphore, #tpu.memory_space<semaphore_mem>>)
      %dma_wait3A = arith.constant 0 : i32
      %dma_wait3A_31 = tpu.memref_slice %arg9[%add3A_7, %dma_wait3A] : memref<10112x128xf32, #tpu.memory_space<vmem_shared>> -> memref<128x128xf32, #tpu.memory_space<vmem_shared>>
      %dma_wait3A_32 = arith.constant 0 : i32
      %dma_wait3A_33 = tpu.memref_slice %arg9[%add3A_7, %dma_wait3A_32] : memref<10112x128xf32, #tpu.memory_space<vmem_shared>> -> memref<128x128xf32, #tpu.memory_space<vmem_shared>>
      tpu.wait_dma2 semaphore(%run_scoped3A : memref<!tpu.dma_semaphore, #tpu.memory_space<semaphore_mem>>) src(%arg8 : memref<128x128xf32, #tpu.memory_space<vmem>>) dst(%dma_wait3A_33 : memref<128x128xf32, #tpu.memory_space<vmem_shared>>)
      tpu.yield
    }) : () -> ()
    %add3A_8 = arith.constant 128 : i32
    %add3A_9 = arith.addi %mul3A_6, %add3A_8 : i32
    "tpu.region"() ({
      %run_scoped3A = tpu.sem_alloc : memref<!tpu.dma_semaphore, #tpu.memory_space<semaphore_mem>>
      %dma_start3A = arith.constant 0 : i32
      %dma_start3A_28 = tpu.memref_slice %arg9[%add3A_9, %dma_start3A] : memref<10112x128xf32, #tpu.memory_space<vmem_shared>> -> memref<128x128xf32, #tpu.memory_space<vmem_shared>>
      %dma_start3A_29 = arith.constant 0 : i32
      %dma_start3A_30 = tpu.memref_slice %arg9[%add3A_9, %dma_start3A_29] : memref<10112x128xf32, #tpu.memory_space<vmem_shared>> -> memref<128x128xf32, #tpu.memory_space<vmem_shared>>
      tpu.enqueue_dma source(%arg8 : memref<128x128xf32, #tpu.memory_space<vmem>>) target(%dma_start3A_30 : memref<128x128xf32, #tpu.memory_space<vmem_shared>>) target_semaphore(%run_scoped3A : memref<!tpu.dma_semaphore, #tpu.memory_space<semaphore_mem>>)
      %dma_wait3A = arith.constant 0 : i32
      %dma_wait3A_31 = tpu.memref_slice %arg9[%add3A_9, %dma_wait3A] : memref<10112x128xf32, #tpu.memory_space<vmem_shared>> -> memref<128x128xf32, #tpu.memory_space<vmem_shared>>
      %dma_wait3A_32 = arith.constant 0 : i32
      %dma_wait3A_33 = tpu.memref_slice %arg9[%add3A_9, %dma_wait3A_32] : memref<10112x128xf32, #tpu.memory_space<vmem_shared>> -> memref<128x128xf32, #tpu.memory_space<vmem_shared>>
      tpu.wait_dma2 semaphore(%run_scoped3A : memref<!tpu.dma_semaphore, #tpu.memory_space<semaphore_mem>>) src(%arg8 : memref<128x128xf32, #tpu.memory_space<vmem>>) dst(%dma_wait3A_33 : memref<128x128xf32, #tpu.memory_space<vmem_shared>>)
      tpu.yield
    }) : () -> ()
    %add3A_10 = arith.constant 256 : i32
    %add3A_11 = arith.addi %mul3A_6, %add3A_10 : i32
    "tpu.region"() ({
      %run_scoped3A = tpu.sem_alloc : memref<!tpu.dma_semaphore, #tpu.memory_space<semaphore_mem>>
      %dma_start3A = arith.constant 0 : i32
      %dma_start3A_28 = tpu.memref_slice %arg9[%add3A_11, %dma_start3A] : memref<10112x128xf32, #tpu.memory_space<vmem_shared>> -> memref<128x128xf32, #tpu.memory_space<vmem_shared>>
      %dma_start3A_29 = arith.constant 0 : i32
      %dma_start3A_30 = tpu.memref_slice %arg9[%add3A_11, %dma_start3A_29] : memref<10112x128xf32, #tpu.memory_space<vmem_shared>> -> memref<128x128xf32, #tpu.memory_space<vmem_shared>>
      tpu.enqueue_dma source(%arg8 : memref<128x128xf32, #tpu.memory_space<vmem>>) target(%dma_start3A_30 : memref<128x128xf32, #tpu.memory_space<vmem_shared>>) target_semaphore(%run_scoped3A : memref<!tpu.dma_semaphore, #tpu.memory_space<semaphore_mem>>)
      %dma_wait3A = arith.constant 0 : i32
      %dma_wait3A_31 = tpu.memref_slice %arg9[%add3A_11, %dma_wait3A] : memref<10112x128xf32, #tpu.memory_space<vmem_shared>> -> memref<128x128xf32, #tpu.memory_space<vmem_shared>>
      %dma_wait3A_32 = arith.constant 0 : i32
      %dma_wait3A_33 = tpu.memref_slice %arg9[%add3A_11, %dma_wait3A_32] : memref<10112x128xf32, #tpu.memory_space<vmem_shared>> -> memref<128x128xf32, #tpu.memory_space<vmem_shared>>
      tpu.wait_dma2 semaphore(%run_scoped3A : memref<!tpu.dma_semaphore, #tpu.memory_space<semaphore_mem>>) src(%arg8 : memref<128x128xf32, #tpu.memory_space<vmem>>) dst(%dma_wait3A_33 : memref<128x128xf32, #tpu.memory_space<vmem_shared>>)
      tpu.yield
    }) : () -> ()
    %add3A_12 = arith.constant 384 : i32
    %add3A_13 = arith.addi %mul3A_6, %add3A_12 : i32
    "tpu.region"() ({
      %run_scoped3A = tpu.sem_alloc : memref<!tpu.dma_semaphore, #tpu.memory_space<semaphore_mem>>
      %dma_start3A = arith.constant 0 : i32
      %dma_start3A_28 = tpu.memref_slice %arg9[%add3A_13, %dma_start3A] : memref<10112x128xf32, #tpu.memory_space<vmem_shared>> -> memref<128x128xf32, #tpu.memory_space<vmem_shared>>
      %dma_start3A_29 = arith.constant 0 : i32
      %dma_start3A_30 = tpu.memref_slice %arg9[%add3A_13, %dma_start3A_29] : memref<10112x128xf32, #tpu.memory_space<vmem_shared>> -> memref<128x128xf32, #tpu.memory_space<vmem_shared>>
      tpu.enqueue_dma source(%arg8 : memref<128x128xf32, #tpu.memory_space<vmem>>) target(%dma_start3A_30 : memref<128x128xf32, #tpu.memory_space<vmem_shared>>) target_semaphore(%run_scoped3A : memref<!tpu.dma_semaphore, #tpu.memory_space<semaphore_mem>>)
      %dma_wait3A = arith.constant 0 : i32
      %dma_wait3A_31 = tpu.memref_slice %arg9[%add3A_13, %dma_wait3A] : memref<10112x128xf32, #tpu.memory_space<vmem_shared>> -> memref<128x128xf32, #tpu.memory_space<vmem_shared>>
      %dma_wait3A_32 = arith.constant 0 : i32
      %dma_wait3A_33 = tpu.memref_slice %arg9[%add3A_13, %dma_wait3A_32] : memref<10112x128xf32, #tpu.memory_space<vmem_shared>> -> memref<128x128xf32, #tpu.memory_space<vmem_shared>>
      tpu.wait_dma2 semaphore(%run_scoped3A : memref<!tpu.dma_semaphore, #tpu.memory_space<semaphore_mem>>) src(%arg8 : memref<128x128xf32, #tpu.memory_space<vmem>>) dst(%dma_wait3A_33 : memref<128x128xf32, #tpu.memory_space<vmem_shared>>)
      tpu.yield
    }) : () -> ()
    %add3A_14 = arith.constant 512 : i32
    %add3A_15 = arith.addi %mul3A_6, %add3A_14 : i32
    "tpu.region"() ({
      %run_scoped3A = tpu.sem_alloc : memref<!tpu.dma_semaphore, #tpu.memory_space<semaphore_mem>>
      %dma_start3A = arith.constant 0 : i32
      %dma_start3A_28 = arith.constant 0 : i32
      %dma_start3A_29 = tpu.memref_slice %arg8[%dma_start3A, %dma_start3A_28] : memref<128x128xf32, #tpu.memory_space<vmem>> -> memref<120x128xf32, #tpu.memory_space<vmem>>
      %dma_start3A_30 = arith.constant 0 : i32
      %dma_start3A_31 = tpu.memref_slice %arg9[%add3A_15, %dma_start3A_30] : memref<10112x128xf32, #tpu.memory_space<vmem_shared>> -> memref<120x128xf32, #tpu.memory_space<vmem_shared>>
      %dma_start3A_32 = arith.constant 0 : i32
      %dma_start3A_33 = tpu.memref_slice %arg9[%add3A_15, %dma_start3A_32] : memref<10112x128xf32, #tpu.memory_space<vmem_shared>> -> memref<120x128xf32, #tpu.memory_space<vmem_shared>>
      %dma_start3A_34 = arith.constant 0 : i32
      %dma_start3A_35 = arith.constant 0 : i32
      %dma_start3A_36 = tpu.memref_slice %arg8[%dma_start3A_34, %dma_start3A_35] : memref<128x128xf32, #tpu.memory_space<vmem>> -> memref<120x128xf32, #tpu.memory_space<vmem>>
      tpu.enqueue_dma source(%dma_start3A_36 : memref<120x128xf32, #tpu.memory_space<vmem>>) target(%dma_start3A_33 : memref<120x128xf32, #tpu.memory_space<vmem_shared>>) target_semaphore(%run_scoped3A : memref<!tpu.dma_semaphore, #tpu.memory_space<semaphore_mem>>)
      %dma_wait3A = arith.constant 0 : i32
      %dma_wait3A_37 = arith.constant 0 : i32
      %dma_wait3A_38 = tpu.memref_slice %arg8[%dma_wait3A, %dma_wait3A_37] : memref<128x128xf32, #tpu.memory_space<vmem>> -> memref<120x128xf32, #tpu.memory_space<vmem>>
      %dma_wait3A_39 = arith.constant 0 : i32
      %dma_wait3A_40 = tpu.memref_slice %arg9[%add3A_15, %dma_wait3A_39] : memref<10112x128xf32, #tpu.memory_space<vmem_shared>> -> memref<120x128xf32, #tpu.memory_space<vmem_shared>>
      %dma_wait3A_41 = arith.constant 0 : i32
      %dma_wait3A_42 = tpu.memref_slice %arg9[%add3A_15, %dma_wait3A_41] : memref<10112x128xf32, #tpu.memory_space<vmem_shared>> -> memref<120x128xf32, #tpu.memory_space<vmem_shared>>
      %dma_wait3A_43 = arith.constant 0 : i32
      %dma_wait3A_44 = arith.constant 0 : i32
      %dma_wait3A_45 = tpu.memref_slice %arg8[%dma_wait3A_43, %dma_wait3A_44] : memref<128x128xf32, #tpu.memory_space<vmem>> -> memref<120x128xf32, #tpu.memory_space<vmem>>
      tpu.wait_dma2 semaphore(%run_scoped3A : memref<!tpu.dma_semaphore, #tpu.memory_space<semaphore_mem>>) src(%dma_wait3A_45 : memref<120x128xf32, #tpu.memory_space<vmem>>) dst(%dma_wait3A_42 : memref<120x128xf32, #tpu.memory_space<vmem_shared>>)
      tpu.yield
    }) : () -> ()
    %barrier3A = arith.constant 0 : index
    tpu.barrier barrier_id(%barrier3A)
    %scan3A_16 = arith.constant 0 : i32
    %scan3A_17 = arith.constant 0 : i32
    %scan3A_18 = arith.constant 79 : i32
    %scan3A_19 = arith.addi %scan3A_17, %scan3A_18 : i32
    %scan3A_20 = arith.constant 1 : i32
    %scan3A_21 = scf.for %scan3A_28 = %scan3A_17 to %scan3A_19 step %scan3A_20 iter_args(%scan3A_29 = %scan3A_16) -> (i32)  : i32 {
      %dma_start3A = arith.constant 0 : i32
      %dma_start3A_30 = tpu.memref_slice %arg6[%scan3A_28, %dma_start3A] : memref<79x128xi32, #tpu.memory_space<vmem>> -> memref<1x128xi32, #tpu.memory_space<vmem>>
      %dma_start3A_31 = tpu.memref_squeeze %dma_start3A_30 : memref<1x128xi32, #tpu.memory_space<vmem>> -> memref<128xi32, #tpu.memory_space<vmem>>
      %dma_start3A_32 = arith.constant 0 : i32
      %dma_start3A_33 = arith.constant 0 : i32
      %dma_start3A_34 = tpu.memref_slice %arg2[%dma_start3A_32, %dma_start3A_33] : memref<20000x128xf32, #tpu.memory_space<hbm>> -> memref<20000x128xf32, #tpu.memory_space<hbm>>
      tpu.enqueue_indirect_dma source(%dma_start3A_34 : memref<20000x128xf32, #tpu.memory_space<hbm>>) target(%arg8 : memref<128x128xf32, #tpu.memory_space<vmem>>) offsets(%dma_start3A_31 : memref<128xi32, #tpu.memory_space<vmem>>) semaphore(%arg10 : memref<!tpu.dma_semaphore, #tpu.memory_space<semaphore_mem>>)
      %dma_wait3A = arith.constant 0 : i32
      %dma_wait3A_35 = tpu.memref_slice %arg6[%scan3A_28, %dma_wait3A] : memref<79x128xi32, #tpu.memory_space<vmem>> -> memref<1x128xi32, #tpu.memory_space<vmem>>
      %dma_wait3A_36 = tpu.memref_squeeze %dma_wait3A_35 : memref<1x128xi32, #tpu.memory_space<vmem>> -> memref<128xi32, #tpu.memory_space<vmem>>
      %dma_wait3A_37 = arith.constant 0 : i32
      %dma_wait3A_38 = arith.constant 0 : i32
      %dma_wait3A_39 = tpu.memref_slice %arg2[%dma_wait3A_37, %dma_wait3A_38] : memref<20000x128xf32, #tpu.memory_space<hbm>> -> memref<20000x128xf32, #tpu.memory_space<hbm>>
      tpu.wait_indirect_dma semaphore(%arg10 : memref<!tpu.dma_semaphore, #tpu.memory_space<semaphore_mem>>) src(%dma_wait3A_39 : memref<20000x128xf32, #tpu.memory_space<hbm>>) dst(%arg8 : memref<128x128xf32, #tpu.memory_space<vmem>>)
      "tpu.region"() ({
        %run_scoped3A = tpu.sem_alloc : memref<!tpu.dma_semaphore, #tpu.memory_space<semaphore_mem>>
        %dma_start3A_41 = arith.constant 0 : i32
        %dma_start3A_42 = tpu.memref_slice %arg7[%scan3A_28, %dma_start3A_41] : memref<79x128xi32, #tpu.memory_space<vmem>> -> memref<1x128xi32, #tpu.memory_space<vmem>>
        %dma_start3A_43 = tpu.memref_squeeze %dma_start3A_42 : memref<1x128xi32, #tpu.memory_space<vmem>> -> memref<128xi32, #tpu.memory_space<vmem>>
        %dma_start3A_44 = arith.constant 0 : i32
        %dma_start3A_45 = arith.constant 0 : i32
        %dma_start3A_46 = tpu.memref_slice %arg9[%dma_start3A_44, %dma_start3A_45] : memref<10112x128xf32, #tpu.memory_space<vmem_shared>> -> memref<10112x128xf32, #tpu.memory_space<vmem_shared>>
        tpu.enqueue_indirect_dma source(%arg8 : memref<128x128xf32, #tpu.memory_space<vmem>>) target(%dma_start3A_46 : memref<10112x128xf32, #tpu.memory_space<vmem_shared>>) offsets(%dma_start3A_43 : memref<128xi32, #tpu.memory_space<vmem>>) semaphore(%run_scoped3A : memref<!tpu.dma_semaphore, #tpu.memory_space<semaphore_mem>>) {add = true}
        %dma_wait3A_47 = arith.constant 0 : i32
        %dma_wait3A_48 = tpu.memref_slice %arg7[%scan3A_28, %dma_wait3A_47] : memref<79x128xi32, #tpu.memory_space<vmem>> -> memref<1x128xi32, #tpu.memory_space<vmem>>
        %dma_wait3A_49 = tpu.memref_squeeze %dma_wait3A_48 : memref<1x128xi32, #tpu.memory_space<vmem>> -> memref<128xi32, #tpu.memory_space<vmem>>
        %dma_wait3A_50 = arith.constant 0 : i32
        %dma_wait3A_51 = arith.constant 0 : i32
        %dma_wait3A_52 = tpu.memref_slice %arg9[%dma_wait3A_50, %dma_wait3A_51] : memref<10112x128xf32, #tpu.memory_space<vmem_shared>> -> memref<10112x128xf32, #tpu.memory_space<vmem_shared>>
        tpu.wait_indirect_dma semaphore(%run_scoped3A : memref<!tpu.dma_semaphore, #tpu.memory_space<semaphore_mem>>) src(%arg8 : memref<128x128xf32, #tpu.memory_space<vmem>>) dst(%dma_wait3A_52 : memref<10112x128xf32, #tpu.memory_space<vmem_shared>>)
        tpu.yield
      }) : () -> ()
      %scan3A_40 = arith.constant 0 : i32
      scf.yield %scan3A_40 : i32
    }
    %scan3A_22 = arith.constant 79 : i32
    %barrier3A_23 = arith.constant 0 : index
    tpu.barrier barrier_id(%barrier3A_23)
    %mul3A_24 = arith.constant 624 : i32
    %mul3A_25 = arith.muli %arg1, %mul3A_24 : i32
    "tpu.region"() ({
      %run_scoped3A = tpu.sem_alloc : memref<!tpu.dma_semaphore, #tpu.memory_space<semaphore_mem>>
      %dma_start3A = arith.constant 0 : i32
      %dma_start3A_28 = tpu.memref_slice %arg5[%arg0, %mul3A_25, %dma_start3A] : memref<2x10000x128xf32, #tpu.memory_space<hbm>> -> memref<1x624x128xf32, #tpu.memory_space<hbm>>
      %dma_start3A_29 = tpu.memref_squeeze %dma_start3A_28 : memref<1x624x128xf32, #tpu.memory_space<hbm>> -> memref<624x128xf32, #tpu.memory_space<hbm>>
      %dma_start3A_30 = arith.constant 0 : i32
      %dma_start3A_31 = tpu.memref_slice %arg9[%mul3A_25, %dma_start3A_30] : memref<10112x128xf32, #tpu.memory_space<vmem_shared>> -> memref<624x128xf32, #tpu.memory_space<vmem_shared>>
      tpu.enqueue_dma source(%dma_start3A_31 : memref<624x128xf32, #tpu.memory_space<vmem_shared>>) target(%dma_start3A_29 : memref<624x128xf32, #tpu.memory_space<hbm>>) target_semaphore(%run_scoped3A : memref<!tpu.dma_semaphore, #tpu.memory_space<semaphore_mem>>)
      %dma_wait3A = arith.constant 0 : i32
      %dma_wait3A_32 = tpu.memref_slice %arg5[%arg0, %mul3A_25, %dma_wait3A] : memref<2x10000x128xf32, #tpu.memory_space<hbm>> -> memref<1x624x128xf32, #tpu.memory_space<hbm>>
      %dma_wait3A_33 = tpu.memref_squeeze %dma_wait3A_32 : memref<1x624x128xf32, #tpu.memory_space<hbm>> -> memref<624x128xf32, #tpu.memory_space<hbm>>
      %dma_wait3A_34 = arith.constant 0 : i32
      %dma_wait3A_35 = tpu.memref_slice %arg9[%mul3A_25, %dma_wait3A_34] : memref<10112x128xf32, #tpu.memory_space<vmem_shared>> -> memref<624x128xf32, #tpu.memory_space<vmem_shared>>
      tpu.wait_dma2 semaphore(%run_scoped3A : memref<!tpu.dma_semaphore, #tpu.memory_space<semaphore_mem>>) src(%dma_wait3A_35 : memref<624x128xf32, #tpu.memory_space<vmem_shared>>) dst(%dma_wait3A_33 : memref<624x128xf32, #tpu.memory_space<hbm>>)
      tpu.yield
    }) : () -> ()
    %eq3A = arith.constant 15 : i32
    %eq3A_26 = arith.cmpi eq, %arg1, %eq3A : i32
    %convert_element_type3A = arith.extui %eq3A_26 : i1 to i32
    %cond3A = arith.constant 0 : i32
    %cond3A_27 = arith.cmpi ne, %convert_element_type3A, %cond3A : i32
    scf.if %cond3A_27 {
      "tpu.region"() ({
        %run_scoped3A = tpu.sem_alloc : memref<!tpu.dma_semaphore, #tpu.memory_space<semaphore_mem>>
        %dma_start3A = arith.constant 9984 : i32
        %dma_start3A_28 = arith.constant 0 : i32
        %dma_start3A_29 = tpu.memref_slice %arg5[%arg0, %dma_start3A, %dma_start3A_28] : memref<2x10000x128xf32, #tpu.memory_space<hbm>> -> memref<1x16x128xf32, #tpu.memory_space<hbm>>
        %dma_start3A_30 = tpu.memref_squeeze %dma_start3A_29 : memref<1x16x128xf32, #tpu.memory_space<hbm>> -> memref<16x128xf32, #tpu.memory_space<hbm>>
        %dma_start3A_31 = arith.constant 9984 : i32
        %dma_start3A_32 = arith.constant 0 : i32
        %dma_start3A_33 = tpu.memref_slice %arg9[%dma_start3A_31, %dma_start3A_32] : memref<10112x128xf32, #tpu.memory_space<vmem_shared>> -> memref<16x128xf32, #tpu.memory_space<vmem_shared>>
        tpu.enqueue_dma source(%dma_start3A_33 : memref<16x128xf32, #tpu.memory_space<vmem_shared>>) target(%dma_start3A_30 : memref<16x128xf32, #tpu.memory_space<hbm>>) target_semaphore(%run_scoped3A : memref<!tpu.dma_semaphore, #tpu.memory_space<semaphore_mem>>)
        %dma_wait3A = arith.constant 9984 : i32
        %dma_wait3A_34 = arith.constant 0 : i32
        %dma_wait3A_35 = tpu.memref_slice %arg5[%arg0, %dma_wait3A, %dma_wait3A_34] : memref<2x10000x128xf32, #tpu.memory_space<hbm>> -> memref<1x16x128xf32, #tpu.memory_space<hbm>>
        %dma_wait3A_36 = tpu.memref_squeeze %dma_wait3A_35 : memref<1x16x128xf32, #tpu.memory_space<hbm>> -> memref<16x128xf32, #tpu.memory_space<hbm>>
        %dma_wait3A_37 = arith.constant 9984 : i32
        %dma_wait3A_38 = arith.constant 0 : i32
        %dma_wait3A_39 = tpu.memref_slice %arg9[%dma_wait3A_37, %dma_wait3A_38] : memref<10112x128xf32, #tpu.memory_space<vmem_shared>> -> memref<16x128xf32, #tpu.memory_space<vmem_shared>>
        tpu.wait_dma2 semaphore(%run_scoped3A : memref<!tpu.dma_semaphore, #tpu.memory_space<semaphore_mem>>) src(%dma_wait3A_39 : memref<16x128xf32, #tpu.memory_space<vmem_shared>>) dst(%dma_wait3A_36 : memref<16x128xf32, #tpu.memory_space<hbm>>)
        tpu.yield
      }) : () -> ()
    } else {
    }
    return
  }
}

#map = affine_map<(d0, d1) -> (0, 0)>
#map1 = affine_map<(d0, d1) -> (0, 0, 0, 0)>
#map2 = affine_map<(d0, d1) -> (0, 0, 0)>
module attributes {stable_mosaic.version = 14 : i64} {
  func.func @_segsum_body(%arg0: i32, %arg1: i32, %arg2: memref<20000x128xf32, #tpu.memory_space<hbm>>, %arg3: memref<2x16x79x128xi32, #tpu.memory_space<hbm>>, %arg4: memref<16x79x128xi32, #tpu.memory_space<hbm>>, %arg5: memref<2x10000x128xf32, #tpu.memory_space<hbm>>, %arg6: memref<79x128xi32, #tpu.memory_space<vmem>>, %arg7: memref<79x128xi32, #tpu.memory_space<vmem>>, %arg8: memref<128x128xf32, #tpu.memory_space<vmem>>, %arg9: memref<10112x128xf32, #tpu.memory_space<vmem_shared>>, %arg10: memref<!tpu.dma_semaphore, #tpu.memory_space<semaphore_mem>>) attributes {dimension_semantics = [#tpu.dimension_semantics<core_parallel>, #tpu.dimension_semantics<subcore_parallel>], iteration_bounds = array<i64: 2, 16>, scalar_prefetch = 0 : i64, scratch_operands = 5 : i64, tpu.core_type = #tpu.core_type<sc_vector_subcore>, window_params = [{transform_indices = #map}, {transform_indices = #map1}, {transform_indices = #map2}, {transform_indices = #map2}]} {
    "tpu.region"() ({
      %run_scoped3A = tpu.sem_alloc : memref<!tpu.dma_semaphore, #tpu.memory_space<semaphore_mem>>
      %dma_start3A = arith.constant 0 : i32
      %dma_start3A_28 = arith.constant 0 : i32
      %dma_start3A_29 = tpu.memref_slice %arg3[%arg0, %arg1, %dma_start3A, %dma_start3A_28] : memref<2x16x79x128xi32, #tpu.memory_space<hbm>> -> memref<1x1x79x128xi32, #tpu.memory_space<hbm>>
      %dma_start3A_30 = tpu.memref_squeeze %dma_start3A_29 : memref<1x1x79x128xi32, #tpu.memory_space<hbm>> -> memref<79x128xi32, #tpu.memory_space<hbm>>
      %dma_start3A_31 = arith.constant 0 : i32
      %dma_start3A_32 = arith.constant 0 : i32
      %dma_start3A_33 = tpu.memref_slice %arg3[%arg0, %arg1, %dma_start3A_31, %dma_start3A_32] : memref<2x16x79x128xi32, #tpu.memory_space<hbm>> -> memref<1x1x79x128xi32, #tpu.memory_space<hbm>>
      %dma_start3A_34 = tpu.memref_squeeze %dma_start3A_33 : memref<1x1x79x128xi32, #tpu.memory_space<hbm>> -> memref<79x128xi32, #tpu.memory_space<hbm>>
      tpu.enqueue_dma source(%dma_start3A_34 : memref<79x128xi32, #tpu.memory_space<hbm>>) target(%arg6 : memref<79x128xi32, #tpu.memory_space<vmem>>) target_semaphore(%run_scoped3A : memref<!tpu.dma_semaphore, #tpu.memory_space<semaphore_mem>>)
      %dma_wait3A = arith.constant 0 : i32
      %dma_wait3A_35 = arith.constant 0 : i32
      %dma_wait3A_36 = tpu.memref_slice %arg3[%arg0, %arg1, %dma_wait3A, %dma_wait3A_35] : memref<2x16x79x128xi32, #tpu.memory_space<hbm>> -> memref<1x1x79x128xi32, #tpu.memory_space<hbm>>
      %dma_wait3A_37 = tpu.memref_squeeze %dma_wait3A_36 : memref<1x1x79x128xi32, #tpu.memory_space<hbm>> -> memref<79x128xi32, #tpu.memory_space<hbm>>
      %dma_wait3A_38 = arith.constant 0 : i32
      %dma_wait3A_39 = arith.constant 0 : i32
      %dma_wait3A_40 = tpu.memref_slice %arg3[%arg0, %arg1, %dma_wait3A_38, %dma_wait3A_39] : memref<2x16x79x128xi32, #tpu.memory_space<hbm>> -> memref<1x1x79x128xi32, #tpu.memory_space<hbm>>
      %dma_wait3A_41 = tpu.memref_squeeze %dma_wait3A_40 : memref<1x1x79x128xi32, #tpu.memory_space<hbm>> -> memref<79x128xi32, #tpu.memory_space<hbm>>
      tpu.wait_dma2 semaphore(%run_scoped3A : memref<!tpu.dma_semaphore, #tpu.memory_space<semaphore_mem>>) src(%dma_wait3A_41 : memref<79x128xi32, #tpu.memory_space<hbm>>) dst(%arg6 : memref<79x128xi32, #tpu.memory_space<vmem>>)
      tpu.yield
    }) : () -> ()
    "tpu.region"() ({
      %run_scoped3A = tpu.sem_alloc : memref<!tpu.dma_semaphore, #tpu.memory_space<semaphore_mem>>
      %dma_start3A = arith.constant 0 : i32
      %dma_start3A_28 = arith.constant 0 : i32
      %dma_start3A_29 = tpu.memref_slice %arg4[%arg1, %dma_start3A, %dma_start3A_28] : memref<16x79x128xi32, #tpu.memory_space<hbm>> -> memref<1x79x128xi32, #tpu.memory_space<hbm>>
      %dma_start3A_30 = tpu.memref_squeeze %dma_start3A_29 : memref<1x79x128xi32, #tpu.memory_space<hbm>> -> memref<79x128xi32, #tpu.memory_space<hbm>>
      %dma_start3A_31 = arith.constant 0 : i32
      %dma_start3A_32 = arith.constant 0 : i32
      %dma_start3A_33 = tpu.memref_slice %arg4[%arg1, %dma_start3A_31, %dma_start3A_32] : memref<16x79x128xi32, #tpu.memory_space<hbm>> -> memref<1x79x128xi32, #tpu.memory_space<hbm>>
      %dma_start3A_34 = tpu.memref_squeeze %dma_start3A_33 : memref<1x79x128xi32, #tpu.memory_space<hbm>> -> memref<79x128xi32, #tpu.memory_space<hbm>>
      tpu.enqueue_dma source(%dma_start3A_34 : memref<79x128xi32, #tpu.memory_space<hbm>>) target(%arg7 : memref<79x128xi32, #tpu.memory_space<vmem>>) target_semaphore(%run_scoped3A : memref<!tpu.dma_semaphore, #tpu.memory_space<semaphore_mem>>)
      %dma_wait3A = arith.constant 0 : i32
      %dma_wait3A_35 = arith.constant 0 : i32
      %dma_wait3A_36 = tpu.memref_slice %arg4[%arg1, %dma_wait3A, %dma_wait3A_35] : memref<16x79x128xi32, #tpu.memory_space<hbm>> -> memref<1x79x128xi32, #tpu.memory_space<hbm>>
      %dma_wait3A_37 = tpu.memref_squeeze %dma_wait3A_36 : memref<1x79x128xi32, #tpu.memory_space<hbm>> -> memref<79x128xi32, #tpu.memory_space<hbm>>
      %dma_wait3A_38 = arith.constant 0 : i32
      %dma_wait3A_39 = arith.constant 0 : i32
      %dma_wait3A_40 = tpu.memref_slice %arg4[%arg1, %dma_wait3A_38, %dma_wait3A_39] : memref<16x79x128xi32, #tpu.memory_space<hbm>> -> memref<1x79x128xi32, #tpu.memory_space<hbm>>
      %dma_wait3A_41 = tpu.memref_squeeze %dma_wait3A_40 : memref<1x79x128xi32, #tpu.memory_space<hbm>> -> memref<79x128xi32, #tpu.memory_space<hbm>>
      tpu.wait_dma2 semaphore(%run_scoped3A : memref<!tpu.dma_semaphore, #tpu.memory_space<semaphore_mem>>) src(%dma_wait3A_41 : memref<79x128xi32, #tpu.memory_space<hbm>>) dst(%arg7 : memref<79x128xi32, #tpu.memory_space<vmem>>)
      tpu.yield
    }) : () -> ()
    %scan3A = arith.constant 0 : i32
    %scan3A_0 = arith.constant 0 : i32
    %scan3A_1 = arith.constant 128 : i32
    %scan3A_2 = arith.addi %scan3A_0, %scan3A_1 : i32
    %scan3A_3 = arith.constant 1 : i32
    %scan3A_4 = scf.for %scan3A_28 = %scan3A_0 to %scan3A_2 step %scan3A_3 iter_args(%scan3A_29 = %scan3A) -> (i32)  : i32 {
      %broadcast_in_dim3A = arith.constant 0.000000e+00 : f32
      %broadcast_in_dim3A_30 = vector.broadcast %broadcast_in_dim3A : f32 to vector<16xf32>
      %swap3A = arith.index_cast %scan3A_28 : i32 to index
      %swap3A_31 = arith.constant 0 : index
      %swap3A_32 = tpu.vector_load %arg8[%swap3A, %swap3A_31] {strides = array<i32>} : memref<128x128xf32, #tpu.memory_space<vmem>>, vector<1x16xf32>,
      %swap3A_33 = vector.shape_cast %swap3A_32 : vector<1x16xf32> to vector<16xf32>
      %swap3A_34 = vector.shape_cast %broadcast_in_dim3A_30 : vector<16xf32> to vector<1x16xf32>
      tpu.vector_store %arg8[%swap3A, %swap3A_31], %swap3A_34 {strides = array<i32>} : memref<128x128xf32, #tpu.memory_space<vmem>>, vector<1x16xf32>,
      %broadcast_in_dim3A_35 = arith.constant 0.000000e+00 : f32
      %broadcast_in_dim3A_36 = vector.broadcast %broadcast_in_dim3A_35 : f32 to vector<16xf32>
      %swap3A_37 = arith.index_cast %scan3A_28 : i32 to index
      %swap3A_38 = arith.constant 16 : index
      %swap3A_39 = tpu.vector_load %arg8[%swap3A_37, %swap3A_38] {strides = array<i32>} : memref<128x128xf32, #tpu.memory_space<vmem>>, vector<1x16xf32>,
      %swap3A_40 = vector.shape_cast %swap3A_39 : vector<1x16xf32> to vector<16xf32>
      %swap3A_41 = vector.shape_cast %broadcast_in_dim3A_36 : vector<16xf32> to vector<1x16xf32>
      tpu.vector_store %arg8[%swap3A_37, %swap3A_38], %swap3A_41 {strides = array<i32>} : memref<128x128xf32, #tpu.memory_space<vmem>>, vector<1x16xf32>,
      %broadcast_in_dim3A_42 = arith.constant 0.000000e+00 : f32
      %broadcast_in_dim3A_43 = vector.broadcast %broadcast_in_dim3A_42 : f32 to vector<16xf32>
      %swap3A_44 = arith.index_cast %scan3A_28 : i32 to index
      %swap3A_45 = arith.constant 32 : index
      %swap3A_46 = tpu.vector_load %arg8[%swap3A_44, %swap3A_45] {strides = array<i32>} : memref<128x128xf32, #tpu.memory_space<vmem>>, vector<1x16xf32>,
      %swap3A_47 = vector.shape_cast %swap3A_46 : vector<1x16xf32> to vector<16xf32>
      %swap3A_48 = vector.shape_cast %broadcast_in_dim3A_43 : vector<16xf32> to vector<1x16xf32>
      tpu.vector_store %arg8[%swap3A_44, %swap3A_45], %swap3A_48 {strides = array<i32>} : memref<128x128xf32, #tpu.memory_space<vmem>>, vector<1x16xf32>,
      %broadcast_in_dim3A_49 = arith.constant 0.000000e+00 : f32
      %broadcast_in_dim3A_50 = vector.broadcast %broadcast_in_dim3A_49 : f32 to vector<16xf32>
      %swap3A_51 = arith.index_cast %scan3A_28 : i32 to index
      %swap3A_52 = arith.constant 48 : index
      %swap3A_53 = tpu.vector_load %arg8[%swap3A_51, %swap3A_52] {strides = array<i32>} : memref<128x128xf32, #tpu.memory_space<vmem>>, vector<1x16xf32>,
      %swap3A_54 = vector.shape_cast %swap3A_53 : vector<1x16xf32> to vector<16xf32>
      %swap3A_55 = vector.shape_cast %broadcast_in_dim3A_50 : vector<16xf32> to vector<1x16xf32>
      tpu.vector_store %arg8[%swap3A_51, %swap3A_52], %swap3A_55 {strides = array<i32>} : memref<128x128xf32, #tpu.memory_space<vmem>>, vector<1x16xf32>,
      %broadcast_in_dim3A_56 = arith.constant 0.000000e+00 : f32
      %broadcast_in_dim3A_57 = vector.broadcast %broadcast_in_dim3A_56 : f32 to vector<16xf32>
      %swap3A_58 = arith.index_cast %scan3A_28 : i32 to index
      %swap3A_59 = arith.constant 64 : index
      %swap3A_60 = tpu.vector_load %arg8[%swap3A_58, %swap3A_59] {strides = array<i32>} : memref<128x128xf32, #tpu.memory_space<vmem>>, vector<1x16xf32>,
      %swap3A_61 = vector.shape_cast %swap3A_60 : vector<1x16xf32> to vector<16xf32>
      %swap3A_62 = vector.shape_cast %broadcast_in_dim3A_57 : vector<16xf32> to vector<1x16xf32>
      tpu.vector_store %arg8[%swap3A_58, %swap3A_59], %swap3A_62 {strides = array<i32>} : memref<128x128xf32, #tpu.memory_space<vmem>>, vector<1x16xf32>,
      %broadcast_in_dim3A_63 = arith.constant 0.000000e+00 : f32
      %broadcast_in_dim3A_64 = vector.broadcast %broadcast_in_dim3A_63 : f32 to vector<16xf32>
      %swap3A_65 = arith.index_cast %scan3A_28 : i32 to index
      %swap3A_66 = arith.constant 80 : index
      %swap3A_67 = tpu.vector_load %arg8[%swap3A_65, %swap3A_66] {strides = array<i32>} : memref<128x128xf32, #tpu.memory_space<vmem>>, vector<1x16xf32>,
      %swap3A_68 = vector.shape_cast %swap3A_67 : vector<1x16xf32> to vector<16xf32>
      %swap3A_69 = vector.shape_cast %broadcast_in_dim3A_64 : vector<16xf32> to vector<1x16xf32>
      tpu.vector_store %arg8[%swap3A_65, %swap3A_66], %swap3A_69 {strides = array<i32>} : memref<128x128xf32, #tpu.memory_space<vmem>>, vector<1x16xf32>,
      %broadcast_in_dim3A_70 = arith.constant 0.000000e+00 : f32
      %broadcast_in_dim3A_71 = vector.broadcast %broadcast_in_dim3A_70 : f32 to vector<16xf32>
      %swap3A_72 = arith.index_cast %scan3A_28 : i32 to index
      %swap3A_73 = arith.constant 96 : index
      %swap3A_74 = tpu.vector_load %arg8[%swap3A_72, %swap3A_73] {strides = array<i32>} : memref<128x128xf32, #tpu.memory_space<vmem>>, vector<1x16xf32>,
      %swap3A_75 = vector.shape_cast %swap3A_74 : vector<1x16xf32> to vector<16xf32>
      %swap3A_76 = vector.shape_cast %broadcast_in_dim3A_71 : vector<16xf32> to vector<1x16xf32>
      tpu.vector_store %arg8[%swap3A_72, %swap3A_73], %swap3A_76 {strides = array<i32>} : memref<128x128xf32, #tpu.memory_space<vmem>>, vector<1x16xf32>,
      %broadcast_in_dim3A_77 = arith.constant 0.000000e+00 : f32
      %broadcast_in_dim3A_78 = vector.broadcast %broadcast_in_dim3A_77 : f32 to vector<16xf32>
      %swap3A_79 = arith.index_cast %scan3A_28 : i32 to index
      %swap3A_80 = arith.constant 112 : index
      %swap3A_81 = tpu.vector_load %arg8[%swap3A_79, %swap3A_80] {strides = array<i32>} : memref<128x128xf32, #tpu.memory_space<vmem>>, vector<1x16xf32>,
      %swap3A_82 = vector.shape_cast %swap3A_81 : vector<1x16xf32> to vector<16xf32>
      %swap3A_83 = vector.shape_cast %broadcast_in_dim3A_78 : vector<16xf32> to vector<1x16xf32>
      tpu.vector_store %arg8[%swap3A_79, %swap3A_80], %swap3A_83 {strides = array<i32>} : memref<128x128xf32, #tpu.memory_space<vmem>>, vector<1x16xf32>,
      %scan3A_84 = arith.constant 0 : i32
      scf.yield %scan3A_84 : i32
    }
    %scan3A_5 = arith.constant 128 : i32
    %mul3A = arith.constant 632 : i32
    %mul3A_6 = arith.muli %arg1, %mul3A : i32
    %add3A = arith.constant 0 : i32
    %add3A_7 = arith.addi %mul3A_6, %add3A : i32
    "tpu.region"() ({
      %run_scoped3A = tpu.sem_alloc : memref<!tpu.dma_semaphore, #tpu.memory_space<semaphore_mem>>
      %dma_start3A = arith.constant 0 : i32
      %dma_start3A_28 = tpu.memref_slice %arg9[%add3A_7, %dma_start3A] : memref<10112x128xf32, #tpu.memory_space<vmem_shared>> -> memref<128x128xf32, #tpu.memory_space<vmem_shared>>
      %dma_start3A_29 = arith.constant 0 : i32
      %dma_start3A_30 = tpu.memref_slice %arg9[%add3A_7, %dma_start3A_29] : memref<10112x128xf32, #tpu.memory_space<vmem_shared>> -> memref<128x128xf32, #tpu.memory_space<vmem_shared>>
      tpu.enqueue_dma source(%arg8 : memref<128x128xf32, #tpu.memory_space<vmem>>) target(%dma_start3A_30 : memref<128x128xf32, #tpu.memory_space<vmem_shared>>) target_semaphore(%run_scoped3A : memref<!tpu.dma_semaphore, #tpu.memory_space<semaphore_mem>>)
      %dma_wait3A = arith.constant 0 : i32
      %dma_wait3A_31 = tpu.memref_slice %arg9[%add3A_7, %dma_wait3A] : memref<10112x128xf32, #tpu.memory_space<vmem_shared>> -> memref<128x128xf32, #tpu.memory_space<vmem_shared>>
      %dma_wait3A_32 = arith.constant 0 : i32
      %dma_wait3A_33 = tpu.memref_slice %arg9[%add3A_7, %dma_wait3A_32] : memref<10112x128xf32, #tpu.memory_space<vmem_shared>> -> memref<128x128xf32, #tpu.memory_space<vmem_shared>>
      tpu.wait_dma2 semaphore(%run_scoped3A : memref<!tpu.dma_semaphore, #tpu.memory_space<semaphore_mem>>) src(%arg8 : memref<128x128xf32, #tpu.memory_space<vmem>>) dst(%dma_wait3A_33 : memref<128x128xf32, #tpu.memory_space<vmem_shared>>)
      tpu.yield
    }) : () -> ()
    %add3A_8 = arith.constant 128 : i32
    %add3A_9 = arith.addi %mul3A_6, %add3A_8 : i32
    "tpu.region"() ({
      %run_scoped3A = tpu.sem_alloc : memref<!tpu.dma_semaphore, #tpu.memory_space<semaphore_mem>>
      %dma_start3A = arith.constant 0 : i32
      %dma_start3A_28 = tpu.memref_slice %arg9[%add3A_9, %dma_start3A] : memref<10112x128xf32, #tpu.memory_space<vmem_shared>> -> memref<128x128xf32, #tpu.memory_space<vmem_shared>>
      %dma_start3A_29 = arith.constant 0 : i32
      %dma_start3A_30 = tpu.memref_slice %arg9[%add3A_9, %dma_start3A_29] : memref<10112x128xf32, #tpu.memory_space<vmem_shared>> -> memref<128x128xf32, #tpu.memory_space<vmem_shared>>
      tpu.enqueue_dma source(%arg8 : memref<128x128xf32, #tpu.memory_space<vmem>>) target(%dma_start3A_30 : memref<128x128xf32, #tpu.memory_space<vmem_shared>>) target_semaphore(%run_scoped3A : memref<!tpu.dma_semaphore, #tpu.memory_space<semaphore_mem>>)
      %dma_wait3A = arith.constant 0 : i32
      %dma_wait3A_31 = tpu.memref_slice %arg9[%add3A_9, %dma_wait3A] : memref<10112x128xf32, #tpu.memory_space<vmem_shared>> -> memref<128x128xf32, #tpu.memory_space<vmem_shared>>
      %dma_wait3A_32 = arith.constant 0 : i32
      %dma_wait3A_33 = tpu.memref_slice %arg9[%add3A_9, %dma_wait3A_32] : memref<10112x128xf32, #tpu.memory_space<vmem_shared>> -> memref<128x128xf32, #tpu.memory_space<vmem_shared>>
      tpu.wait_dma2 semaphore(%run_scoped3A : memref<!tpu.dma_semaphore, #tpu.memory_space<semaphore_mem>>) src(%arg8 : memref<128x128xf32, #tpu.memory_space<vmem>>) dst(%dma_wait3A_33 : memref<128x128xf32, #tpu.memory_space<vmem_shared>>)
      tpu.yield
    }) : () -> ()
    %add3A_10 = arith.constant 256 : i32
    %add3A_11 = arith.addi %mul3A_6, %add3A_10 : i32
    "tpu.region"() ({
      %run_scoped3A = tpu.sem_alloc : memref<!tpu.dma_semaphore, #tpu.memory_space<semaphore_mem>>
      %dma_start3A = arith.constant 0 : i32
      %dma_start3A_28 = tpu.memref_slice %arg9[%add3A_11, %dma_start3A] : memref<10112x128xf32, #tpu.memory_space<vmem_shared>> -> memref<128x128xf32, #tpu.memory_space<vmem_shared>>
      %dma_start3A_29 = arith.constant 0 : i32
      %dma_start3A_30 = tpu.memref_slice %arg9[%add3A_11, %dma_start3A_29] : memref<10112x128xf32, #tpu.memory_space<vmem_shared>> -> memref<128x128xf32, #tpu.memory_space<vmem_shared>>
      tpu.enqueue_dma source(%arg8 : memref<128x128xf32, #tpu.memory_space<vmem>>) target(%dma_start3A_30 : memref<128x128xf32, #tpu.memory_space<vmem_shared>>) target_semaphore(%run_scoped3A : memref<!tpu.dma_semaphore, #tpu.memory_space<semaphore_mem>>)
      %dma_wait3A = arith.constant 0 : i32
      %dma_wait3A_31 = tpu.memref_slice %arg9[%add3A_11, %dma_wait3A] : memref<10112x128xf32, #tpu.memory_space<vmem_shared>> -> memref<128x128xf32, #tpu.memory_space<vmem_shared>>
      %dma_wait3A_32 = arith.constant 0 : i32
      %dma_wait3A_33 = tpu.memref_slice %arg9[%add3A_11, %dma_wait3A_32] : memref<10112x128xf32, #tpu.memory_space<vmem_shared>> -> memref<128x128xf32, #tpu.memory_space<vmem_shared>>
      tpu.wait_dma2 semaphore(%run_scoped3A : memref<!tpu.dma_semaphore, #tpu.memory_space<semaphore_mem>>) src(%arg8 : memref<128x128xf32, #tpu.memory_space<vmem>>) dst(%dma_wait3A_33 : memref<128x128xf32, #tpu.memory_space<vmem_shared>>)
      tpu.yield
    }) : () -> ()
    %add3A_12 = arith.constant 384 : i32
    %add3A_13 = arith.addi %mul3A_6, %add3A_12 : i32
    "tpu.region"() ({
      %run_scoped3A = tpu.sem_alloc : memref<!tpu.dma_semaphore, #tpu.memory_space<semaphore_mem>>
      %dma_start3A = arith.constant 0 : i32
      %dma_start3A_28 = tpu.memref_slice %arg9[%add3A_13, %dma_start3A] : memref<10112x128xf32, #tpu.memory_space<vmem_shared>> -> memref<128x128xf32, #tpu.memory_space<vmem_shared>>
      %dma_start3A_29 = arith.constant 0 : i32
      %dma_start3A_30 = tpu.memref_slice %arg9[%add3A_13, %dma_start3A_29] : memref<10112x128xf32, #tpu.memory_space<vmem_shared>> -> memref<128x128xf32, #tpu.memory_space<vmem_shared>>
      tpu.enqueue_dma source(%arg8 : memref<128x128xf32, #tpu.memory_space<vmem>>) target(%dma_start3A_30 : memref<128x128xf32, #tpu.memory_space<vmem_shared>>) target_semaphore(%run_scoped3A : memref<!tpu.dma_semaphore, #tpu.memory_space<semaphore_mem>>)
      %dma_wait3A = arith.constant 0 : i32
      %dma_wait3A_31 = tpu.memref_slice %arg9[%add3A_13, %dma_wait3A] : memref<10112x128xf32, #tpu.memory_space<vmem_shared>> -> memref<128x128xf32, #tpu.memory_space<vmem_shared>>
      %dma_wait3A_32 = arith.constant 0 : i32
      %dma_wait3A_33 = tpu.memref_slice %arg9[%add3A_13, %dma_wait3A_32] : memref<10112x128xf32, #tpu.memory_space<vmem_shared>> -> memref<128x128xf32, #tpu.memory_space<vmem_shared>>
      tpu.wait_dma2 semaphore(%run_scoped3A : memref<!tpu.dma_semaphore, #tpu.memory_space<semaphore_mem>>) src(%arg8 : memref<128x128xf32, #tpu.memory_space<vmem>>) dst(%dma_wait3A_33 : memref<128x128xf32, #tpu.memory_space<vmem_shared>>)
      tpu.yield
    }) : () -> ()
    %add3A_14 = arith.constant 512 : i32
    %add3A_15 = arith.addi %mul3A_6, %add3A_14 : i32
    "tpu.region"() ({
      %run_scoped3A = tpu.sem_alloc : memref<!tpu.dma_semaphore, #tpu.memory_space<semaphore_mem>>
      %dma_start3A = arith.constant 0 : i32
      %dma_start3A_28 = arith.constant 0 : i32
      %dma_start3A_29 = tpu.memref_slice %arg8[%dma_start3A, %dma_start3A_28] : memref<128x128xf32, #tpu.memory_space<vmem>> -> memref<120x128xf32, #tpu.memory_space<vmem>>
      %dma_start3A_30 = arith.constant 0 : i32
      %dma_start3A_31 = tpu.memref_slice %arg9[%add3A_15, %dma_start3A_30] : memref<10112x128xf32, #tpu.memory_space<vmem_shared>> -> memref<120x128xf32, #tpu.memory_space<vmem_shared>>
      %dma_start3A_32 = arith.constant 0 : i32
      %dma_start3A_33 = tpu.memref_slice %arg9[%add3A_15, %dma_start3A_32] : memref<10112x128xf32, #tpu.memory_space<vmem_shared>> -> memref<120x128xf32, #tpu.memory_space<vmem_shared>>
      %dma_start3A_34 = arith.constant 0 : i32
      %dma_start3A_35 = arith.constant 0 : i32
      %dma_start3A_36 = tpu.memref_slice %arg8[%dma_start3A_34, %dma_start3A_35] : memref<128x128xf32, #tpu.memory_space<vmem>> -> memref<120x128xf32, #tpu.memory_space<vmem>>
      tpu.enqueue_dma source(%dma_start3A_36 : memref<120x128xf32, #tpu.memory_space<vmem>>) target(%dma_start3A_33 : memref<120x128xf32, #tpu.memory_space<vmem_shared>>) target_semaphore(%run_scoped3A : memref<!tpu.dma_semaphore, #tpu.memory_space<semaphore_mem>>)
      %dma_wait3A = arith.constant 0 : i32
      %dma_wait3A_37 = arith.constant 0 : i32
      %dma_wait3A_38 = tpu.memref_slice %arg8[%dma_wait3A, %dma_wait3A_37] : memref<128x128xf32, #tpu.memory_space<vmem>> -> memref<120x128xf32, #tpu.memory_space<vmem>>
      %dma_wait3A_39 = arith.constant 0 : i32
      %dma_wait3A_40 = tpu.memref_slice %arg9[%add3A_15, %dma_wait3A_39] : memref<10112x128xf32, #tpu.memory_space<vmem_shared>> -> memref<120x128xf32, #tpu.memory_space<vmem_shared>>
      %dma_wait3A_41 = arith.constant 0 : i32
      %dma_wait3A_42 = tpu.memref_slice %arg9[%add3A_15, %dma_wait3A_41] : memref<10112x128xf32, #tpu.memory_space<vmem_shared>> -> memref<120x128xf32, #tpu.memory_space<vmem_shared>>
      %dma_wait3A_43 = arith.constant 0 : i32
      %dma_wait3A_44 = arith.constant 0 : i32
      %dma_wait3A_45 = tpu.memref_slice %arg8[%dma_wait3A_43, %dma_wait3A_44] : memref<128x128xf32, #tpu.memory_space<vmem>> -> memref<120x128xf32, #tpu.memory_space<vmem>>
      tpu.wait_dma2 semaphore(%run_scoped3A : memref<!tpu.dma_semaphore, #tpu.memory_space<semaphore_mem>>) src(%dma_wait3A_45 : memref<120x128xf32, #tpu.memory_space<vmem>>) dst(%dma_wait3A_42 : memref<120x128xf32, #tpu.memory_space<vmem_shared>>)
      tpu.yield
    }) : () -> ()
    %barrier3A = arith.constant 0 : index
    tpu.barrier barrier_id(%barrier3A)
    %scan3A_16 = arith.constant 0 : i32
    %scan3A_17 = arith.constant 0 : i32
    %scan3A_18 = arith.constant 79 : i32
    %scan3A_19 = arith.addi %scan3A_17, %scan3A_18 : i32
    %scan3A_20 = arith.constant 1 : i32
    %scan3A_21 = scf.for %scan3A_28 = %scan3A_17 to %scan3A_19 step %scan3A_20 iter_args(%scan3A_29 = %scan3A_16) -> (i32)  : i32 {
      %dma_start3A = arith.constant 0 : i32
      %dma_start3A_30 = tpu.memref_slice %arg6[%scan3A_28, %dma_start3A] : memref<79x128xi32, #tpu.memory_space<vmem>> -> memref<1x128xi32, #tpu.memory_space<vmem>>
      %dma_start3A_31 = tpu.memref_squeeze %dma_start3A_30 : memref<1x128xi32, #tpu.memory_space<vmem>> -> memref<128xi32, #tpu.memory_space<vmem>>
      %dma_start3A_32 = arith.constant 0 : i32
      %dma_start3A_33 = arith.constant 0 : i32
      %dma_start3A_34 = tpu.memref_slice %arg2[%dma_start3A_32, %dma_start3A_33] : memref<20000x128xf32, #tpu.memory_space<hbm>> -> memref<20000x128xf32, #tpu.memory_space<hbm>>
      tpu.enqueue_indirect_dma source(%dma_start3A_34 : memref<20000x128xf32, #tpu.memory_space<hbm>>) target(%arg8 : memref<128x128xf32, #tpu.memory_space<vmem>>) offsets(%dma_start3A_31 : memref<128xi32, #tpu.memory_space<vmem>>) semaphore(%arg10 : memref<!tpu.dma_semaphore, #tpu.memory_space<semaphore_mem>>)
      %dma_wait3A = arith.constant 0 : i32
      %dma_wait3A_35 = tpu.memref_slice %arg6[%scan3A_28, %dma_wait3A] : memref<79x128xi32, #tpu.memory_space<vmem>> -> memref<1x128xi32, #tpu.memory_space<vmem>>
      %dma_wait3A_36 = tpu.memref_squeeze %dma_wait3A_35 : memref<1x128xi32, #tpu.memory_space<vmem>> -> memref<128xi32, #tpu.memory_space<vmem>>
      %dma_wait3A_37 = arith.constant 0 : i32
      %dma_wait3A_38 = arith.constant 0 : i32
      %dma_wait3A_39 = tpu.memref_slice %arg2[%dma_wait3A_37, %dma_wait3A_38] : memref<20000x128xf32, #tpu.memory_space<hbm>> -> memref<20000x128xf32, #tpu.memory_space<hbm>>
      tpu.wait_indirect_dma semaphore(%arg10 : memref<!tpu.dma_semaphore, #tpu.memory_space<semaphore_mem>>) src(%dma_wait3A_39 : memref<20000x128xf32, #tpu.memory_space<hbm>>) dst(%arg8 : memref<128x128xf32, #tpu.memory_space<vmem>>)
      "tpu.region"() ({
        %run_scoped3A = tpu.sem_alloc : memref<!tpu.dma_semaphore, #tpu.memory_space<semaphore_mem>>
        %dma_start3A_41 = arith.constant 0 : i32
        %dma_start3A_42 = tpu.memref_slice %arg7[%scan3A_28, %dma_start3A_41] : memref<79x128xi32, #tpu.memory_space<vmem>> -> memref<1x128xi32, #tpu.memory_space<vmem>>
        %dma_start3A_43 = tpu.memref_squeeze %dma_start3A_42 : memref<1x128xi32, #tpu.memory_space<vmem>> -> memref<128xi32, #tpu.memory_space<vmem>>
        %dma_start3A_44 = arith.constant 0 : i32
        %dma_start3A_45 = arith.constant 0 : i32
        %dma_start3A_46 = tpu.memref_slice %arg9[%dma_start3A_44, %dma_start3A_45] : memref<10112x128xf32, #tpu.memory_space<vmem_shared>> -> memref<10112x128xf32, #tpu.memory_space<vmem_shared>>
        tpu.enqueue_indirect_dma source(%arg8 : memref<128x128xf32, #tpu.memory_space<vmem>>) target(%dma_start3A_46 : memref<10112x128xf32, #tpu.memory_space<vmem_shared>>) offsets(%dma_start3A_43 : memref<128xi32, #tpu.memory_space<vmem>>) semaphore(%run_scoped3A : memref<!tpu.dma_semaphore, #tpu.memory_space<semaphore_mem>>) {add = true}
        %dma_wait3A_47 = arith.constant 0 : i32
        %dma_wait3A_48 = tpu.memref_slice %arg7[%scan3A_28, %dma_wait3A_47] : memref<79x128xi32, #tpu.memory_space<vmem>> -> memref<1x128xi32, #tpu.memory_space<vmem>>
        %dma_wait3A_49 = tpu.memref_squeeze %dma_wait3A_48 : memref<1x128xi32, #tpu.memory_space<vmem>> -> memref<128xi32, #tpu.memory_space<vmem>>
        %dma_wait3A_50 = arith.constant 0 : i32
        %dma_wait3A_51 = arith.constant 0 : i32
        %dma_wait3A_52 = tpu.memref_slice %arg9[%dma_wait3A_50, %dma_wait3A_51] : memref<10112x128xf32, #tpu.memory_space<vmem_shared>> -> memref<10112x128xf32, #tpu.memory_space<vmem_shared>>
        tpu.wait_indirect_dma semaphore(%run_scoped3A : memref<!tpu.dma_semaphore, #tpu.memory_space<semaphore_mem>>) src(%arg8 : memref<128x128xf32, #tpu.memory_space<vmem>>) dst(%dma_wait3A_52 : memref<10112x128xf32, #tpu.memory_space<vmem_shared>>)
        tpu.yield
      }) : () -> ()
      %scan3A_40 = arith.constant 0 : i32
      scf.yield %scan3A_40 : i32
    }
    %scan3A_22 = arith.constant 79 : i32
    %barrier3A_23 = arith.constant 0 : index
    tpu.barrier barrier_id(%barrier3A_23)
    %mul3A_24 = arith.constant 624 : i32
    %mul3A_25 = arith.muli %arg1, %mul3A_24 : i32
    "tpu.region"() ({
      %run_scoped3A = tpu.sem_alloc : memref<!tpu.dma_semaphore, #tpu.memory_space<semaphore_mem>>
      %dma_start3A = arith.constant 0 : i32
      %dma_start3A_28 = tpu.memref_slice %arg5[%arg0, %mul3A_25, %dma_start3A] : memref<2x10000x128xf32, #tpu.memory_space<hbm>> -> memref<1x624x128xf32, #tpu.memory_space<hbm>>
      %dma_start3A_29 = tpu.memref_squeeze %dma_start3A_28 : memref<1x624x128xf32, #tpu.memory_space<hbm>> -> memref<624x128xf32, #tpu.memory_space<hbm>>
      %dma_start3A_30 = arith.constant 0 : i32
      %dma_start3A_31 = tpu.memref_slice %arg9[%mul3A_25, %dma_start3A_30] : memref<10112x128xf32, #tpu.memory_space<vmem_shared>> -> memref<624x128xf32, #tpu.memory_space<vmem_shared>>
      tpu.enqueue_dma source(%dma_start3A_31 : memref<624x128xf32, #tpu.memory_space<vmem_shared>>) target(%dma_start3A_29 : memref<624x128xf32, #tpu.memory_space<hbm>>) target_semaphore(%run_scoped3A : memref<!tpu.dma_semaphore, #tpu.memory_space<semaphore_mem>>)
      %dma_wait3A = arith.constant 0 : i32
      %dma_wait3A_32 = tpu.memref_slice %arg5[%arg0, %mul3A_25, %dma_wait3A] : memref<2x10000x128xf32, #tpu.memory_space<hbm>> -> memref<1x624x128xf32, #tpu.memory_space<hbm>>
      %dma_wait3A_33 = tpu.memref_squeeze %dma_wait3A_32 : memref<1x624x128xf32, #tpu.memory_space<hbm>> -> memref<624x128xf32, #tpu.memory_space<hbm>>
      %dma_wait3A_34 = arith.constant 0 : i32
      %dma_wait3A_35 = tpu.memref_slice %arg9[%mul3A_25, %dma_wait3A_34] : memref<10112x128xf32, #tpu.memory_space<vmem_shared>> -> memref<624x128xf32, #tpu.memory_space<vmem_shared>>
      tpu.wait_dma2 semaphore(%run_scoped3A : memref<!tpu.dma_semaphore, #tpu.memory_space<semaphore_mem>>) src(%dma_wait3A_35 : memref<624x128xf32, #tpu.memory_space<vmem_shared>>) dst(%dma_wait3A_33 : memref<624x128xf32, #tpu.memory_space<hbm>>)
      tpu.yield
    }) : () -> ()
    %eq3A = arith.constant 15 : i32
    %eq3A_26 = arith.cmpi eq, %arg1, %eq3A : i32
    %convert_element_type3A = arith.extui %eq3A_26 : i1 to i32
    %cond3A = arith.constant 0 : i32
    %cond3A_27 = arith.cmpi ne, %convert_element_type3A, %cond3A : i32
    scf.if %cond3A_27 {
      "tpu.region"() ({
        %run_scoped3A = tpu.sem_alloc : memref<!tpu.dma_semaphore, #tpu.memory_space<semaphore_mem>>
        %dma_start3A = arith.constant 9984 : i32
        %dma_start3A_28 = arith.constant 0 : i32
        %dma_start3A_29 = tpu.memref_slice %arg5[%arg0, %dma_start3A, %dma_start3A_28] : memref<2x10000x128xf32, #tpu.memory_space<hbm>> -> memref<1x16x128xf32, #tpu.memory_space<hbm>>
        %dma_start3A_30 = tpu.memref_squeeze %dma_start3A_29 : memref<1x16x128xf32, #tpu.memory_space<hbm>> -> memref<16x128xf32, #tpu.memory_space<hbm>>
        %dma_start3A_31 = arith.constant 9984 : i32
        %dma_start3A_32 = arith.constant 0 : i32
        %dma_start3A_33 = tpu.memref_slice %arg9[%dma_start3A_31, %dma_start3A_32] : memref<10112x128xf32, #tpu.memory_space<vmem_shared>> -> memref<16x128xf32, #tpu.memory_space<vmem_shared>>
        tpu.enqueue_dma source(%dma_start3A_33 : memref<16x128xf32, #tpu.memory_space<vmem_shared>>) target(%dma_start3A_30 : memref<16x128xf32, #tpu.memory_space<hbm>>) target_semaphore(%run_scoped3A : memref<!tpu.dma_semaphore, #tpu.memory_space<semaphore_mem>>)
        %dma_wait3A = arith.constant 9984 : i32
        %dma_wait3A_34 = arith.constant 0 : i32
        %dma_wait3A_35 = tpu.memref_slice %arg5[%arg0, %dma_wait3A, %dma_wait3A_34] : memref<2x10000x128xf32, #tpu.memory_space<hbm>> -> memref<1x16x128xf32, #tpu.memory_space<hbm>>
        %dma_wait3A_36 = tpu.memref_squeeze %dma_wait3A_35 : memref<1x16x128xf32, #tpu.memory_space<hbm>> -> memref<16x128xf32, #tpu.memory_space<hbm>>
        %dma_wait3A_37 = arith.constant 9984 : i32
        %dma_wait3A_38 = arith.constant 0 : i32
        %dma_wait3A_39 = tpu.memref_slice %arg9[%dma_wait3A_37, %dma_wait3A_38] : memref<10112x128xf32, #tpu.memory_space<vmem_shared>> -> memref<16x128xf32, #tpu.memory_space<vmem_shared>>
        tpu.wait_dma2 semaphore(%run_scoped3A : memref<!tpu.dma_semaphore, #tpu.memory_space<semaphore_mem>>) src(%dma_wait3A_39 : memref<16x128xf32, #tpu.memory_space<vmem_shared>>) dst(%dma_wait3A_36 : memref<16x128xf32, #tpu.memory_space<hbm>>)
        tpu.yield
      }) : () -> ()
    } else {
    }
    return
  }
}

#map = affine_map<(d0, d1) -> (0, 0)>
#map1 = affine_map<(d0, d1) -> (0, 0, 0, 0)>
#map2 = affine_map<(d0, d1) -> (0, 0, 0)>
module attributes {stable_mosaic.version = 14 : i64} {
  func.func @_segsum_body(%arg0: i32, %arg1: i32, %arg2: memref<20000x128xf32, #tpu.memory_space<hbm>>, %arg3: memref<2x16x79x128xi32, #tpu.memory_space<hbm>>, %arg4: memref<16x79x128xi32, #tpu.memory_space<hbm>>, %arg5: memref<2x10000x128xf32, #tpu.memory_space<hbm>>, %arg6: memref<79x128xi32, #tpu.memory_space<vmem>>, %arg7: memref<79x128xi32, #tpu.memory_space<vmem>>, %arg8: memref<128x128xf32, #tpu.memory_space<vmem>>, %arg9: memref<10112x128xf32, #tpu.memory_space<vmem_shared>>, %arg10: memref<!tpu.dma_semaphore, #tpu.memory_space<semaphore_mem>>) attributes {dimension_semantics = [#tpu.dimension_semantics<core_parallel>, #tpu.dimension_semantics<subcore_parallel>], iteration_bounds = array<i64: 2, 16>, scalar_prefetch = 0 : i64, scratch_operands = 5 : i64, tpu.core_type = #tpu.core_type<sc_vector_subcore>, window_params = [{transform_indices = #map}, {transform_indices = #map1}, {transform_indices = #map2}, {transform_indices = #map2}]} {
    "tpu.region"() ({
      %run_scoped3A = tpu.sem_alloc : memref<!tpu.dma_semaphore, #tpu.memory_space<semaphore_mem>>
      %dma_start3A = arith.constant 0 : i32
      %dma_start3A_28 = arith.constant 0 : i32
      %dma_start3A_29 = tpu.memref_slice %arg3[%arg0, %arg1, %dma_start3A, %dma_start3A_28] : memref<2x16x79x128xi32, #tpu.memory_space<hbm>> -> memref<1x1x79x128xi32, #tpu.memory_space<hbm>>
      %dma_start3A_30 = tpu.memref_squeeze %dma_start3A_29 : memref<1x1x79x128xi32, #tpu.memory_space<hbm>> -> memref<79x128xi32, #tpu.memory_space<hbm>>
      %dma_start3A_31 = arith.constant 0 : i32
      %dma_start3A_32 = arith.constant 0 : i32
      %dma_start3A_33 = tpu.memref_slice %arg3[%arg0, %arg1, %dma_start3A_31, %dma_start3A_32] : memref<2x16x79x128xi32, #tpu.memory_space<hbm>> -> memref<1x1x79x128xi32, #tpu.memory_space<hbm>>
      %dma_start3A_34 = tpu.memref_squeeze %dma_start3A_33 : memref<1x1x79x128xi32, #tpu.memory_space<hbm>> -> memref<79x128xi32, #tpu.memory_space<hbm>>
      tpu.enqueue_dma source(%dma_start3A_34 : memref<79x128xi32, #tpu.memory_space<hbm>>) target(%arg6 : memref<79x128xi32, #tpu.memory_space<vmem>>) target_semaphore(%run_scoped3A : memref<!tpu.dma_semaphore, #tpu.memory_space<semaphore_mem>>)
      %dma_wait3A = arith.constant 0 : i32
      %dma_wait3A_35 = arith.constant 0 : i32
      %dma_wait3A_36 = tpu.memref_slice %arg3[%arg0, %arg1, %dma_wait3A, %dma_wait3A_35] : memref<2x16x79x128xi32, #tpu.memory_space<hbm>> -> memref<1x1x79x128xi32, #tpu.memory_space<hbm>>
      %dma_wait3A_37 = tpu.memref_squeeze %dma_wait3A_36 : memref<1x1x79x128xi32, #tpu.memory_space<hbm>> -> memref<79x128xi32, #tpu.memory_space<hbm>>
      %dma_wait3A_38 = arith.constant 0 : i32
      %dma_wait3A_39 = arith.constant 0 : i32
      %dma_wait3A_40 = tpu.memref_slice %arg3[%arg0, %arg1, %dma_wait3A_38, %dma_wait3A_39] : memref<2x16x79x128xi32, #tpu.memory_space<hbm>> -> memref<1x1x79x128xi32, #tpu.memory_space<hbm>>
      %dma_wait3A_41 = tpu.memref_squeeze %dma_wait3A_40 : memref<1x1x79x128xi32, #tpu.memory_space<hbm>> -> memref<79x128xi32, #tpu.memory_space<hbm>>
      tpu.wait_dma2 semaphore(%run_scoped3A : memref<!tpu.dma_semaphore, #tpu.memory_space<semaphore_mem>>) src(%dma_wait3A_41 : memref<79x128xi32, #tpu.memory_space<hbm>>) dst(%arg6 : memref<79x128xi32, #tpu.memory_space<vmem>>)
      tpu.yield
    }) : () -> ()
    "tpu.region"() ({
      %run_scoped3A = tpu.sem_alloc : memref<!tpu.dma_semaphore, #tpu.memory_space<semaphore_mem>>
      %dma_start3A = arith.constant 0 : i32
      %dma_start3A_28 = arith.constant 0 : i32
      %dma_start3A_29 = tpu.memref_slice %arg4[%arg1, %dma_start3A, %dma_start3A_28] : memref<16x79x128xi32, #tpu.memory_space<hbm>> -> memref<1x79x128xi32, #tpu.memory_space<hbm>>
      %dma_start3A_30 = tpu.memref_squeeze %dma_start3A_29 : memref<1x79x128xi32, #tpu.memory_space<hbm>> -> memref<79x128xi32, #tpu.memory_space<hbm>>
      %dma_start3A_31 = arith.constant 0 : i32
      %dma_start3A_32 = arith.constant 0 : i32
      %dma_start3A_33 = tpu.memref_slice %arg4[%arg1, %dma_start3A_31, %dma_start3A_32] : memref<16x79x128xi32, #tpu.memory_space<hbm>> -> memref<1x79x128xi32, #tpu.memory_space<hbm>>
      %dma_start3A_34 = tpu.memref_squeeze %dma_start3A_33 : memref<1x79x128xi32, #tpu.memory_space<hbm>> -> memref<79x128xi32, #tpu.memory_space<hbm>>
      tpu.enqueue_dma source(%dma_start3A_34 : memref<79x128xi32, #tpu.memory_space<hbm>>) target(%arg7 : memref<79x128xi32, #tpu.memory_space<vmem>>) target_semaphore(%run_scoped3A : memref<!tpu.dma_semaphore, #tpu.memory_space<semaphore_mem>>)
      %dma_wait3A = arith.constant 0 : i32
      %dma_wait3A_35 = arith.constant 0 : i32
      %dma_wait3A_36 = tpu.memref_slice %arg4[%arg1, %dma_wait3A, %dma_wait3A_35] : memref<16x79x128xi32, #tpu.memory_space<hbm>> -> memref<1x79x128xi32, #tpu.memory_space<hbm>>
      %dma_wait3A_37 = tpu.memref_squeeze %dma_wait3A_36 : memref<1x79x128xi32, #tpu.memory_space<hbm>> -> memref<79x128xi32, #tpu.memory_space<hbm>>
      %dma_wait3A_38 = arith.constant 0 : i32
      %dma_wait3A_39 = arith.constant 0 : i32
      %dma_wait3A_40 = tpu.memref_slice %arg4[%arg1, %dma_wait3A_38, %dma_wait3A_39] : memref<16x79x128xi32, #tpu.memory_space<hbm>> -> memref<1x79x128xi32, #tpu.memory_space<hbm>>
      %dma_wait3A_41 = tpu.memref_squeeze %dma_wait3A_40 : memref<1x79x128xi32, #tpu.memory_space<hbm>> -> memref<79x128xi32, #tpu.memory_space<hbm>>
      tpu.wait_dma2 semaphore(%run_scoped3A : memref<!tpu.dma_semaphore, #tpu.memory_space<semaphore_mem>>) src(%dma_wait3A_41 : memref<79x128xi32, #tpu.memory_space<hbm>>) dst(%arg7 : memref<79x128xi32, #tpu.memory_space<vmem>>)
      tpu.yield
    }) : () -> ()
    %scan3A = arith.constant 0 : i32
    %scan3A_0 = arith.constant 0 : i32
    %scan3A_1 = arith.constant 128 : i32
    %scan3A_2 = arith.addi %scan3A_0, %scan3A_1 : i32
    %scan3A_3 = arith.constant 1 : i32
    %scan3A_4 = scf.for %scan3A_28 = %scan3A_0 to %scan3A_2 step %scan3A_3 iter_args(%scan3A_29 = %scan3A) -> (i32)  : i32 {
      %broadcast_in_dim3A = arith.constant 0.000000e+00 : f32
      %broadcast_in_dim3A_30 = vector.broadcast %broadcast_in_dim3A : f32 to vector<16xf32>
      %swap3A = arith.index_cast %scan3A_28 : i32 to index
      %swap3A_31 = arith.constant 0 : index
      %swap3A_32 = tpu.vector_load %arg8[%swap3A, %swap3A_31] {strides = array<i32>} : memref<128x128xf32, #tpu.memory_space<vmem>>, vector<1x16xf32>,
      %swap3A_33 = vector.shape_cast %swap3A_32 : vector<1x16xf32> to vector<16xf32>
      %swap3A_34 = vector.shape_cast %broadcast_in_dim3A_30 : vector<16xf32> to vector<1x16xf32>
      tpu.vector_store %arg8[%swap3A, %swap3A_31], %swap3A_34 {strides = array<i32>} : memref<128x128xf32, #tpu.memory_space<vmem>>, vector<1x16xf32>,
      %broadcast_in_dim3A_35 = arith.constant 0.000000e+00 : f32
      %broadcast_in_dim3A_36 = vector.broadcast %broadcast_in_dim3A_35 : f32 to vector<16xf32>
      %swap3A_37 = arith.index_cast %scan3A_28 : i32 to index
      %swap3A_38 = arith.constant 16 : index
      %swap3A_39 = tpu.vector_load %arg8[%swap3A_37, %swap3A_38] {strides = array<i32>} : memref<128x128xf32, #tpu.memory_space<vmem>>, vector<1x16xf32>,
      %swap3A_40 = vector.shape_cast %swap3A_39 : vector<1x16xf32> to vector<16xf32>
      %swap3A_41 = vector.shape_cast %broadcast_in_dim3A_36 : vector<16xf32> to vector<1x16xf32>
      tpu.vector_store %arg8[%swap3A_37, %swap3A_38], %swap3A_41 {strides = array<i32>} : memref<128x128xf32, #tpu.memory_space<vmem>>, vector<1x16xf32>,
      %broadcast_in_dim3A_42 = arith.constant 0.000000e+00 : f32
      %broadcast_in_dim3A_43 = vector.broadcast %broadcast_in_dim3A_42 : f32 to vector<16xf32>
      %swap3A_44 = arith.index_cast %scan3A_28 : i32 to index
      %swap3A_45 = arith.constant 32 : index
      %swap3A_46 = tpu.vector_load %arg8[%swap3A_44, %swap3A_45] {strides = array<i32>} : memref<128x128xf32, #tpu.memory_space<vmem>>, vector<1x16xf32>,
      %swap3A_47 = vector.shape_cast %swap3A_46 : vector<1x16xf32> to vector<16xf32>
      %swap3A_48 = vector.shape_cast %broadcast_in_dim3A_43 : vector<16xf32> to vector<1x16xf32>
      tpu.vector_store %arg8[%swap3A_44, %swap3A_45], %swap3A_48 {strides = array<i32>} : memref<128x128xf32, #tpu.memory_space<vmem>>, vector<1x16xf32>,
      %broadcast_in_dim3A_49 = arith.constant 0.000000e+00 : f32
      %broadcast_in_dim3A_50 = vector.broadcast %broadcast_in_dim3A_49 : f32 to vector<16xf32>
      %swap3A_51 = arith.index_cast %scan3A_28 : i32 to index
      %swap3A_52 = arith.constant 48 : index
      %swap3A_53 = tpu.vector_load %arg8[%swap3A_51, %swap3A_52] {strides = array<i32>} : memref<128x128xf32, #tpu.memory_space<vmem>>, vector<1x16xf32>,
      %swap3A_54 = vector.shape_cast %swap3A_53 : vector<1x16xf32> to vector<16xf32>
      %swap3A_55 = vector.shape_cast %broadcast_in_dim3A_50 : vector<16xf32> to vector<1x16xf32>
      tpu.vector_store %arg8[%swap3A_51, %swap3A_52], %swap3A_55 {strides = array<i32>} : memref<128x128xf32, #tpu.memory_space<vmem>>, vector<1x16xf32>,
      %broadcast_in_dim3A_56 = arith.constant 0.000000e+00 : f32
      %broadcast_in_dim3A_57 = vector.broadcast %broadcast_in_dim3A_56 : f32 to vector<16xf32>
      %swap3A_58 = arith.index_cast %scan3A_28 : i32 to index
      %swap3A_59 = arith.constant 64 : index
      %swap3A_60 = tpu.vector_load %arg8[%swap3A_58, %swap3A_59] {strides = array<i32>} : memref<128x128xf32, #tpu.memory_space<vmem>>, vector<1x16xf32>,
      %swap3A_61 = vector.shape_cast %swap3A_60 : vector<1x16xf32> to vector<16xf32>
      %swap3A_62 = vector.shape_cast %broadcast_in_dim3A_57 : vector<16xf32> to vector<1x16xf32>
      tpu.vector_store %arg8[%swap3A_58, %swap3A_59], %swap3A_62 {strides = array<i32>} : memref<128x128xf32, #tpu.memory_space<vmem>>, vector<1x16xf32>,
      %broadcast_in_dim3A_63 = arith.constant 0.000000e+00 : f32
      %broadcast_in_dim3A_64 = vector.broadcast %broadcast_in_dim3A_63 : f32 to vector<16xf32>
      %swap3A_65 = arith.index_cast %scan3A_28 : i32 to index
      %swap3A_66 = arith.constant 80 : index
      %swap3A_67 = tpu.vector_load %arg8[%swap3A_65, %swap3A_66] {strides = array<i32>} : memref<128x128xf32, #tpu.memory_space<vmem>>, vector<1x16xf32>,
      %swap3A_68 = vector.shape_cast %swap3A_67 : vector<1x16xf32> to vector<16xf32>
      %swap3A_69 = vector.shape_cast %broadcast_in_dim3A_64 : vector<16xf32> to vector<1x16xf32>
      tpu.vector_store %arg8[%swap3A_65, %swap3A_66], %swap3A_69 {strides = array<i32>} : memref<128x128xf32, #tpu.memory_space<vmem>>, vector<1x16xf32>,
      %broadcast_in_dim3A_70 = arith.constant 0.000000e+00 : f32
      %broadcast_in_dim3A_71 = vector.broadcast %broadcast_in_dim3A_70 : f32 to vector<16xf32>
      %swap3A_72 = arith.index_cast %scan3A_28 : i32 to index
      %swap3A_73 = arith.constant 96 : index
      %swap3A_74 = tpu.vector_load %arg8[%swap3A_72, %swap3A_73] {strides = array<i32>} : memref<128x128xf32, #tpu.memory_space<vmem>>, vector<1x16xf32>,
      %swap3A_75 = vector.shape_cast %swap3A_74 : vector<1x16xf32> to vector<16xf32>
      %swap3A_76 = vector.shape_cast %broadcast_in_dim3A_71 : vector<16xf32> to vector<1x16xf32>
      tpu.vector_store %arg8[%swap3A_72, %swap3A_73], %swap3A_76 {strides = array<i32>} : memref<128x128xf32, #tpu.memory_space<vmem>>, vector<1x16xf32>,
      %broadcast_in_dim3A_77 = arith.constant 0.000000e+00 : f32
      %broadcast_in_dim3A_78 = vector.broadcast %broadcast_in_dim3A_77 : f32 to vector<16xf32>
      %swap3A_79 = arith.index_cast %scan3A_28 : i32 to index
      %swap3A_80 = arith.constant 112 : index
      %swap3A_81 = tpu.vector_load %arg8[%swap3A_79, %swap3A_80] {strides = array<i32>} : memref<128x128xf32, #tpu.memory_space<vmem>>, vector<1x16xf32>,
      %swap3A_82 = vector.shape_cast %swap3A_81 : vector<1x16xf32> to vector<16xf32>
      %swap3A_83 = vector.shape_cast %broadcast_in_dim3A_78 : vector<16xf32> to vector<1x16xf32>
      tpu.vector_store %arg8[%swap3A_79, %swap3A_80], %swap3A_83 {strides = array<i32>} : memref<128x128xf32, #tpu.memory_space<vmem>>, vector<1x16xf32>,
      %scan3A_84 = arith.constant 0 : i32
      scf.yield %scan3A_84 : i32
    }
    %scan3A_5 = arith.constant 128 : i32
    %mul3A = arith.constant 632 : i32
    %mul3A_6 = arith.muli %arg1, %mul3A : i32
    %add3A = arith.constant 0 : i32
    %add3A_7 = arith.addi %mul3A_6, %add3A : i32
    "tpu.region"() ({
      %run_scoped3A = tpu.sem_alloc : memref<!tpu.dma_semaphore, #tpu.memory_space<semaphore_mem>>
      %dma_start3A = arith.constant 0 : i32
      %dma_start3A_28 = tpu.memref_slice %arg9[%add3A_7, %dma_start3A] : memref<10112x128xf32, #tpu.memory_space<vmem_shared>> -> memref<128x128xf32, #tpu.memory_space<vmem_shared>>
      %dma_start3A_29 = arith.constant 0 : i32
      %dma_start3A_30 = tpu.memref_slice %arg9[%add3A_7, %dma_start3A_29] : memref<10112x128xf32, #tpu.memory_space<vmem_shared>> -> memref<128x128xf32, #tpu.memory_space<vmem_shared>>
      tpu.enqueue_dma source(%arg8 : memref<128x128xf32, #tpu.memory_space<vmem>>) target(%dma_start3A_30 : memref<128x128xf32, #tpu.memory_space<vmem_shared>>) target_semaphore(%run_scoped3A : memref<!tpu.dma_semaphore, #tpu.memory_space<semaphore_mem>>)
      %dma_wait3A = arith.constant 0 : i32
      %dma_wait3A_31 = tpu.memref_slice %arg9[%add3A_7, %dma_wait3A] : memref<10112x128xf32, #tpu.memory_space<vmem_shared>> -> memref<128x128xf32, #tpu.memory_space<vmem_shared>>
      %dma_wait3A_32 = arith.constant 0 : i32
      %dma_wait3A_33 = tpu.memref_slice %arg9[%add3A_7, %dma_wait3A_32] : memref<10112x128xf32, #tpu.memory_space<vmem_shared>> -> memref<128x128xf32, #tpu.memory_space<vmem_shared>>
      tpu.wait_dma2 semaphore(%run_scoped3A : memref<!tpu.dma_semaphore, #tpu.memory_space<semaphore_mem>>) src(%arg8 : memref<128x128xf32, #tpu.memory_space<vmem>>) dst(%dma_wait3A_33 : memref<128x128xf32, #tpu.memory_space<vmem_shared>>)
      tpu.yield
    }) : () -> ()
    %add3A_8 = arith.constant 128 : i32
    %add3A_9 = arith.addi %mul3A_6, %add3A_8 : i32
    "tpu.region"() ({
      %run_scoped3A = tpu.sem_alloc : memref<!tpu.dma_semaphore, #tpu.memory_space<semaphore_mem>>
      %dma_start3A = arith.constant 0 : i32
      %dma_start3A_28 = tpu.memref_slice %arg9[%add3A_9, %dma_start3A] : memref<10112x128xf32, #tpu.memory_space<vmem_shared>> -> memref<128x128xf32, #tpu.memory_space<vmem_shared>>
      %dma_start3A_29 = arith.constant 0 : i32
      %dma_start3A_30 = tpu.memref_slice %arg9[%add3A_9, %dma_start3A_29] : memref<10112x128xf32, #tpu.memory_space<vmem_shared>> -> memref<128x128xf32, #tpu.memory_space<vmem_shared>>
      tpu.enqueue_dma source(%arg8 : memref<128x128xf32, #tpu.memory_space<vmem>>) target(%dma_start3A_30 : memref<128x128xf32, #tpu.memory_space<vmem_shared>>) target_semaphore(%run_scoped3A : memref<!tpu.dma_semaphore, #tpu.memory_space<semaphore_mem>>)
      %dma_wait3A = arith.constant 0 : i32
      %dma_wait3A_31 = tpu.memref_slice %arg9[%add3A_9, %dma_wait3A] : memref<10112x128xf32, #tpu.memory_space<vmem_shared>> -> memref<128x128xf32, #tpu.memory_space<vmem_shared>>
      %dma_wait3A_32 = arith.constant 0 : i32
      %dma_wait3A_33 = tpu.memref_slice %arg9[%add3A_9, %dma_wait3A_32] : memref<10112x128xf32, #tpu.memory_space<vmem_shared>> -> memref<128x128xf32, #tpu.memory_space<vmem_shared>>
      tpu.wait_dma2 semaphore(%run_scoped3A : memref<!tpu.dma_semaphore, #tpu.memory_space<semaphore_mem>>) src(%arg8 : memref<128x128xf32, #tpu.memory_space<vmem>>) dst(%dma_wait3A_33 : memref<128x128xf32, #tpu.memory_space<vmem_shared>>)
      tpu.yield
    }) : () -> ()
    %add3A_10 = arith.constant 256 : i32
    %add3A_11 = arith.addi %mul3A_6, %add3A_10 : i32
    "tpu.region"() ({
      %run_scoped3A = tpu.sem_alloc : memref<!tpu.dma_semaphore, #tpu.memory_space<semaphore_mem>>
      %dma_start3A = arith.constant 0 : i32
      %dma_start3A_28 = tpu.memref_slice %arg9[%add3A_11, %dma_start3A] : memref<10112x128xf32, #tpu.memory_space<vmem_shared>> -> memref<128x128xf32, #tpu.memory_space<vmem_shared>>
      %dma_start3A_29 = arith.constant 0 : i32
      %dma_start3A_30 = tpu.memref_slice %arg9[%add3A_11, %dma_start3A_29] : memref<10112x128xf32, #tpu.memory_space<vmem_shared>> -> memref<128x128xf32, #tpu.memory_space<vmem_shared>>
      tpu.enqueue_dma source(%arg8 : memref<128x128xf32, #tpu.memory_space<vmem>>) target(%dma_start3A_30 : memref<128x128xf32, #tpu.memory_space<vmem_shared>>) target_semaphore(%run_scoped3A : memref<!tpu.dma_semaphore, #tpu.memory_space<semaphore_mem>>)
      %dma_wait3A = arith.constant 0 : i32
      %dma_wait3A_31 = tpu.memref_slice %arg9[%add3A_11, %dma_wait3A] : memref<10112x128xf32, #tpu.memory_space<vmem_shared>> -> memref<128x128xf32, #tpu.memory_space<vmem_shared>>
      %dma_wait3A_32 = arith.constant 0 : i32
      %dma_wait3A_33 = tpu.memref_slice %arg9[%add3A_11, %dma_wait3A_32] : memref<10112x128xf32, #tpu.memory_space<vmem_shared>> -> memref<128x128xf32, #tpu.memory_space<vmem_shared>>
      tpu.wait_dma2 semaphore(%run_scoped3A : memref<!tpu.dma_semaphore, #tpu.memory_space<semaphore_mem>>) src(%arg8 : memref<128x128xf32, #tpu.memory_space<vmem>>) dst(%dma_wait3A_33 : memref<128x128xf32, #tpu.memory_space<vmem_shared>>)
      tpu.yield
    }) : () -> ()
    %add3A_12 = arith.constant 384 : i32
    %add3A_13 = arith.addi %mul3A_6, %add3A_12 : i32
    "tpu.region"() ({
      %run_scoped3A = tpu.sem_alloc : memref<!tpu.dma_semaphore, #tpu.memory_space<semaphore_mem>>
      %dma_start3A = arith.constant 0 : i32
      %dma_start3A_28 = tpu.memref_slice %arg9[%add3A_13, %dma_start3A] : memref<10112x128xf32, #tpu.memory_space<vmem_shared>> -> memref<128x128xf32, #tpu.memory_space<vmem_shared>>
      %dma_start3A_29 = arith.constant 0 : i32
      %dma_start3A_30 = tpu.memref_slice %arg9[%add3A_13, %dma_start3A_29] : memref<10112x128xf32, #tpu.memory_space<vmem_shared>> -> memref<128x128xf32, #tpu.memory_space<vmem_shared>>
      tpu.enqueue_dma source(%arg8 : memref<128x128xf32, #tpu.memory_space<vmem>>) target(%dma_start3A_30 : memref<128x128xf32, #tpu.memory_space<vmem_shared>>) target_semaphore(%run_scoped3A : memref<!tpu.dma_semaphore, #tpu.memory_space<semaphore_mem>>)
      %dma_wait3A = arith.constant 0 : i32
      %dma_wait3A_31 = tpu.memref_slice %arg9[%add3A_13, %dma_wait3A] : memref<10112x128xf32, #tpu.memory_space<vmem_shared>> -> memref<128x128xf32, #tpu.memory_space<vmem_shared>>
      %dma_wait3A_32 = arith.constant 0 : i32
      %dma_wait3A_33 = tpu.memref_slice %arg9[%add3A_13, %dma_wait3A_32] : memref<10112x128xf32, #tpu.memory_space<vmem_shared>> -> memref<128x128xf32, #tpu.memory_space<vmem_shared>>
      tpu.wait_dma2 semaphore(%run_scoped3A : memref<!tpu.dma_semaphore, #tpu.memory_space<semaphore_mem>>) src(%arg8 : memref<128x128xf32, #tpu.memory_space<vmem>>) dst(%dma_wait3A_33 : memref<128x128xf32, #tpu.memory_space<vmem_shared>>)
      tpu.yield
    }) : () -> ()
    %add3A_14 = arith.constant 512 : i32
    %add3A_15 = arith.addi %mul3A_6, %add3A_14 : i32
    "tpu.region"() ({
      %run_scoped3A = tpu.sem_alloc : memref<!tpu.dma_semaphore, #tpu.memory_space<semaphore_mem>>
      %dma_start3A = arith.constant 0 : i32
      %dma_start3A_28 = arith.constant 0 : i32
      %dma_start3A_29 = tpu.memref_slice %arg8[%dma_start3A, %dma_start3A_28] : memref<128x128xf32, #tpu.memory_space<vmem>> -> memref<120x128xf32, #tpu.memory_space<vmem>>
      %dma_start3A_30 = arith.constant 0 : i32
      %dma_start3A_31 = tpu.memref_slice %arg9[%add3A_15, %dma_start3A_30] : memref<10112x128xf32, #tpu.memory_space<vmem_shared>> -> memref<120x128xf32, #tpu.memory_space<vmem_shared>>
      %dma_start3A_32 = arith.constant 0 : i32
      %dma_start3A_33 = tpu.memref_slice %arg9[%add3A_15, %dma_start3A_32] : memref<10112x128xf32, #tpu.memory_space<vmem_shared>> -> memref<120x128xf32, #tpu.memory_space<vmem_shared>>
      %dma_start3A_34 = arith.constant 0 : i32
      %dma_start3A_35 = arith.constant 0 : i32
      %dma_start3A_36 = tpu.memref_slice %arg8[%dma_start3A_34, %dma_start3A_35] : memref<128x128xf32, #tpu.memory_space<vmem>> -> memref<120x128xf32, #tpu.memory_space<vmem>>
      tpu.enqueue_dma source(%dma_start3A_36 : memref<120x128xf32, #tpu.memory_space<vmem>>) target(%dma_start3A_33 : memref<120x128xf32, #tpu.memory_space<vmem_shared>>) target_semaphore(%run_scoped3A : memref<!tpu.dma_semaphore, #tpu.memory_space<semaphore_mem>>)
      %dma_wait3A = arith.constant 0 : i32
      %dma_wait3A_37 = arith.constant 0 : i32
      %dma_wait3A_38 = tpu.memref_slice %arg8[%dma_wait3A, %dma_wait3A_37] : memref<128x128xf32, #tpu.memory_space<vmem>> -> memref<120x128xf32, #tpu.memory_space<vmem>>
      %dma_wait3A_39 = arith.constant 0 : i32
      %dma_wait3A_40 = tpu.memref_slice %arg9[%add3A_15, %dma_wait3A_39] : memref<10112x128xf32, #tpu.memory_space<vmem_shared>> -> memref<120x128xf32, #tpu.memory_space<vmem_shared>>
      %dma_wait3A_41 = arith.constant 0 : i32
      %dma_wait3A_42 = tpu.memref_slice %arg9[%add3A_15, %dma_wait3A_41] : memref<10112x128xf32, #tpu.memory_space<vmem_shared>> -> memref<120x128xf32, #tpu.memory_space<vmem_shared>>
      %dma_wait3A_43 = arith.constant 0 : i32
      %dma_wait3A_44 = arith.constant 0 : i32
      %dma_wait3A_45 = tpu.memref_slice %arg8[%dma_wait3A_43, %dma_wait3A_44] : memref<128x128xf32, #tpu.memory_space<vmem>> -> memref<120x128xf32, #tpu.memory_space<vmem>>
      tpu.wait_dma2 semaphore(%run_scoped3A : memref<!tpu.dma_semaphore, #tpu.memory_space<semaphore_mem>>) src(%dma_wait3A_45 : memref<120x128xf32, #tpu.memory_space<vmem>>) dst(%dma_wait3A_42 : memref<120x128xf32, #tpu.memory_space<vmem_shared>>)
      tpu.yield
    }) : () -> ()
    %barrier3A = arith.constant 0 : index
    tpu.barrier barrier_id(%barrier3A)
    %scan3A_16 = arith.constant 0 : i32
    %scan3A_17 = arith.constant 0 : i32
    %scan3A_18 = arith.constant 79 : i32
    %scan3A_19 = arith.addi %scan3A_17, %scan3A_18 : i32
    %scan3A_20 = arith.constant 1 : i32
    %scan3A_21 = scf.for %scan3A_28 = %scan3A_17 to %scan3A_19 step %scan3A_20 iter_args(%scan3A_29 = %scan3A_16) -> (i32)  : i32 {
      %dma_start3A = arith.constant 0 : i32
      %dma_start3A_30 = tpu.memref_slice %arg6[%scan3A_28, %dma_start3A] : memref<79x128xi32, #tpu.memory_space<vmem>> -> memref<1x128xi32, #tpu.memory_space<vmem>>
      %dma_start3A_31 = tpu.memref_squeeze %dma_start3A_30 : memref<1x128xi32, #tpu.memory_space<vmem>> -> memref<128xi32, #tpu.memory_space<vmem>>
      %dma_start3A_32 = arith.constant 0 : i32
      %dma_start3A_33 = arith.constant 0 : i32
      %dma_start3A_34 = tpu.memref_slice %arg2[%dma_start3A_32, %dma_start3A_33] : memref<20000x128xf32, #tpu.memory_space<hbm>> -> memref<20000x128xf32, #tpu.memory_space<hbm>>
      tpu.enqueue_indirect_dma source(%dma_start3A_34 : memref<20000x128xf32, #tpu.memory_space<hbm>>) target(%arg8 : memref<128x128xf32, #tpu.memory_space<vmem>>) offsets(%dma_start3A_31 : memref<128xi32, #tpu.memory_space<vmem>>) semaphore(%arg10 : memref<!tpu.dma_semaphore, #tpu.memory_space<semaphore_mem>>)
      %dma_wait3A = arith.constant 0 : i32
      %dma_wait3A_35 = tpu.memref_slice %arg6[%scan3A_28, %dma_wait3A] : memref<79x128xi32, #tpu.memory_space<vmem>> -> memref<1x128xi32, #tpu.memory_space<vmem>>
      %dma_wait3A_36 = tpu.memref_squeeze %dma_wait3A_35 : memref<1x128xi32, #tpu.memory_space<vmem>> -> memref<128xi32, #tpu.memory_space<vmem>>
      %dma_wait3A_37 = arith.constant 0 : i32
      %dma_wait3A_38 = arith.constant 0 : i32
      %dma_wait3A_39 = tpu.memref_slice %arg2[%dma_wait3A_37, %dma_wait3A_38] : memref<20000x128xf32, #tpu.memory_space<hbm>> -> memref<20000x128xf32, #tpu.memory_space<hbm>>
      tpu.wait_indirect_dma semaphore(%arg10 : memref<!tpu.dma_semaphore, #tpu.memory_space<semaphore_mem>>) src(%dma_wait3A_39 : memref<20000x128xf32, #tpu.memory_space<hbm>>) dst(%arg8 : memref<128x128xf32, #tpu.memory_space<vmem>>)
      "tpu.region"() ({
        %run_scoped3A = tpu.sem_alloc : memref<!tpu.dma_semaphore, #tpu.memory_space<semaphore_mem>>
        %dma_start3A_41 = arith.constant 0 : i32
        %dma_start3A_42 = tpu.memref_slice %arg7[%scan3A_28, %dma_start3A_41] : memref<79x128xi32, #tpu.memory_space<vmem>> -> memref<1x128xi32, #tpu.memory_space<vmem>>
        %dma_start3A_43 = tpu.memref_squeeze %dma_start3A_42 : memref<1x128xi32, #tpu.memory_space<vmem>> -> memref<128xi32, #tpu.memory_space<vmem>>
        %dma_start3A_44 = arith.constant 0 : i32
        %dma_start3A_45 = arith.constant 0 : i32
        %dma_start3A_46 = tpu.memref_slice %arg9[%dma_start3A_44, %dma_start3A_45] : memref<10112x128xf32, #tpu.memory_space<vmem_shared>> -> memref<10112x128xf32, #tpu.memory_space<vmem_shared>>
        tpu.enqueue_indirect_dma source(%arg8 : memref<128x128xf32, #tpu.memory_space<vmem>>) target(%dma_start3A_46 : memref<10112x128xf32, #tpu.memory_space<vmem_shared>>) offsets(%dma_start3A_43 : memref<128xi32, #tpu.memory_space<vmem>>) semaphore(%run_scoped3A : memref<!tpu.dma_semaphore, #tpu.memory_space<semaphore_mem>>) {add = true}
        %dma_wait3A_47 = arith.constant 0 : i32
        %dma_wait3A_48 = tpu.memref_slice %arg7[%scan3A_28, %dma_wait3A_47] : memref<79x128xi32, #tpu.memory_space<vmem>> -> memref<1x128xi32, #tpu.memory_space<vmem>>
        %dma_wait3A_49 = tpu.memref_squeeze %dma_wait3A_48 : memref<1x128xi32, #tpu.memory_space<vmem>> -> memref<128xi32, #tpu.memory_space<vmem>>
        %dma_wait3A_50 = arith.constant 0 : i32
        %dma_wait3A_51 = arith.constant 0 : i32
        %dma_wait3A_52 = tpu.memref_slice %arg9[%dma_wait3A_50, %dma_wait3A_51] : memref<10112x128xf32, #tpu.memory_space<vmem_shared>> -> memref<10112x128xf32, #tpu.memory_space<vmem_shared>>
        tpu.wait_indirect_dma semaphore(%run_scoped3A : memref<!tpu.dma_semaphore, #tpu.memory_space<semaphore_mem>>) src(%arg8 : memref<128x128xf32, #tpu.memory_space<vmem>>) dst(%dma_wait3A_52 : memref<10112x128xf32, #tpu.memory_space<vmem_shared>>)
        tpu.yield
      }) : () -> ()
      %scan3A_40 = arith.constant 0 : i32
      scf.yield %scan3A_40 : i32
    }
    %scan3A_22 = arith.constant 79 : i32
    %barrier3A_23 = arith.constant 0 : index
    tpu.barrier barrier_id(%barrier3A_23)
    %mul3A_24 = arith.constant 624 : i32
    %mul3A_25 = arith.muli %arg1, %mul3A_24 : i32
    "tpu.region"() ({
      %run_scoped3A = tpu.sem_alloc : memref<!tpu.dma_semaphore, #tpu.memory_space<semaphore_mem>>
      %dma_start3A = arith.constant 0 : i32
      %dma_start3A_28 = tpu.memref_slice %arg5[%arg0, %mul3A_25, %dma_start3A] : memref<2x10000x128xf32, #tpu.memory_space<hbm>> -> memref<1x624x128xf32, #tpu.memory_space<hbm>>
      %dma_start3A_29 = tpu.memref_squeeze %dma_start3A_28 : memref<1x624x128xf32, #tpu.memory_space<hbm>> -> memref<624x128xf32, #tpu.memory_space<hbm>>
      %dma_start3A_30 = arith.constant 0 : i32
      %dma_start3A_31 = tpu.memref_slice %arg9[%mul3A_25, %dma_start3A_30] : memref<10112x128xf32, #tpu.memory_space<vmem_shared>> -> memref<624x128xf32, #tpu.memory_space<vmem_shared>>
      tpu.enqueue_dma source(%dma_start3A_31 : memref<624x128xf32, #tpu.memory_space<vmem_shared>>) target(%dma_start3A_29 : memref<624x128xf32, #tpu.memory_space<hbm>>) target_semaphore(%run_scoped3A : memref<!tpu.dma_semaphore, #tpu.memory_space<semaphore_mem>>)
      %dma_wait3A = arith.constant 0 : i32
      %dma_wait3A_32 = tpu.memref_slice %arg5[%arg0, %mul3A_25, %dma_wait3A] : memref<2x10000x128xf32, #tpu.memory_space<hbm>> -> memref<1x624x128xf32, #tpu.memory_space<hbm>>
      %dma_wait3A_33 = tpu.memref_squeeze %dma_wait3A_32 : memref<1x624x128xf32, #tpu.memory_space<hbm>> -> memref<624x128xf32, #tpu.memory_space<hbm>>
      %dma_wait3A_34 = arith.constant 0 : i32
      %dma_wait3A_35 = tpu.memref_slice %arg9[%mul3A_25, %dma_wait3A_34] : memref<10112x128xf32, #tpu.memory_space<vmem_shared>> -> memref<624x128xf32, #tpu.memory_space<vmem_shared>>
      tpu.wait_dma2 semaphore(%run_scoped3A : memref<!tpu.dma_semaphore, #tpu.memory_space<semaphore_mem>>) src(%dma_wait3A_35 : memref<624x128xf32, #tpu.memory_space<vmem_shared>>) dst(%dma_wait3A_33 : memref<624x128xf32, #tpu.memory_space<hbm>>)
      tpu.yield
    }) : () -> ()
    %eq3A = arith.constant 15 : i32
    %eq3A_26 = arith.cmpi eq, %arg1, %eq3A : i32
    %convert_element_type3A = arith.extui %eq3A_26 : i1 to i32
    %cond3A = arith.constant 0 : i32
    %cond3A_27 = arith.cmpi ne, %convert_element_type3A, %cond3A : i32
    scf.if %cond3A_27 {
      "tpu.region"() ({
        %run_scoped3A = tpu.sem_alloc : memref<!tpu.dma_semaphore, #tpu.memory_space<semaphore_mem>>
        %dma_start3A = arith.constant 9984 : i32
        %dma_start3A_28 = arith.constant 0 : i32
        %dma_start3A_29 = tpu.memref_slice %arg5[%arg0, %dma_start3A, %dma_start3A_28] : memref<2x10000x128xf32, #tpu.memory_space<hbm>> -> memref<1x16x128xf32, #tpu.memory_space<hbm>>
        %dma_start3A_30 = tpu.memref_squeeze %dma_start3A_29 : memref<1x16x128xf32, #tpu.memory_space<hbm>> -> memref<16x128xf32, #tpu.memory_space<hbm>>
        %dma_start3A_31 = arith.constant 9984 : i32
        %dma_start3A_32 = arith.constant 0 : i32
        %dma_start3A_33 = tpu.memref_slice %arg9[%dma_start3A_31, %dma_start3A_32] : memref<10112x128xf32, #tpu.memory_space<vmem_shared>> -> memref<16x128xf32, #tpu.memory_space<vmem_shared>>
        tpu.enqueue_dma source(%dma_start3A_33 : memref<16x128xf32, #tpu.memory_space<vmem_shared>>) target(%dma_start3A_30 : memref<16x128xf32, #tpu.memory_space<hbm>>) target_semaphore(%run_scoped3A : memref<!tpu.dma_semaphore, #tpu.memory_space<semaphore_mem>>)
        %dma_wait3A = arith.constant 9984 : i32
        %dma_wait3A_34 = arith.constant 0 : i32
        %dma_wait3A_35 = tpu.memref_slice %arg5[%arg0, %dma_wait3A, %dma_wait3A_34] : memref<2x10000x128xf32, #tpu.memory_space<hbm>> -> memref<1x16x128xf32, #tpu.memory_space<hbm>>
        %dma_wait3A_36 = tpu.memref_squeeze %dma_wait3A_35 : memref<1x16x128xf32, #tpu.memory_space<hbm>> -> memref<16x128xf32, #tpu.memory_space<hbm>>
        %dma_wait3A_37 = arith.constant 9984 : i32
        %dma_wait3A_38 = arith.constant 0 : i32
        %dma_wait3A_39 = tpu.memref_slice %arg9[%dma_wait3A_37, %dma_wait3A_38] : memref<10112x128xf32, #tpu.memory_space<vmem_shared>> -> memref<16x128xf32, #tpu.memory_space<vmem_shared>>
        tpu.wait_dma2 semaphore(%run_scoped3A : memref<!tpu.dma_semaphore, #tpu.memory_space<semaphore_mem>>) src(%dma_wait3A_39 : memref<16x128xf32, #tpu.memory_space<vmem_shared>>) dst(%dma_wait3A_36 : memref<16x128xf32, #tpu.memory_space<hbm>>)
        tpu.yield
      }) : () -> ()
    } else {
    }
    return
  }
}

#map = affine_map<(d0, d1) -> (0, 0)>
#map1 = affine_map<(d0, d1) -> (0, 0, 0, 0)>
#map2 = affine_map<(d0, d1) -> (0, 0, 0)>
module attributes {stable_mosaic.version = 14 : i64} {
  func.func @_segsum_body(%arg0: i32, %arg1: i32, %arg2: memref<20000x128xf32, #tpu.memory_space<hbm>>, %arg3: memref<2x16x79x128xi32, #tpu.memory_space<hbm>>, %arg4: memref<16x79x128xi32, #tpu.memory_space<hbm>>, %arg5: memref<2x10000x128xf32, #tpu.memory_space<hbm>>, %arg6: memref<79x128xi32, #tpu.memory_space<vmem>>, %arg7: memref<79x128xi32, #tpu.memory_space<vmem>>, %arg8: memref<128x128xf32, #tpu.memory_space<vmem>>, %arg9: memref<10112x128xf32, #tpu.memory_space<vmem_shared>>, %arg10: memref<!tpu.dma_semaphore, #tpu.memory_space<semaphore_mem>>) attributes {dimension_semantics = [#tpu.dimension_semantics<core_parallel>, #tpu.dimension_semantics<subcore_parallel>], iteration_bounds = array<i64: 2, 16>, scalar_prefetch = 0 : i64, scratch_operands = 5 : i64, tpu.core_type = #tpu.core_type<sc_vector_subcore>, window_params = [{transform_indices = #map}, {transform_indices = #map1}, {transform_indices = #map2}, {transform_indices = #map2}]} {
    "tpu.region"() ({
      %run_scoped3A = tpu.sem_alloc : memref<!tpu.dma_semaphore, #tpu.memory_space<semaphore_mem>>
      %dma_start3A = arith.constant 0 : i32
      %dma_start3A_28 = arith.constant 0 : i32
      %dma_start3A_29 = tpu.memref_slice %arg3[%arg0, %arg1, %dma_start3A, %dma_start3A_28] : memref<2x16x79x128xi32, #tpu.memory_space<hbm>> -> memref<1x1x79x128xi32, #tpu.memory_space<hbm>>
      %dma_start3A_30 = tpu.memref_squeeze %dma_start3A_29 : memref<1x1x79x128xi32, #tpu.memory_space<hbm>> -> memref<79x128xi32, #tpu.memory_space<hbm>>
      %dma_start3A_31 = arith.constant 0 : i32
      %dma_start3A_32 = arith.constant 0 : i32
      %dma_start3A_33 = tpu.memref_slice %arg3[%arg0, %arg1, %dma_start3A_31, %dma_start3A_32] : memref<2x16x79x128xi32, #tpu.memory_space<hbm>> -> memref<1x1x79x128xi32, #tpu.memory_space<hbm>>
      %dma_start3A_34 = tpu.memref_squeeze %dma_start3A_33 : memref<1x1x79x128xi32, #tpu.memory_space<hbm>> -> memref<79x128xi32, #tpu.memory_space<hbm>>
      tpu.enqueue_dma source(%dma_start3A_34 : memref<79x128xi32, #tpu.memory_space<hbm>>) target(%arg6 : memref<79x128xi32, #tpu.memory_space<vmem>>) target_semaphore(%run_scoped3A : memref<!tpu.dma_semaphore, #tpu.memory_space<semaphore_mem>>)
      %dma_wait3A = arith.constant 0 : i32
      %dma_wait3A_35 = arith.constant 0 : i32
      %dma_wait3A_36 = tpu.memref_slice %arg3[%arg0, %arg1, %dma_wait3A, %dma_wait3A_35] : memref<2x16x79x128xi32, #tpu.memory_space<hbm>> -> memref<1x1x79x128xi32, #tpu.memory_space<hbm>>
      %dma_wait3A_37 = tpu.memref_squeeze %dma_wait3A_36 : memref<1x1x79x128xi32, #tpu.memory_space<hbm>> -> memref<79x128xi32, #tpu.memory_space<hbm>>
      %dma_wait3A_38 = arith.constant 0 : i32
      %dma_wait3A_39 = arith.constant 0 : i32
      %dma_wait3A_40 = tpu.memref_slice %arg3[%arg0, %arg1, %dma_wait3A_38, %dma_wait3A_39] : memref<2x16x79x128xi32, #tpu.memory_space<hbm>> -> memref<1x1x79x128xi32, #tpu.memory_space<hbm>>
      %dma_wait3A_41 = tpu.memref_squeeze %dma_wait3A_40 : memref<1x1x79x128xi32, #tpu.memory_space<hbm>> -> memref<79x128xi32, #tpu.memory_space<hbm>>
      tpu.wait_dma2 semaphore(%run_scoped3A : memref<!tpu.dma_semaphore, #tpu.memory_space<semaphore_mem>>) src(%dma_wait3A_41 : memref<79x128xi32, #tpu.memory_space<hbm>>) dst(%arg6 : memref<79x128xi32, #tpu.memory_space<vmem>>)
      tpu.yield
    }) : () -> ()
    "tpu.region"() ({
      %run_scoped3A = tpu.sem_alloc : memref<!tpu.dma_semaphore, #tpu.memory_space<semaphore_mem>>
      %dma_start3A = arith.constant 0 : i32
      %dma_start3A_28 = arith.constant 0 : i32
      %dma_start3A_29 = tpu.memref_slice %arg4[%arg1, %dma_start3A, %dma_start3A_28] : memref<16x79x128xi32, #tpu.memory_space<hbm>> -> memref<1x79x128xi32, #tpu.memory_space<hbm>>
      %dma_start3A_30 = tpu.memref_squeeze %dma_start3A_29 : memref<1x79x128xi32, #tpu.memory_space<hbm>> -> memref<79x128xi32, #tpu.memory_space<hbm>>
      %dma_start3A_31 = arith.constant 0 : i32
      %dma_start3A_32 = arith.constant 0 : i32
      %dma_start3A_33 = tpu.memref_slice %arg4[%arg1, %dma_start3A_31, %dma_start3A_32] : memref<16x79x128xi32, #tpu.memory_space<hbm>> -> memref<1x79x128xi32, #tpu.memory_space<hbm>>
      %dma_start3A_34 = tpu.memref_squeeze %dma_start3A_33 : memref<1x79x128xi32, #tpu.memory_space<hbm>> -> memref<79x128xi32, #tpu.memory_space<hbm>>
      tpu.enqueue_dma source(%dma_start3A_34 : memref<79x128xi32, #tpu.memory_space<hbm>>) target(%arg7 : memref<79x128xi32, #tpu.memory_space<vmem>>) target_semaphore(%run_scoped3A : memref<!tpu.dma_semaphore, #tpu.memory_space<semaphore_mem>>)
      %dma_wait3A = arith.constant 0 : i32
      %dma_wait3A_35 = arith.constant 0 : i32
      %dma_wait3A_36 = tpu.memref_slice %arg4[%arg1, %dma_wait3A, %dma_wait3A_35] : memref<16x79x128xi32, #tpu.memory_space<hbm>> -> memref<1x79x128xi32, #tpu.memory_space<hbm>>
      %dma_wait3A_37 = tpu.memref_squeeze %dma_wait3A_36 : memref<1x79x128xi32, #tpu.memory_space<hbm>> -> memref<79x128xi32, #tpu.memory_space<hbm>>
      %dma_wait3A_38 = arith.constant 0 : i32
      %dma_wait3A_39 = arith.constant 0 : i32
      %dma_wait3A_40 = tpu.memref_slice %arg4[%arg1, %dma_wait3A_38, %dma_wait3A_39] : memref<16x79x128xi32, #tpu.memory_space<hbm>> -> memref<1x79x128xi32, #tpu.memory_space<hbm>>
      %dma_wait3A_41 = tpu.memref_squeeze %dma_wait3A_40 : memref<1x79x128xi32, #tpu.memory_space<hbm>> -> memref<79x128xi32, #tpu.memory_space<hbm>>
      tpu.wait_dma2 semaphore(%run_scoped3A : memref<!tpu.dma_semaphore, #tpu.memory_space<semaphore_mem>>) src(%dma_wait3A_41 : memref<79x128xi32, #tpu.memory_space<hbm>>) dst(%arg7 : memref<79x128xi32, #tpu.memory_space<vmem>>)
      tpu.yield
    }) : () -> ()
    %scan3A = arith.constant 0 : i32
    %scan3A_0 = arith.constant 0 : i32
    %scan3A_1 = arith.constant 128 : i32
    %scan3A_2 = arith.addi %scan3A_0, %scan3A_1 : i32
    %scan3A_3 = arith.constant 1 : i32
    %scan3A_4 = scf.for %scan3A_28 = %scan3A_0 to %scan3A_2 step %scan3A_3 iter_args(%scan3A_29 = %scan3A) -> (i32)  : i32 {
      %broadcast_in_dim3A = arith.constant 0.000000e+00 : f32
      %broadcast_in_dim3A_30 = vector.broadcast %broadcast_in_dim3A : f32 to vector<16xf32>
      %swap3A = arith.index_cast %scan3A_28 : i32 to index
      %swap3A_31 = arith.constant 0 : index
      %swap3A_32 = tpu.vector_load %arg8[%swap3A, %swap3A_31] {strides = array<i32>} : memref<128x128xf32, #tpu.memory_space<vmem>>, vector<1x16xf32>,
      %swap3A_33 = vector.shape_cast %swap3A_32 : vector<1x16xf32> to vector<16xf32>
      %swap3A_34 = vector.shape_cast %broadcast_in_dim3A_30 : vector<16xf32> to vector<1x16xf32>
      tpu.vector_store %arg8[%swap3A, %swap3A_31], %swap3A_34 {strides = array<i32>} : memref<128x128xf32, #tpu.memory_space<vmem>>, vector<1x16xf32>,
      %broadcast_in_dim3A_35 = arith.constant 0.000000e+00 : f32
      %broadcast_in_dim3A_36 = vector.broadcast %broadcast_in_dim3A_35 : f32 to vector<16xf32>
      %swap3A_37 = arith.index_cast %scan3A_28 : i32 to index
      %swap3A_38 = arith.constant 16 : index
      %swap3A_39 = tpu.vector_load %arg8[%swap3A_37, %swap3A_38] {strides = array<i32>} : memref<128x128xf32, #tpu.memory_space<vmem>>, vector<1x16xf32>,
      %swap3A_40 = vector.shape_cast %swap3A_39 : vector<1x16xf32> to vector<16xf32>
      %swap3A_41 = vector.shape_cast %broadcast_in_dim3A_36 : vector<16xf32> to vector<1x16xf32>
      tpu.vector_store %arg8[%swap3A_37, %swap3A_38], %swap3A_41 {strides = array<i32>} : memref<128x128xf32, #tpu.memory_space<vmem>>, vector<1x16xf32>,
      %broadcast_in_dim3A_42 = arith.constant 0.000000e+00 : f32
      %broadcast_in_dim3A_43 = vector.broadcast %broadcast_in_dim3A_42 : f32 to vector<16xf32>
      %swap3A_44 = arith.index_cast %scan3A_28 : i32 to index
      %swap3A_45 = arith.constant 32 : index
      %swap3A_46 = tpu.vector_load %arg8[%swap3A_44, %swap3A_45] {strides = array<i32>} : memref<128x128xf32, #tpu.memory_space<vmem>>, vector<1x16xf32>,
      %swap3A_47 = vector.shape_cast %swap3A_46 : vector<1x16xf32> to vector<16xf32>
      %swap3A_48 = vector.shape_cast %broadcast_in_dim3A_43 : vector<16xf32> to vector<1x16xf32>
      tpu.vector_store %arg8[%swap3A_44, %swap3A_45], %swap3A_48 {strides = array<i32>} : memref<128x128xf32, #tpu.memory_space<vmem>>, vector<1x16xf32>,
      %broadcast_in_dim3A_49 = arith.constant 0.000000e+00 : f32
      %broadcast_in_dim3A_50 = vector.broadcast %broadcast_in_dim3A_49 : f32 to vector<16xf32>
      %swap3A_51 = arith.index_cast %scan3A_28 : i32 to index
      %swap3A_52 = arith.constant 48 : index
      %swap3A_53 = tpu.vector_load %arg8[%swap3A_51, %swap3A_52] {strides = array<i32>} : memref<128x128xf32, #tpu.memory_space<vmem>>, vector<1x16xf32>,
      %swap3A_54 = vector.shape_cast %swap3A_53 : vector<1x16xf32> to vector<16xf32>
      %swap3A_55 = vector.shape_cast %broadcast_in_dim3A_50 : vector<16xf32> to vector<1x16xf32>
      tpu.vector_store %arg8[%swap3A_51, %swap3A_52], %swap3A_55 {strides = array<i32>} : memref<128x128xf32, #tpu.memory_space<vmem>>, vector<1x16xf32>,
      %broadcast_in_dim3A_56 = arith.constant 0.000000e+00 : f32
      %broadcast_in_dim3A_57 = vector.broadcast %broadcast_in_dim3A_56 : f32 to vector<16xf32>
      %swap3A_58 = arith.index_cast %scan3A_28 : i32 to index
      %swap3A_59 = arith.constant 64 : index
      %swap3A_60 = tpu.vector_load %arg8[%swap3A_58, %swap3A_59] {strides = array<i32>} : memref<128x128xf32, #tpu.memory_space<vmem>>, vector<1x16xf32>,
      %swap3A_61 = vector.shape_cast %swap3A_60 : vector<1x16xf32> to vector<16xf32>
      %swap3A_62 = vector.shape_cast %broadcast_in_dim3A_57 : vector<16xf32> to vector<1x16xf32>
      tpu.vector_store %arg8[%swap3A_58, %swap3A_59], %swap3A_62 {strides = array<i32>} : memref<128x128xf32, #tpu.memory_space<vmem>>, vector<1x16xf32>,
      %broadcast_in_dim3A_63 = arith.constant 0.000000e+00 : f32
      %broadcast_in_dim3A_64 = vector.broadcast %broadcast_in_dim3A_63 : f32 to vector<16xf32>
      %swap3A_65 = arith.index_cast %scan3A_28 : i32 to index
      %swap3A_66 = arith.constant 80 : index
      %swap3A_67 = tpu.vector_load %arg8[%swap3A_65, %swap3A_66] {strides = array<i32>} : memref<128x128xf32, #tpu.memory_space<vmem>>, vector<1x16xf32>,
      %swap3A_68 = vector.shape_cast %swap3A_67 : vector<1x16xf32> to vector<16xf32>
      %swap3A_69 = vector.shape_cast %broadcast_in_dim3A_64 : vector<16xf32> to vector<1x16xf32>
      tpu.vector_store %arg8[%swap3A_65, %swap3A_66], %swap3A_69 {strides = array<i32>} : memref<128x128xf32, #tpu.memory_space<vmem>>, vector<1x16xf32>,
      %broadcast_in_dim3A_70 = arith.constant 0.000000e+00 : f32
      %broadcast_in_dim3A_71 = vector.broadcast %broadcast_in_dim3A_70 : f32 to vector<16xf32>
      %swap3A_72 = arith.index_cast %scan3A_28 : i32 to index
      %swap3A_73 = arith.constant 96 : index
      %swap3A_74 = tpu.vector_load %arg8[%swap3A_72, %swap3A_73] {strides = array<i32>} : memref<128x128xf32, #tpu.memory_space<vmem>>, vector<1x16xf32>,
      %swap3A_75 = vector.shape_cast %swap3A_74 : vector<1x16xf32> to vector<16xf32>
      %swap3A_76 = vector.shape_cast %broadcast_in_dim3A_71 : vector<16xf32> to vector<1x16xf32>
      tpu.vector_store %arg8[%swap3A_72, %swap3A_73], %swap3A_76 {strides = array<i32>} : memref<128x128xf32, #tpu.memory_space<vmem>>, vector<1x16xf32>,
      %broadcast_in_dim3A_77 = arith.constant 0.000000e+00 : f32
      %broadcast_in_dim3A_78 = vector.broadcast %broadcast_in_dim3A_77 : f32 to vector<16xf32>
      %swap3A_79 = arith.index_cast %scan3A_28 : i32 to index
      %swap3A_80 = arith.constant 112 : index
      %swap3A_81 = tpu.vector_load %arg8[%swap3A_79, %swap3A_80] {strides = array<i32>} : memref<128x128xf32, #tpu.memory_space<vmem>>, vector<1x16xf32>,
      %swap3A_82 = vector.shape_cast %swap3A_81 : vector<1x16xf32> to vector<16xf32>
      %swap3A_83 = vector.shape_cast %broadcast_in_dim3A_78 : vector<16xf32> to vector<1x16xf32>
      tpu.vector_store %arg8[%swap3A_79, %swap3A_80], %swap3A_83 {strides = array<i32>} : memref<128x128xf32, #tpu.memory_space<vmem>>, vector<1x16xf32>,
      %scan3A_84 = arith.constant 0 : i32
      scf.yield %scan3A_84 : i32
    }
    %scan3A_5 = arith.constant 128 : i32
    %mul3A = arith.constant 632 : i32
    %mul3A_6 = arith.muli %arg1, %mul3A : i32
    %add3A = arith.constant 0 : i32
    %add3A_7 = arith.addi %mul3A_6, %add3A : i32
    "tpu.region"() ({
      %run_scoped3A = tpu.sem_alloc : memref<!tpu.dma_semaphore, #tpu.memory_space<semaphore_mem>>
      %dma_start3A = arith.constant 0 : i32
      %dma_start3A_28 = tpu.memref_slice %arg9[%add3A_7, %dma_start3A] : memref<10112x128xf32, #tpu.memory_space<vmem_shared>> -> memref<128x128xf32, #tpu.memory_space<vmem_shared>>
      %dma_start3A_29 = arith.constant 0 : i32
      %dma_start3A_30 = tpu.memref_slice %arg9[%add3A_7, %dma_start3A_29] : memref<10112x128xf32, #tpu.memory_space<vmem_shared>> -> memref<128x128xf32, #tpu.memory_space<vmem_shared>>
      tpu.enqueue_dma source(%arg8 : memref<128x128xf32, #tpu.memory_space<vmem>>) target(%dma_start3A_30 : memref<128x128xf32, #tpu.memory_space<vmem_shared>>) target_semaphore(%run_scoped3A : memref<!tpu.dma_semaphore, #tpu.memory_space<semaphore_mem>>)
      %dma_wait3A = arith.constant 0 : i32
      %dma_wait3A_31 = tpu.memref_slice %arg9[%add3A_7, %dma_wait3A] : memref<10112x128xf32, #tpu.memory_space<vmem_shared>> -> memref<128x128xf32, #tpu.memory_space<vmem_shared>>
      %dma_wait3A_32 = arith.constant 0 : i32
      %dma_wait3A_33 = tpu.memref_slice %arg9[%add3A_7, %dma_wait3A_32] : memref<10112x128xf32, #tpu.memory_space<vmem_shared>> -> memref<128x128xf32, #tpu.memory_space<vmem_shared>>
      tpu.wait_dma2 semaphore(%run_scoped3A : memref<!tpu.dma_semaphore, #tpu.memory_space<semaphore_mem>>) src(%arg8 : memref<128x128xf32, #tpu.memory_space<vmem>>) dst(%dma_wait3A_33 : memref<128x128xf32, #tpu.memory_space<vmem_shared>>)
      tpu.yield
    }) : () -> ()
    %add3A_8 = arith.constant 128 : i32
    %add3A_9 = arith.addi %mul3A_6, %add3A_8 : i32
    "tpu.region"() ({
      %run_scoped3A = tpu.sem_alloc : memref<!tpu.dma_semaphore, #tpu.memory_space<semaphore_mem>>
      %dma_start3A = arith.constant 0 : i32
      %dma_start3A_28 = tpu.memref_slice %arg9[%add3A_9, %dma_start3A] : memref<10112x128xf32, #tpu.memory_space<vmem_shared>> -> memref<128x128xf32, #tpu.memory_space<vmem_shared>>
      %dma_start3A_29 = arith.constant 0 : i32
      %dma_start3A_30 = tpu.memref_slice %arg9[%add3A_9, %dma_start3A_29] : memref<10112x128xf32, #tpu.memory_space<vmem_shared>> -> memref<128x128xf32, #tpu.memory_space<vmem_shared>>
      tpu.enqueue_dma source(%arg8 : memref<128x128xf32, #tpu.memory_space<vmem>>) target(%dma_start3A_30 : memref<128x128xf32, #tpu.memory_space<vmem_shared>>) target_semaphore(%run_scoped3A : memref<!tpu.dma_semaphore, #tpu.memory_space<semaphore_mem>>)
      %dma_wait3A = arith.constant 0 : i32
      %dma_wait3A_31 = tpu.memref_slice %arg9[%add3A_9, %dma_wait3A] : memref<10112x128xf32, #tpu.memory_space<vmem_shared>> -> memref<128x128xf32, #tpu.memory_space<vmem_shared>>
      %dma_wait3A_32 = arith.constant 0 : i32
      %dma_wait3A_33 = tpu.memref_slice %arg9[%add3A_9, %dma_wait3A_32] : memref<10112x128xf32, #tpu.memory_space<vmem_shared>> -> memref<128x128xf32, #tpu.memory_space<vmem_shared>>
      tpu.wait_dma2 semaphore(%run_scoped3A : memref<!tpu.dma_semaphore, #tpu.memory_space<semaphore_mem>>) src(%arg8 : memref<128x128xf32, #tpu.memory_space<vmem>>) dst(%dma_wait3A_33 : memref<128x128xf32, #tpu.memory_space<vmem_shared>>)
      tpu.yield
    }) : () -> ()
    %add3A_10 = arith.constant 256 : i32
    %add3A_11 = arith.addi %mul3A_6, %add3A_10 : i32
    "tpu.region"() ({
      %run_scoped3A = tpu.sem_alloc : memref<!tpu.dma_semaphore, #tpu.memory_space<semaphore_mem>>
      %dma_start3A = arith.constant 0 : i32
      %dma_start3A_28 = tpu.memref_slice %arg9[%add3A_11, %dma_start3A] : memref<10112x128xf32, #tpu.memory_space<vmem_shared>> -> memref<128x128xf32, #tpu.memory_space<vmem_shared>>
      %dma_start3A_29 = arith.constant 0 : i32
      %dma_start3A_30 = tpu.memref_slice %arg9[%add3A_11, %dma_start3A_29] : memref<10112x128xf32, #tpu.memory_space<vmem_shared>> -> memref<128x128xf32, #tpu.memory_space<vmem_shared>>
      tpu.enqueue_dma source(%arg8 : memref<128x128xf32, #tpu.memory_space<vmem>>) target(%dma_start3A_30 : memref<128x128xf32, #tpu.memory_space<vmem_shared>>) target_semaphore(%run_scoped3A : memref<!tpu.dma_semaphore, #tpu.memory_space<semaphore_mem>>)
      %dma_wait3A = arith.constant 0 : i32
      %dma_wait3A_31 = tpu.memref_slice %arg9[%add3A_11, %dma_wait3A] : memref<10112x128xf32, #tpu.memory_space<vmem_shared>> -> memref<128x128xf32, #tpu.memory_space<vmem_shared>>
      %dma_wait3A_32 = arith.constant 0 : i32
      %dma_wait3A_33 = tpu.memref_slice %arg9[%add3A_11, %dma_wait3A_32] : memref<10112x128xf32, #tpu.memory_space<vmem_shared>> -> memref<128x128xf32, #tpu.memory_space<vmem_shared>>
      tpu.wait_dma2 semaphore(%run_scoped3A : memref<!tpu.dma_semaphore, #tpu.memory_space<semaphore_mem>>) src(%arg8 : memref<128x128xf32, #tpu.memory_space<vmem>>) dst(%dma_wait3A_33 : memref<128x128xf32, #tpu.memory_space<vmem_shared>>)
      tpu.yield
    }) : () -> ()
    %add3A_12 = arith.constant 384 : i32
    %add3A_13 = arith.addi %mul3A_6, %add3A_12 : i32
    "tpu.region"() ({
      %run_scoped3A = tpu.sem_alloc : memref<!tpu.dma_semaphore, #tpu.memory_space<semaphore_mem>>
      %dma_start3A = arith.constant 0 : i32
      %dma_start3A_28 = tpu.memref_slice %arg9[%add3A_13, %dma_start3A] : memref<10112x128xf32, #tpu.memory_space<vmem_shared>> -> memref<128x128xf32, #tpu.memory_space<vmem_shared>>
      %dma_start3A_29 = arith.constant 0 : i32
      %dma_start3A_30 = tpu.memref_slice %arg9[%add3A_13, %dma_start3A_29] : memref<10112x128xf32, #tpu.memory_space<vmem_shared>> -> memref<128x128xf32, #tpu.memory_space<vmem_shared>>
      tpu.enqueue_dma source(%arg8 : memref<128x128xf32, #tpu.memory_space<vmem>>) target(%dma_start3A_30 : memref<128x128xf32, #tpu.memory_space<vmem_shared>>) target_semaphore(%run_scoped3A : memref<!tpu.dma_semaphore, #tpu.memory_space<semaphore_mem>>)
      %dma_wait3A = arith.constant 0 : i32
      %dma_wait3A_31 = tpu.memref_slice %arg9[%add3A_13, %dma_wait3A] : memref<10112x128xf32, #tpu.memory_space<vmem_shared>> -> memref<128x128xf32, #tpu.memory_space<vmem_shared>>
      %dma_wait3A_32 = arith.constant 0 : i32
      %dma_wait3A_33 = tpu.memref_slice %arg9[%add3A_13, %dma_wait3A_32] : memref<10112x128xf32, #tpu.memory_space<vmem_shared>> -> memref<128x128xf32, #tpu.memory_space<vmem_shared>>
      tpu.wait_dma2 semaphore(%run_scoped3A : memref<!tpu.dma_semaphore, #tpu.memory_space<semaphore_mem>>) src(%arg8 : memref<128x128xf32, #tpu.memory_space<vmem>>) dst(%dma_wait3A_33 : memref<128x128xf32, #tpu.memory_space<vmem_shared>>)
      tpu.yield
    }) : () -> ()
    %add3A_14 = arith.constant 512 : i32
    %add3A_15 = arith.addi %mul3A_6, %add3A_14 : i32
    "tpu.region"() ({
      %run_scoped3A = tpu.sem_alloc : memref<!tpu.dma_semaphore, #tpu.memory_space<semaphore_mem>>
      %dma_start3A = arith.constant 0 : i32
      %dma_start3A_28 = arith.constant 0 : i32
      %dma_start3A_29 = tpu.memref_slice %arg8[%dma_start3A, %dma_start3A_28] : memref<128x128xf32, #tpu.memory_space<vmem>> -> memref<120x128xf32, #tpu.memory_space<vmem>>
      %dma_start3A_30 = arith.constant 0 : i32
      %dma_start3A_31 = tpu.memref_slice %arg9[%add3A_15, %dma_start3A_30] : memref<10112x128xf32, #tpu.memory_space<vmem_shared>> -> memref<120x128xf32, #tpu.memory_space<vmem_shared>>
      %dma_start3A_32 = arith.constant 0 : i32
      %dma_start3A_33 = tpu.memref_slice %arg9[%add3A_15, %dma_start3A_32] : memref<10112x128xf32, #tpu.memory_space<vmem_shared>> -> memref<120x128xf32, #tpu.memory_space<vmem_shared>>
      %dma_start3A_34 = arith.constant 0 : i32
      %dma_start3A_35 = arith.constant 0 : i32
      %dma_start3A_36 = tpu.memref_slice %arg8[%dma_start3A_34, %dma_start3A_35] : memref<128x128xf32, #tpu.memory_space<vmem>> -> memref<120x128xf32, #tpu.memory_space<vmem>>
      tpu.enqueue_dma source(%dma_start3A_36 : memref<120x128xf32, #tpu.memory_space<vmem>>) target(%dma_start3A_33 : memref<120x128xf32, #tpu.memory_space<vmem_shared>>) target_semaphore(%run_scoped3A : memref<!tpu.dma_semaphore, #tpu.memory_space<semaphore_mem>>)
      %dma_wait3A = arith.constant 0 : i32
      %dma_wait3A_37 = arith.constant 0 : i32
      %dma_wait3A_38 = tpu.memref_slice %arg8[%dma_wait3A, %dma_wait3A_37] : memref<128x128xf32, #tpu.memory_space<vmem>> -> memref<120x128xf32, #tpu.memory_space<vmem>>
      %dma_wait3A_39 = arith.constant 0 : i32
      %dma_wait3A_40 = tpu.memref_slice %arg9[%add3A_15, %dma_wait3A_39] : memref<10112x128xf32, #tpu.memory_space<vmem_shared>> -> memref<120x128xf32, #tpu.memory_space<vmem_shared>>
      %dma_wait3A_41 = arith.constant 0 : i32
      %dma_wait3A_42 = tpu.memref_slice %arg9[%add3A_15, %dma_wait3A_41] : memref<10112x128xf32, #tpu.memory_space<vmem_shared>> -> memref<120x128xf32, #tpu.memory_space<vmem_shared>>
      %dma_wait3A_43 = arith.constant 0 : i32
      %dma_wait3A_44 = arith.constant 0 : i32
      %dma_wait3A_45 = tpu.memref_slice %arg8[%dma_wait3A_43, %dma_wait3A_44] : memref<128x128xf32, #tpu.memory_space<vmem>> -> memref<120x128xf32, #tpu.memory_space<vmem>>
      tpu.wait_dma2 semaphore(%run_scoped3A : memref<!tpu.dma_semaphore, #tpu.memory_space<semaphore_mem>>) src(%dma_wait3A_45 : memref<120x128xf32, #tpu.memory_space<vmem>>) dst(%dma_wait3A_42 : memref<120x128xf32, #tpu.memory_space<vmem_shared>>)
      tpu.yield
    }) : () -> ()
    %barrier3A = arith.constant 0 : index
    tpu.barrier barrier_id(%barrier3A)
    %scan3A_16 = arith.constant 0 : i32
    %scan3A_17 = arith.constant 0 : i32
    %scan3A_18 = arith.constant 79 : i32
    %scan3A_19 = arith.addi %scan3A_17, %scan3A_18 : i32
    %scan3A_20 = arith.constant 1 : i32
    %scan3A_21 = scf.for %scan3A_28 = %scan3A_17 to %scan3A_19 step %scan3A_20 iter_args(%scan3A_29 = %scan3A_16) -> (i32)  : i32 {
      %dma_start3A = arith.constant 0 : i32
      %dma_start3A_30 = tpu.memref_slice %arg6[%scan3A_28, %dma_start3A] : memref<79x128xi32, #tpu.memory_space<vmem>> -> memref<1x128xi32, #tpu.memory_space<vmem>>
      %dma_start3A_31 = tpu.memref_squeeze %dma_start3A_30 : memref<1x128xi32, #tpu.memory_space<vmem>> -> memref<128xi32, #tpu.memory_space<vmem>>
      %dma_start3A_32 = arith.constant 0 : i32
      %dma_start3A_33 = arith.constant 0 : i32
      %dma_start3A_34 = tpu.memref_slice %arg2[%dma_start3A_32, %dma_start3A_33] : memref<20000x128xf32, #tpu.memory_space<hbm>> -> memref<20000x128xf32, #tpu.memory_space<hbm>>
      tpu.enqueue_indirect_dma source(%dma_start3A_34 : memref<20000x128xf32, #tpu.memory_space<hbm>>) target(%arg8 : memref<128x128xf32, #tpu.memory_space<vmem>>) offsets(%dma_start3A_31 : memref<128xi32, #tpu.memory_space<vmem>>) semaphore(%arg10 : memref<!tpu.dma_semaphore, #tpu.memory_space<semaphore_mem>>)
      %dma_wait3A = arith.constant 0 : i32
      %dma_wait3A_35 = tpu.memref_slice %arg6[%scan3A_28, %dma_wait3A] : memref<79x128xi32, #tpu.memory_space<vmem>> -> memref<1x128xi32, #tpu.memory_space<vmem>>
      %dma_wait3A_36 = tpu.memref_squeeze %dma_wait3A_35 : memref<1x128xi32, #tpu.memory_space<vmem>> -> memref<128xi32, #tpu.memory_space<vmem>>
      %dma_wait3A_37 = arith.constant 0 : i32
      %dma_wait3A_38 = arith.constant 0 : i32
      %dma_wait3A_39 = tpu.memref_slice %arg2[%dma_wait3A_37, %dma_wait3A_38] : memref<20000x128xf32, #tpu.memory_space<hbm>> -> memref<20000x128xf32, #tpu.memory_space<hbm>>
      tpu.wait_indirect_dma semaphore(%arg10 : memref<!tpu.dma_semaphore, #tpu.memory_space<semaphore_mem>>) src(%dma_wait3A_39 : memref<20000x128xf32, #tpu.memory_space<hbm>>) dst(%arg8 : memref<128x128xf32, #tpu.memory_space<vmem>>)
      "tpu.region"() ({
        %run_scoped3A = tpu.sem_alloc : memref<!tpu.dma_semaphore, #tpu.memory_space<semaphore_mem>>
        %dma_start3A_41 = arith.constant 0 : i32
        %dma_start3A_42 = tpu.memref_slice %arg7[%scan3A_28, %dma_start3A_41] : memref<79x128xi32, #tpu.memory_space<vmem>> -> memref<1x128xi32, #tpu.memory_space<vmem>>
        %dma_start3A_43 = tpu.memref_squeeze %dma_start3A_42 : memref<1x128xi32, #tpu.memory_space<vmem>> -> memref<128xi32, #tpu.memory_space<vmem>>
        %dma_start3A_44 = arith.constant 0 : i32
        %dma_start3A_45 = arith.constant 0 : i32
        %dma_start3A_46 = tpu.memref_slice %arg9[%dma_start3A_44, %dma_start3A_45] : memref<10112x128xf32, #tpu.memory_space<vmem_shared>> -> memref<10112x128xf32, #tpu.memory_space<vmem_shared>>
        tpu.enqueue_indirect_dma source(%arg8 : memref<128x128xf32, #tpu.memory_space<vmem>>) target(%dma_start3A_46 : memref<10112x128xf32, #tpu.memory_space<vmem_shared>>) offsets(%dma_start3A_43 : memref<128xi32, #tpu.memory_space<vmem>>) semaphore(%run_scoped3A : memref<!tpu.dma_semaphore, #tpu.memory_space<semaphore_mem>>) {add = true}
        %dma_wait3A_47 = arith.constant 0 : i32
        %dma_wait3A_48 = tpu.memref_slice %arg7[%scan3A_28, %dma_wait3A_47] : memref<79x128xi32, #tpu.memory_space<vmem>> -> memref<1x128xi32, #tpu.memory_space<vmem>>
        %dma_wait3A_49 = tpu.memref_squeeze %dma_wait3A_48 : memref<1x128xi32, #tpu.memory_space<vmem>> -> memref<128xi32, #tpu.memory_space<vmem>>
        %dma_wait3A_50 = arith.constant 0 : i32
        %dma_wait3A_51 = arith.constant 0 : i32
        %dma_wait3A_52 = tpu.memref_slice %arg9[%dma_wait3A_50, %dma_wait3A_51] : memref<10112x128xf32, #tpu.memory_space<vmem_shared>> -> memref<10112x128xf32, #tpu.memory_space<vmem_shared>>
        tpu.wait_indirect_dma semaphore(%run_scoped3A : memref<!tpu.dma_semaphore, #tpu.memory_space<semaphore_mem>>) src(%arg8 : memref<128x128xf32, #tpu.memory_space<vmem>>) dst(%dma_wait3A_52 : memref<10112x128xf32, #tpu.memory_space<vmem_shared>>)
        tpu.yield
      }) : () -> ()
      %scan3A_40 = arith.constant 0 : i32
      scf.yield %scan3A_40 : i32
    }
    %scan3A_22 = arith.constant 79 : i32
    %barrier3A_23 = arith.constant 0 : index
    tpu.barrier barrier_id(%barrier3A_23)
    %mul3A_24 = arith.constant 624 : i32
    %mul3A_25 = arith.muli %arg1, %mul3A_24 : i32
    "tpu.region"() ({
      %run_scoped3A = tpu.sem_alloc : memref<!tpu.dma_semaphore, #tpu.memory_space<semaphore_mem>>
      %dma_start3A = arith.constant 0 : i32
      %dma_start3A_28 = tpu.memref_slice %arg5[%arg0, %mul3A_25, %dma_start3A] : memref<2x10000x128xf32, #tpu.memory_space<hbm>> -> memref<1x624x128xf32, #tpu.memory_space<hbm>>
      %dma_start3A_29 = tpu.memref_squeeze %dma_start3A_28 : memref<1x624x128xf32, #tpu.memory_space<hbm>> -> memref<624x128xf32, #tpu.memory_space<hbm>>
      %dma_start3A_30 = arith.constant 0 : i32
      %dma_start3A_31 = tpu.memref_slice %arg9[%mul3A_25, %dma_start3A_30] : memref<10112x128xf32, #tpu.memory_space<vmem_shared>> -> memref<624x128xf32, #tpu.memory_space<vmem_shared>>
      tpu.enqueue_dma source(%dma_start3A_31 : memref<624x128xf32, #tpu.memory_space<vmem_shared>>) target(%dma_start3A_29 : memref<624x128xf32, #tpu.memory_space<hbm>>) target_semaphore(%run_scoped3A : memref<!tpu.dma_semaphore, #tpu.memory_space<semaphore_mem>>)
      %dma_wait3A = arith.constant 0 : i32
      %dma_wait3A_32 = tpu.memref_slice %arg5[%arg0, %mul3A_25, %dma_wait3A] : memref<2x10000x128xf32, #tpu.memory_space<hbm>> -> memref<1x624x128xf32, #tpu.memory_space<hbm>>
      %dma_wait3A_33 = tpu.memref_squeeze %dma_wait3A_32 : memref<1x624x128xf32, #tpu.memory_space<hbm>> -> memref<624x128xf32, #tpu.memory_space<hbm>>
      %dma_wait3A_34 = arith.constant 0 : i32
      %dma_wait3A_35 = tpu.memref_slice %arg9[%mul3A_25, %dma_wait3A_34] : memref<10112x128xf32, #tpu.memory_space<vmem_shared>> -> memref<624x128xf32, #tpu.memory_space<vmem_shared>>
      tpu.wait_dma2 semaphore(%run_scoped3A : memref<!tpu.dma_semaphore, #tpu.memory_space<semaphore_mem>>) src(%dma_wait3A_35 : memref<624x128xf32, #tpu.memory_space<vmem_shared>>) dst(%dma_wait3A_33 : memref<624x128xf32, #tpu.memory_space<hbm>>)
      tpu.yield
    }) : () -> ()
    %eq3A = arith.constant 15 : i32
    %eq3A_26 = arith.cmpi eq, %arg1, %eq3A : i32
    %convert_element_type3A = arith.extui %eq3A_26 : i1 to i32
    %cond3A = arith.constant 0 : i32
    %cond3A_27 = arith.cmpi ne, %convert_element_type3A, %cond3A : i32
    scf.if %cond3A_27 {
      "tpu.region"() ({
        %run_scoped3A = tpu.sem_alloc : memref<!tpu.dma_semaphore, #tpu.memory_space<semaphore_mem>>
        %dma_start3A = arith.constant 9984 : i32
        %dma_start3A_28 = arith.constant 0 : i32
        %dma_start3A_29 = tpu.memref_slice %arg5[%arg0, %dma_start3A, %dma_start3A_28] : memref<2x10000x128xf32, #tpu.memory_space<hbm>> -> memref<1x16x128xf32, #tpu.memory_space<hbm>>
        %dma_start3A_30 = tpu.memref_squeeze %dma_start3A_29 : memref<1x16x128xf32, #tpu.memory_space<hbm>> -> memref<16x128xf32, #tpu.memory_space<hbm>>
        %dma_start3A_31 = arith.constant 9984 : i32
        %dma_start3A_32 = arith.constant 0 : i32
        %dma_start3A_33 = tpu.memref_slice %arg9[%dma_start3A_31, %dma_start3A_32] : memref<10112x128xf32, #tpu.memory_space<vmem_shared>> -> memref<16x128xf32, #tpu.memory_space<vmem_shared>>
        tpu.enqueue_dma source(%dma_start3A_33 : memref<16x128xf32, #tpu.memory_space<vmem_shared>>) target(%dma_start3A_30 : memref<16x128xf32, #tpu.memory_space<hbm>>) target_semaphore(%run_scoped3A : memref<!tpu.dma_semaphore, #tpu.memory_space<semaphore_mem>>)
        %dma_wait3A = arith.constant 9984 : i32
        %dma_wait3A_34 = arith.constant 0 : i32
        %dma_wait3A_35 = tpu.memref_slice %arg5[%arg0, %dma_wait3A, %dma_wait3A_34] : memref<2x10000x128xf32, #tpu.memory_space<hbm>> -> memref<1x16x128xf32, #tpu.memory_space<hbm>>
        %dma_wait3A_36 = tpu.memref_squeeze %dma_wait3A_35 : memref<1x16x128xf32, #tpu.memory_space<hbm>> -> memref<16x128xf32, #tpu.memory_space<hbm>>
        %dma_wait3A_37 = arith.constant 9984 : i32
        %dma_wait3A_38 = arith.constant 0 : i32
        %dma_wait3A_39 = tpu.memref_slice %arg9[%dma_wait3A_37, %dma_wait3A_38] : memref<10112x128xf32, #tpu.memory_space<vmem_shared>> -> memref<16x128xf32, #tpu.memory_space<vmem_shared>>
        tpu.wait_dma2 semaphore(%run_scoped3A : memref<!tpu.dma_semaphore, #tpu.memory_space<semaphore_mem>>) src(%dma_wait3A_39 : memref<16x128xf32, #tpu.memory_space<vmem_shared>>) dst(%dma_wait3A_36 : memref<16x128xf32, #tpu.memory_space<hbm>>)
        tpu.yield
      }) : () -> ()
    } else {
    }
    return
  }
}

#map = affine_map<(d0, d1) -> (0, 0)>
#map1 = affine_map<(d0, d1) -> (0, 0, 0, 0)>
#map2 = affine_map<(d0, d1) -> (0, 0, 0)>
module attributes {stable_mosaic.version = 14 : i64} {
  func.func @_segsum_body(%arg0: i32, %arg1: i32, %arg2: memref<20000x128xf32, #tpu.memory_space<hbm>>, %arg3: memref<2x16x79x128xi32, #tpu.memory_space<hbm>>, %arg4: memref<16x79x128xi32, #tpu.memory_space<hbm>>, %arg5: memref<2x10000x128xf32, #tpu.memory_space<hbm>>, %arg6: memref<79x128xi32, #tpu.memory_space<vmem>>, %arg7: memref<79x128xi32, #tpu.memory_space<vmem>>, %arg8: memref<128x128xf32, #tpu.memory_space<vmem>>, %arg9: memref<10112x128xf32, #tpu.memory_space<vmem_shared>>, %arg10: memref<!tpu.dma_semaphore, #tpu.memory_space<semaphore_mem>>) attributes {dimension_semantics = [#tpu.dimension_semantics<core_parallel>, #tpu.dimension_semantics<subcore_parallel>], iteration_bounds = array<i64: 2, 16>, scalar_prefetch = 0 : i64, scratch_operands = 5 : i64, tpu.core_type = #tpu.core_type<sc_vector_subcore>, window_params = [{transform_indices = #map}, {transform_indices = #map1}, {transform_indices = #map2}, {transform_indices = #map2}]} {
    "tpu.region"() ({
      %run_scoped3A = tpu.sem_alloc : memref<!tpu.dma_semaphore, #tpu.memory_space<semaphore_mem>>
      %dma_start3A = arith.constant 0 : i32
      %dma_start3A_28 = arith.constant 0 : i32
      %dma_start3A_29 = tpu.memref_slice %arg3[%arg0, %arg1, %dma_start3A, %dma_start3A_28] : memref<2x16x79x128xi32, #tpu.memory_space<hbm>> -> memref<1x1x79x128xi32, #tpu.memory_space<hbm>>
      %dma_start3A_30 = tpu.memref_squeeze %dma_start3A_29 : memref<1x1x79x128xi32, #tpu.memory_space<hbm>> -> memref<79x128xi32, #tpu.memory_space<hbm>>
      %dma_start3A_31 = arith.constant 0 : i32
      %dma_start3A_32 = arith.constant 0 : i32
      %dma_start3A_33 = tpu.memref_slice %arg3[%arg0, %arg1, %dma_start3A_31, %dma_start3A_32] : memref<2x16x79x128xi32, #tpu.memory_space<hbm>> -> memref<1x1x79x128xi32, #tpu.memory_space<hbm>>
      %dma_start3A_34 = tpu.memref_squeeze %dma_start3A_33 : memref<1x1x79x128xi32, #tpu.memory_space<hbm>> -> memref<79x128xi32, #tpu.memory_space<hbm>>
      tpu.enqueue_dma source(%dma_start3A_34 : memref<79x128xi32, #tpu.memory_space<hbm>>) target(%arg6 : memref<79x128xi32, #tpu.memory_space<vmem>>) target_semaphore(%run_scoped3A : memref<!tpu.dma_semaphore, #tpu.memory_space<semaphore_mem>>)
      %dma_wait3A = arith.constant 0 : i32
      %dma_wait3A_35 = arith.constant 0 : i32
      %dma_wait3A_36 = tpu.memref_slice %arg3[%arg0, %arg1, %dma_wait3A, %dma_wait3A_35] : memref<2x16x79x128xi32, #tpu.memory_space<hbm>> -> memref<1x1x79x128xi32, #tpu.memory_space<hbm>>
      %dma_wait3A_37 = tpu.memref_squeeze %dma_wait3A_36 : memref<1x1x79x128xi32, #tpu.memory_space<hbm>> -> memref<79x128xi32, #tpu.memory_space<hbm>>
      %dma_wait3A_38 = arith.constant 0 : i32
      %dma_wait3A_39 = arith.constant 0 : i32
      %dma_wait3A_40 = tpu.memref_slice %arg3[%arg0, %arg1, %dma_wait3A_38, %dma_wait3A_39] : memref<2x16x79x128xi32, #tpu.memory_space<hbm>> -> memref<1x1x79x128xi32, #tpu.memory_space<hbm>>
      %dma_wait3A_41 = tpu.memref_squeeze %dma_wait3A_40 : memref<1x1x79x128xi32, #tpu.memory_space<hbm>> -> memref<79x128xi32, #tpu.memory_space<hbm>>
      tpu.wait_dma2 semaphore(%run_scoped3A : memref<!tpu.dma_semaphore, #tpu.memory_space<semaphore_mem>>) src(%dma_wait3A_41 : memref<79x128xi32, #tpu.memory_space<hbm>>) dst(%arg6 : memref<79x128xi32, #tpu.memory_space<vmem>>)
      tpu.yield
    }) : () -> ()
    "tpu.region"() ({
      %run_scoped3A = tpu.sem_alloc : memref<!tpu.dma_semaphore, #tpu.memory_space<semaphore_mem>>
      %dma_start3A = arith.constant 0 : i32
      %dma_start3A_28 = arith.constant 0 : i32
      %dma_start3A_29 = tpu.memref_slice %arg4[%arg1, %dma_start3A, %dma_start3A_28] : memref<16x79x128xi32, #tpu.memory_space<hbm>> -> memref<1x79x128xi32, #tpu.memory_space<hbm>>
      %dma_start3A_30 = tpu.memref_squeeze %dma_start3A_29 : memref<1x79x128xi32, #tpu.memory_space<hbm>> -> memref<79x128xi32, #tpu.memory_space<hbm>>
      %dma_start3A_31 = arith.constant 0 : i32
      %dma_start3A_32 = arith.constant 0 : i32
      %dma_start3A_33 = tpu.memref_slice %arg4[%arg1, %dma_start3A_31, %dma_start3A_32] : memref<16x79x128xi32, #tpu.memory_space<hbm>> -> memref<1x79x128xi32, #tpu.memory_space<hbm>>
      %dma_start3A_34 = tpu.memref_squeeze %dma_start3A_33 : memref<1x79x128xi32, #tpu.memory_space<hbm>> -> memref<79x128xi32, #tpu.memory_space<hbm>>
      tpu.enqueue_dma source(%dma_start3A_34 : memref<79x128xi32, #tpu.memory_space<hbm>>) target(%arg7 : memref<79x128xi32, #tpu.memory_space<vmem>>) target_semaphore(%run_scoped3A : memref<!tpu.dma_semaphore, #tpu.memory_space<semaphore_mem>>)
      %dma_wait3A = arith.constant 0 : i32
      %dma_wait3A_35 = arith.constant 0 : i32
      %dma_wait3A_36 = tpu.memref_slice %arg4[%arg1, %dma_wait3A, %dma_wait3A_35] : memref<16x79x128xi32, #tpu.memory_space<hbm>> -> memref<1x79x128xi32, #tpu.memory_space<hbm>>
      %dma_wait3A_37 = tpu.memref_squeeze %dma_wait3A_36 : memref<1x79x128xi32, #tpu.memory_space<hbm>> -> memref<79x128xi32, #tpu.memory_space<hbm>>
      %dma_wait3A_38 = arith.constant 0 : i32
      %dma_wait3A_39 = arith.constant 0 : i32
      %dma_wait3A_40 = tpu.memref_slice %arg4[%arg1, %dma_wait3A_38, %dma_wait3A_39] : memref<16x79x128xi32, #tpu.memory_space<hbm>> -> memref<1x79x128xi32, #tpu.memory_space<hbm>>
      %dma_wait3A_41 = tpu.memref_squeeze %dma_wait3A_40 : memref<1x79x128xi32, #tpu.memory_space<hbm>> -> memref<79x128xi32, #tpu.memory_space<hbm>>
      tpu.wait_dma2 semaphore(%run_scoped3A : memref<!tpu.dma_semaphore, #tpu.memory_space<semaphore_mem>>) src(%dma_wait3A_41 : memref<79x128xi32, #tpu.memory_space<hbm>>) dst(%arg7 : memref<79x128xi32, #tpu.memory_space<vmem>>)
      tpu.yield
    }) : () -> ()
    %scan3A = arith.constant 0 : i32
    %scan3A_0 = arith.constant 0 : i32
    %scan3A_1 = arith.constant 128 : i32
    %scan3A_2 = arith.addi %scan3A_0, %scan3A_1 : i32
    %scan3A_3 = arith.constant 1 : i32
    %scan3A_4 = scf.for %scan3A_28 = %scan3A_0 to %scan3A_2 step %scan3A_3 iter_args(%scan3A_29 = %scan3A) -> (i32)  : i32 {
      %broadcast_in_dim3A = arith.constant 0.000000e+00 : f32
      %broadcast_in_dim3A_30 = vector.broadcast %broadcast_in_dim3A : f32 to vector<16xf32>
      %swap3A = arith.index_cast %scan3A_28 : i32 to index
      %swap3A_31 = arith.constant 0 : index
      %swap3A_32 = tpu.vector_load %arg8[%swap3A, %swap3A_31] {strides = array<i32>} : memref<128x128xf32, #tpu.memory_space<vmem>>, vector<1x16xf32>,
      %swap3A_33 = vector.shape_cast %swap3A_32 : vector<1x16xf32> to vector<16xf32>
      %swap3A_34 = vector.shape_cast %broadcast_in_dim3A_30 : vector<16xf32> to vector<1x16xf32>
      tpu.vector_store %arg8[%swap3A, %swap3A_31], %swap3A_34 {strides = array<i32>} : memref<128x128xf32, #tpu.memory_space<vmem>>, vector<1x16xf32>,
      %broadcast_in_dim3A_35 = arith.constant 0.000000e+00 : f32
      %broadcast_in_dim3A_36 = vector.broadcast %broadcast_in_dim3A_35 : f32 to vector<16xf32>
      %swap3A_37 = arith.index_cast %scan3A_28 : i32 to index
      %swap3A_38 = arith.constant 16 : index
      %swap3A_39 = tpu.vector_load %arg8[%swap3A_37, %swap3A_38] {strides = array<i32>} : memref<128x128xf32, #tpu.memory_space<vmem>>, vector<1x16xf32>,
      %swap3A_40 = vector.shape_cast %swap3A_39 : vector<1x16xf32> to vector<16xf32>
      %swap3A_41 = vector.shape_cast %broadcast_in_dim3A_36 : vector<16xf32> to vector<1x16xf32>
      tpu.vector_store %arg8[%swap3A_37, %swap3A_38], %swap3A_41 {strides = array<i32>} : memref<128x128xf32, #tpu.memory_space<vmem>>, vector<1x16xf32>,
      %broadcast_in_dim3A_42 = arith.constant 0.000000e+00 : f32
      %broadcast_in_dim3A_43 = vector.broadcast %broadcast_in_dim3A_42 : f32 to vector<16xf32>
      %swap3A_44 = arith.index_cast %scan3A_28 : i32 to index
      %swap3A_45 = arith.constant 32 : index
      %swap3A_46 = tpu.vector_load %arg8[%swap3A_44, %swap3A_45] {strides = array<i32>} : memref<128x128xf32, #tpu.memory_space<vmem>>, vector<1x16xf32>,
      %swap3A_47 = vector.shape_cast %swap3A_46 : vector<1x16xf32> to vector<16xf32>
      %swap3A_48 = vector.shape_cast %broadcast_in_dim3A_43 : vector<16xf32> to vector<1x16xf32>
      tpu.vector_store %arg8[%swap3A_44, %swap3A_45], %swap3A_48 {strides = array<i32>} : memref<128x128xf32, #tpu.memory_space<vmem>>, vector<1x16xf32>,
      %broadcast_in_dim3A_49 = arith.constant 0.000000e+00 : f32
      %broadcast_in_dim3A_50 = vector.broadcast %broadcast_in_dim3A_49 : f32 to vector<16xf32>
      %swap3A_51 = arith.index_cast %scan3A_28 : i32 to index
      %swap3A_52 = arith.constant 48 : index
      %swap3A_53 = tpu.vector_load %arg8[%swap3A_51, %swap3A_52] {strides = array<i32>} : memref<128x128xf32, #tpu.memory_space<vmem>>, vector<1x16xf32>,
      %swap3A_54 = vector.shape_cast %swap3A_53 : vector<1x16xf32> to vector<16xf32>
      %swap3A_55 = vector.shape_cast %broadcast_in_dim3A_50 : vector<16xf32> to vector<1x16xf32>
      tpu.vector_store %arg8[%swap3A_51, %swap3A_52], %swap3A_55 {strides = array<i32>} : memref<128x128xf32, #tpu.memory_space<vmem>>, vector<1x16xf32>,
      %broadcast_in_dim3A_56 = arith.constant 0.000000e+00 : f32
      %broadcast_in_dim3A_57 = vector.broadcast %broadcast_in_dim3A_56 : f32 to vector<16xf32>
      %swap3A_58 = arith.index_cast %scan3A_28 : i32 to index
      %swap3A_59 = arith.constant 64 : index
      %swap3A_60 = tpu.vector_load %arg8[%swap3A_58, %swap3A_59] {strides = array<i32>} : memref<128x128xf32, #tpu.memory_space<vmem>>, vector<1x16xf32>,
      %swap3A_61 = vector.shape_cast %swap3A_60 : vector<1x16xf32> to vector<16xf32>
      %swap3A_62 = vector.shape_cast %broadcast_in_dim3A_57 : vector<16xf32> to vector<1x16xf32>
      tpu.vector_store %arg8[%swap3A_58, %swap3A_59], %swap3A_62 {strides = array<i32>} : memref<128x128xf32, #tpu.memory_space<vmem>>, vector<1x16xf32>,
      %broadcast_in_dim3A_63 = arith.constant 0.000000e+00 : f32
      %broadcast_in_dim3A_64 = vector.broadcast %broadcast_in_dim3A_63 : f32 to vector<16xf32>
      %swap3A_65 = arith.index_cast %scan3A_28 : i32 to index
      %swap3A_66 = arith.constant 80 : index
      %swap3A_67 = tpu.vector_load %arg8[%swap3A_65, %swap3A_66] {strides = array<i32>} : memref<128x128xf32, #tpu.memory_space<vmem>>, vector<1x16xf32>,
      %swap3A_68 = vector.shape_cast %swap3A_67 : vector<1x16xf32> to vector<16xf32>
      %swap3A_69 = vector.shape_cast %broadcast_in_dim3A_64 : vector<16xf32> to vector<1x16xf32>
      tpu.vector_store %arg8[%swap3A_65, %swap3A_66], %swap3A_69 {strides = array<i32>} : memref<128x128xf32, #tpu.memory_space<vmem>>, vector<1x16xf32>,
      %broadcast_in_dim3A_70 = arith.constant 0.000000e+00 : f32
      %broadcast_in_dim3A_71 = vector.broadcast %broadcast_in_dim3A_70 : f32 to vector<16xf32>
      %swap3A_72 = arith.index_cast %scan3A_28 : i32 to index
      %swap3A_73 = arith.constant 96 : index
      %swap3A_74 = tpu.vector_load %arg8[%swap3A_72, %swap3A_73] {strides = array<i32>} : memref<128x128xf32, #tpu.memory_space<vmem>>, vector<1x16xf32>,
      %swap3A_75 = vector.shape_cast %swap3A_74 : vector<1x16xf32> to vector<16xf32>
      %swap3A_76 = vector.shape_cast %broadcast_in_dim3A_71 : vector<16xf32> to vector<1x16xf32>
      tpu.vector_store %arg8[%swap3A_72, %swap3A_73], %swap3A_76 {strides = array<i32>} : memref<128x128xf32, #tpu.memory_space<vmem>>, vector<1x16xf32>,
      %broadcast_in_dim3A_77 = arith.constant 0.000000e+00 : f32
      %broadcast_in_dim3A_78 = vector.broadcast %broadcast_in_dim3A_77 : f32 to vector<16xf32>
      %swap3A_79 = arith.index_cast %scan3A_28 : i32 to index
      %swap3A_80 = arith.constant 112 : index
      %swap3A_81 = tpu.vector_load %arg8[%swap3A_79, %swap3A_80] {strides = array<i32>} : memref<128x128xf32, #tpu.memory_space<vmem>>, vector<1x16xf32>,
      %swap3A_82 = vector.shape_cast %swap3A_81 : vector<1x16xf32> to vector<16xf32>
      %swap3A_83 = vector.shape_cast %broadcast_in_dim3A_78 : vector<16xf32> to vector<1x16xf32>
      tpu.vector_store %arg8[%swap3A_79, %swap3A_80], %swap3A_83 {strides = array<i32>} : memref<128x128xf32, #tpu.memory_space<vmem>>, vector<1x16xf32>,
      %scan3A_84 = arith.constant 0 : i32
      scf.yield %scan3A_84 : i32
    }
    %scan3A_5 = arith.constant 128 : i32
    %mul3A = arith.constant 632 : i32
    %mul3A_6 = arith.muli %arg1, %mul3A : i32
    %add3A = arith.constant 0 : i32
    %add3A_7 = arith.addi %mul3A_6, %add3A : i32
    "tpu.region"() ({
      %run_scoped3A = tpu.sem_alloc : memref<!tpu.dma_semaphore, #tpu.memory_space<semaphore_mem>>
      %dma_start3A = arith.constant 0 : i32
      %dma_start3A_28 = tpu.memref_slice %arg9[%add3A_7, %dma_start3A] : memref<10112x128xf32, #tpu.memory_space<vmem_shared>> -> memref<128x128xf32, #tpu.memory_space<vmem_shared>>
      %dma_start3A_29 = arith.constant 0 : i32
      %dma_start3A_30 = tpu.memref_slice %arg9[%add3A_7, %dma_start3A_29] : memref<10112x128xf32, #tpu.memory_space<vmem_shared>> -> memref<128x128xf32, #tpu.memory_space<vmem_shared>>
      tpu.enqueue_dma source(%arg8 : memref<128x128xf32, #tpu.memory_space<vmem>>) target(%dma_start3A_30 : memref<128x128xf32, #tpu.memory_space<vmem_shared>>) target_semaphore(%run_scoped3A : memref<!tpu.dma_semaphore, #tpu.memory_space<semaphore_mem>>)
      %dma_wait3A = arith.constant 0 : i32
      %dma_wait3A_31 = tpu.memref_slice %arg9[%add3A_7, %dma_wait3A] : memref<10112x128xf32, #tpu.memory_space<vmem_shared>> -> memref<128x128xf32, #tpu.memory_space<vmem_shared>>
      %dma_wait3A_32 = arith.constant 0 : i32
      %dma_wait3A_33 = tpu.memref_slice %arg9[%add3A_7, %dma_wait3A_32] : memref<10112x128xf32, #tpu.memory_space<vmem_shared>> -> memref<128x128xf32, #tpu.memory_space<vmem_shared>>
      tpu.wait_dma2 semaphore(%run_scoped3A : memref<!tpu.dma_semaphore, #tpu.memory_space<semaphore_mem>>) src(%arg8 : memref<128x128xf32, #tpu.memory_space<vmem>>) dst(%dma_wait3A_33 : memref<128x128xf32, #tpu.memory_space<vmem_shared>>)
      tpu.yield
    }) : () -> ()
    %add3A_8 = arith.constant 128 : i32
    %add3A_9 = arith.addi %mul3A_6, %add3A_8 : i32
    "tpu.region"() ({
      %run_scoped3A = tpu.sem_alloc : memref<!tpu.dma_semaphore, #tpu.memory_space<semaphore_mem>>
      %dma_start3A = arith.constant 0 : i32
      %dma_start3A_28 = tpu.memref_slice %arg9[%add3A_9, %dma_start3A] : memref<10112x128xf32, #tpu.memory_space<vmem_shared>> -> memref<128x128xf32, #tpu.memory_space<vmem_shared>>
      %dma_start3A_29 = arith.constant 0 : i32
      %dma_start3A_30 = tpu.memref_slice %arg9[%add3A_9, %dma_start3A_29] : memref<10112x128xf32, #tpu.memory_space<vmem_shared>> -> memref<128x128xf32, #tpu.memory_space<vmem_shared>>
      tpu.enqueue_dma source(%arg8 : memref<128x128xf32, #tpu.memory_space<vmem>>) target(%dma_start3A_30 : memref<128x128xf32, #tpu.memory_space<vmem_shared>>) target_semaphore(%run_scoped3A : memref<!tpu.dma_semaphore, #tpu.memory_space<semaphore_mem>>)
      %dma_wait3A = arith.constant 0 : i32
      %dma_wait3A_31 = tpu.memref_slice %arg9[%add3A_9, %dma_wait3A] : memref<10112x128xf32, #tpu.memory_space<vmem_shared>> -> memref<128x128xf32, #tpu.memory_space<vmem_shared>>
      %dma_wait3A_32 = arith.constant 0 : i32
      %dma_wait3A_33 = tpu.memref_slice %arg9[%add3A_9, %dma_wait3A_32] : memref<10112x128xf32, #tpu.memory_space<vmem_shared>> -> memref<128x128xf32, #tpu.memory_space<vmem_shared>>
      tpu.wait_dma2 semaphore(%run_scoped3A : memref<!tpu.dma_semaphore, #tpu.memory_space<semaphore_mem>>) src(%arg8 : memref<128x128xf32, #tpu.memory_space<vmem>>) dst(%dma_wait3A_33 : memref<128x128xf32, #tpu.memory_space<vmem_shared>>)
      tpu.yield
    }) : () -> ()
    %add3A_10 = arith.constant 256 : i32
    %add3A_11 = arith.addi %mul3A_6, %add3A_10 : i32
    "tpu.region"() ({
      %run_scoped3A = tpu.sem_alloc : memref<!tpu.dma_semaphore, #tpu.memory_space<semaphore_mem>>
      %dma_start3A = arith.constant 0 : i32
      %dma_start3A_28 = tpu.memref_slice %arg9[%add3A_11, %dma_start3A] : memref<10112x128xf32, #tpu.memory_space<vmem_shared>> -> memref<128x128xf32, #tpu.memory_space<vmem_shared>>
      %dma_start3A_29 = arith.constant 0 : i32
      %dma_start3A_30 = tpu.memref_slice %arg9[%add3A_11, %dma_start3A_29] : memref<10112x128xf32, #tpu.memory_space<vmem_shared>> -> memref<128x128xf32, #tpu.memory_space<vmem_shared>>
      tpu.enqueue_dma source(%arg8 : memref<128x128xf32, #tpu.memory_space<vmem>>) target(%dma_start3A_30 : memref<128x128xf32, #tpu.memory_space<vmem_shared>>) target_semaphore(%run_scoped3A : memref<!tpu.dma_semaphore, #tpu.memory_space<semaphore_mem>>)
      %dma_wait3A = arith.constant 0 : i32
      %dma_wait3A_31 = tpu.memref_slice %arg9[%add3A_11, %dma_wait3A] : memref<10112x128xf32, #tpu.memory_space<vmem_shared>> -> memref<128x128xf32, #tpu.memory_space<vmem_shared>>
      %dma_wait3A_32 = arith.constant 0 : i32
      %dma_wait3A_33 = tpu.memref_slice %arg9[%add3A_11, %dma_wait3A_32] : memref<10112x128xf32, #tpu.memory_space<vmem_shared>> -> memref<128x128xf32, #tpu.memory_space<vmem_shared>>
      tpu.wait_dma2 semaphore(%run_scoped3A : memref<!tpu.dma_semaphore, #tpu.memory_space<semaphore_mem>>) src(%arg8 : memref<128x128xf32, #tpu.memory_space<vmem>>) dst(%dma_wait3A_33 : memref<128x128xf32, #tpu.memory_space<vmem_shared>>)
      tpu.yield
    }) : () -> ()
    %add3A_12 = arith.constant 384 : i32
    %add3A_13 = arith.addi %mul3A_6, %add3A_12 : i32
    "tpu.region"() ({
      %run_scoped3A = tpu.sem_alloc : memref<!tpu.dma_semaphore, #tpu.memory_space<semaphore_mem>>
      %dma_start3A = arith.constant 0 : i32
      %dma_start3A_28 = tpu.memref_slice %arg9[%add3A_13, %dma_start3A] : memref<10112x128xf32, #tpu.memory_space<vmem_shared>> -> memref<128x128xf32, #tpu.memory_space<vmem_shared>>
      %dma_start3A_29 = arith.constant 0 : i32
      %dma_start3A_30 = tpu.memref_slice %arg9[%add3A_13, %dma_start3A_29] : memref<10112x128xf32, #tpu.memory_space<vmem_shared>> -> memref<128x128xf32, #tpu.memory_space<vmem_shared>>
      tpu.enqueue_dma source(%arg8 : memref<128x128xf32, #tpu.memory_space<vmem>>) target(%dma_start3A_30 : memref<128x128xf32, #tpu.memory_space<vmem_shared>>) target_semaphore(%run_scoped3A : memref<!tpu.dma_semaphore, #tpu.memory_space<semaphore_mem>>)
      %dma_wait3A = arith.constant 0 : i32
      %dma_wait3A_31 = tpu.memref_slice %arg9[%add3A_13, %dma_wait3A] : memref<10112x128xf32, #tpu.memory_space<vmem_shared>> -> memref<128x128xf32, #tpu.memory_space<vmem_shared>>
      %dma_wait3A_32 = arith.constant 0 : i32
      %dma_wait3A_33 = tpu.memref_slice %arg9[%add3A_13, %dma_wait3A_32] : memref<10112x128xf32, #tpu.memory_space<vmem_shared>> -> memref<128x128xf32, #tpu.memory_space<vmem_shared>>
      tpu.wait_dma2 semaphore(%run_scoped3A : memref<!tpu.dma_semaphore, #tpu.memory_space<semaphore_mem>>) src(%arg8 : memref<128x128xf32, #tpu.memory_space<vmem>>) dst(%dma_wait3A_33 : memref<128x128xf32, #tpu.memory_space<vmem_shared>>)
      tpu.yield
    }) : () -> ()
    %add3A_14 = arith.constant 512 : i32
    %add3A_15 = arith.addi %mul3A_6, %add3A_14 : i32
    "tpu.region"() ({
      %run_scoped3A = tpu.sem_alloc : memref<!tpu.dma_semaphore, #tpu.memory_space<semaphore_mem>>
      %dma_start3A = arith.constant 0 : i32
      %dma_start3A_28 = arith.constant 0 : i32
      %dma_start3A_29 = tpu.memref_slice %arg8[%dma_start3A, %dma_start3A_28] : memref<128x128xf32, #tpu.memory_space<vmem>> -> memref<120x128xf32, #tpu.memory_space<vmem>>
      %dma_start3A_30 = arith.constant 0 : i32
      %dma_start3A_31 = tpu.memref_slice %arg9[%add3A_15, %dma_start3A_30] : memref<10112x128xf32, #tpu.memory_space<vmem_shared>> -> memref<120x128xf32, #tpu.memory_space<vmem_shared>>
      %dma_start3A_32 = arith.constant 0 : i32
      %dma_start3A_33 = tpu.memref_slice %arg9[%add3A_15, %dma_start3A_32] : memref<10112x128xf32, #tpu.memory_space<vmem_shared>> -> memref<120x128xf32, #tpu.memory_space<vmem_shared>>
      %dma_start3A_34 = arith.constant 0 : i32
      %dma_start3A_35 = arith.constant 0 : i32
      %dma_start3A_36 = tpu.memref_slice %arg8[%dma_start3A_34, %dma_start3A_35] : memref<128x128xf32, #tpu.memory_space<vmem>> -> memref<120x128xf32, #tpu.memory_space<vmem>>
      tpu.enqueue_dma source(%dma_start3A_36 : memref<120x128xf32, #tpu.memory_space<vmem>>) target(%dma_start3A_33 : memref<120x128xf32, #tpu.memory_space<vmem_shared>>) target_semaphore(%run_scoped3A : memref<!tpu.dma_semaphore, #tpu.memory_space<semaphore_mem>>)
      %dma_wait3A = arith.constant 0 : i32
      %dma_wait3A_37 = arith.constant 0 : i32
      %dma_wait3A_38 = tpu.memref_slice %arg8[%dma_wait3A, %dma_wait3A_37] : memref<128x128xf32, #tpu.memory_space<vmem>> -> memref<120x128xf32, #tpu.memory_space<vmem>>
      %dma_wait3A_39 = arith.constant 0 : i32
      %dma_wait3A_40 = tpu.memref_slice %arg9[%add3A_15, %dma_wait3A_39] : memref<10112x128xf32, #tpu.memory_space<vmem_shared>> -> memref<120x128xf32, #tpu.memory_space<vmem_shared>>
      %dma_wait3A_41 = arith.constant 0 : i32
      %dma_wait3A_42 = tpu.memref_slice %arg9[%add3A_15, %dma_wait3A_41] : memref<10112x128xf32, #tpu.memory_space<vmem_shared>> -> memref<120x128xf32, #tpu.memory_space<vmem_shared>>
      %dma_wait3A_43 = arith.constant 0 : i32
      %dma_wait3A_44 = arith.constant 0 : i32
      %dma_wait3A_45 = tpu.memref_slice %arg8[%dma_wait3A_43, %dma_wait3A_44] : memref<128x128xf32, #tpu.memory_space<vmem>> -> memref<120x128xf32, #tpu.memory_space<vmem>>
      tpu.wait_dma2 semaphore(%run_scoped3A : memref<!tpu.dma_semaphore, #tpu.memory_space<semaphore_mem>>) src(%dma_wait3A_45 : memref<120x128xf32, #tpu.memory_space<vmem>>) dst(%dma_wait3A_42 : memref<120x128xf32, #tpu.memory_space<vmem_shared>>)
      tpu.yield
    }) : () -> ()
    %barrier3A = arith.constant 0 : index
    tpu.barrier barrier_id(%barrier3A)
    %scan3A_16 = arith.constant 0 : i32
    %scan3A_17 = arith.constant 0 : i32
    %scan3A_18 = arith.constant 79 : i32
    %scan3A_19 = arith.addi %scan3A_17, %scan3A_18 : i32
    %scan3A_20 = arith.constant 1 : i32
    %scan3A_21 = scf.for %scan3A_28 = %scan3A_17 to %scan3A_19 step %scan3A_20 iter_args(%scan3A_29 = %scan3A_16) -> (i32)  : i32 {
      %dma_start3A = arith.constant 0 : i32
      %dma_start3A_30 = tpu.memref_slice %arg6[%scan3A_28, %dma_start3A] : memref<79x128xi32, #tpu.memory_space<vmem>> -> memref<1x128xi32, #tpu.memory_space<vmem>>
      %dma_start3A_31 = tpu.memref_squeeze %dma_start3A_30 : memref<1x128xi32, #tpu.memory_space<vmem>> -> memref<128xi32, #tpu.memory_space<vmem>>
      %dma_start3A_32 = arith.constant 0 : i32
      %dma_start3A_33 = arith.constant 0 : i32
      %dma_start3A_34 = tpu.memref_slice %arg2[%dma_start3A_32, %dma_start3A_33] : memref<20000x128xf32, #tpu.memory_space<hbm>> -> memref<20000x128xf32, #tpu.memory_space<hbm>>
      tpu.enqueue_indirect_dma source(%dma_start3A_34 : memref<20000x128xf32, #tpu.memory_space<hbm>>) target(%arg8 : memref<128x128xf32, #tpu.memory_space<vmem>>) offsets(%dma_start3A_31 : memref<128xi32, #tpu.memory_space<vmem>>) semaphore(%arg10 : memref<!tpu.dma_semaphore, #tpu.memory_space<semaphore_mem>>)
      %dma_wait3A = arith.constant 0 : i32
      %dma_wait3A_35 = tpu.memref_slice %arg6[%scan3A_28, %dma_wait3A] : memref<79x128xi32, #tpu.memory_space<vmem>> -> memref<1x128xi32, #tpu.memory_space<vmem>>
      %dma_wait3A_36 = tpu.memref_squeeze %dma_wait3A_35 : memref<1x128xi32, #tpu.memory_space<vmem>> -> memref<128xi32, #tpu.memory_space<vmem>>
      %dma_wait3A_37 = arith.constant 0 : i32
      %dma_wait3A_38 = arith.constant 0 : i32
      %dma_wait3A_39 = tpu.memref_slice %arg2[%dma_wait3A_37, %dma_wait3A_38] : memref<20000x128xf32, #tpu.memory_space<hbm>> -> memref<20000x128xf32, #tpu.memory_space<hbm>>
      tpu.wait_indirect_dma semaphore(%arg10 : memref<!tpu.dma_semaphore, #tpu.memory_space<semaphore_mem>>) src(%dma_wait3A_39 : memref<20000x128xf32, #tpu.memory_space<hbm>>) dst(%arg8 : memref<128x128xf32, #tpu.memory_space<vmem>>)
      "tpu.region"() ({
        %run_scoped3A = tpu.sem_alloc : memref<!tpu.dma_semaphore, #tpu.memory_space<semaphore_mem>>
        %dma_start3A_41 = arith.constant 0 : i32
        %dma_start3A_42 = tpu.memref_slice %arg7[%scan3A_28, %dma_start3A_41] : memref<79x128xi32, #tpu.memory_space<vmem>> -> memref<1x128xi32, #tpu.memory_space<vmem>>
        %dma_start3A_43 = tpu.memref_squeeze %dma_start3A_42 : memref<1x128xi32, #tpu.memory_space<vmem>> -> memref<128xi32, #tpu.memory_space<vmem>>
        %dma_start3A_44 = arith.constant 0 : i32
        %dma_start3A_45 = arith.constant 0 : i32
        %dma_start3A_46 = tpu.memref_slice %arg9[%dma_start3A_44, %dma_start3A_45] : memref<10112x128xf32, #tpu.memory_space<vmem_shared>> -> memref<10112x128xf32, #tpu.memory_space<vmem_shared>>
        tpu.enqueue_indirect_dma source(%arg8 : memref<128x128xf32, #tpu.memory_space<vmem>>) target(%dma_start3A_46 : memref<10112x128xf32, #tpu.memory_space<vmem_shared>>) offsets(%dma_start3A_43 : memref<128xi32, #tpu.memory_space<vmem>>) semaphore(%run_scoped3A : memref<!tpu.dma_semaphore, #tpu.memory_space<semaphore_mem>>) {add = true}
        %dma_wait3A_47 = arith.constant 0 : i32
        %dma_wait3A_48 = tpu.memref_slice %arg7[%scan3A_28, %dma_wait3A_47] : memref<79x128xi32, #tpu.memory_space<vmem>> -> memref<1x128xi32, #tpu.memory_space<vmem>>
        %dma_wait3A_49 = tpu.memref_squeeze %dma_wait3A_48 : memref<1x128xi32, #tpu.memory_space<vmem>> -> memref<128xi32, #tpu.memory_space<vmem>>
        %dma_wait3A_50 = arith.constant 0 : i32
        %dma_wait3A_51 = arith.constant 0 : i32
        %dma_wait3A_52 = tpu.memref_slice %arg9[%dma_wait3A_50, %dma_wait3A_51] : memref<10112x128xf32, #tpu.memory_space<vmem_shared>> -> memref<10112x128xf32, #tpu.memory_space<vmem_shared>>
        tpu.wait_indirect_dma semaphore(%run_scoped3A : memref<!tpu.dma_semaphore, #tpu.memory_space<semaphore_mem>>) src(%arg8 : memref<128x128xf32, #tpu.memory_space<vmem>>) dst(%dma_wait3A_52 : memref<10112x128xf32, #tpu.memory_space<vmem_shared>>)
        tpu.yield
      }) : () -> ()
      %scan3A_40 = arith.constant 0 : i32
      scf.yield %scan3A_40 : i32
    }
    %scan3A_22 = arith.constant 79 : i32
    %barrier3A_23 = arith.constant 0 : index
    tpu.barrier barrier_id(%barrier3A_23)
    %mul3A_24 = arith.constant 624 : i32
    %mul3A_25 = arith.muli %arg1, %mul3A_24 : i32
    "tpu.region"() ({
      %run_scoped3A = tpu.sem_alloc : memref<!tpu.dma_semaphore, #tpu.memory_space<semaphore_mem>>
      %dma_start3A = arith.constant 0 : i32
      %dma_start3A_28 = tpu.memref_slice %arg5[%arg0, %mul3A_25, %dma_start3A] : memref<2x10000x128xf32, #tpu.memory_space<hbm>> -> memref<1x624x128xf32, #tpu.memory_space<hbm>>
      %dma_start3A_29 = tpu.memref_squeeze %dma_start3A_28 : memref<1x624x128xf32, #tpu.memory_space<hbm>> -> memref<624x128xf32, #tpu.memory_space<hbm>>
      %dma_start3A_30 = arith.constant 0 : i32
      %dma_start3A_31 = tpu.memref_slice %arg9[%mul3A_25, %dma_start3A_30] : memref<10112x128xf32, #tpu.memory_space<vmem_shared>> -> memref<624x128xf32, #tpu.memory_space<vmem_shared>>
      tpu.enqueue_dma source(%dma_start3A_31 : memref<624x128xf32, #tpu.memory_space<vmem_shared>>) target(%dma_start3A_29 : memref<624x128xf32, #tpu.memory_space<hbm>>) target_semaphore(%run_scoped3A : memref<!tpu.dma_semaphore, #tpu.memory_space<semaphore_mem>>)
      %dma_wait3A = arith.constant 0 : i32
      %dma_wait3A_32 = tpu.memref_slice %arg5[%arg0, %mul3A_25, %dma_wait3A] : memref<2x10000x128xf32, #tpu.memory_space<hbm>> -> memref<1x624x128xf32, #tpu.memory_space<hbm>>
      %dma_wait3A_33 = tpu.memref_squeeze %dma_wait3A_32 : memref<1x624x128xf32, #tpu.memory_space<hbm>> -> memref<624x128xf32, #tpu.memory_space<hbm>>
      %dma_wait3A_34 = arith.constant 0 : i32
      %dma_wait3A_35 = tpu.memref_slice %arg9[%mul3A_25, %dma_wait3A_34] : memref<10112x128xf32, #tpu.memory_space<vmem_shared>> -> memref<624x128xf32, #tpu.memory_space<vmem_shared>>
      tpu.wait_dma2 semaphore(%run_scoped3A : memref<!tpu.dma_semaphore, #tpu.memory_space<semaphore_mem>>) src(%dma_wait3A_35 : memref<624x128xf32, #tpu.memory_space<vmem_shared>>) dst(%dma_wait3A_33 : memref<624x128xf32, #tpu.memory_space<hbm>>)
      tpu.yield
    }) : () -> ()
    %eq3A = arith.constant 15 : i32
    %eq3A_26 = arith.cmpi eq, %arg1, %eq3A : i32
    %convert_element_type3A = arith.extui %eq3A_26 : i1 to i32
    %cond3A = arith.constant 0 : i32
    %cond3A_27 = arith.cmpi ne, %convert_element_type3A, %cond3A : i32
    scf.if %cond3A_27 {
      "tpu.region"() ({
        %run_scoped3A = tpu.sem_alloc : memref<!tpu.dma_semaphore, #tpu.memory_space<semaphore_mem>>
        %dma_start3A = arith.constant 9984 : i32
        %dma_start3A_28 = arith.constant 0 : i32
        %dma_start3A_29 = tpu.memref_slice %arg5[%arg0, %dma_start3A, %dma_start3A_28] : memref<2x10000x128xf32, #tpu.memory_space<hbm>> -> memref<1x16x128xf32, #tpu.memory_space<hbm>>
        %dma_start3A_30 = tpu.memref_squeeze %dma_start3A_29 : memref<1x16x128xf32, #tpu.memory_space<hbm>> -> memref<16x128xf32, #tpu.memory_space<hbm>>
        %dma_start3A_31 = arith.constant 9984 : i32
        %dma_start3A_32 = arith.constant 0 : i32
        %dma_start3A_33 = tpu.memref_slice %arg9[%dma_start3A_31, %dma_start3A_32] : memref<10112x128xf32, #tpu.memory_space<vmem_shared>> -> memref<16x128xf32, #tpu.memory_space<vmem_shared>>
        tpu.enqueue_dma source(%dma_start3A_33 : memref<16x128xf32, #tpu.memory_space<vmem_shared>>) target(%dma_start3A_30 : memref<16x128xf32, #tpu.memory_space<hbm>>) target_semaphore(%run_scoped3A : memref<!tpu.dma_semaphore, #tpu.memory_space<semaphore_mem>>)
        %dma_wait3A = arith.constant 9984 : i32
        %dma_wait3A_34 = arith.constant 0 : i32
        %dma_wait3A_35 = tpu.memref_slice %arg5[%arg0, %dma_wait3A, %dma_wait3A_34] : memref<2x10000x128xf32, #tpu.memory_space<hbm>> -> memref<1x16x128xf32, #tpu.memory_space<hbm>>
        %dma_wait3A_36 = tpu.memref_squeeze %dma_wait3A_35 : memref<1x16x128xf32, #tpu.memory_space<hbm>> -> memref<16x128xf32, #tpu.memory_space<hbm>>
        %dma_wait3A_37 = arith.constant 9984 : i32
        %dma_wait3A_38 = arith.constant 0 : i32
        %dma_wait3A_39 = tpu.memref_slice %arg9[%dma_wait3A_37, %dma_wait3A_38] : memref<10112x128xf32, #tpu.memory_space<vmem_shared>> -> memref<16x128xf32, #tpu.memory_space<vmem_shared>>
        tpu.wait_dma2 semaphore(%run_scoped3A : memref<!tpu.dma_semaphore, #tpu.memory_space<semaphore_mem>>) src(%dma_wait3A_39 : memref<16x128xf32, #tpu.memory_space<vmem_shared>>) dst(%dma_wait3A_36 : memref<16x128xf32, #tpu.memory_space<hbm>>)
        tpu.yield
      }) : () -> ()
    } else {
    }
    return
  }
}

module attributes {stable_mosaic.version = 14 : i64} {
  func.func @_post_body(%arg0: i32, %arg1: memref<1000x320xf32, #tpu.memory_space<vmem>>, %arg2: memref<320x256xf32, #tpu.memory_space<vmem>>, %arg3: memref<256x256xf32, #tpu.memory_space<vmem>>, %arg4: memref<1x256xf32, #tpu.memory_space<vmem>>, %arg5: memref<1x256xf32, #tpu.memory_space<vmem>>, %arg6: memref<1000x256xf32, #tpu.memory_space<vmem>>) attributes {dimension_semantics = [#tpu.dimension_semantics<arbitrary>], iteration_bounds = array<i64: 10>, scalar_prefetch = 0 : i64, scratch_operands = 0 : i64, tpu.core_type = #tpu.core_type<tc>, window_params = [{transform_indices = @transform_0, window_bounds = array<i64: 1000, 320>}, {pipeline_mode = #tpu.pipeline_mode<synchronous>, transform_indices = @transform_1, window_bounds = array<i64: 320, 256>}, {pipeline_mode = #tpu.pipeline_mode<synchronous>, transform_indices = @transform_2, window_bounds = array<i64: 256, 256>}, {pipeline_mode = #tpu.pipeline_mode<synchronous>, transform_indices = @transform_3, window_bounds = array<i64: 1, 256>}, {pipeline_mode = #tpu.pipeline_mode<synchronous>, transform_indices = @transform_4, window_bounds = array<i64: 1, 256>}, {transform_indices = @transform_5, window_bounds = array<i64: 1000, 256>}]} {
    %get3A = arith.constant 0 : index
    %get3A_0 = arith.constant 0 : index
    %get3A_1 = vector.load %arg1[%get3A, %get3A_0] : memref<1000x320xf32, #tpu.memory_space<vmem>>, vector<1000x320xf32>
    %get3A_2 = arith.constant 0 : index
    %get3A_3 = arith.constant 0 : index
    %get3A_4 = vector.load %arg2[%get3A_2, %get3A_3] : memref<320x256xf32, #tpu.memory_space<vmem>>, vector<320x256xf32>
    %dot_general3A = arith.constant dense<0.000000e+00> : vector<1000x256xf32>
    %dot_general3A_5 = tpu.matmul %get3A_1, %get3A_4, %dot_general3A {dimension_numbers = #tpu.dot_dimension_numbers<[1], [0], [0], [1], [0, 0, 1, 1], [], []>, transpose_lhs_hint = false} : vector<1000x320xf32>, vector<320x256xf32>, vector<1000x256xf32> -> vector<1000x256xf32>
    %ge3A = arith.constant 0.000000e+00 : f32
    %ge3A_6 = vector.broadcast %ge3A : f32 to vector<1000x256xf32>
    %ge3A_7 = arith.cmpf oge, %dot_general3A_5, %ge3A_6 : vector<1000x256xf32>
    %mul3A = arith.constant 2.000000e-01 : f32
    %mul3A_8 = vector.broadcast %mul3A : f32 to vector<1000x256xf32>
    %mul3A_9 = arith.mulf %mul3A_8, %dot_general3A_5 : vector<1000x256xf32>
    %select_n3A = arith.select %ge3A_7, %dot_general3A_5, %mul3A_9 : vector<1000x256xi1>, vector<1000x256xf32>
    %get3A_10 = arith.constant 0 : index
    %get3A_11 = arith.constant 0 : index
    %get3A_12 = vector.load %arg3[%get3A_10, %get3A_11] : memref<256x256xf32, #tpu.memory_space<vmem>>, vector<256x256xf32>
    %dot_general3A_13 = arith.constant dense<0.000000e+00> : vector<1000x256xf32>
    %dot_general3A_14 = tpu.matmul %select_n3A, %get3A_12, %dot_general3A_13 {dimension_numbers = #tpu.dot_dimension_numbers<[1], [0], [0], [1], [0, 0, 1, 1], [], []>, transpose_lhs_hint = false} : vector<1000x256xf32>, vector<256x256xf32>, vector<1000x256xf32> -> vector<1000x256xf32>
    %reduce_sum3A = arith.constant dense<0.000000e+00> : vector<1000xf32>
    %reduce_sum3A_15 = vector.multi_reduction <add>, %dot_general3A_14, %reduce_sum3A [1] : vector<1000x256xf32> to vector<1000xf32>
    %broadcast_in_dim3A = vector.shape_cast %reduce_sum3A_15 : vector<1000xf32> to vector<1000x1xf32>
    %div3A = arith.constant 2.560000e+02 : f32
    %div3A_16 = vector.broadcast %div3A : f32 to vector<1000x1xf32>
    %div3A_17 = arith.divf %broadcast_in_dim3A, %div3A_16 : vector<1000x1xf32>
    %sub3A = vector.broadcast %div3A_17 : vector<1000x1xf32> to vector<1000x256xf32>
    %sub3A_18 = arith.subf %dot_general3A_14, %sub3A : vector<1000x256xf32>
    %sub3A_19 = vector.broadcast %div3A_17 : vector<1000x1xf32> to vector<1000x256xf32>
    %sub3A_20 = arith.subf %dot_general3A_14, %sub3A_19 : vector<1000x256xf32>
    %mul3A_21 = arith.mulf %sub3A_18, %sub3A_20 : vector<1000x256xf32>
    %reduce_sum3A_22 = arith.constant dense<0.000000e+00> : vector<1000xf32>
    %reduce_sum3A_23 = vector.multi_reduction <add>, %mul3A_21, %reduce_sum3A_22 [1] : vector<1000x256xf32> to vector<1000xf32>
    %broadcast_in_dim3A_24 = vector.shape_cast %reduce_sum3A_23 : vector<1000xf32> to vector<1000x1xf32>
    %div3A_25 = arith.constant 2.560000e+02 : f32
    %div3A_26 = vector.broadcast %div3A_25 : f32 to vector<1000x1xf32>
    %div3A_27 = arith.divf %broadcast_in_dim3A_24, %div3A_26 : vector<1000x1xf32>
    %sub3A_28 = vector.broadcast %div3A_17 : vector<1000x1xf32> to vector<1000x256xf32>
    %sub3A_29 = arith.subf %dot_general3A_14, %sub3A_28 : vector<1000x256xf32>
    %add3A = arith.constant 9.99999974E-6 : f32
    %add3A_30 = vector.broadcast %add3A : f32 to vector<1000x1xf32>
    %add3A_31 = arith.addf %div3A_27, %add3A_30 : vector<1000x1xf32>
    %rsqrt3A = math.rsqrt %add3A_31 : vector<1000x1xf32>
    %mul3A_32 = vector.broadcast %rsqrt3A : vector<1000x1xf32> to vector<1000x256xf32>
    %mul3A_33 = arith.mulf %sub3A_29, %mul3A_32 : vector<1000x256xf32>
    %get3A_34 = arith.constant 0 : index
    %get3A_35 = arith.constant 0 : index
    %get3A_36 = vector.load %arg4[%get3A_34, %get3A_35] : memref<1x256xf32, #tpu.memory_space<vmem>>, vector<1x256xf32>
    %mul3A_37 = vector.broadcast %get3A_36 : vector<1x256xf32> to vector<1000x256xf32>
    %mul3A_38 = arith.mulf %mul3A_33, %mul3A_37 : vector<1000x256xf32>
    %get3A_39 = arith.constant 0 : index
    %get3A_40 = arith.constant 0 : index
    %get3A_41 = vector.load %arg5[%get3A_39, %get3A_40] : memref<1x256xf32, #tpu.memory_space<vmem>>, vector<1x256xf32>
    %add3A_42 = vector.broadcast %get3A_41 : vector<1x256xf32> to vector<1000x256xf32>
    %add3A_43 = arith.addf %mul3A_38, %add3A_42 : vector<1000x256xf32>
    %ge3A_44 = arith.constant 0.000000e+00 : f32
    %ge3A_45 = vector.broadcast %ge3A_44 : f32 to vector<1000x256xf32>
    %ge3A_46 = arith.cmpf oge, %add3A_43, %ge3A_45 : vector<1000x256xf32>
    %mul3A_47 = arith.constant 2.000000e-01 : f32
    %mul3A_48 = vector.broadcast %mul3A_47 : f32 to vector<1000x256xf32>
    %mul3A_49 = arith.mulf %mul3A_48, %add3A_43 : vector<1000x256xf32>
    %select_n3A_50 = arith.select %ge3A_46, %add3A_43, %mul3A_49 : vector<1000x256xi1>, vector<1000x256xf32>
    %swap3A = arith.constant 0 : index
    %swap3A_51 = arith.constant 0 : index
    %swap3A_52 = vector.load %arg6[%swap3A, %swap3A_51] : memref<1000x256xf32, #tpu.memory_space<vmem>>, vector<1000x256xf32>
    tpu.vector_store %arg6[%swap3A, %swap3A_51], %select_n3A_50 {strides = array<i32>} : memref<1000x256xf32, #tpu.memory_space<vmem>>, vector<1000x256xf32>,
    return
  }
  func.func @transform_0(%arg0: i32) -> (i32, i32) {
    %c0_i32 = arith.constant 0 : i32
    %c0_i32_0 = arith.constant 0 : i32
    return %arg0, %c0_i32 : i32, i32
  }
  func.func @transform_1(%arg0: i32) -> (i32, i32) {
    %c0_i32 = arith.constant 0 : i32
    %c0_i32_0 = arith.constant 0 : i32
    %c0_i32_1 = arith.constant 0 : i32
    return %c0_i32, %c0_i32_0 : i32, i32
  }
  func.func @transform_2(%arg0: i32) -> (i32, i32) {
    %c0_i32 = arith.constant 0 : i32
    %c0_i32_0 = arith.constant 0 : i32
    %c0_i32_1 = arith.constant 0 : i32
    return %c0_i32, %c0_i32_0 : i32, i32
  }
  func.func @transform_3(%arg0: i32) -> (i32, i32) {
    %c0_i32 = arith.constant 0 : i32
    %c0_i32_0 = arith.constant 0 : i32
    %c0_i32_1 = arith.constant 0 : i32
    return %c0_i32, %c0_i32_0 : i32, i32
  }
  func.func @transform_4(%arg0: i32) -> (i32, i32) {
    %c0_i32 = arith.constant 0 : i32
    %c0_i32_0 = arith.constant 0 : i32
    %c0_i32_1 = arith.constant 0 : i32
    return %c0_i32, %c0_i32_0 : i32, i32
  }
  func.func @transform_5(%arg0: i32) -> (i32, i32) {
    %c0_i32 = arith.constant 0 : i32
    %c0_i32_0 = arith.constant 0 : i32
    return %arg0, %c0_i32 : i32, i32
  }
}

module attributes {stable_mosaic.version = 14 : i64} {
  func.func @_post_body(%arg0: i32, %arg1: memref<1000x256xf32, #tpu.memory_space<vmem>>, %arg2: memref<256x256xf32, #tpu.memory_space<vmem>>, %arg3: memref<256x256xf32, #tpu.memory_space<vmem>>, %arg4: memref<1x256xf32, #tpu.memory_space<vmem>>, %arg5: memref<1x256xf32, #tpu.memory_space<vmem>>, %arg6: memref<1000x256xf32, #tpu.memory_space<vmem>>) attributes {dimension_semantics = [#tpu.dimension_semantics<arbitrary>], iteration_bounds = array<i64: 10>, scalar_prefetch = 0 : i64, scratch_operands = 0 : i64, tpu.core_type = #tpu.core_type<tc>, window_params = [{transform_indices = @transform_0, window_bounds = array<i64: 1000, 256>}, {pipeline_mode = #tpu.pipeline_mode<synchronous>, transform_indices = @transform_1, window_bounds = array<i64: 256, 256>}, {pipeline_mode = #tpu.pipeline_mode<synchronous>, transform_indices = @transform_2, window_bounds = array<i64: 256, 256>}, {pipeline_mode = #tpu.pipeline_mode<synchronous>, transform_indices = @transform_3, window_bounds = array<i64: 1, 256>}, {pipeline_mode = #tpu.pipeline_mode<synchronous>, transform_indices = @transform_4, window_bounds = array<i64: 1, 256>}, {transform_indices = @transform_5, window_bounds = array<i64: 1000, 256>}]} {
    %get3A = arith.constant 0 : index
    %get3A_0 = arith.constant 0 : index
    %get3A_1 = vector.load %arg1[%get3A, %get3A_0] : memref<1000x256xf32, #tpu.memory_space<vmem>>, vector<1000x256xf32>
    %get3A_2 = arith.constant 0 : index
    %get3A_3 = arith.constant 0 : index
    %get3A_4 = vector.load %arg2[%get3A_2, %get3A_3] : memref<256x256xf32, #tpu.memory_space<vmem>>, vector<256x256xf32>
    %dot_general3A = arith.constant dense<0.000000e+00> : vector<1000x256xf32>
    %dot_general3A_5 = tpu.matmul %get3A_1, %get3A_4, %dot_general3A {dimension_numbers = #tpu.dot_dimension_numbers<[1], [0], [0], [1], [0, 0, 1, 1], [], []>, transpose_lhs_hint = false} : vector<1000x256xf32>, vector<256x256xf32>, vector<1000x256xf32> -> vector<1000x256xf32>
    %ge3A = arith.constant 0.000000e+00 : f32
    %ge3A_6 = vector.broadcast %ge3A : f32 to vector<1000x256xf32>
    %ge3A_7 = arith.cmpf oge, %dot_general3A_5, %ge3A_6 : vector<1000x256xf32>
    %mul3A = arith.constant 2.000000e-01 : f32
    %mul3A_8 = vector.broadcast %mul3A : f32 to vector<1000x256xf32>
    %mul3A_9 = arith.mulf %mul3A_8, %dot_general3A_5 : vector<1000x256xf32>
    %select_n3A = arith.select %ge3A_7, %dot_general3A_5, %mul3A_9 : vector<1000x256xi1>, vector<1000x256xf32>
    %get3A_10 = arith.constant 0 : index
    %get3A_11 = arith.constant 0 : index
    %get3A_12 = vector.load %arg3[%get3A_10, %get3A_11] : memref<256x256xf32, #tpu.memory_space<vmem>>, vector<256x256xf32>
    %dot_general3A_13 = arith.constant dense<0.000000e+00> : vector<1000x256xf32>
    %dot_general3A_14 = tpu.matmul %select_n3A, %get3A_12, %dot_general3A_13 {dimension_numbers = #tpu.dot_dimension_numbers<[1], [0], [0], [1], [0, 0, 1, 1], [], []>, transpose_lhs_hint = false} : vector<1000x256xf32>, vector<256x256xf32>, vector<1000x256xf32> -> vector<1000x256xf32>
    %reduce_sum3A = arith.constant dense<0.000000e+00> : vector<1000xf32>
    %reduce_sum3A_15 = vector.multi_reduction <add>, %dot_general3A_14, %reduce_sum3A [1] : vector<1000x256xf32> to vector<1000xf32>
    %broadcast_in_dim3A = vector.shape_cast %reduce_sum3A_15 : vector<1000xf32> to vector<1000x1xf32>
    %div3A = arith.constant 2.560000e+02 : f32
    %div3A_16 = vector.broadcast %div3A : f32 to vector<1000x1xf32>
    %div3A_17 = arith.divf %broadcast_in_dim3A, %div3A_16 : vector<1000x1xf32>
    %sub3A = vector.broadcast %div3A_17 : vector<1000x1xf32> to vector<1000x256xf32>
    %sub3A_18 = arith.subf %dot_general3A_14, %sub3A : vector<1000x256xf32>
    %sub3A_19 = vector.broadcast %div3A_17 : vector<1000x1xf32> to vector<1000x256xf32>
    %sub3A_20 = arith.subf %dot_general3A_14, %sub3A_19 : vector<1000x256xf32>
    %mul3A_21 = arith.mulf %sub3A_18, %sub3A_20 : vector<1000x256xf32>
    %reduce_sum3A_22 = arith.constant dense<0.000000e+00> : vector<1000xf32>
    %reduce_sum3A_23 = vector.multi_reduction <add>, %mul3A_21, %reduce_sum3A_22 [1] : vector<1000x256xf32> to vector<1000xf32>
    %broadcast_in_dim3A_24 = vector.shape_cast %reduce_sum3A_23 : vector<1000xf32> to vector<1000x1xf32>
    %div3A_25 = arith.constant 2.560000e+02 : f32
    %div3A_26 = vector.broadcast %div3A_25 : f32 to vector<1000x1xf32>
    %div3A_27 = arith.divf %broadcast_in_dim3A_24, %div3A_26 : vector<1000x1xf32>
    %sub3A_28 = vector.broadcast %div3A_17 : vector<1000x1xf32> to vector<1000x256xf32>
    %sub3A_29 = arith.subf %dot_general3A_14, %sub3A_28 : vector<1000x256xf32>
    %add3A = arith.constant 9.99999974E-6 : f32
    %add3A_30 = vector.broadcast %add3A : f32 to vector<1000x1xf32>
    %add3A_31 = arith.addf %div3A_27, %add3A_30 : vector<1000x1xf32>
    %rsqrt3A = math.rsqrt %add3A_31 : vector<1000x1xf32>
    %mul3A_32 = vector.broadcast %rsqrt3A : vector<1000x1xf32> to vector<1000x256xf32>
    %mul3A_33 = arith.mulf %sub3A_29, %mul3A_32 : vector<1000x256xf32>
    %get3A_34 = arith.constant 0 : index
    %get3A_35 = arith.constant 0 : index
    %get3A_36 = vector.load %arg4[%get3A_34, %get3A_35] : memref<1x256xf32, #tpu.memory_space<vmem>>, vector<1x256xf32>
    %mul3A_37 = vector.broadcast %get3A_36 : vector<1x256xf32> to vector<1000x256xf32>
    %mul3A_38 = arith.mulf %mul3A_33, %mul3A_37 : vector<1000x256xf32>
    %get3A_39 = arith.constant 0 : index
    %get3A_40 = arith.constant 0 : index
    %get3A_41 = vector.load %arg5[%get3A_39, %get3A_40] : memref<1x256xf32, #tpu.memory_space<vmem>>, vector<1x256xf32>
    %add3A_42 = vector.broadcast %get3A_41 : vector<1x256xf32> to vector<1000x256xf32>
    %add3A_43 = arith.addf %mul3A_38, %add3A_42 : vector<1000x256xf32>
    %ge3A_44 = arith.constant 0.000000e+00 : f32
    %ge3A_45 = vector.broadcast %ge3A_44 : f32 to vector<1000x256xf32>
    %ge3A_46 = arith.cmpf oge, %add3A_43, %ge3A_45 : vector<1000x256xf32>
    %mul3A_47 = arith.constant 2.000000e-01 : f32
    %mul3A_48 = vector.broadcast %mul3A_47 : f32 to vector<1000x256xf32>
    %mul3A_49 = arith.mulf %mul3A_48, %add3A_43 : vector<1000x256xf32>
    %select_n3A_50 = arith.select %ge3A_46, %add3A_43, %mul3A_49 : vector<1000x256xi1>, vector<1000x256xf32>
    %swap3A = arith.constant 0 : index
    %swap3A_51 = arith.constant 0 : index
    %swap3A_52 = vector.load %arg6[%swap3A, %swap3A_51] : memref<1000x256xf32, #tpu.memory_space<vmem>>, vector<1000x256xf32>
    tpu.vector_store %arg6[%swap3A, %swap3A_51], %select_n3A_50 {strides = array<i32>} : memref<1000x256xf32, #tpu.memory_space<vmem>>, vector<1000x256xf32>,
    return
  }
  func.func @transform_0(%arg0: i32) -> (i32, i32) {
    %c0_i32 = arith.constant 0 : i32
    %c0_i32_0 = arith.constant 0 : i32
    return %arg0, %c0_i32 : i32, i32
  }
  func.func @transform_1(%arg0: i32) -> (i32, i32) {
    %c0_i32 = arith.constant 0 : i32
    %c0_i32_0 = arith.constant 0 : i32
    %c0_i32_1 = arith.constant 0 : i32
    return %c0_i32, %c0_i32_0 : i32, i32
  }
  func.func @transform_2(%arg0: i32) -> (i32, i32) {
    %c0_i32 = arith.constant 0 : i32
    %c0_i32_0 = arith.constant 0 : i32
    %c0_i32_1 = arith.constant 0 : i32
    return %c0_i32, %c0_i32_0 : i32, i32
  }
  func.func @transform_3(%arg0: i32) -> (i32, i32) {
    %c0_i32 = arith.constant 0 : i32
    %c0_i32_0 = arith.constant 0 : i32
    %c0_i32_1 = arith.constant 0 : i32
    return %c0_i32, %c0_i32_0 : i32, i32
  }
  func.func @transform_4(%arg0: i32) -> (i32, i32) {
    %c0_i32 = arith.constant 0 : i32
    %c0_i32_0 = arith.constant 0 : i32
    %c0_i32_1 = arith.constant 0 : i32
    return %c0_i32, %c0_i32_0 : i32, i32
  }
  func.func @transform_5(%arg0: i32) -> (i32, i32) {
    %c0_i32 = arith.constant 0 : i32
    %c0_i32_0 = arith.constant 0 : i32
    return %arg0, %c0_i32 : i32, i32
  }
}

module attributes {stable_mosaic.version = 14 : i64} {
  func.func @_sage1_body(%arg0: i32, %arg1: memref<2x1000x128xf32, #tpu.memory_space<vmem>>, %arg2: memref<1000x16xf32, #tpu.memory_space<vmem>>, %arg3: memref<1000x256xf32, #tpu.memory_space<vmem>>, %arg4: memref<2x128x256xf32, #tpu.memory_space<vmem>>, %arg5: memref<256x256xf32, #tpu.memory_space<vmem>>, %arg6: memref<1x256xf32, #tpu.memory_space<vmem>>, %arg7: memref<1000x256xf32, #tpu.memory_space<vmem>>) attributes {dimension_semantics = [#tpu.dimension_semantics<arbitrary>], iteration_bounds = array<i64: 10>, scalar_prefetch = 0 : i64, scratch_operands = 0 : i64, tpu.core_type = #tpu.core_type<tc>, window_params = [{transform_indices = @transform_0, window_bounds = array<i64: 2, 1000, 128>}, {transform_indices = @transform_1, window_bounds = array<i64: 1000, 16>}, {transform_indices = @transform_2, window_bounds = array<i64: 1000, 256>}, {pipeline_mode = #tpu.pipeline_mode<synchronous>, transform_indices = @transform_3, window_bounds = array<i64: 2, 128, 256>}, {pipeline_mode = #tpu.pipeline_mode<synchronous>, transform_indices = @transform_4, window_bounds = array<i64: 256, 256>}, {pipeline_mode = #tpu.pipeline_mode<synchronous>, transform_indices = @transform_5, window_bounds = array<i64: 1, 256>}, {transform_indices = @transform_6, window_bounds = array<i64: 1000, 256>}]} {
    %get3A = arith.constant 0 : index
    %get3A_0 = arith.constant 0 : index
    %get3A_1 = vector.load %arg2[%get3A, %get3A_0] : memref<1000x16xf32, #tpu.memory_space<vmem>>, vector<1000x16xf32>
    %slice3A = vector.extract_strided_slice %get3A_1 {offsets = [0, 0], sizes = [1000, 1], strides = [1, 1]} : vector<1000x16xf32> to vector<1000x1xf32>
    %max3A = arith.constant 1.000000e+00 : f32
    %max3A_2 = vector.broadcast %max3A : f32 to vector<1000x1xf32>
    %max3A_3 = arith.maximumf %slice3A, %max3A_2 : vector<1000x1xf32>
    %div3A = arith.constant 1.000000e+00 : f32
    %div3A_4 = vector.broadcast %div3A : f32 to vector<1000x1xf32>
    %div3A_5 = arith.divf %div3A_4, %max3A_3 : vector<1000x1xf32>
    %get3A_6 = arith.constant 0 : index
    %get3A_7 = arith.constant 0 : index
    %get3A_8 = vector.load %arg3[%get3A_6, %get3A_7] : memref<1000x256xf32, #tpu.memory_space<vmem>>, vector<1000x256xf32>
    %get3A_9 = arith.constant 0 : index
    %get3A_10 = arith.constant 0 : index
    %get3A_11 = vector.load %arg5[%get3A_9, %get3A_10] : memref<256x256xf32, #tpu.memory_space<vmem>>, vector<256x256xf32>
    %dot_general3A = arith.constant dense<0.000000e+00> : vector<1000x256xf32>
    %dot_general3A_12 = tpu.matmul %get3A_8, %get3A_11, %dot_general3A {dimension_numbers = #tpu.dot_dimension_numbers<[1], [0], [0], [1], [0, 0, 1, 1], [], []>, transpose_lhs_hint = false} : vector<1000x256xf32>, vector<256x256xf32>, vector<1000x256xf32> -> vector<1000x256xf32>
    %get3A_13 = arith.constant 0 : index
    %get3A_14 = arith.constant 0 : index
    %get3A_15 = arith.constant 0 : index
    %get3A_16 = vector.load %arg1[%get3A_13, %get3A_14, %get3A_15] : memref<2x1000x128xf32, #tpu.memory_space<vmem>>, vector<1x1000x128xf32>
    %get3A_17 = vector.shape_cast %get3A_16 : vector<1x1000x128xf32> to vector<1000x128xf32>
    %mul3A = vector.broadcast %div3A_5 : vector<1000x1xf32> to vector<1000x128xf32>
    %mul3A_18 = arith.mulf %get3A_17, %mul3A : vector<1000x128xf32>
    %get3A_19 = arith.constant 0 : index
    %get3A_20 = arith.constant 0 : index
    %get3A_21 = arith.constant 0 : index
    %get3A_22 = vector.load %arg4[%get3A_19, %get3A_20, %get3A_21] : memref<2x128x256xf32, #tpu.memory_space<vmem>>, vector<1x128x256xf32>
    %get3A_23 = vector.shape_cast %get3A_22 : vector<1x128x256xf32> to vector<128x256xf32>
    %dot_general3A_24 = arith.constant dense<0.000000e+00> : vector<1000x256xf32>
    %dot_general3A_25 = tpu.matmul %mul3A_18, %get3A_23, %dot_general3A_24 {dimension_numbers = #tpu.dot_dimension_numbers<[1], [0], [0], [1], [0, 0, 1, 1], [], []>, transpose_lhs_hint = false} : vector<1000x128xf32>, vector<128x256xf32>, vector<1000x256xf32> -> vector<1000x256xf32>
    %add3A = arith.addf %dot_general3A_12, %dot_general3A_25 : vector<1000x256xf32>
    %get3A_26 = arith.constant 1 : index
    %get3A_27 = arith.constant 0 : index
    %get3A_28 = arith.constant 0 : index
    %get3A_29 = vector.load %arg1[%get3A_26, %get3A_27, %get3A_28] : memref<2x1000x128xf32, #tpu.memory_space<vmem>>, vector<1x1000x128xf32>
    %get3A_30 = vector.shape_cast %get3A_29 : vector<1x1000x128xf32> to vector<1000x128xf32>
    %mul3A_31 = vector.broadcast %div3A_5 : vector<1000x1xf32> to vector<1000x128xf32>
    %mul3A_32 = arith.mulf %get3A_30, %mul3A_31 : vector<1000x128xf32>
    %get3A_33 = arith.constant 1 : index
    %get3A_34 = arith.constant 0 : index
    %get3A_35 = arith.constant 0 : index
    %get3A_36 = vector.load %arg4[%get3A_33, %get3A_34, %get3A_35] : memref<2x128x256xf32, #tpu.memory_space<vmem>>, vector<1x128x256xf32>
    %get3A_37 = vector.shape_cast %get3A_36 : vector<1x128x256xf32> to vector<128x256xf32>
    %dot_general3A_38 = arith.constant dense<0.000000e+00> : vector<1000x256xf32>
    %dot_general3A_39 = tpu.matmul %mul3A_32, %get3A_37, %dot_general3A_38 {dimension_numbers = #tpu.dot_dimension_numbers<[1], [0], [0], [1], [0, 0, 1, 1], [], []>, transpose_lhs_hint = false} : vector<1000x128xf32>, vector<128x256xf32>, vector<1000x256xf32> -> vector<1000x256xf32>
    %add3A_40 = arith.addf %add3A, %dot_general3A_39 : vector<1000x256xf32>
    %get3A_41 = arith.constant 0 : index
    %get3A_42 = arith.constant 0 : index
    %get3A_43 = vector.load %arg6[%get3A_41, %get3A_42] : memref<1x256xf32, #tpu.memory_space<vmem>>, vector<1x256xf32>
    %add3A_44 = vector.broadcast %get3A_43 : vector<1x256xf32> to vector<1000x256xf32>
    %add3A_45 = arith.addf %add3A_40, %add3A_44 : vector<1000x256xf32>
    %ge3A = arith.constant 0.000000e+00 : f32
    %ge3A_46 = vector.broadcast %ge3A : f32 to vector<1000x256xf32>
    %ge3A_47 = arith.cmpf oge, %add3A_45, %ge3A_46 : vector<1000x256xf32>
    %mul3A_48 = arith.constant 2.000000e-01 : f32
    %mul3A_49 = vector.broadcast %mul3A_48 : f32 to vector<1000x256xf32>
    %mul3A_50 = arith.mulf %mul3A_49, %add3A_45 : vector<1000x256xf32>
    %select_n3A = arith.select %ge3A_47, %add3A_45, %mul3A_50 : vector<1000x256xi1>, vector<1000x256xf32>
    %swap3A = arith.constant 0 : index
    %swap3A_51 = arith.constant 0 : index
    %swap3A_52 = vector.load %arg7[%swap3A, %swap3A_51] : memref<1000x256xf32, #tpu.memory_space<vmem>>, vector<1000x256xf32>
    tpu.vector_store %arg7[%swap3A, %swap3A_51], %select_n3A {strides = array<i32>} : memref<1000x256xf32, #tpu.memory_space<vmem>>, vector<1000x256xf32>,
    return
  }
  func.func @transform_0(%arg0: i32) -> (i32, i32, i32) {
    %c0_i32 = arith.constant 0 : i32
    %c0_i32_0 = arith.constant 0 : i32
    %c0_i32_1 = arith.constant 0 : i32
    return %c0_i32, %arg0, %c0_i32_0 : i32, i32, i32
  }
  func.func @transform_1(%arg0: i32) -> (i32, i32) {
    %c0_i32 = arith.constant 0 : i32
    %c0_i32_0 = arith.constant 0 : i32
    return %arg0, %c0_i32 : i32, i32
  }
  func.func @transform_2(%arg0: i32) -> (i32, i32) {
    %c0_i32 = arith.constant 0 : i32
    %c0_i32_0 = arith.constant 0 : i32
    return %arg0, %c0_i32 : i32, i32
  }
  func.func @transform_3(%arg0: i32) -> (i32, i32, i32) {
    %c0_i32 = arith.constant 0 : i32
    %c0_i32_0 = arith.constant 0 : i32
    %c0_i32_1 = arith.constant 0 : i32
    %c0_i32_2 = arith.constant 0 : i32
    return %c0_i32, %c0_i32_0, %c0_i32_1 : i32, i32, i32
  }
  func.func @transform_4(%arg0: i32) -> (i32, i32) {
    %c0_i32 = arith.constant 0 : i32
    %c0_i32_0 = arith.constant 0 : i32
    %c0_i32_1 = arith.constant 0 : i32
    return %c0_i32, %c0_i32_0 : i32, i32
  }
  func.func @transform_5(%arg0: i32) -> (i32, i32) {
    %c0_i32 = arith.constant 0 : i32
    %c0_i32_0 = arith.constant 0 : i32
    %c0_i32_1 = arith.constant 0 : i32
    return %c0_i32, %c0_i32_0 : i32, i32
  }
  func.func @transform_6(%arg0: i32) -> (i32, i32) {
    %c0_i32 = arith.constant 0 : i32
    %c0_i32_0 = arith.constant 0 : i32
    return %arg0, %c0_i32 : i32, i32
  }
}

module attributes {stable_mosaic.version = 14 : i64} {
  func.func @_sage2_body(%arg0: i32, %arg1: memref<2x1000x128xf32, #tpu.memory_space<vmem>>, %arg2: memref<1000x16xf32, #tpu.memory_space<vmem>>, %arg3: memref<2x1000x128xf32, #tpu.memory_space<vmem>>, %arg4: memref<1000x16xf32, #tpu.memory_space<vmem>>, %arg5: memref<1000x256xf32, #tpu.memory_space<vmem>>, %arg6: memref<2x128x256xf32, #tpu.memory_space<vmem>>, %arg7: memref<2x128x256xf32, #tpu.memory_space<vmem>>, %arg8: memref<256x256xf32, #tpu.memory_space<vmem>>, %arg9: memref<1x256xf32, #tpu.memory_space<vmem>>, %arg10: memref<1000x256xf32, #tpu.memory_space<vmem>>) attributes {dimension_semantics = [#tpu.dimension_semantics<arbitrary>], iteration_bounds = array<i64: 10>, scalar_prefetch = 0 : i64, scratch_operands = 0 : i64, tpu.core_type = #tpu.core_type<tc>, window_params = [{transform_indices = @transform_0, window_bounds = array<i64: 2, 1000, 128>}, {transform_indices = @transform_1, window_bounds = array<i64: 1000, 16>}, {transform_indices = @transform_2, window_bounds = array<i64: 2, 1000, 128>}, {transform_indices = @transform_3, window_bounds = array<i64: 1000, 16>}, {transform_indices = @transform_4, window_bounds = array<i64: 1000, 256>}, {pipeline_mode = #tpu.pipeline_mode<synchronous>, transform_indices = @transform_5, window_bounds = array<i64: 2, 128, 256>}, {pipeline_mode = #tpu.pipeline_mode<synchronous>, transform_indices = @transform_6, window_bounds = array<i64: 2, 128, 256>}, {pipeline_mode = #tpu.pipeline_mode<synchronous>, transform_indices = @transform_7, window_bounds = array<i64: 256, 256>}, {pipeline_mode = #tpu.pipeline_mode<synchronous>, transform_indices = @transform_8, window_bounds = array<i64: 1, 256>}, {transform_indices = @transform_9, window_bounds = array<i64: 1000, 256>}]} {
    %get3A = arith.constant 0 : index
    %get3A_0 = arith.constant 0 : index
    %get3A_1 = vector.load %arg2[%get3A, %get3A_0] : memref<1000x16xf32, #tpu.memory_space<vmem>>, vector<1000x16xf32>
    %slice3A = vector.extract_strided_slice %get3A_1 {offsets = [0, 0], sizes = [1000, 1], strides = [1, 1]} : vector<1000x16xf32> to vector<1000x1xf32>
    %max3A = arith.constant 1.000000e+00 : f32
    %max3A_2 = vector.broadcast %max3A : f32 to vector<1000x1xf32>
    %max3A_3 = arith.maximumf %slice3A, %max3A_2 : vector<1000x1xf32>
    %div3A = arith.constant 1.000000e+00 : f32
    %div3A_4 = vector.broadcast %div3A : f32 to vector<1000x1xf32>
    %div3A_5 = arith.divf %div3A_4, %max3A_3 : vector<1000x1xf32>
    %get3A_6 = arith.constant 0 : index
    %get3A_7 = arith.constant 0 : index
    %get3A_8 = vector.load %arg4[%get3A_6, %get3A_7] : memref<1000x16xf32, #tpu.memory_space<vmem>>, vector<1000x16xf32>
    %slice3A_9 = vector.extract_strided_slice %get3A_8 {offsets = [0, 0], sizes = [1000, 1], strides = [1, 1]} : vector<1000x16xf32> to vector<1000x1xf32>
    %max3A_10 = arith.constant 1.000000e+00 : f32
    %max3A_11 = vector.broadcast %max3A_10 : f32 to vector<1000x1xf32>
    %max3A_12 = arith.maximumf %slice3A_9, %max3A_11 : vector<1000x1xf32>
    %div3A_13 = arith.constant 1.000000e+00 : f32
    %div3A_14 = vector.broadcast %div3A_13 : f32 to vector<1000x1xf32>
    %div3A_15 = arith.divf %div3A_14, %max3A_12 : vector<1000x1xf32>
    %get3A_16 = arith.constant 0 : index
    %get3A_17 = arith.constant 0 : index
    %get3A_18 = vector.load %arg5[%get3A_16, %get3A_17] : memref<1000x256xf32, #tpu.memory_space<vmem>>, vector<1000x256xf32>
    %get3A_19 = arith.constant 0 : index
    %get3A_20 = arith.constant 0 : index
    %get3A_21 = vector.load %arg8[%get3A_19, %get3A_20] : memref<256x256xf32, #tpu.memory_space<vmem>>, vector<256x256xf32>
    %dot_general3A = arith.constant dense<0.000000e+00> : vector<1000x256xf32>
    %dot_general3A_22 = tpu.matmul %get3A_18, %get3A_21, %dot_general3A {dimension_numbers = #tpu.dot_dimension_numbers<[1], [0], [0], [1], [0, 0, 1, 1], [], []>, transpose_lhs_hint = false} : vector<1000x256xf32>, vector<256x256xf32>, vector<1000x256xf32> -> vector<1000x256xf32>
    %get3A_23 = arith.constant 0 : index
    %get3A_24 = arith.constant 0 : index
    %get3A_25 = arith.constant 0 : index
    %get3A_26 = vector.load %arg1[%get3A_23, %get3A_24, %get3A_25] : memref<2x1000x128xf32, #tpu.memory_space<vmem>>, vector<1x1000x128xf32>
    %get3A_27 = vector.shape_cast %get3A_26 : vector<1x1000x128xf32> to vector<1000x128xf32>
    %mul3A = vector.broadcast %div3A_5 : vector<1000x1xf32> to vector<1000x128xf32>
    %mul3A_28 = arith.mulf %get3A_27, %mul3A : vector<1000x128xf32>
    %get3A_29 = arith.constant 0 : index
    %get3A_30 = arith.constant 0 : index
    %get3A_31 = arith.constant 0 : index
    %get3A_32 = vector.load %arg6[%get3A_29, %get3A_30, %get3A_31] : memref<2x128x256xf32, #tpu.memory_space<vmem>>, vector<1x128x256xf32>
    %get3A_33 = vector.shape_cast %get3A_32 : vector<1x128x256xf32> to vector<128x256xf32>
    %dot_general3A_34 = arith.constant dense<0.000000e+00> : vector<1000x256xf32>
    %dot_general3A_35 = tpu.matmul %mul3A_28, %get3A_33, %dot_general3A_34 {dimension_numbers = #tpu.dot_dimension_numbers<[1], [0], [0], [1], [0, 0, 1, 1], [], []>, transpose_lhs_hint = false} : vector<1000x128xf32>, vector<128x256xf32>, vector<1000x256xf32> -> vector<1000x256xf32>
    %add3A = arith.addf %dot_general3A_22, %dot_general3A_35 : vector<1000x256xf32>
    %get3A_36 = arith.constant 1 : index
    %get3A_37 = arith.constant 0 : index
    %get3A_38 = arith.constant 0 : index
    %get3A_39 = vector.load %arg1[%get3A_36, %get3A_37, %get3A_38] : memref<2x1000x128xf32, #tpu.memory_space<vmem>>, vector<1x1000x128xf32>
    %get3A_40 = vector.shape_cast %get3A_39 : vector<1x1000x128xf32> to vector<1000x128xf32>
    %mul3A_41 = vector.broadcast %div3A_5 : vector<1000x1xf32> to vector<1000x128xf32>
    %mul3A_42 = arith.mulf %get3A_40, %mul3A_41 : vector<1000x128xf32>
    %get3A_43 = arith.constant 1 : index
    %get3A_44 = arith.constant 0 : index
    %get3A_45 = arith.constant 0 : index
    %get3A_46 = vector.load %arg6[%get3A_43, %get3A_44, %get3A_45] : memref<2x128x256xf32, #tpu.memory_space<vmem>>, vector<1x128x256xf32>
    %get3A_47 = vector.shape_cast %get3A_46 : vector<1x128x256xf32> to vector<128x256xf32>
    %dot_general3A_48 = arith.constant dense<0.000000e+00> : vector<1000x256xf32>
    %dot_general3A_49 = tpu.matmul %mul3A_42, %get3A_47, %dot_general3A_48 {dimension_numbers = #tpu.dot_dimension_numbers<[1], [0], [0], [1], [0, 0, 1, 1], [], []>, transpose_lhs_hint = false} : vector<1000x128xf32>, vector<128x256xf32>, vector<1000x256xf32> -> vector<1000x256xf32>
    %add3A_50 = arith.addf %add3A, %dot_general3A_49 : vector<1000x256xf32>
    %get3A_51 = arith.constant 0 : index
    %get3A_52 = arith.constant 0 : index
    %get3A_53 = arith.constant 0 : index
    %get3A_54 = vector.load %arg3[%get3A_51, %get3A_52, %get3A_53] : memref<2x1000x128xf32, #tpu.memory_space<vmem>>, vector<1x1000x128xf32>
    %get3A_55 = vector.shape_cast %get3A_54 : vector<1x1000x128xf32> to vector<1000x128xf32>
    %mul3A_56 = vector.broadcast %div3A_15 : vector<1000x1xf32> to vector<1000x128xf32>
    %mul3A_57 = arith.mulf %get3A_55, %mul3A_56 : vector<1000x128xf32>
    %get3A_58 = arith.constant 0 : index
    %get3A_59 = arith.constant 0 : index
    %get3A_60 = arith.constant 0 : index
    %get3A_61 = vector.load %arg7[%get3A_58, %get3A_59, %get3A_60] : memref<2x128x256xf32, #tpu.memory_space<vmem>>, vector<1x128x256xf32>
    %get3A_62 = vector.shape_cast %get3A_61 : vector<1x128x256xf32> to vector<128x256xf32>
    %dot_general3A_63 = arith.constant dense<0.000000e+00> : vector<1000x256xf32>
    %dot_general3A_64 = tpu.matmul %mul3A_57, %get3A_62, %dot_general3A_63 {dimension_numbers = #tpu.dot_dimension_numbers<[1], [0], [0], [1], [0, 0, 1, 1], [], []>, transpose_lhs_hint = false} : vector<1000x128xf32>, vector<128x256xf32>, vector<1000x256xf32> -> vector<1000x256xf32>
    %add3A_65 = arith.addf %add3A_50, %dot_general3A_64 : vector<1000x256xf32>
    %get3A_66 = arith.constant 1 : index
    %get3A_67 = arith.constant 0 : index
    %get3A_68 = arith.constant 0 : index
    %get3A_69 = vector.load %arg3[%get3A_66, %get3A_67, %get3A_68] : memref<2x1000x128xf32, #tpu.memory_space<vmem>>, vector<1x1000x128xf32>
    %get3A_70 = vector.shape_cast %get3A_69 : vector<1x1000x128xf32> to vector<1000x128xf32>
    %mul3A_71 = vector.broadcast %div3A_15 : vector<1000x1xf32> to vector<1000x128xf32>
    %mul3A_72 = arith.mulf %get3A_70, %mul3A_71 : vector<1000x128xf32>
    %get3A_73 = arith.constant 1 : index
    %get3A_74 = arith.constant 0 : index
    %get3A_75 = arith.constant 0 : index
    %get3A_76 = vector.load %arg7[%get3A_73, %get3A_74, %get3A_75] : memref<2x128x256xf32, #tpu.memory_space<vmem>>, vector<1x128x256xf32>
    %get3A_77 = vector.shape_cast %get3A_76 : vector<1x128x256xf32> to vector<128x256xf32>
    %dot_general3A_78 = arith.constant dense<0.000000e+00> : vector<1000x256xf32>
    %dot_general3A_79 = tpu.matmul %mul3A_72, %get3A_77, %dot_general3A_78 {dimension_numbers = #tpu.dot_dimension_numbers<[1], [0], [0], [1], [0, 0, 1, 1], [], []>, transpose_lhs_hint = false} : vector<1000x128xf32>, vector<128x256xf32>, vector<1000x256xf32> -> vector<1000x256xf32>
    %add3A_80 = arith.addf %add3A_65, %dot_general3A_79 : vector<1000x256xf32>
    %get3A_81 = arith.constant 0 : index
    %get3A_82 = arith.constant 0 : index
    %get3A_83 = vector.load %arg9[%get3A_81, %get3A_82] : memref<1x256xf32, #tpu.memory_space<vmem>>, vector<1x256xf32>
    %add3A_84 = vector.broadcast %get3A_83 : vector<1x256xf32> to vector<1000x256xf32>
    %add3A_85 = arith.addf %add3A_80, %add3A_84 : vector<1000x256xf32>
    %ge3A = arith.constant 0.000000e+00 : f32
    %ge3A_86 = vector.broadcast %ge3A : f32 to vector<1000x256xf32>
    %ge3A_87 = arith.cmpf oge, %add3A_85, %ge3A_86 : vector<1000x256xf32>
    %mul3A_88 = arith.constant 2.000000e-01 : f32
    %mul3A_89 = vector.broadcast %mul3A_88 : f32 to vector<1000x256xf32>
    %mul3A_90 = arith.mulf %mul3A_89, %add3A_85 : vector<1000x256xf32>
    %select_n3A = arith.select %ge3A_87, %add3A_85, %mul3A_90 : vector<1000x256xi1>, vector<1000x256xf32>
    %swap3A = arith.constant 0 : index
    %swap3A_91 = arith.constant 0 : index
    %swap3A_92 = vector.load %arg10[%swap3A, %swap3A_91] : memref<1000x256xf32, #tpu.memory_space<vmem>>, vector<1000x256xf32>
    tpu.vector_store %arg10[%swap3A, %swap3A_91], %select_n3A {strides = array<i32>} : memref<1000x256xf32, #tpu.memory_space<vmem>>, vector<1000x256xf32>,
    return
  }
  func.func @transform_0(%arg0: i32) -> (i32, i32, i32) {
    %c0_i32 = arith.constant 0 : i32
    %c0_i32_0 = arith.constant 0 : i32
    %c0_i32_1 = arith.constant 0 : i32
    return %c0_i32, %arg0, %c0_i32_0 : i32, i32, i32
  }
  func.func @transform_1(%arg0: i32) -> (i32, i32) {
    %c0_i32 = arith.constant 0 : i32
    %c0_i32_0 = arith.constant 0 : i32
    return %arg0, %c0_i32 : i32, i32
  }
  func.func @transform_2(%arg0: i32) -> (i32, i32, i32) {
    %c0_i32 = arith.constant 0 : i32
    %c0_i32_0 = arith.constant 0 : i32
    %c0_i32_1 = arith.constant 0 : i32
    return %c0_i32, %arg0, %c0_i32_0 : i32, i32, i32
  }
  func.func @transform_3(%arg0: i32) -> (i32, i32) {
    %c0_i32 = arith.constant 0 : i32
    %c0_i32_0 = arith.constant 0 : i32
    return %arg0, %c0_i32 : i32, i32
  }
  func.func @transform_4(%arg0: i32) -> (i32, i32) {
    %c0_i32 = arith.constant 0 : i32
    %c0_i32_0 = arith.constant 0 : i32
    return %arg0, %c0_i32 : i32, i32
  }
  func.func @transform_5(%arg0: i32) -> (i32, i32, i32) {
    %c0_i32 = arith.constant 0 : i32
    %c0_i32_0 = arith.constant 0 : i32
    %c0_i32_1 = arith.constant 0 : i32
    %c0_i32_2 = arith.constant 0 : i32
    return %c0_i32, %c0_i32_0, %c0_i32_1 : i32, i32, i32
  }
  func.func @transform_6(%arg0: i32) -> (i32, i32, i32) {
    %c0_i32 = arith.constant 0 : i32
    %c0_i32_0 = arith.constant 0 : i32
    %c0_i32_1 = arith.constant 0 : i32
    %c0_i32_2 = arith.constant 0 : i32
    return %c0_i32, %c0_i32_0, %c0_i32_1 : i32, i32, i32
  }
  func.func @transform_7(%arg0: i32) -> (i32, i32) {
    %c0_i32 = arith.constant 0 : i32
    %c0_i32_0 = arith.constant 0 : i32
    %c0_i32_1 = arith.constant 0 : i32
    return %c0_i32, %c0_i32_0 : i32, i32
  }
  func.func @transform_8(%arg0: i32) -> (i32, i32) {
    %c0_i32 = arith.constant 0 : i32
    %c0_i32_0 = arith.constant 0 : i32
    %c0_i32_1 = arith.constant 0 : i32
    return %c0_i32, %c0_i32_0 : i32, i32
  }
  func.func @transform_9(%arg0: i32) -> (i32, i32) {
    %c0_i32 = arith.constant 0 : i32
    %c0_i32_0 = arith.constant 0 : i32
    return %arg0, %c0_i32 : i32, i32
  }
}

module attributes {stable_mosaic.version = 14 : i64} {
  func.func @_sage1_body(%arg0: i32, %arg1: memref<2x1000x128xf32, #tpu.memory_space<vmem>>, %arg2: memref<1000x16xf32, #tpu.memory_space<vmem>>, %arg3: memref<1000x256xf32, #tpu.memory_space<vmem>>, %arg4: memref<2x128x256xf32, #tpu.memory_space<vmem>>, %arg5: memref<256x256xf32, #tpu.memory_space<vmem>>, %arg6: memref<1x256xf32, #tpu.memory_space<vmem>>, %arg7: memref<1000x256xf32, #tpu.memory_space<vmem>>) attributes {dimension_semantics = [#tpu.dimension_semantics<arbitrary>], iteration_bounds = array<i64: 10>, scalar_prefetch = 0 : i64, scratch_operands = 0 : i64, tpu.core_type = #tpu.core_type<tc>, window_params = [{transform_indices = @transform_0, window_bounds = array<i64: 2, 1000, 128>}, {transform_indices = @transform_1, window_bounds = array<i64: 1000, 16>}, {transform_indices = @transform_2, window_bounds = array<i64: 1000, 256>}, {pipeline_mode = #tpu.pipeline_mode<synchronous>, transform_indices = @transform_3, window_bounds = array<i64: 2, 128, 256>}, {pipeline_mode = #tpu.pipeline_mode<synchronous>, transform_indices = @transform_4, window_bounds = array<i64: 256, 256>}, {pipeline_mode = #tpu.pipeline_mode<synchronous>, transform_indices = @transform_5, window_bounds = array<i64: 1, 256>}, {transform_indices = @transform_6, window_bounds = array<i64: 1000, 256>}]} {
    %get3A = arith.constant 0 : index
    %get3A_0 = arith.constant 0 : index
    %get3A_1 = vector.load %arg2[%get3A, %get3A_0] : memref<1000x16xf32, #tpu.memory_space<vmem>>, vector<1000x16xf32>
    %slice3A = vector.extract_strided_slice %get3A_1 {offsets = [0, 0], sizes = [1000, 1], strides = [1, 1]} : vector<1000x16xf32> to vector<1000x1xf32>
    %max3A = arith.constant 1.000000e+00 : f32
    %max3A_2 = vector.broadcast %max3A : f32 to vector<1000x1xf32>
    %max3A_3 = arith.maximumf %slice3A, %max3A_2 : vector<1000x1xf32>
    %div3A = arith.constant 1.000000e+00 : f32
    %div3A_4 = vector.broadcast %div3A : f32 to vector<1000x1xf32>
    %div3A_5 = arith.divf %div3A_4, %max3A_3 : vector<1000x1xf32>
    %get3A_6 = arith.constant 0 : index
    %get3A_7 = arith.constant 0 : index
    %get3A_8 = vector.load %arg3[%get3A_6, %get3A_7] : memref<1000x256xf32, #tpu.memory_space<vmem>>, vector<1000x256xf32>
    %get3A_9 = arith.constant 0 : index
    %get3A_10 = arith.constant 0 : index
    %get3A_11 = vector.load %arg5[%get3A_9, %get3A_10] : memref<256x256xf32, #tpu.memory_space<vmem>>, vector<256x256xf32>
    %dot_general3A = arith.constant dense<0.000000e+00> : vector<1000x256xf32>
    %dot_general3A_12 = tpu.matmul %get3A_8, %get3A_11, %dot_general3A {dimension_numbers = #tpu.dot_dimension_numbers<[1], [0], [0], [1], [0, 0, 1, 1], [], []>, transpose_lhs_hint = false} : vector<1000x256xf32>, vector<256x256xf32>, vector<1000x256xf32> -> vector<1000x256xf32>
    %get3A_13 = arith.constant 0 : index
    %get3A_14 = arith.constant 0 : index
    %get3A_15 = arith.constant 0 : index
    %get3A_16 = vector.load %arg1[%get3A_13, %get3A_14, %get3A_15] : memref<2x1000x128xf32, #tpu.memory_space<vmem>>, vector<1x1000x128xf32>
    %get3A_17 = vector.shape_cast %get3A_16 : vector<1x1000x128xf32> to vector<1000x128xf32>
    %mul3A = vector.broadcast %div3A_5 : vector<1000x1xf32> to vector<1000x128xf32>
    %mul3A_18 = arith.mulf %get3A_17, %mul3A : vector<1000x128xf32>
    %get3A_19 = arith.constant 0 : index
    %get3A_20 = arith.constant 0 : index
    %get3A_21 = arith.constant 0 : index
    %get3A_22 = vector.load %arg4[%get3A_19, %get3A_20, %get3A_21] : memref<2x128x256xf32, #tpu.memory_space<vmem>>, vector<1x128x256xf32>
    %get3A_23 = vector.shape_cast %get3A_22 : vector<1x128x256xf32> to vector<128x256xf32>
    %dot_general3A_24 = arith.constant dense<0.000000e+00> : vector<1000x256xf32>
    %dot_general3A_25 = tpu.matmul %mul3A_18, %get3A_23, %dot_general3A_24 {dimension_numbers = #tpu.dot_dimension_numbers<[1], [0], [0], [1], [0, 0, 1, 1], [], []>, transpose_lhs_hint = false} : vector<1000x128xf32>, vector<128x256xf32>, vector<1000x256xf32> -> vector<1000x256xf32>
    %add3A = arith.addf %dot_general3A_12, %dot_general3A_25 : vector<1000x256xf32>
    %get3A_26 = arith.constant 1 : index
    %get3A_27 = arith.constant 0 : index
    %get3A_28 = arith.constant 0 : index
    %get3A_29 = vector.load %arg1[%get3A_26, %get3A_27, %get3A_28] : memref<2x1000x128xf32, #tpu.memory_space<vmem>>, vector<1x1000x128xf32>
    %get3A_30 = vector.shape_cast %get3A_29 : vector<1x1000x128xf32> to vector<1000x128xf32>
    %mul3A_31 = vector.broadcast %div3A_5 : vector<1000x1xf32> to vector<1000x128xf32>
    %mul3A_32 = arith.mulf %get3A_30, %mul3A_31 : vector<1000x128xf32>
    %get3A_33 = arith.constant 1 : index
    %get3A_34 = arith.constant 0 : index
    %get3A_35 = arith.constant 0 : index
    %get3A_36 = vector.load %arg4[%get3A_33, %get3A_34, %get3A_35] : memref<2x128x256xf32, #tpu.memory_space<vmem>>, vector<1x128x256xf32>
    %get3A_37 = vector.shape_cast %get3A_36 : vector<1x128x256xf32> to vector<128x256xf32>
    %dot_general3A_38 = arith.constant dense<0.000000e+00> : vector<1000x256xf32>
    %dot_general3A_39 = tpu.matmul %mul3A_32, %get3A_37, %dot_general3A_38 {dimension_numbers = #tpu.dot_dimension_numbers<[1], [0], [0], [1], [0, 0, 1, 1], [], []>, transpose_lhs_hint = false} : vector<1000x128xf32>, vector<128x256xf32>, vector<1000x256xf32> -> vector<1000x256xf32>
    %add3A_40 = arith.addf %add3A, %dot_general3A_39 : vector<1000x256xf32>
    %get3A_41 = arith.constant 0 : index
    %get3A_42 = arith.constant 0 : index
    %get3A_43 = vector.load %arg6[%get3A_41, %get3A_42] : memref<1x256xf32, #tpu.memory_space<vmem>>, vector<1x256xf32>
    %add3A_44 = vector.broadcast %get3A_43 : vector<1x256xf32> to vector<1000x256xf32>
    %add3A_45 = arith.addf %add3A_40, %add3A_44 : vector<1000x256xf32>
    %ge3A = arith.constant 0.000000e+00 : f32
    %ge3A_46 = vector.broadcast %ge3A : f32 to vector<1000x256xf32>
    %ge3A_47 = arith.cmpf oge, %add3A_45, %ge3A_46 : vector<1000x256xf32>
    %mul3A_48 = arith.constant 2.000000e-01 : f32
    %mul3A_49 = vector.broadcast %mul3A_48 : f32 to vector<1000x256xf32>
    %mul3A_50 = arith.mulf %mul3A_49, %add3A_45 : vector<1000x256xf32>
    %select_n3A = arith.select %ge3A_47, %add3A_45, %mul3A_50 : vector<1000x256xi1>, vector<1000x256xf32>
    %swap3A = arith.constant 0 : index
    %swap3A_51 = arith.constant 0 : index
    %swap3A_52 = vector.load %arg7[%swap3A, %swap3A_51] : memref<1000x256xf32, #tpu.memory_space<vmem>>, vector<1000x256xf32>
    tpu.vector_store %arg7[%swap3A, %swap3A_51], %select_n3A {strides = array<i32>} : memref<1000x256xf32, #tpu.memory_space<vmem>>, vector<1000x256xf32>,
    return
  }
  func.func @transform_0(%arg0: i32) -> (i32, i32, i32) {
    %c0_i32 = arith.constant 0 : i32
    %c0_i32_0 = arith.constant 0 : i32
    %c0_i32_1 = arith.constant 0 : i32
    return %c0_i32, %arg0, %c0_i32_0 : i32, i32, i32
  }
  func.func @transform_1(%arg0: i32) -> (i32, i32) {
    %c0_i32 = arith.constant 0 : i32
    %c0_i32_0 = arith.constant 0 : i32
    return %arg0, %c0_i32 : i32, i32
  }
  func.func @transform_2(%arg0: i32) -> (i32, i32) {
    %c0_i32 = arith.constant 0 : i32
    %c0_i32_0 = arith.constant 0 : i32
    return %arg0, %c0_i32 : i32, i32
  }
  func.func @transform_3(%arg0: i32) -> (i32, i32, i32) {
    %c0_i32 = arith.constant 0 : i32
    %c0_i32_0 = arith.constant 0 : i32
    %c0_i32_1 = arith.constant 0 : i32
    %c0_i32_2 = arith.constant 0 : i32
    return %c0_i32, %c0_i32_0, %c0_i32_1 : i32, i32, i32
  }
  func.func @transform_4(%arg0: i32) -> (i32, i32) {
    %c0_i32 = arith.constant 0 : i32
    %c0_i32_0 = arith.constant 0 : i32
    %c0_i32_1 = arith.constant 0 : i32
    return %c0_i32, %c0_i32_0 : i32, i32
  }
  func.func @transform_5(%arg0: i32) -> (i32, i32) {
    %c0_i32 = arith.constant 0 : i32
    %c0_i32_0 = arith.constant 0 : i32
    %c0_i32_1 = arith.constant 0 : i32
    return %c0_i32, %c0_i32_0 : i32, i32
  }
  func.func @transform_6(%arg0: i32) -> (i32, i32) {
    %c0_i32 = arith.constant 0 : i32
    %c0_i32_0 = arith.constant 0 : i32
    return %arg0, %c0_i32 : i32, i32
  }
}

module attributes {stable_mosaic.version = 14 : i64} {
  func.func @_sage2_body(%arg0: i32, %arg1: memref<2x1000x128xf32, #tpu.memory_space<vmem>>, %arg2: memref<1000x16xf32, #tpu.memory_space<vmem>>, %arg3: memref<2x1000x128xf32, #tpu.memory_space<vmem>>, %arg4: memref<1000x16xf32, #tpu.memory_space<vmem>>, %arg5: memref<1000x256xf32, #tpu.memory_space<vmem>>, %arg6: memref<2x128x256xf32, #tpu.memory_space<vmem>>, %arg7: memref<2x128x256xf32, #tpu.memory_space<vmem>>, %arg8: memref<256x256xf32, #tpu.memory_space<vmem>>, %arg9: memref<1x256xf32, #tpu.memory_space<vmem>>, %arg10: memref<1000x256xf32, #tpu.memory_space<vmem>>) attributes {dimension_semantics = [#tpu.dimension_semantics<arbitrary>], iteration_bounds = array<i64: 10>, scalar_prefetch = 0 : i64, scratch_operands = 0 : i64, tpu.core_type = #tpu.core_type<tc>, window_params = [{transform_indices = @transform_0, window_bounds = array<i64: 2, 1000, 128>}, {transform_indices = @transform_1, window_bounds = array<i64: 1000, 16>}, {transform_indices = @transform_2, window_bounds = array<i64: 2, 1000, 128>}, {transform_indices = @transform_3, window_bounds = array<i64: 1000, 16>}, {transform_indices = @transform_4, window_bounds = array<i64: 1000, 256>}, {pipeline_mode = #tpu.pipeline_mode<synchronous>, transform_indices = @transform_5, window_bounds = array<i64: 2, 128, 256>}, {pipeline_mode = #tpu.pipeline_mode<synchronous>, transform_indices = @transform_6, window_bounds = array<i64: 2, 128, 256>}, {pipeline_mode = #tpu.pipeline_mode<synchronous>, transform_indices = @transform_7, window_bounds = array<i64: 256, 256>}, {pipeline_mode = #tpu.pipeline_mode<synchronous>, transform_indices = @transform_8, window_bounds = array<i64: 1, 256>}, {transform_indices = @transform_9, window_bounds = array<i64: 1000, 256>}]} {
    %get3A = arith.constant 0 : index
    %get3A_0 = arith.constant 0 : index
    %get3A_1 = vector.load %arg2[%get3A, %get3A_0] : memref<1000x16xf32, #tpu.memory_space<vmem>>, vector<1000x16xf32>
    %slice3A = vector.extract_strided_slice %get3A_1 {offsets = [0, 0], sizes = [1000, 1], strides = [1, 1]} : vector<1000x16xf32> to vector<1000x1xf32>
    %max3A = arith.constant 1.000000e+00 : f32
    %max3A_2 = vector.broadcast %max3A : f32 to vector<1000x1xf32>
    %max3A_3 = arith.maximumf %slice3A, %max3A_2 : vector<1000x1xf32>
    %div3A = arith.constant 1.000000e+00 : f32
    %div3A_4 = vector.broadcast %div3A : f32 to vector<1000x1xf32>
    %div3A_5 = arith.divf %div3A_4, %max3A_3 : vector<1000x1xf32>
    %get3A_6 = arith.constant 0 : index
    %get3A_7 = arith.constant 0 : index
    %get3A_8 = vector.load %arg4[%get3A_6, %get3A_7] : memref<1000x16xf32, #tpu.memory_space<vmem>>, vector<1000x16xf32>
    %slice3A_9 = vector.extract_strided_slice %get3A_8 {offsets = [0, 0], sizes = [1000, 1], strides = [1, 1]} : vector<1000x16xf32> to vector<1000x1xf32>
    %max3A_10 = arith.constant 1.000000e+00 : f32
    %max3A_11 = vector.broadcast %max3A_10 : f32 to vector<1000x1xf32>
    %max3A_12 = arith.maximumf %slice3A_9, %max3A_11 : vector<1000x1xf32>
    %div3A_13 = arith.constant 1.000000e+00 : f32
    %div3A_14 = vector.broadcast %div3A_13 : f32 to vector<1000x1xf32>
    %div3A_15 = arith.divf %div3A_14, %max3A_12 : vector<1000x1xf32>
    %get3A_16 = arith.constant 0 : index
    %get3A_17 = arith.constant 0 : index
    %get3A_18 = vector.load %arg5[%get3A_16, %get3A_17] : memref<1000x256xf32, #tpu.memory_space<vmem>>, vector<1000x256xf32>
    %get3A_19 = arith.constant 0 : index
    %get3A_20 = arith.constant 0 : index
    %get3A_21 = vector.load %arg8[%get3A_19, %get3A_20] : memref<256x256xf32, #tpu.memory_space<vmem>>, vector<256x256xf32>
    %dot_general3A = arith.constant dense<0.000000e+00> : vector<1000x256xf32>
    %dot_general3A_22 = tpu.matmul %get3A_18, %get3A_21, %dot_general3A {dimension_numbers = #tpu.dot_dimension_numbers<[1], [0], [0], [1], [0, 0, 1, 1], [], []>, transpose_lhs_hint = false} : vector<1000x256xf32>, vector<256x256xf32>, vector<1000x256xf32> -> vector<1000x256xf32>
    %get3A_23 = arith.constant 0 : index
    %get3A_24 = arith.constant 0 : index
    %get3A_25 = arith.constant 0 : index
    %get3A_26 = vector.load %arg1[%get3A_23, %get3A_24, %get3A_25] : memref<2x1000x128xf32, #tpu.memory_space<vmem>>, vector<1x1000x128xf32>
    %get3A_27 = vector.shape_cast %get3A_26 : vector<1x1000x128xf32> to vector<1000x128xf32>
    %mul3A = vector.broadcast %div3A_5 : vector<1000x1xf32> to vector<1000x128xf32>
    %mul3A_28 = arith.mulf %get3A_27, %mul3A : vector<1000x128xf32>
    %get3A_29 = arith.constant 0 : index
    %get3A_30 = arith.constant 0 : index
    %get3A_31 = arith.constant 0 : index
    %get3A_32 = vector.load %arg6[%get3A_29, %get3A_30, %get3A_31] : memref<2x128x256xf32, #tpu.memory_space<vmem>>, vector<1x128x256xf32>
    %get3A_33 = vector.shape_cast %get3A_32 : vector<1x128x256xf32> to vector<128x256xf32>
    %dot_general3A_34 = arith.constant dense<0.000000e+00> : vector<1000x256xf32>
    %dot_general3A_35 = tpu.matmul %mul3A_28, %get3A_33, %dot_general3A_34 {dimension_numbers = #tpu.dot_dimension_numbers<[1], [0], [0], [1], [0, 0, 1, 1], [], []>, transpose_lhs_hint = false} : vector<1000x128xf32>, vector<128x256xf32>, vector<1000x256xf32> -> vector<1000x256xf32>
    %add3A = arith.addf %dot_general3A_22, %dot_general3A_35 : vector<1000x256xf32>
    %get3A_36 = arith.constant 1 : index
    %get3A_37 = arith.constant 0 : index
    %get3A_38 = arith.constant 0 : index
    %get3A_39 = vector.load %arg1[%get3A_36, %get3A_37, %get3A_38] : memref<2x1000x128xf32, #tpu.memory_space<vmem>>, vector<1x1000x128xf32>
    %get3A_40 = vector.shape_cast %get3A_39 : vector<1x1000x128xf32> to vector<1000x128xf32>
    %mul3A_41 = vector.broadcast %div3A_5 : vector<1000x1xf32> to vector<1000x128xf32>
    %mul3A_42 = arith.mulf %get3A_40, %mul3A_41 : vector<1000x128xf32>
    %get3A_43 = arith.constant 1 : index
    %get3A_44 = arith.constant 0 : index
    %get3A_45 = arith.constant 0 : index
    %get3A_46 = vector.load %arg6[%get3A_43, %get3A_44, %get3A_45] : memref<2x128x256xf32, #tpu.memory_space<vmem>>, vector<1x128x256xf32>
    %get3A_47 = vector.shape_cast %get3A_46 : vector<1x128x256xf32> to vector<128x256xf32>
    %dot_general3A_48 = arith.constant dense<0.000000e+00> : vector<1000x256xf32>
    %dot_general3A_49 = tpu.matmul %mul3A_42, %get3A_47, %dot_general3A_48 {dimension_numbers = #tpu.dot_dimension_numbers<[1], [0], [0], [1], [0, 0, 1, 1], [], []>, transpose_lhs_hint = false} : vector<1000x128xf32>, vector<128x256xf32>, vector<1000x256xf32> -> vector<1000x256xf32>
    %add3A_50 = arith.addf %add3A, %dot_general3A_49 : vector<1000x256xf32>
    %get3A_51 = arith.constant 0 : index
    %get3A_52 = arith.constant 0 : index
    %get3A_53 = arith.constant 0 : index
    %get3A_54 = vector.load %arg3[%get3A_51, %get3A_52, %get3A_53] : memref<2x1000x128xf32, #tpu.memory_space<vmem>>, vector<1x1000x128xf32>
    %get3A_55 = vector.shape_cast %get3A_54 : vector<1x1000x128xf32> to vector<1000x128xf32>
    %mul3A_56 = vector.broadcast %div3A_15 : vector<1000x1xf32> to vector<1000x128xf32>
    %mul3A_57 = arith.mulf %get3A_55, %mul3A_56 : vector<1000x128xf32>
    %get3A_58 = arith.constant 0 : index
    %get3A_59 = arith.constant 0 : index
    %get3A_60 = arith.constant 0 : index
    %get3A_61 = vector.load %arg7[%get3A_58, %get3A_59, %get3A_60] : memref<2x128x256xf32, #tpu.memory_space<vmem>>, vector<1x128x256xf32>
    %get3A_62 = vector.shape_cast %get3A_61 : vector<1x128x256xf32> to vector<128x256xf32>
    %dot_general3A_63 = arith.constant dense<0.000000e+00> : vector<1000x256xf32>
    %dot_general3A_64 = tpu.matmul %mul3A_57, %get3A_62, %dot_general3A_63 {dimension_numbers = #tpu.dot_dimension_numbers<[1], [0], [0], [1], [0, 0, 1, 1], [], []>, transpose_lhs_hint = false} : vector<1000x128xf32>, vector<128x256xf32>, vector<1000x256xf32> -> vector<1000x256xf32>
    %add3A_65 = arith.addf %add3A_50, %dot_general3A_64 : vector<1000x256xf32>
    %get3A_66 = arith.constant 1 : index
    %get3A_67 = arith.constant 0 : index
    %get3A_68 = arith.constant 0 : index
    %get3A_69 = vector.load %arg3[%get3A_66, %get3A_67, %get3A_68] : memref<2x1000x128xf32, #tpu.memory_space<vmem>>, vector<1x1000x128xf32>
    %get3A_70 = vector.shape_cast %get3A_69 : vector<1x1000x128xf32> to vector<1000x128xf32>
    %mul3A_71 = vector.broadcast %div3A_15 : vector<1000x1xf32> to vector<1000x128xf32>
    %mul3A_72 = arith.mulf %get3A_70, %mul3A_71 : vector<1000x128xf32>
    %get3A_73 = arith.constant 1 : index
    %get3A_74 = arith.constant 0 : index
    %get3A_75 = arith.constant 0 : index
    %get3A_76 = vector.load %arg7[%get3A_73, %get3A_74, %get3A_75] : memref<2x128x256xf32, #tpu.memory_space<vmem>>, vector<1x128x256xf32>
    %get3A_77 = vector.shape_cast %get3A_76 : vector<1x128x256xf32> to vector<128x256xf32>
    %dot_general3A_78 = arith.constant dense<0.000000e+00> : vector<1000x256xf32>
    %dot_general3A_79 = tpu.matmul %mul3A_72, %get3A_77, %dot_general3A_78 {dimension_numbers = #tpu.dot_dimension_numbers<[1], [0], [0], [1], [0, 0, 1, 1], [], []>, transpose_lhs_hint = false} : vector<1000x128xf32>, vector<128x256xf32>, vector<1000x256xf32> -> vector<1000x256xf32>
    %add3A_80 = arith.addf %add3A_65, %dot_general3A_79 : vector<1000x256xf32>
    %get3A_81 = arith.constant 0 : index
    %get3A_82 = arith.constant 0 : index
    %get3A_83 = vector.load %arg9[%get3A_81, %get3A_82] : memref<1x256xf32, #tpu.memory_space<vmem>>, vector<1x256xf32>
    %add3A_84 = vector.broadcast %get3A_83 : vector<1x256xf32> to vector<1000x256xf32>
    %add3A_85 = arith.addf %add3A_80, %add3A_84 : vector<1000x256xf32>
    %ge3A = arith.constant 0.000000e+00 : f32
    %ge3A_86 = vector.broadcast %ge3A : f32 to vector<1000x256xf32>
    %ge3A_87 = arith.cmpf oge, %add3A_85, %ge3A_86 : vector<1000x256xf32>
    %mul3A_88 = arith.constant 2.000000e-01 : f32
    %mul3A_89 = vector.broadcast %mul3A_88 : f32 to vector<1000x256xf32>
    %mul3A_90 = arith.mulf %mul3A_89, %add3A_85 : vector<1000x256xf32>
    %select_n3A = arith.select %ge3A_87, %add3A_85, %mul3A_90 : vector<1000x256xi1>, vector<1000x256xf32>
    %swap3A = arith.constant 0 : index
    %swap3A_91 = arith.constant 0 : index
    %swap3A_92 = vector.load %arg10[%swap3A, %swap3A_91] : memref<1000x256xf32, #tpu.memory_space<vmem>>, vector<1000x256xf32>
    tpu.vector_store %arg10[%swap3A, %swap3A_91], %select_n3A {strides = array<i32>} : memref<1000x256xf32, #tpu.memory_space<vmem>>, vector<1000x256xf32>,
    return
  }
  func.func @transform_0(%arg0: i32) -> (i32, i32, i32) {
    %c0_i32 = arith.constant 0 : i32
    %c0_i32_0 = arith.constant 0 : i32
    %c0_i32_1 = arith.constant 0 : i32
    return %c0_i32, %arg0, %c0_i32_0 : i32, i32, i32
  }
  func.func @transform_1(%arg0: i32) -> (i32, i32) {
    %c0_i32 = arith.constant 0 : i32
    %c0_i32_0 = arith.constant 0 : i32
    return %arg0, %c0_i32 : i32, i32
  }
  func.func @transform_2(%arg0: i32) -> (i32, i32, i32) {
    %c0_i32 = arith.constant 0 : i32
    %c0_i32_0 = arith.constant 0 : i32
    %c0_i32_1 = arith.constant 0 : i32
    return %c0_i32, %arg0, %c0_i32_0 : i32, i32, i32
  }
  func.func @transform_3(%arg0: i32) -> (i32, i32) {
    %c0_i32 = arith.constant 0 : i32
    %c0_i32_0 = arith.constant 0 : i32
    return %arg0, %c0_i32 : i32, i32
  }
  func.func @transform_4(%arg0: i32) -> (i32, i32) {
    %c0_i32 = arith.constant 0 : i32
    %c0_i32_0 = arith.constant 0 : i32
    return %arg0, %c0_i32 : i32, i32
  }
  func.func @transform_5(%arg0: i32) -> (i32, i32, i32) {
    %c0_i32 = arith.constant 0 : i32
    %c0_i32_0 = arith.constant 0 : i32
    %c0_i32_1 = arith.constant 0 : i32
    %c0_i32_2 = arith.constant 0 : i32
    return %c0_i32, %c0_i32_0, %c0_i32_1 : i32, i32, i32
  }
  func.func @transform_6(%arg0: i32) -> (i32, i32, i32) {
    %c0_i32 = arith.constant 0 : i32
    %c0_i32_0 = arith.constant 0 : i32
    %c0_i32_1 = arith.constant 0 : i32
    %c0_i32_2 = arith.constant 0 : i32
    return %c0_i32, %c0_i32_0, %c0_i32_1 : i32, i32, i32
  }
  func.func @transform_7(%arg0: i32) -> (i32, i32) {
    %c0_i32 = arith.constant 0 : i32
    %c0_i32_0 = arith.constant 0 : i32
    %c0_i32_1 = arith.constant 0 : i32
    return %c0_i32, %c0_i32_0 : i32, i32
  }
  func.func @transform_8(%arg0: i32) -> (i32, i32) {
    %c0_i32 = arith.constant 0 : i32
    %c0_i32_0 = arith.constant 0 : i32
    %c0_i32_1 = arith.constant 0 : i32
    return %c0_i32, %c0_i32_0 : i32, i32
  }
  func.func @transform_9(%arg0: i32) -> (i32, i32) {
    %c0_i32 = arith.constant 0 : i32
    %c0_i32_0 = arith.constant 0 : i32
    return %arg0, %c0_i32 : i32, i32
  }
}

</mosaic_0001>

<sc_bundles>
// kernel: kernel.15.cloned.1.call-start
scs
__scs_entry_jumppad:
0x0: {  	(pc) =	sbr.rel $0x88, $3  }
0x1: {  	(tag) =	ssettag $0x0;
	lr =	simm.s32 $0x1  }
0x2: {  	[smem:$0x3F85] =	sst lr;
	_ =	strace $0xD0000000  }
0x3: {  	_ = 	snop  }
0x4: {  	_ = 	snop  }
0x5: {  	_ = 	snop  }
0x6: {  	_ = 	snop  }
0x7: {  	_ = 	snop  }
__scs_overlays_trampoline_lowered:
0x8: {  	[smem:$0x3F94] =	sst s0  }
0x9: {  	[smem:$0x3F95] =	sst s1  }
0xa: {  	[smem:$0x3F96] =	sst s2  }
0xb: {  	[smem:$0x3F97] =	sst s3  }
0xc: {  	[smem:$0x3F98] =	sst s4  }
0xd: {  	[smem:$0x3F99] =	sst s5  }
0xe: {  	[smem:$0x3F9A] =	sst s6  }
0xf: {  	[smem:$0x3F9B] =	sst s7  }
0x10: {  	[smem:$0x3F9C] =	sst s8  }
0x11: {  	[smem:$0x3F9D] =	sst s9;
	s0 =	simm.s32 @!p0 $0x0  }
0x12: {  	s1 =	sld [smem:$0x3F83];
	s0 =	simm.s32 @p0 $0x1  }
0x13: {  	[smem:$0x3F9E] =	sst s0;
	s0 =	simm.s32 @!p1 $0x0  }
0x14: {  	s2 =	sld [smem:$0x3F82];
	s0 =	simm.s32 @p1 $0x1  }
0x15: {  	[smem:$0x3F9F] =	sst s0;
	s0 =	simm.s32 @!p2 $0x0  }
0x16: {  	s3 =	sld [smem:$0x3FDB];
	s0 =	simm.s32 @p2 $0x1  }
0x17: {  	s4 =	simm.s32 $0x1BF5;
	[smem:$0x3FA1] =	sst s0  }
0x18: {  	s0 =	sld [smem:$0x3F84];
	_ =	swait.ge [sflag:s4], $0x0  }
0x19: {  	s7 =	sld [smem:$0x3F85]  }
0x1a: {  	s8 =	sadd.s32 $0xFFFFE003, lr  }
0x1b: {  	s9 =	sadd.s32 $0xFFFFFEF7, lr;
	s5 =	simm.s32 $0xFFFFFFFF;
	p2 =	slt.u32 s8, $0xFFFFF086  }
0x1c: {  	p1 =	slt.u32 s9, $0xF7A;
	s5 =	simm.s32 @!p2 $0x0  }
0x1d: {  	s5 =	simm.s32 @p1 $0x1;
	p0 =	seq.s32 s7, s2  }
0x1e: {  	s7 =	smul.u32 @!p0 $0xF7A, s2;
	p2 =	seq.s32 @!p0 s5, $0x0  }
0x1f: {  	s9 =	smul.u32 $0xF7A, s1;
	s8 =	simm.s32 @!p0 $0x1BF5;
	p2 =	por !p2, p0  }
0x20: {  	[sflag:s8] =	ssyncset.s32 @!p0 $0xFFFFF086;
	s6 =	sadd.s32 @!p0 s3, s7;
	s7 =	simm.s32 @!p0 $0x108  }
0x21: {  	s3 =	sadd.s32 s3, s9;
	s6 =	sadd.s32 @!p0 $0x88, s6;
	s7 =	simm.s32 @p2 $0x1082  }
0x22: {  	[simem:s7], [sflag:s8] =	dma.local @!p0 [hbm:s6], $0xF7A  }
0x23: {  	s9 =	sor.u32 $0xD0000000, s2;
	s6 =	simm.s32 $0x108;
	_ =	swait.ge @!p0 [sflag:s8], $0x0  }
0x24: {  	s3 =	sadd.s32 $0x88, s3;
	s6 =	simm.s32 @!p1 $0x1082;
	[sflag:s4] =	ssyncset.s32 $0xFFFFF086  }
0x25: {  	[simem:s6], [sflag:s4] =	dma.local [hbm:s3], $0xF7A  }
0x26: {  	[smem:$0x3F85] =	sst s1;
	(tag) =	ssettag s2;
	_ =	strace s9  }
0x27: {  	s1 =	sld [smem:$0x3F95]  }
0x28: {  	s2 =	sld [smem:$0x3F96]  }
0x29: {  	s4 =	sld [smem:$0x3F98]  }
0x2a: {  	p0 =	seq.s32 s5, $0x0;
	s5 =	sld [smem:$0x3F99]  }
0x2b: {  	s6 =	sld [smem:$0x3F9A]  }
0x2c: {  	s7 =	sld [smem:$0x3F9B]  }
0x2d: {  	s3 =	simm.s32 $0x108;
	s8 =	sld [smem:$0x3F9C]  }
0x2e: {  	s3 =	simm.s32 @!p0 $0x1082;
	s9 =	sld [smem:$0x3F9D]  }
0x2f: {  	lr =	sadd.s32 s0, s3;
	s0 =	sld [smem:$0x3F94]  }
0x30: {  	s3 =	sld [smem:$0x3F97]  }
0x31: {  	[smem:$0x3FA0] =	sst s10  }
0x32: {  	s10 =	sld [smem:$0x3F9E];
	_ =	sdelay $0x3  }
0x33: {  	p0 =	seq.s32 s10, $0x1;
	s10 =	sld [smem:$0x3FA0];
	_ =	sdelay $0x3  }
0x34: {  	[smem:$0x3FA0] =	sst s10  }
0x35: {  	s10 =	sld [smem:$0x3F9F];
	_ =	sdelay $0x3  }
0x36: {  	p1 =	seq.s32 s10, $0x1;
	s10 =	sld [smem:$0x3FA0];
	_ =	sdelay $0x3  }
0x37: {  	[smem:$0x3FA0] =	sst s10  }
0x38: {  	s10 =	sld [smem:$0x3FA1]  }
0x39: {  	_ = 	snop;
	(pc) =	sbr.ind lr, $3  }
0x3a: {  	_ = 	snop  }
0x3b: {  	_ = 	snop  }
0x3c: {  	p2 =	seq.s32 s10, $0x1;
	s10 =	sld [smem:$0x3FA0]  }
0x3d: {  	_ =	shalt  }
0x3e: {  	_ =	shalt  }
0x3f: {  	_ =	shalt  }
0x40: {  	_ =	shalt  }
0x41: {  	_ =	shalt  }
0x42: {  	_ =	shalt  }
0x43: {  	_ =	shalt  }
0x44: {  	_ =	shalt  }
0x45: {  	_ =	shalt  }
0x46: {  	_ =	shalt  }
0x47: {  	_ =	shalt  }
0x48: {  	_ =	shalt  }
0x49: {  	_ =	shalt  }
0x4a: {  	_ =	shalt  }
0x4b: {  	_ =	shalt  }
0x4c: {  	_ =	shalt  }
0x4d: {  	_ =	shalt  }
0x4e: {  	_ =	shalt  }
0x4f: {  	_ =	shalt  }
0x50: {  	_ =	shalt  }
0x51: {  	_ =	shalt  }
0x52: {  	_ =	shalt  }
0x53: {  	_ =	shalt  }
0x54: {  	_ =	shalt  }
0x55: {  	_ =	shalt  }
0x56: {  	_ =	shalt  }
0x57: {  	_ =	shalt  }
0x58: {  	_ =	shalt  }
0x59: {  	_ =	shalt  }
0x5a: {  	_ =	shalt  }
0x5b: {  	_ =	shalt  }
0x5c: {  	_ =	shalt  }
0x5d: {  	_ =	shalt  }
0x5e: {  	_ =	shalt  }
0x5f: {  	_ =	shalt  }
0x60: {  	_ =	shalt  }
0x61: {  	_ =	shalt  }
0x62: {  	_ =	shalt  }
0x63: {  	_ =	shalt  }
0x64: {  	_ =	shalt  }
0x65: {  	_ =	shalt  }
0x66: {  	_ =	shalt  }
0x67: {  	_ =	shalt  }
0x68: {  	_ =	shalt  }
0x69: {  	_ =	shalt  }
0x6a: {  	_ =	shalt  }
0x6b: {  	_ =	shalt  }
0x6c: {  	_ =	shalt  }
0x6d: {  	_ =	shalt  }
0x6e: {  	_ =	shalt  }
0x6f: {  	_ =	shalt  }
0x70: {  	_ =	shalt  }
0x71: {  	_ =	shalt  }
0x72: {  	_ =	shalt  }
0x73: {  	_ =	shalt  }
0x74: {  	_ =	shalt  }
0x75: {  	_ =	shalt  }
0x76: {  	_ =	shalt  }
0x77: {  	_ =	shalt  }
0x78: {  	_ =	shalt  }
0x79: {  	_ =	shalt  }
0x7a: {  	_ =	shalt  }
0x7b: {  	_ =	shalt  }
0x7c: {  	_ =	shalt  }
0x7d: {  	_ =	shalt  }
0x7e: {  	_ =	shalt  }
0x7f: {  	_ =	shalt  }
0x80: {  	_ =	shalt  }
0x81: {  	_ =	shalt  }
0x82: {  	_ =	shalt  }
0x83: {  	_ =	shalt  }
0x84: {  	_ =	shalt  }
0x85: {  	_ =	shalt  }
0x86: {  	_ =	shalt  }
0x87: {  	_ =	shalt  }
.Lfunc_end0:
.L_simem_size_0:
called_computation_lowered:
.L_overlay_start_0:
0x88: {  	s2 =	sld [smem:$0x3FD9]  }
0x89: {  	s3 =	sld [smem:$0x3FFE];
	_ =	sdelay $0x1  }
0x8a: {  	s1 =	srdreg.scid  }
0x8b: {  	s0 =	sand.u32 $0x1, s1  }
0x8c: {  	s16 =	sshll.u32 s0, $0xA;
	s2 =	sadd.s32 s3, s2  }
0x8d: {  	s2 =	sadd.s32 s2, s16  }
0x8e: {  	[smem:$0x3FAC] =	sst s2  }
0x8f: {  	_ = 	snop  }
0x90: {  	(tm) =	ssettm $0x1  }
0x91: {  	s17 =	sld [smem:$0x3FFB];
	_ =	sdelay $0x3  }
0x92: {  	_ =	strace s17  }
0x93: {  	s2 =	sld [smem:$0x3FFC];
	_ =	sdelay $0x3  }
0x94: {  	_ =	strace s2  }
0x95: {  	s2 =	sld [smem:$0x3FFD];
	_ =	sdelay $0x3  }
0x96: {  	_ =	strace s2  }
0x97: {  	_ =	strace $0x8FFFFFFF  }
0x98: {  	s18 =	sld [smem:$0x3FDB];
	_ =	sdelay $0x1  }
0x99: {  	s19 =	simm.s32 $_scs_section_size  }
0x9a: {  	s4 =	simm.s32 $_size__tile_overlayer_lowered;
	s5 =	simm.s32 $_tile_overlayer_lowered  }
0x9b: {  	s22 =	simm.s32 $0x1BFF;
	s21 =	sshll.u32 s5, $0x1;
	s2 =	sadd.s32 s19, s18  }
0x9c: {  	s6 =	simm.s32 $0x0;
	s20 =	sshll.u32 s4, $0x1;
	s4 =	sadd.s32 s21, s2  }
0x9d: {  	[timem:s6], [sflag:s22] =	dma.local [hbm:s4], s20  }
0x9e: {  	_ =	swait.ge [sflag:s22], s20  }
0x9f: {  	s3 =	ssub.s32 $0x0, s20;
	[sflag:s22] =	ssyncset.done $0x0  }
0xa0: {  	[sflag:s22] =	ssyncadd.s32 s3;
	_ =	sdelay $0x1  }
0xa1: {  	s23 =	simm.s32 $0x1B8B  }
0xa2: {  	_ =	swait.ge [sflag:s23], $0x1  }
0xa3: {  	[sflag:s23] =	ssyncset.done $0x0  }
0xa4: {  	s25 =	simm.s32 $0x1B8E;
	s24 =	sld [smem:$0x3FFE];
	[sflag:s23] =	ssyncadd.s32 $0xFFFFFFFF  }
0xa5: {  	s26 =	simm.s32 $execute0_lowered;
	[smem:$0x3FD2] =	sst s25  }
0xa6: {  	s4 =	sshll.u32 s26, $0x1;
	_ =	strace $0x80000046;
	[dreg:$0x1] =	wrdreg $0xFFFFFFFF  }
0xa7: {  	s28 =	simm.s32 $_size_execute0_lowered;
	s2 =	sadd.s32 s2, s4;
	[dreg:$0x0] =	wrdreg $0x0  }
0xa8: {  	s4 =	sshll.u32 s28, $0x1;
	[dreg:$0x2] =	wrdreg s2  }
0xa9: {  	[dreg:$0x3] =	wrdreg s4  }
0xaa: {  	[dreg:$0x4] =	wrdreg $0xC0  }
0xab: {  	_ =	task [dreg:s6], $0x5FFFF  }
0xac: {  	[dreg:$0x1] =	wrdreg $0xFFFFFFFF  }
0xad: {  	[dreg:$0x0] =	wrdreg $0x60  }
0xae: {  	[dreg:$0x2] =	wrdreg s24  }
0xaf: {  	[dreg:$0x3] =	wrdreg $0x68000  }
0xb0: {  	[dreg:$0x4] =	wrdreg $0xB  }
0xb1: {  	_ =	task.clear_ibuf [dreg:s6], $0x5FFFF;
	_ =	strace $0x90000046  }
0xb2: {  	s29 =	simm.s32 $0xB;
	_ =	strace $0x80000048  }
0xb3: {  	_ =	swait.ge [sflag:s29], $0x1  }
0xb4: {  	[sflag:s29] =	ssyncadd.s32 $0xFFFFFFFF  }
0xb5: {  	_ =	strace $0x90000048  }
0xb6: {  	_ =	sfence  }
0xb7: {  	s30 =	sld [smem:$0x0];
	_ =	sdelay $0x2  }
0xb8: {  	s31 =	sshll.u32 s1, $0xD;
	s1 =	sshrl.u32 s1, $0x2  }
0xb9: {  	s3 =	sand.u32 $0x4000, s31;
	s1 =	sadd.s32 s1, s30  }
0xba: {  	s0 =	sor.u32 s3, s0;
	s1 =	sshll.u32 s1, $0x11  }
0xbb: {  	s0 =	sor.u32 s1, s0  }
0xbc: {  	s0 =	sadd.s32 $0x8F2B, s0  }
0xbd: {  	[sflag:s0] =	ssyncadd.remote.s32 $0x1  }
0xbe: {  	_ =	sfence.sel $0xFFFF  }
0xbf: {  	[dreg:$0x0] =	wrdreg $0xFFFFFFFF;
	(pc) =	sbr.abs _section_cstart, $3  }
0xc0: {  	[dreg:$0x1] =	wrdreg $0xFFFFFFFF  }
0xc1: {  	_ =	task.clear_ibuf [dreg:s6], $0x2FFFF;
	_ =	strace $0x9FFFFFFF  }
0xc2: {  	(tm) =	ssettm $0x7FFFFFFF  }
0xc3: {  	_ =	shalt  }
tec
execute0_lowered:
.L_overlay_start_1:
0x0: {  	(tag) =	ssettag $0x1  }
0x1: {  	s4 =	rddreg [dreg:$0x0]  }
0x2: {  	s2 =	rddreg [dreg:$0x1]  }
0x3: {  	s0 =	rddreg [dreg:$0x2];
	s1 =	stileid.u32  }
0x4: {  	s3 =	simm.s32 $0x0;
	s6 =	srdreg.scid;
	s5 =	smul.u32 $0x2800, s1  }
0x5: {  	[smem:$0x7FF] =	sst s3;
	s7 =	smul.u32 $0x4F000, s1  }
0x6: {  	s19 =	sand.u32 $0x1, s6;
	s14 =	sadd.s32 $0x16800, s4;
	s16 =	smul.u32 $0x13800, s1  }
0x7: {  	s17 =	smul.u32 $0x4E000, s1;
	s21 =	sadd.s32 $0x138000, s2;
	p1 =	sne.s32 s1, $0xF  }
0x8: {  	_ =	strace $0x80000047;
	s28 =	ssub.s32 $0x2, s19;
	s13 =	smul.u32 $0x138800, s19  }
0x9: {  	s10 =	sshll.u32 s19, $0x7;
	p0 =	seq.s32 s19, $0x0;
	s5 =	sshrl.u32 s5, $0x3  }
0xa: {  	s29 =	sshrl.u32 s7, $0x2;
	s30 =	sshrl.u32 s28, $0x1;
	s31 =	sshrl.u32 s17, $0x2  }
0xb: {  	s17 =	simm.s32 $0x1;
	s12 =	sadd.s32 s5, s4;
	s4 =	sadd.s32 s29, s2  }
0xc: {  	s15 =	ssub.s32 s28, s30;
	s16 =	sadd.s32 s16, s13;
	s18 =	sshrl.u32 s13, $0x3  }
0xd: {  	s20 =	sadd.s32 s31, s2;
	s5 =	sadd.s32 $0x4000, s4;
	s6 =	sadd.s32 $0x8000, s4  }
0xe: {  	s7 =	sadd.s32 $0xC000, s4;
	s8 =	sadd.s32 $0x10000, s4;
	s9 =	sadd.s32 $0x7800, s12  }
0xf: {  	s11 =	sadd.s32 $0xC800, s12;
	s12 =	sadd.s32 $0x11800, s12;
	s16 =	sshrl.u32 s16, $0x3  }
0x10: {  	s15 =	smax.u32 s15, $0x1;
	s19 =	sshrl.u32 s20, $0x3;
	s20 =	sshrl.u32 @!p1 s21, $0x3  }
0x11: {  	s21 =	simm.s32 $0x0;
	s13 =	sadd.s32 s14, s16;
	s14 =	sadd.s32 s14, s18  }
0x12: {  	v0 =	vimm.f32 $0.0e+00;
	v1 =	vimm.f32 $1.000000000e+00;
	s16 =	simm.s32 $0x2800;
	s18 =	simm.s32 $0x80;
	s14 =	sadd.s32 $0x27000, s14  }
.LBB2_1:
0x13: {  	s22 =	simm.s32 $0x0;
	s23 =	simm.s32 $0x200  }
.LBB2_2:
0x14: {  	p2 =	sne.s32 s23, $0xFE00;
	[tilespmem:s22+$0x2870] =	vst v0  }
0x15: {  	[tilespmem:s22+$0x2800] =	vst v0  }
0x16: {  	[tilespmem:s22+$0x2810] =	vst v0  }
.Ltmp0:
0x17: {  	[tilespmem:s22+$0x2820] =	vst v0;
	(pc) =	sbr.rel @p2 .LBB2_2-.Ltmp0, $4  }
0x18: {  	[tilespmem:s22+$0x2830] =	vst v0  }
0x19: {  	[tilespmem:s22+$0x2840] =	vst v0  }
0x1a: {  	[tilespmem:s22+$0x2850] =	vst v0  }
0x1b: {  	[tilespmem:s22+$0x2860] =	vst v0;
	s22 =	sshra.s32 s23, $0x2;
	s23 =	sadd.s32 $0x200, s23  }
0x1c: {  	[tilespmem:s22+$0x2870] =	vst v0  }
0x1d: {  	[tilespmem:s22+$0x2800] =	vst v0  }
0x1e: {  	[tilespmem:s22+$0x2810] =	vst v0  }
0x1f: {  	[tilespmem:s22+$0x2820] =	vst v0  }
0x20: {  	[tilespmem:s22+$0x2830] =	vst v0  }
0x21: {  	[tilespmem:s22+$0x2840] =	vst v0  }
0x22: {  	[tilespmem:s22+$0x2850] =	vst v0  }
0x23: {  	[tilespmem:s22+$0x2860] =	vst v0  }
0x24: {  	[spmem:s4] =	stream.linear.scatter [tilespmem:s16], [sflag:$0x1], $0x4000, $0x38;
	[tilespmem:$0x1A400] =	vst v63  }
0x25: {  	_ =	swait.ge [sflag:s17], $0x4000  }
0x26: {  	[sflag:s17] =	ssyncset.done $0x0  }
0x27: {  	[sflag:s17] =	ssyncadd.s32 $0xFFFFC000  }
0x28: {  	[spmem:s5] =	stream.linear.scatter [tilespmem:s16], [sflag:$0x1], $0x4000, $0x38;
	[tilespmem:$0x1A400] =	vst v63  }
0x29: {  	_ =	swait.ge [sflag:s17], $0x4000  }
0x2a: {  	[sflag:s17] =	ssyncset.done $0x0  }
0x2b: {  	[sflag:s17] =	ssyncadd.s32 $0xFFFFC000  }
0x2c: {  	[spmem:s6] =	stream.linear.scatter [tilespmem:s16], [sflag:$0x1], $0x4000, $0x38;
	[tilespmem:$0x1A400] =	vst v63  }
0x2d: {  	_ =	swait.ge [sflag:s17], $0x4000  }
0x2e: {  	[sflag:s17] =	ssyncset.done $0x0  }
0x2f: {  	[sflag:s17] =	ssyncadd.s32 $0xFFFFC000  }
0x30: {  	[spmem:s7] =	stream.linear.scatter [tilespmem:s16], [sflag:$0x1], $0x4000, $0x38;
	[tilespmem:$0x1A400] =	vst v63  }
0x31: {  	_ =	swait.ge [sflag:s17], $0x4000  }
0x32: {  	[sflag:s17] =	ssyncset.done $0x0  }
0x33: {  	[sflag:s17] =	ssyncadd.s32 $0xFFFFC000  }
0x34: {  	[spmem:s8] =	stream.linear.scatter [tilespmem:s16], [sflag:$0x1], $0x3C00, $0x38;
	[tilespmem:$0x1A400] =	vst v63  }
0x35: {  	_ =	swait.ge [sflag:s17], $0x3C00  }
0x36: {  	[sflag:s17] =	ssyncset.done $0x0  }
0x37: {  	[sflag:s17] =	ssyncadd.s32 $0xFFFFC400  }
0x38: {  	s31 =	simm.s32 $0x0;
	[bflag:$0x0] =	sbarrier.arrive $0xFFFF  }
0x39: {  	[tilespmem:s31], [sflag:$0x1] =	stream.linear.gather [hbm4b:s9+s31], $0x2780, $0x38;
	[tilespmem:$0x1A400] =	vst v63  }
0x3a: {  	_ =	swait.ge [sflag:s17], $0x2780  }
0x3b: {  	[sflag:s17] =	ssyncset.done $0x0  }
0x3c: {  	s22 =	simm.s32 $0x200;
	s23 =	simm.s32 $0x0;
	[sflag:s17] =	ssyncadd.s32 $0xFFFFD880  }
.LBB2_4:
0x3d: {  	p2 =	sne.s32 s22, $0xFE00;
	[tilespmem:s23+$0x2800] =	vst v1;
	s23 =	smov.u32 s22;
	s22 =	sadd.s32 $0x200, s22  }
.Ltmp1:
0x3e: {  	(pc) =	sbr.rel @p2 .LBB2_4-.Ltmp1, $2  }
0x3f: {  	_ =	sdelay $0x2  }
0x40: {  	s23 =	sshra.s32 s23, $0x2  }
0x41: {  	[tilespmem:s23+$0x2800] =	vst v1;
	s22 =	sadd.s32 $0x0, s10  }
0x42: {  	[spmem:s2] =	stream.indirect.scatter.add.f32 [tilespmem:s16], [sflag:$0x1], $0x80, s22, s18, $0xb8;
	[tilespmem:$0x1A400] =	vst v63  }
0x43: {  	s22 =	simm.s32 $0x400;
	_ =	swait.ge [sflag:s17], $0x4000  }
.LBB2_6:
0x44: {  	s23 =	sshra.s32 s22, $0x2;
	[sflag:s17] =	ssyncset.done $0x0;
	p2 =	sne.s32 s22, $0x9800  }
.Ltmp2:
0x45: {  	s23 =	sadd.s32 s23, s10;
	[sflag:s17] =	ssyncadd.s32 $0xFFFFC000;
	(pc) =	sbr.rel @p2 .LBB2_6-.Ltmp2, $3  }
0x46: {  	[spmem:s2] =	stream.indirect.scatter.add.f32 [tilespmem:s16], [sflag:$0x1], $0x80, s23, s18, $0xb8;
	[tilespmem:$0x1A400] =	vst v63  }
0x47: {  	s22 =	sadd.s32 $0x400, s22;
	_ =	sdelay $0x1  }
0x48: {  	_ =	swait.ge [sflag:s17], $0x4000  }
0x49: {  	[sflag:s17] =	ssyncset.done $0x0;
	s22 =	simm.s32 @!p0 $0x80  }
0x4a: {  	s23 =	simm.s32 @!p0 $0x2700;
	s24 =	simm.s32 @!p0 $0x2800;
	[sflag:s17] =	ssyncadd.s32 $0xFFFFC000  }
0x4b: {  	[spmem:s2] =	stream.indirect.scatter.add.f32 @!p0 [tilespmem:s24], [sflag:$0x1], $0x80, s23, s22, $0xb8;
	[tilespmem:$0x1A400] =	vst v63  }
0x4c: {  	s22 =	simm.s32 @!p0 $0x1  }
0x4d: {  	_ =	swait.ge @!p0 [sflag:s22], $0x4000  }
0x4e: {  	[sflag:s22] =	ssyncset.done @!p0 $0x0  }
0x4f: {  	s31 =	simm.s32 $0x0;
	[sflag:s22] =	ssyncadd.s32 @!p0 $0xFFFFC000  }
0x50: {  	[tilespmem:s31], [sflag:$0x1] =	stream.linear.gather [hbm4b:s11+s31], $0x2780, $0x38;
	[tilespmem:$0x1A400] =	vst v63  }
0x51: {  	_ =	swait.ge [sflag:s17], $0x2780  }
0x52: {  	[sflag:s17] =	ssyncset.done $0x0  }
0x53: {  	s23 =	simm.s32 $0x0;
	s22 =	simm.s32 $0x200;
	[sflag:s17] =	ssyncadd.s32 $0xFFFFD880  }
.LBB2_8:
0x54: {  	p2 =	sne.s32 s22, $0xFE00;
	[tilespmem:s23+$0x2800] =	vst v0;
	s24 =	smov.u32 s22;
	s22 =	sadd.s32 $0x200, s22  }
.Ltmp3:
0x55: {  	[tilespmem:s23+$0x2810] =	vst v1;
	(pc) =	sbr.rel @p2 .LBB2_8-.Ltmp3, $2  }
0x56: {  	_ =	sdelay $0x2  }
0x57: {  	s23 =	sshra.s32 s24, $0x2  }
0x58: {  	[tilespmem:s23+$0x2800] =	vst v0  }
0x59: {  	[tilespmem:s23+$0x2810] =	vst v1;
	s22 =	sadd.s32 $0x0, s10  }
0x5a: {  	[spmem:s2] =	stream.indirect.scatter.add.f32 [tilespmem:s16], [sflag:$0x1], $0x80, s22, s18, $0xb8;
	[tilespmem:$0x1A400] =	vst v63  }
0x5b: {  	s22 =	simm.s32 $0x400;
	_ =	swait.ge [sflag:s17], $0x4000  }
.LBB2_10:
0x5c: {  	s23 =	sshra.s32 s22, $0x2;
	[sflag:s17] =	ssyncset.done $0x0;
	p2 =	sne.s32 s22, $0x9800  }
.Ltmp4:
0x5d: {  	s23 =	sadd.s32 s23, s10;
	[sflag:s17] =	ssyncadd.s32 $0xFFFFC000;
	(pc) =	sbr.rel @p2 .LBB2_10-.Ltmp4, $3  }
0x5e: {  	[spmem:s2] =	stream.indirect.scatter.add.f32 [tilespmem:s16], [sflag:$0x1], $0x80, s23, s18, $0xb8;
	[tilespmem:$0x1A400] =	vst v63  }
0x5f: {  	s22 =	sadd.s32 $0x400, s22;
	_ =	sdelay $0x1  }
0x60: {  	_ =	swait.ge [sflag:s17], $0x4000  }
0x61: {  	[sflag:s17] =	ssyncset.done $0x0;
	s22 =	simm.s32 @!p0 $0x80  }
0x62: {  	s23 =	simm.s32 @!p0 $0x2700;
	s24 =	simm.s32 @!p0 $0x2800;
	[sflag:s17] =	ssyncadd.s32 $0xFFFFC000  }
0x63: {  	[spmem:s2] =	stream.indirect.scatter.add.f32 @!p0 [tilespmem:s24], [sflag:$0x1], $0x80, s23, s22, $0xb8;
	[tilespmem:$0x1A400] =	vst v63  }
0x64: {  	s22 =	simm.s32 @!p0 $0x1  }
0x65: {  	_ =	swait.ge @!p0 [sflag:s22], $0x4000  }
0x66: {  	[sflag:s22] =	ssyncset.done @!p0 $0x0  }
0x67: {  	[sflag:s22] =	ssyncadd.s32 @!p0 $0xFFFFC000  }
0x68: {  	[tilespmem:s3], [sflag:$0x1] =	stream.linear.gather [hbm4b:s12+s3], $0x2780, $0x38;
	[tilespmem:$0x1A400] =	vst v63  }
0x69: {  	_ =	swait.ge [sflag:s17], $0x2780  }
0x6a: {  	[sflag:s17] =	ssyncset.done $0x0  }
0x6b: {  	s22 =	simm.s32 $0xFFFF0000;
	[sflag:s17] =	ssyncadd.s32 $0xFFFFD880  }
.LBB2_12:
0x6c: {  	p2 =	sne.s32 s22, $0xFFFFFE00  }
.Ltmp5:
0x6d: {  	_ = 	snop;
	(pc) =	sbr.rel @p2 .LBB2_12-.Ltmp5, $4  }
0x6e: {  	_ = 	snop  }
0x6f: {  	s23 =	sshra.s32 s22, $0x2  }
0x70: {  	[tilespmem:s23+$0x6810] =	vst v0  }
0x71: {  	s22 =	sadd.s32 $0x200, s22;
	[tilespmem:s23+$0x6820] =	vst v1  }
0x72: {  	s22 =	sadd.s32 $0x0, s10  }
0x73: {  	[spmem:s2] =	stream.indirect.scatter.add.f32 [tilespmem:s16], [sflag:$0x1], $0x80, s22, s18, $0xb8;
	[tilespmem:$0x1A400] =	vst v63  }
0x74: {  	s22 =	simm.s32 $0x400;
	_ =	swait.ge [sflag:s17], $0x4000  }
.LBB2_14:
0x75: {  	s23 =	sshra.s32 s22, $0x2;
	[sflag:s17] =	ssyncset.done $0x0;
	p2 =	sne.s32 s22, $0x9800  }
.Ltmp6:
0x76: {  	s23 =	sadd.s32 s23, s10;
	[sflag:s17] =	ssyncadd.s32 $0xFFFFC000;
	(pc) =	sbr.rel @p2 .LBB2_14-.Ltmp6, $3  }
0x77: {  	[spmem:s2] =	stream.indirect.scatter.add.f32 [tilespmem:s16], [sflag:$0x1], $0x80, s23, s18, $0xb8;
	[tilespmem:$0x1A400] =	vst v63  }
0x78: {  	s22 =	sadd.s32 $0x400, s22;
	_ =	sdelay $0x1  }
0x79: {  	_ =	swait.ge [sflag:s17], $0x4000  }
0x7a: {  	[sflag:s17] =	ssyncset.done $0x0;
	s22 =	simm.s32 @!p0 $0x80  }
0x7b: {  	s23 =	simm.s32 @!p0 $0x2700;
	s24 =	simm.s32 @!p0 $0x2800;
	[sflag:s17] =	ssyncadd.s32 $0xFFFFC000  }
0x7c: {  	[spmem:s2] =	stream.indirect.scatter.add.f32 @!p0 [tilespmem:s24], [sflag:$0x1], $0x80, s23, s22, $0xb8;
	[tilespmem:$0x1A400] =	vst v63  }
0x7d: {  	s22 =	simm.s32 @!p0 $0x1  }
0x7e: {  	_ =	swait.ge @!p0 [sflag:s22], $0x4000  }
0x7f: {  	[sflag:s22] =	ssyncset.done @!p0 $0x0  }
0x80: {  	s31 =	sshll.u32 s1, $0x6;
	[sflag:s22] =	ssyncadd.s32 @!p0 $0xFFFFC000  }
0x81: {  	s22 =	sor.u32 $0x1C01, s31;
	[bflag:$0x0] =	sbarrier.arrive $0xFFFF  }
0x82: {  	[hbm:s13], [sflag:s22] =	dma.local [spmem:s19], $0x2700  }
0x83: {  	_ =	swait.ge [sflag:s17], $0x2700  }
0x84: {  	s21 =	sadd.s32 $0x1, s21;
	[sflag:s17] =	ssyncset.done $0x0  }
0x85: {  	p2 =	sne.s32 s21, s15;
	[sflag:s17] =	ssyncadd.s32 $0xFFFFD900  }
0x86: {  	[hbm:s14], [sflag:s22] =	dma.local @!p1 [spmem:s20], $0x100  }
.Ltmp7:
0x87: {  	_ = 	snop;
	(pc) =	sbr.rel @p2 .LBB2_1-.Ltmp7, $4  }
0x88: {  	s22 =	simm.s32 @!p1 $0x1  }
0x89: {  	_ =	swait.ge @!p1 [sflag:s22], $0x100  }
0x8a: {  	[sflag:s22] =	ssyncset.done @!p1 $0x0  }
0x8b: {  	[sflag:s22] =	ssyncadd.s32 @!p1 $0xFFFFFF00  }
0x8c: {  	_ =	sfence.sel $0x180000  }
0x8d: {  	[bflag:$0x0] =	sbarrier.arrive $0xFFFF  }
0x8e: {  	p0 =	sne.s32 s1, $0x0;
	_ =	strace $0x90000047  }
0x8f: {  	s0 =	sadd.s32 @!p0 $0x100000, s0;
	[bflag:$0x2] =	sbarrier.arrive $0xFFFF  }
0x90: {  	[sflag:s0] =	ssyncadd.tile.s32 @!p0 $0x1;
	_ =	shalt  }
.Lfunc_end2:
_tile_overlayer_lowered:
.L_overlay_start_2:
0x91: {  	(tag) =	ssettag $0x2  }
0x92: {  	s0 =	rddreg [dreg:$0x0];
	s2 =	stileid.u32  }
0x93: {  	s1 =	rddreg [dreg:$0x1];
	p0 =	sne.s32 s2, $0x0  }
0x94: {  	s3 =	rddreg [dreg:$0x2];
	[bflag:$0x3] =	sbarrier.arrive $0xFFFF;
	s2 =	simm.s32 @!p0 $0x1C01  }
0x95: {  	[timem:s3], [sflag:s2] =	dma.local @!p0 [hbm:s0], s1  }
0x96: {  	s0 =	simm.s32 @!p0 $0x1  }
0x97: {  	_ =	swait.ge @!p0 [sflag:s0], s1  }
0x98: {  	s1 =	ssub.s32 @!p0 $0x0, s1;
	[sflag:s0] =	ssyncset.done @!p0 $0x0  }
0x99: {  	[sflag:s0] =	ssyncadd.s32 @!p0 s1  }
0x9a: {  	[bflag:$0x3] =	sbarrier.arrive $0xFFFF  }
0x9b: {  	_ =	shalt  }

// kernel: kernel.18.cloned.1.call-start
scs
__scs_entry_jumppad:
0x0: {  	(pc) =	sbr.rel $0x88, $3  }
0x1: {  	(tag) =	ssettag $0x0;
	lr =	simm.s32 $0x1  }
0x2: {  	[smem:$0x3F85] =	sst lr;
	_ =	strace $0xD0000000  }
0x3: {  	_ = 	snop  }
0x4: {  	_ = 	snop  }
0x5: {  	_ = 	snop  }
0x6: {  	_ = 	snop  }
0x7: {  	_ = 	snop  }
__scs_overlays_trampoline_lowered:
0x8: {  	[smem:$0x3F94] =	sst s0  }
0x9: {  	[smem:$0x3F95] =	sst s1  }
0xa: {  	[smem:$0x3F96] =	sst s2  }
0xb: {  	[smem:$0x3F97] =	sst s3  }
0xc: {  	[smem:$0x3F98] =	sst s4  }
0xd: {  	[smem:$0x3F99] =	sst s5  }
0xe: {  	[smem:$0x3F9A] =	sst s6  }
0xf: {  	[smem:$0x3F9B] =	sst s7  }
0x10: {  	[smem:$0x3F9C] =	sst s8  }
0x11: {  	[smem:$0x3F9D] =	sst s9;
	s0 =	simm.s32 @!p0 $0x0  }
0x12: {  	s1 =	sld [smem:$0x3F83];
	s0 =	simm.s32 @p0 $0x1  }
0x13: {  	[smem:$0x3F9E] =	sst s0;
	s0 =	simm.s32 @!p1 $0x0  }
0x14: {  	s2 =	sld [smem:$0x3F82];
	s0 =	simm.s32 @p1 $0x1  }
0x15: {  	[smem:$0x3F9F] =	sst s0;
	s0 =	simm.s32 @!p2 $0x0  }
0x16: {  	s3 =	sld [smem:$0x3FDB];
	s0 =	simm.s32 @p2 $0x1  }
0x17: {  	s4 =	simm.s32 $0x1BF5;
	[smem:$0x3FA1] =	sst s0  }
0x18: {  	s0 =	sld [smem:$0x3F84];
	_ =	swait.ge [sflag:s4], $0x0  }
0x19: {  	s7 =	sld [smem:$0x3F85]  }
0x1a: {  	s8 =	sadd.s32 $0xFFFFE003, lr  }
0x1b: {  	s9 =	sadd.s32 $0xFFFFFEF7, lr;
	s5 =	simm.s32 $0xFFFFFFFF;
	p2 =	slt.u32 s8, $0xFFFFF086  }
0x1c: {  	p1 =	slt.u32 s9, $0xF7A;
	s5 =	simm.s32 @!p2 $0x0  }
0x1d: {  	s5 =	simm.s32 @p1 $0x1;
	p0 =	seq.s32 s7, s2  }
0x1e: {  	s7 =	smul.u32 @!p0 $0xF7A, s2;
	p2 =	seq.s32 @!p0 s5, $0x0  }
0x1f: {  	s9 =	smul.u32 $0xF7A, s1;
	s8 =	simm.s32 @!p0 $0x1BF5;
	p2 =	por !p2, p0  }
0x20: {  	[sflag:s8] =	ssyncset.s32 @!p0 $0xFFFFF086;
	s6 =	sadd.s32 @!p0 s3, s7;
	s7 =	simm.s32 @!p0 $0x108  }
0x21: {  	s3 =	sadd.s32 s3, s9;
	s6 =	sadd.s32 @!p0 $0x88, s6;
	s7 =	simm.s32 @p2 $0x1082  }
0x22: {  	[simem:s7], [sflag:s8] =	dma.local @!p0 [hbm:s6], $0xF7A  }
0x23: {  	s9 =	sor.u32 $0xD0000000, s2;
	s6 =	simm.s32 $0x108;
	_ =	swait.ge @!p0 [sflag:s8], $0x0  }
0x24: {  	s3 =	sadd.s32 $0x88, s3;
	s6 =	simm.s32 @!p1 $0x1082;
	[sflag:s4] =	ssyncset.s32 $0xFFFFF086  }
0x25: {  	[simem:s6], [sflag:s4] =	dma.local [hbm:s3], $0xF7A  }
0x26: {  	[smem:$0x3F85] =	sst s1;
	(tag) =	ssettag s2;
	_ =	strace s9  }
0x27: {  	s1 =	sld [smem:$0x3F95]  }
0x28: {  	s2 =	sld [smem:$0x3F96]  }
0x29: {  	s4 =	sld [smem:$0x3F98]  }
0x2a: {  	p0 =	seq.s32 s5, $0x0;
	s5 =	sld [smem:$0x3F99]  }
0x2b: {  	s6 =	sld [smem:$0x3F9A]  }
0x2c: {  	s7 =	sld [smem:$0x3F9B]  }
0x2d: {  	s3 =	simm.s32 $0x108;
	s8 =	sld [smem:$0x3F9C]  }
0x2e: {  	s3 =	simm.s32 @!p0 $0x1082;
	s9 =	sld [smem:$0x3F9D]  }
0x2f: {  	lr =	sadd.s32 s0, s3;
	s0 =	sld [smem:$0x3F94]  }
0x30: {  	s3 =	sld [smem:$0x3F97]  }
0x31: {  	[smem:$0x3FA0] =	sst s10  }
0x32: {  	s10 =	sld [smem:$0x3F9E];
	_ =	sdelay $0x3  }
0x33: {  	p0 =	seq.s32 s10, $0x1;
	s10 =	sld [smem:$0x3FA0];
	_ =	sdelay $0x3  }
0x34: {  	[smem:$0x3FA0] =	sst s10  }
0x35: {  	s10 =	sld [smem:$0x3F9F];
	_ =	sdelay $0x3  }
0x36: {  	p1 =	seq.s32 s10, $0x1;
	s10 =	sld [smem:$0x3FA0];
	_ =	sdelay $0x3  }
0x37: {  	[smem:$0x3FA0] =	sst s10  }
0x38: {  	s10 =	sld [smem:$0x3FA1]  }
0x39: {  	_ = 	snop;
	(pc) =	sbr.ind lr, $3  }
0x3a: {  	_ = 	snop  }
0x3b: {  	_ = 	snop  }
0x3c: {  	p2 =	seq.s32 s10, $0x1;
	s10 =	sld [smem:$0x3FA0]  }
0x3d: {  	_ =	shalt  }
0x3e: {  	_ =	shalt  }
0x3f: {  	_ =	shalt  }
0x40: {  	_ =	shalt  }
0x41: {  	_ =	shalt  }
0x42: {  	_ =	shalt  }
0x43: {  	_ =	shalt  }
0x44: {  	_ =	shalt  }
0x45: {  	_ =	shalt  }
0x46: {  	_ =	shalt  }
0x47: {  	_ =	shalt  }
0x48: {  	_ =	shalt  }
0x49: {  	_ =	shalt  }
0x4a: {  	_ =	shalt  }
0x4b: {  	_ =	shalt  }
0x4c: {  	_ =	shalt  }
0x4d: {  	_ =	shalt  }
0x4e: {  	_ =	shalt  }
0x4f: {  	_ =	shalt  }
0x50: {  	_ =	shalt  }
0x51: {  	_ =	shalt  }
0x52: {  	_ =	shalt  }
0x53: {  	_ =	shalt  }
0x54: {  	_ =	shalt  }
0x55: {  	_ =	shalt  }
0x56: {  	_ =	shalt  }
0x57: {  	_ =	shalt  }
0x58: {  	_ =	shalt  }
0x59: {  	_ =	shalt  }
0x5a: {  	_ =	shalt  }
0x5b: {  	_ =	shalt  }
0x5c: {  	_ =	shalt  }
0x5d: {  	_ =	shalt  }
0x5e: {  	_ =	shalt  }
0x5f: {  	_ =	shalt  }
0x60: {  	_ =	shalt  }
0x61: {  	_ =	shalt  }
0x62: {  	_ =	shalt  }
0x63: {  	_ =	shalt  }
0x64: {  	_ =	shalt  }
0x65: {  	_ =	shalt  }
0x66: {  	_ =	shalt  }
0x67: {  	_ =	shalt  }
0x68: {  	_ =	shalt  }
0x69: {  	_ =	shalt  }
0x6a: {  	_ =	shalt  }
0x6b: {  	_ =	shalt  }
0x6c: {  	_ =	shalt  }
0x6d: {  	_ =	shalt  }
0x6e: {  	_ =	shalt  }
0x6f: {  	_ =	shalt  }
0x70: {  	_ =	shalt  }
0x71: {  	_ =	shalt  }
0x72: {  	_ =	shalt  }
0x73: {  	_ =	shalt  }
0x74: {  	_ =	shalt  }
0x75: {  	_ =	shalt  }
0x76: {  	_ =	shalt  }
0x77: {  	_ =	shalt  }
0x78: {  	_ =	shalt  }
0x79: {  	_ =	shalt  }
0x7a: {  	_ =	shalt  }
0x7b: {  	_ =	shalt  }
0x7c: {  	_ =	shalt  }
0x7d: {  	_ =	shalt  }
0x7e: {  	_ =	shalt  }
0x7f: {  	_ =	shalt  }
0x80: {  	_ =	shalt  }
0x81: {  	_ =	shalt  }
0x82: {  	_ =	shalt  }
0x83: {  	_ =	shalt  }
0x84: {  	_ =	shalt  }
0x85: {  	_ =	shalt  }
0x86: {  	_ =	shalt  }
0x87: {  	_ =	shalt  }
.Lfunc_end0:
.L_simem_size_0:
called_computation.1_lowered:
.L_overlay_start_0:
0x88: {  	s2 =	sld [smem:$0x3FD9]  }
0x89: {  	s3 =	sld [smem:$0x3FFE];
	_ =	sdelay $0x1  }
0x8a: {  	s1 =	srdreg.scid  }
0x8b: {  	s0 =	sand.u32 $0x1, s1  }
0x8c: {  	s15 =	sshll.u32 s0, $0xA;
	s2 =	sadd.s32 s3, s2  }
0x8d: {  	s2 =	sadd.s32 s2, s15  }
0x8e: {  	[smem:$0x3FAC] =	sst s2  }
0x8f: {  	_ = 	snop  }
0x90: {  	s2 =	sld [smem:$0x3FD0];
	_ =	sdelay $0x2  }
0x91: {  	s16 =	simm.s32 $0xD;
	s4 =	simm.s32 $0x10  }
0x92: {  	[smem:s4], [sflag:s16] =	dma.local [hbm:s2], $0x1  }
0x93: {  	_ =	swait.eq [sflag:s16], $0x1  }
0x94: {  	[sflag:s16] =	ssyncset.done $0x0  }
0x95: {  	[sflag:s16] =	ssyncadd.s32 $0xFFFFFFFF  }
0x96: {  	s17 =	sld [smem:$0x11];
	(tm) =	ssettm $0x1  }
0x97: {  	s18 =	sld [smem:$0x3FFB];
	_ =	sdelay $0x3  }
0x98: {  	_ =	strace s18  }
0x99: {  	s2 =	sld [smem:$0x3FFC];
	_ =	sdelay $0x3  }
0x9a: {  	_ =	strace s2  }
0x9b: {  	s2 =	sld [smem:$0x3FFD];
	_ =	sdelay $0x3  }
0x9c: {  	_ =	strace s2  }
0x9d: {  	_ =	strace $0x8FFFFFFF  }
0x9e: {  	s19 =	sld [smem:$0x3FDB];
	_ =	sdelay $0x1  }
0x9f: {  	s20 =	simm.s32 $_scs_section_size  }
0xa0: {  	s5 =	simm.s32 $_size__tile_overlayer_lowered;
	s6 =	simm.s32 $_tile_overlayer_lowered  }
0xa1: {  	s7 =	simm.s32 $0x1BFF;
	s21 =	sshll.u32 s6, $0x1;
	s4 =	sadd.s32 s20, s19  }
0xa2: {  	s22 =	simm.s32 $0x0;
	s5 =	sshll.u32 s5, $0x1;
	s6 =	sadd.s32 s21, s4  }
0xa3: {  	[timem:s22], [sflag:s7] =	dma.local [hbm:s6], s5  }
0xa4: {  	_ =	swait.ge [sflag:s7], s5  }
0xa5: {  	s5 =	ssub.s32 $0x0, s5;
	[sflag:s7] =	ssyncset.done $0x0  }
0xa6: {  	[sflag:s7] =	ssyncadd.s32 s5;
	_ =	sdelay $0x1  }
0xa7: {  	s23 =	simm.s32 $0x1B8B  }
0xa8: {  	_ =	swait.ge [sflag:s23], $0x1  }
0xa9: {  	[sflag:s23] =	ssyncset.done $0x0  }
0xaa: {  	[sflag:s23] =	ssyncadd.s32 $0xFFFFFFFF  }
0xab: {  	s5 =	sld [smem:$0x0]  }
0xac: {  	s6 =	sand.u32 $0xFFFFFFFE, s1  }
0xad: {  	p0 =	sne.s32 s1, s6  }
0xae: {  	s6 =	sshll.u32 @p0 s6, $0xE  }
0xaf: {  	s6 =	sadd.s32 @p0 $0x11B8D, s6;
	s7 =	sshll.u32 @p0 s5, $0x11  }
0xb0: {  	s6 =	sor.u32 @p0 s7, s6  }
0xb1: {  	[sflag:s6] =	ssyncadd.remote.s32 @p0 $0x1;
	_ =	sdelay $0x1  }
0xb2: {  	s6 =	simm.s32 @p0 $0x1B8D  }
0xb3: {  	_ =	swait.eq @p0 [sflag:s6], $0x1  }
0xb4: {  	[sflag:s6] =	ssyncadd.s32 @p0 $0xFFFFFFFF  }
0xb5: {  	s7 =	sshll.u32 @!p0 s1, $0xE  }
0xb6: {  	s7 =	sor.u32 @!p0 $0x4000, s7;
	s6 =	simm.s32 @!p0 $0x1B8D  }
0xb7: {  	s5 =	sshll.u32 @!p0 s5, $0x11;
	s7 =	sadd.s32 @!p0 $0x11B8D, s7;
	_ =	swait.eq @!p0 [sflag:s6], $0x1  }
0xb8: {  	s5 =	sor.u32 @!p0 s5, s7;
	[sflag:s6] =	ssyncadd.s32 @!p0 $0xFFFFFFFF  }
0xb9: {  	s25 =	simm.s32 $0x1B8E;
	s24 =	sld [smem:$0x3FFE];
	[sflag:s5] =	ssyncadd.remote.s32 @!p0 $0x1  }
0xba: {  	s26 =	simm.s32 $execute0_lowered;
	[smem:$0x3FD2] =	sst s25  }
0xbb: {  	s6 =	sshll.u32 s26, $0x1;
	_ =	strace $0x8000004F;
	[dreg:$0x1] =	wrdreg $0xFFFFFFFF  }
0xbc: {  	s28 =	simm.s32 $_size_execute0_lowered;
	s4 =	sadd.s32 s4, s6;
	[dreg:$0x0] =	wrdreg $0x0  }
0xbd: {  	s6 =	sshll.u32 s28, $0x1;
	[dreg:$0x2] =	wrdreg s4  }
0xbe: {  	[dreg:$0x3] =	wrdreg s6  }
0xbf: {  	[dreg:$0x4] =	wrdreg $0xC0  }
0xc0: {  	_ =	task [dreg:s22], $0x5FFFF  }
0xc1: {  	[dreg:$0x1] =	wrdreg $0xFFFFFFFF  }
0xc2: {  	[dreg:$0x0] =	wrdreg $0x60  }
0xc3: {  	[dreg:$0x2] =	wrdreg s17  }
0xc4: {  	[dreg:$0x3] =	wrdreg s24  }
0xc5: {  	[dreg:$0x4] =	wrdreg $0x90000  }
0xc6: {  	[dreg:$0x5] =	wrdreg $0x9  }
0xc7: {  	_ =	task.clear_ibuf [dreg:s22], $0x6FFFF;
	_ =	strace $0x9000004F  }
0xc8: {  	s29 =	simm.s32 $0x9;
	_ =	strace $0x80000051  }
0xc9: {  	_ =	swait.ge [sflag:s29], $0x1  }
0xca: {  	[sflag:s29] =	ssyncadd.s32 $0xFFFFFFFF  }
0xcb: {  	_ =	strace $0x90000051  }
0xcc: {  	_ =	sfence  }
0xcd: {  	s30 =	sld [smem:$0x0];
	_ =	sdelay $0x2  }
0xce: {  	s31 =	sshll.u32 s1, $0xD;
	s1 =	sshrl.u32 s1, $0x2  }
0xcf: {  	s4 =	sand.u32 $0x4000, s31;
	s1 =	sadd.s32 s1, s30  }
0xd0: {  	s0 =	sor.u32 s4, s0;
	s1 =	sshll.u32 s1, $0x11  }
0xd1: {  	s0 =	sor.u32 s1, s0  }
0xd2: {  	s0 =	sadd.s32 $0x8F2B, s0  }
0xd3: {  	[sflag:s0] =	ssyncadd.remote.s32 $0x1  }
0xd4: {  	_ =	sfence.sel $0xFFFF  }
0xd5: {  	[dreg:$0x0] =	wrdreg $0xFFFFFFFF;
	(pc) =	sbr.abs _section_cstart, $3  }
0xd6: {  	[dreg:$0x1] =	wrdreg $0xFFFFFFFF  }
0xd7: {  	_ =	task.clear_ibuf [dreg:s22], $0x2FFFF;
	_ =	strace $0x9FFFFFFF  }
0xd8: {  	(tm) =	ssettm $0x7FFFFFFF  }
0xd9: {  	_ =	shalt  }
tec
execute0_lowered:
.L_overlay_start_1:
0x0: {  	(tag) =	ssettag $0x1  }
0x1: {  	s2 =	rddreg [dreg:$0x0]  }
0x2: {  	s1 =	srdreg.scid;
	s7 =	rddreg [dreg:$0x1]  }
0x3: {  	s0 =	stileid.u32;
	s3 =	rddreg [dreg:$0x2];
	s4 =	simm.s32 $0x0  }
0x4: {  	s18 =	simm.s32 $0x80;
	s19 =	simm.s32 $0x1;
	s6 =	smul.u32 $0x2800, s0  }
0x5: {  	s5 =	sand.u32 $0x1, s1;
	s1 =	rddreg [dreg:$0x3];
	s10 =	smul.u32 $0x4F000, s0  }
0x6: {  	s23 =	simm.s32 $0x0;
	[smem:$0x7FF] =	sst s4;
	s15 =	smul.u32 $0x13800, s0  }
0x7: {  	s13 =	sadd.s32 $0x1CA200, s7;
	s16 =	smul.u32 $0x4E000, s0;
	s22 =	sadd.s32 $0x138000, s3  }
0x8: {  	s20 =	sshll.u32 s0, $0x6;
	p0 =	sne.s32 s0, $0xF;
	s8 =	smul.u32 $0x28000, s5  }
0x9: {  	_ =	strace $0x80000050;
	s9 =	ssub.s32 $0x2, s5;
	s12 =	smul.u32 $0x138800, s5  }
0xa: {  	s20 =	sor.u32 $0x1C02, s20;
	s22 =	sshrl.u32 @!p0 s22, $0x3;
	s29 =	sshrl.u32 s9, $0x1  }
0xb: {  	s30 =	sshrl.u32 s10, $0x2;
	s31 =	sshrl.u32 s16, $0x2;
	s16 =	simm.s32 $0x2800  }
0xc: {  	s8 =	sadd.s32 s6, s8;
	s6 =	sshrl.u32 s6, $0x3;
	s14 =	ssub.s32 s9, s29  }
0xd: {  	s15 =	sadd.s32 s15, s12;
	s17 =	sshrl.u32 s12, $0x3;
	s21 =	sadd.s32 s31, s3  }
0xe: {  	s8 =	sshrl.u32 s8, $0x3;
	s11 =	sadd.s32 s6, s7;
	s6 =	sadd.s32 s30, s3  }
0xf: {  	s15 =	sshrl.u32 s15, $0x3;
	s14 =	smax.u32 s14, $0x1;
	s21 =	sshrl.u32 s21, $0x3  }
0x10: {  	s8 =	sadd.s32 s8, s7;
	s7 =	sadd.s32 $0x16D000, s11;
	s9 =	sadd.s32 $0x8000, s6  }
0x11: {  	s10 =	sadd.s32 $0xC000, s6;
	s11 =	sadd.s32 $0x10000, s6;
	s12 =	sadd.s32 s13, s15  }
0x12: {  	s13 =	sadd.s32 s13, s17;
	s15 =	simm.s32 $0x2;
	s17 =	simm.s32 $0x5000  }
0x13: {  	v0 =	vimm.f32 $0.0e+00;
	s5 =	sadd.s32 $0x1C0200, s8;
	s8 =	sadd.s32 $0x4000, s6;
	s13 =	sadd.s32 $0x27000, s13  }
.LBB2_1:
0x14: {  	[tilespmem:s4], [sflag:$0x2] =	stream.linear.gather [hbm4b:s5+s4], $0x2780, $0x38;
	[tilespmem:$0x1CC00] =	vst v63  }
0x15: {  	_ =	swait.ge [sflag:s15], $0x2780  }
0x16: {  	[sflag:s15] =	ssyncset.done $0x0  }
0x17: {  	[sflag:s15] =	ssyncadd.s32 $0xFFFFD880  }
0x18: {  	[tilespmem:s16], [sflag:$0x2] =	stream.linear.gather [hbm4b:s7+s4], $0x2780, $0x38;
	[tilespmem:$0x1CC00] =	vst v63  }
0x19: {  	_ =	swait.ge [sflag:s15], $0x2780  }
0x1a: {  	[sflag:s15] =	ssyncset.done $0x0  }
0x1b: {  	s24 =	simm.s32 $0x0;
	s25 =	simm.s32 $0x200;
	[sflag:s15] =	ssyncadd.s32 $0xFFFFD880  }
.LBB2_2:
0x1c: {  	p1 =	sne.s32 s25, $0xFE00;
	[tilespmem:s24+$0x5070] =	vst v0  }
0x1d: {  	[tilespmem:s24+$0x5000] =	vst v0  }
0x1e: {  	[tilespmem:s24+$0x5010] =	vst v0  }
.Ltmp0:
0x1f: {  	[tilespmem:s24+$0x5020] =	vst v0;
	(pc) =	sbr.rel @p1 .LBB2_2-.Ltmp0, $4  }
0x20: {  	[tilespmem:s24+$0x5030] =	vst v0  }
0x21: {  	[tilespmem:s24+$0x5040] =	vst v0  }
0x22: {  	[tilespmem:s24+$0x5050] =	vst v0  }
0x23: {  	[tilespmem:s24+$0x5060] =	vst v0;
	s24 =	sshra.s32 s25, $0x2;
	s25 =	sadd.s32 $0x200, s25  }
0x24: {  	[tilespmem:s24+$0x5070] =	vst v0  }
0x25: {  	[tilespmem:s24+$0x5000] =	vst v0  }
0x26: {  	[tilespmem:s24+$0x5010] =	vst v0  }
0x27: {  	[tilespmem:s24+$0x5020] =	vst v0  }
0x28: {  	[tilespmem:s24+$0x5030] =	vst v0  }
0x29: {  	[tilespmem:s24+$0x5040] =	vst v0  }
0x2a: {  	[tilespmem:s24+$0x5050] =	vst v0  }
0x2b: {  	[tilespmem:s24+$0x5060] =	vst v0  }
0x2c: {  	[spmem:s6] =	stream.linear.scatter [tilespmem:s17], [sflag:$0x2], $0x4000, $0x38;
	[tilespmem:$0x1CC00] =	vst v63  }
0x2d: {  	_ =	swait.ge [sflag:s15], $0x4000  }
0x2e: {  	[sflag:s15] =	ssyncset.done $0x0  }
0x2f: {  	[sflag:s15] =	ssyncadd.s32 $0xFFFFC000  }
0x30: {  	[spmem:s8] =	stream.linear.scatter [tilespmem:s17], [sflag:$0x2], $0x4000, $0x38;
	[tilespmem:$0x1CC00] =	vst v63  }
0x31: {  	_ =	swait.ge [sflag:s15], $0x4000  }
0x32: {  	[sflag:s15] =	ssyncset.done $0x0  }
0x33: {  	[sflag:s15] =	ssyncadd.s32 $0xFFFFC000  }
0x34: {  	[spmem:s9] =	stream.linear.scatter [tilespmem:s17], [sflag:$0x2], $0x4000, $0x38;
	[tilespmem:$0x1CC00] =	vst v63  }
0x35: {  	_ =	swait.ge [sflag:s15], $0x4000  }
0x36: {  	[sflag:s15] =	ssyncset.done $0x0  }
0x37: {  	[sflag:s15] =	ssyncadd.s32 $0xFFFFC000  }
0x38: {  	[spmem:s10] =	stream.linear.scatter [tilespmem:s17], [sflag:$0x2], $0x4000, $0x38;
	[tilespmem:$0x1CC00] =	vst v63  }
0x39: {  	_ =	swait.ge [sflag:s15], $0x4000  }
0x3a: {  	[sflag:s15] =	ssyncset.done $0x0  }
0x3b: {  	[sflag:s15] =	ssyncadd.s32 $0xFFFFC000  }
0x3c: {  	[spmem:s11] =	stream.linear.scatter [tilespmem:s17], [sflag:$0x2], $0x3C00, $0x38;
	[tilespmem:$0x1CC00] =	vst v63  }
0x3d: {  	_ =	swait.ge [sflag:s15], $0x3C00  }
0x3e: {  	[sflag:s15] =	ssyncset.done $0x0  }
0x3f: {  	[sflag:s15] =	ssyncadd.s32 $0xFFFFC400  }
0x40: {  	s30 =	simm.s32 $0x0;
	[bflag:$0x0] =	sbarrier.arrive $0xFFFF  }
0x41: {  	[tilespmem:s17], [sflag:$0x1] =	stream.indirect.gather [hbm4b:s2+s18], $0x80, s30, s18, $0xb8;
	[tilespmem:$0x1CC00] =	vst v63  }
0x42: {  	_ =	swait.ge [sflag:s19], $0x4000  }
0x43: {  	[sflag:s19] =	ssyncset.done $0x0  }
0x44: {  	s31 =	simm.s32 $0x2800;
	[sflag:s19] =	ssyncadd.s32 $0xFFFFC000  }
0x45: {  	[spmem:s3] =	stream.indirect.scatter.add.f32 [tilespmem:s17], [sflag:$0x2], $0x80, s31, s18, $0xb8;
	[tilespmem:$0x1CC00] =	vst v63  }
0x46: {  	_ =	swait.ge [sflag:s15], $0x4000  }
0x47: {  	s24 =	simm.s32 $0x200;
	s25 =	simm.s32 $0x400;
	[sflag:s15] =	ssyncset.done $0x0  }
.LBB2_4:
0x48: {  	s26 =	sshra.s32 s24, $0x2  }
0x49: {  	[sflag:s15] =	ssyncadd.s32 $0xFFFFC000;
	s24 =	smov.u32 s25;
	s28 =	sadd.s32 $0x200, s25  }
0x4a: {  	[tilespmem:s17], [sflag:$0x1] =	stream.indirect.gather [hbm4b:s2+s18], $0x80, s26, s18, $0xb8;
	[tilespmem:$0x1CC00] =	vst v63  }
0x4b: {  	p1 =	sne.s32 s25, $0x9C00;
	_ =	swait.ge [sflag:s19], $0x4000  }
.Ltmp1:
0x4c: {  	[sflag:s19] =	ssyncset.done $0x0;
	(pc) =	sbr.rel @p1 .LBB2_4-.Ltmp1, $4  }
0x4d: {  	s25 =	sadd.s32 $0x2800, s26;
	[sflag:s19] =	ssyncadd.s32 $0xFFFFC000  }
0x4e: {  	[spmem:s3] =	stream.indirect.scatter.add.f32 [tilespmem:s17], [sflag:$0x2], $0x80, s25, s18, $0xb8;
	[tilespmem:$0x1CC00] =	vst v63  }
0x4f: {  	_ =	swait.ge [sflag:s15], $0x4000  }
0x50: {  	s25 =	smov.u32 s28;
	[sflag:s15] =	ssyncset.done $0x0  }
0x51: {  	s24 =	sshra.s32 s24, $0x2;
	[sflag:s15] =	ssyncadd.s32 $0xFFFFC000  }
0x52: {  	[tilespmem:s17], [sflag:$0x1] =	stream.indirect.gather [hbm4b:s2+s18], $0x80, s24, s18, $0xb8;
	[tilespmem:$0x1CC00] =	vst v63  }
0x53: {  	_ =	swait.ge [sflag:s19], $0x4000  }
0x54: {  	[sflag:s19] =	ssyncset.done $0x0  }
0x55: {  	s24 =	sadd.s32 $0x2800, s24;
	[sflag:s19] =	ssyncadd.s32 $0xFFFFC000  }
0x56: {  	[spmem:s3] =	stream.indirect.scatter.add.f32 [tilespmem:s17], [sflag:$0x2], $0x80, s24, s18, $0xb8;
	[tilespmem:$0x1CC00] =	vst v63  }
0x57: {  	_ =	swait.ge [sflag:s15], $0x4000  }
0x58: {  	[sflag:s15] =	ssyncset.done $0x0  }
0x59: {  	[sflag:s15] =	ssyncadd.s32 $0xFFFFC000  }
0x5a: {  	[bflag:$0x0] =	sbarrier.arrive $0xFFFF  }
0x5b: {  	[hbm:s12], [sflag:s20] =	dma.local [spmem:s21], $0x2700  }
0x5c: {  	s23 =	sadd.s32 $0x1, s23;
	_ =	swait.ge [sflag:s15], $0x2700  }
0x5d: {  	p1 =	sne.s32 s23, s14;
	[sflag:s15] =	ssyncset.done $0x0  }
.Ltmp2:
0x5e: {  	s24 =	simm.s32 @!p0 $0x2;
	[sflag:s15] =	ssyncadd.s32 $0xFFFFD900;
	(pc) =	sbr.rel @p1 .LBB2_1-.Ltmp2, $4  }
0x5f: {  	[hbm:s13], [sflag:s20] =	dma.local @!p0 [spmem:s22], $0x100  }
0x60: {  	_ =	swait.ge @!p0 [sflag:s24], $0x100  }
0x61: {  	[sflag:s24] =	ssyncset.done @!p0 $0x0  }
0x62: {  	[sflag:s24] =	ssyncadd.s32 @!p0 $0xFFFFFF00  }
0x63: {  	_ =	sfence.sel $0x180000  }
0x64: {  	[bflag:$0x0] =	sbarrier.arrive $0xFFFF  }
0x65: {  	p0 =	sne.s32 s0, $0x0;
	_ =	strace $0x90000050  }
0x66: {  	s0 =	sadd.s32 @!p0 $0x100000, s1;
	[bflag:$0x2] =	sbarrier.arrive $0xFFFF  }
0x67: {  	[sflag:s0] =	ssyncadd.tile.s32 @!p0 $0x1;
	_ =	shalt  }
.Lfunc_end2:
_tile_overlayer_lowered:
.L_overlay_start_2:
0x68: {  	(tag) =	ssettag $0x2  }
0x69: {  	s0 =	rddreg [dreg:$0x0];
	s2 =	stileid.u32  }
0x6a: {  	s1 =	rddreg [dreg:$0x1];
	p0 =	sne.s32 s2, $0x0  }
0x6b: {  	s3 =	rddreg [dreg:$0x2];
	[bflag:$0x3] =	sbarrier.arrive $0xFFFF;
	s2 =	simm.s32 @!p0 $0x1C02  }
0x6c: {  	[timem:s3], [sflag:s2] =	dma.local @!p0 [hbm:s0], s1  }
0x6d: {  	s0 =	simm.s32 @!p0 $0x2  }
0x6e: {  	_ =	swait.ge @!p0 [sflag:s0], s1  }
0x6f: {  	s1 =	ssub.s32 @!p0 $0x0, s1;
	[sflag:s0] =	ssyncset.done @!p0 $0x0  }
0x70: {  	[sflag:s0] =	ssyncadd.s32 @!p0 s1  }
0x71: {  	[bflag:$0x3] =	sbarrier.arrive $0xFFFF  }
0x72: {  	_ =	shalt  }

// kernel: kernel.21.cloned.1.call-start
scs
__scs_entry_jumppad:
0x0: {  	(pc) =	sbr.rel $0x88, $3  }
0x1: {  	(tag) =	ssettag $0x0;
	lr =	simm.s32 $0x1  }
0x2: {  	[smem:$0x3F85] =	sst lr;
	_ =	strace $0xD0000000  }
0x3: {  	_ = 	snop  }
0x4: {  	_ = 	snop  }
0x5: {  	_ = 	snop  }
0x6: {  	_ = 	snop  }
0x7: {  	_ = 	snop  }
__scs_overlays_trampoline_lowered:
0x8: {  	[smem:$0x3F94] =	sst s0  }
0x9: {  	[smem:$0x3F95] =	sst s1  }
0xa: {  	[smem:$0x3F96] =	sst s2  }
0xb: {  	[smem:$0x3F97] =	sst s3  }
0xc: {  	[smem:$0x3F98] =	sst s4  }
0xd: {  	[smem:$0x3F99] =	sst s5  }
0xe: {  	[smem:$0x3F9A] =	sst s6  }
0xf: {  	[smem:$0x3F9B] =	sst s7  }
0x10: {  	[smem:$0x3F9C] =	sst s8  }
0x11: {  	[smem:$0x3F9D] =	sst s9;
	s0 =	simm.s32 @!p0 $0x0  }
0x12: {  	s1 =	sld [smem:$0x3F83];
	s0 =	simm.s32 @p0 $0x1  }
0x13: {  	[smem:$0x3F9E] =	sst s0;
	s0 =	simm.s32 @!p1 $0x0  }
0x14: {  	s2 =	sld [smem:$0x3F82];
	s0 =	simm.s32 @p1 $0x1  }
0x15: {  	[smem:$0x3F9F] =	sst s0;
	s0 =	simm.s32 @!p2 $0x0  }
0x16: {  	s3 =	sld [smem:$0x3FDB];
	s0 =	simm.s32 @p2 $0x1  }
0x17: {  	s4 =	simm.s32 $0x1BF5;
	[smem:$0x3FA1] =	sst s0  }
0x18: {  	s0 =	sld [smem:$0x3F84];
	_ =	swait.ge [sflag:s4], $0x0  }
0x19: {  	s7 =	sld [smem:$0x3F85]  }
0x1a: {  	s8 =	sadd.s32 $0xFFFFE003, lr  }
0x1b: {  	s9 =	sadd.s32 $0xFFFFFEF7, lr;
	s5 =	simm.s32 $0xFFFFFFFF;
	p2 =	slt.u32 s8, $0xFFFFF086  }
0x1c: {  	p1 =	slt.u32 s9, $0xF7A;
	s5 =	simm.s32 @!p2 $0x0  }
0x1d: {  	s5 =	simm.s32 @p1 $0x1;
	p0 =	seq.s32 s7, s2  }
0x1e: {  	s7 =	smul.u32 @!p0 $0xF7A, s2;
	p2 =	seq.s32 @!p0 s5, $0x0  }
0x1f: {  	s9 =	smul.u32 $0xF7A, s1;
	s8 =	simm.s32 @!p0 $0x1BF5;
	p2 =	por !p2, p0  }
0x20: {  	[sflag:s8] =	ssyncset.s32 @!p0 $0xFFFFF086;
	s6 =	sadd.s32 @!p0 s3, s7;
	s7 =	simm.s32 @!p0 $0x108  }
0x21: {  	s3 =	sadd.s32 s3, s9;
	s6 =	sadd.s32 @!p0 $0x88, s6;
	s7 =	simm.s32 @p2 $0x1082  }
0x22: {  	[simem:s7], [sflag:s8] =	dma.local @!p0 [hbm:s6], $0xF7A  }
0x23: {  	s9 =	sor.u32 $0xD0000000, s2;
	s6 =	simm.s32 $0x108;
	_ =	swait.ge @!p0 [sflag:s8], $0x0  }
0x24: {  	s3 =	sadd.s32 $0x88, s3;
	s6 =	simm.s32 @!p1 $0x1082;
	[sflag:s4] =	ssyncset.s32 $0xFFFFF086  }
0x25: {  	[simem:s6], [sflag:s4] =	dma.local [hbm:s3], $0xF7A  }
0x26: {  	[smem:$0x3F85] =	sst s1;
	(tag) =	ssettag s2;
	_ =	strace s9  }
0x27: {  	s1 =	sld [smem:$0x3F95]  }
0x28: {  	s2 =	sld [smem:$0x3F96]  }
0x29: {  	s4 =	sld [smem:$0x3F98]  }
0x2a: {  	p0 =	seq.s32 s5, $0x0;
	s5 =	sld [smem:$0x3F99]  }
0x2b: {  	s6 =	sld [smem:$0x3F9A]  }
0x2c: {  	s7 =	sld [smem:$0x3F9B]  }
0x2d: {  	s3 =	simm.s32 $0x108;
	s8 =	sld [smem:$0x3F9C]  }
0x2e: {  	s3 =	simm.s32 @!p0 $0x1082;
	s9 =	sld [smem:$0x3F9D]  }
0x2f: {  	lr =	sadd.s32 s0, s3;
	s0 =	sld [smem:$0x3F94]  }
0x30: {  	s3 =	sld [smem:$0x3F97]  }
0x31: {  	[smem:$0x3FA0] =	sst s10  }
0x32: {  	s10 =	sld [smem:$0x3F9E];
	_ =	sdelay $0x3  }
0x33: {  	p0 =	seq.s32 s10, $0x1;
	s10 =	sld [smem:$0x3FA0];
	_ =	sdelay $0x3  }
0x34: {  	[smem:$0x3FA0] =	sst s10  }
0x35: {  	s10 =	sld [smem:$0x3F9F];
	_ =	sdelay $0x3  }
0x36: {  	p1 =	seq.s32 s10, $0x1;
	s10 =	sld [smem:$0x3FA0];
	_ =	sdelay $0x3  }
0x37: {  	[smem:$0x3FA0] =	sst s10  }
0x38: {  	s10 =	sld [smem:$0x3FA1]  }
0x39: {  	_ = 	snop;
	(pc) =	sbr.ind lr, $3  }
0x3a: {  	_ = 	snop  }
0x3b: {  	_ = 	snop  }
0x3c: {  	p2 =	seq.s32 s10, $0x1;
	s10 =	sld [smem:$0x3FA0]  }
0x3d: {  	_ =	shalt  }
0x3e: {  	_ =	shalt  }
0x3f: {  	_ =	shalt  }
0x40: {  	_ =	shalt  }
0x41: {  	_ =	shalt  }
0x42: {  	_ =	shalt  }
0x43: {  	_ =	shalt  }
0x44: {  	_ =	shalt  }
0x45: {  	_ =	shalt  }
0x46: {  	_ =	shalt  }
0x47: {  	_ =	shalt  }
0x48: {  	_ =	shalt  }
0x49: {  	_ =	shalt  }
0x4a: {  	_ =	shalt  }
0x4b: {  	_ =	shalt  }
0x4c: {  	_ =	shalt  }
0x4d: {  	_ =	shalt  }
0x4e: {  	_ =	shalt  }
0x4f: {  	_ =	shalt  }
0x50: {  	_ =	shalt  }
0x51: {  	_ =	shalt  }
0x52: {  	_ =	shalt  }
0x53: {  	_ =	shalt  }
0x54: {  	_ =	shalt  }
0x55: {  	_ =	shalt  }
0x56: {  	_ =	shalt  }
0x57: {  	_ =	shalt  }
0x58: {  	_ =	shalt  }
0x59: {  	_ =	shalt  }
0x5a: {  	_ =	shalt  }
0x5b: {  	_ =	shalt  }
0x5c: {  	_ =	shalt  }
0x5d: {  	_ =	shalt  }
0x5e: {  	_ =	shalt  }
0x5f: {  	_ =	shalt  }
0x60: {  	_ =	shalt  }
0x61: {  	_ =	shalt  }
0x62: {  	_ =	shalt  }
0x63: {  	_ =	shalt  }
0x64: {  	_ =	shalt  }
0x65: {  	_ =	shalt  }
0x66: {  	_ =	shalt  }
0x67: {  	_ =	shalt  }
0x68: {  	_ =	shalt  }
0x69: {  	_ =	shalt  }
0x6a: {  	_ =	shalt  }
0x6b: {  	_ =	shalt  }
0x6c: {  	_ =	shalt  }
0x6d: {  	_ =	shalt  }
0x6e: {  	_ =	shalt  }
0x6f: {  	_ =	shalt  }
0x70: {  	_ =	shalt  }
0x71: {  	_ =	shalt  }
0x72: {  	_ =	shalt  }
0x73: {  	_ =	shalt  }
0x74: {  	_ =	shalt  }
0x75: {  	_ =	shalt  }
0x76: {  	_ =	shalt  }
0x77: {  	_ =	shalt  }
0x78: {  	_ =	shalt  }
0x79: {  	_ =	shalt  }
0x7a: {  	_ =	shalt  }
0x7b: {  	_ =	shalt  }
0x7c: {  	_ =	shalt  }
0x7d: {  	_ =	shalt  }
0x7e: {  	_ =	shalt  }
0x7f: {  	_ =	shalt  }
0x80: {  	_ =	shalt  }
0x81: {  	_ =	shalt  }
0x82: {  	_ =	shalt  }
0x83: {  	_ =	shalt  }
0x84: {  	_ =	shalt  }
0x85: {  	_ =	shalt  }
0x86: {  	_ =	shalt  }
0x87: {  	_ =	shalt  }
.Lfunc_end0:
.L_simem_size_0:
called_computation.2_lowered:
.L_overlay_start_0:
0x88: {  	s2 =	sld [smem:$0x3FD9]  }
0x89: {  	s3 =	sld [smem:$0x3FFE];
	_ =	sdelay $0x1  }
0x8a: {  	s1 =	srdreg.scid  }
0x8b: {  	s0 =	sand.u32 $0x1, s1  }
0x8c: {  	s15 =	sshll.u32 s0, $0xA;
	s2 =	sadd.s32 s3, s2  }
0x8d: {  	s2 =	sadd.s32 s2, s15  }
0x8e: {  	[smem:$0x3FAC] =	sst s2  }
0x8f: {  	_ = 	snop  }
0x90: {  	s2 =	sld [smem:$0x3FD0];
	_ =	sdelay $0x2  }
0x91: {  	s16 =	simm.s32 $0xD;
	s4 =	simm.s32 $0x10  }
0x92: {  	[smem:s4], [sflag:s16] =	dma.local [hbm:s2], $0x1  }
0x93: {  	_ =	swait.eq [sflag:s16], $0x1  }
0x94: {  	[sflag:s16] =	ssyncset.done $0x0  }
0x95: {  	[sflag:s16] =	ssyncadd.s32 $0xFFFFFFFF  }
0x96: {  	s17 =	sld [smem:$0x10];
	(tm) =	ssettm $0x1  }
0x97: {  	s18 =	sld [smem:$0x3FFB];
	_ =	sdelay $0x3  }
0x98: {  	_ =	strace s18  }
0x99: {  	s2 =	sld [smem:$0x3FFC];
	_ =	sdelay $0x3  }
0x9a: {  	_ =	strace s2  }
0x9b: {  	s2 =	sld [smem:$0x3FFD];
	_ =	sdelay $0x3  }
0x9c: {  	_ =	strace s2  }
0x9d: {  	_ =	strace $0x8FFFFFFF  }
0x9e: {  	s19 =	sld [smem:$0x3FDB];
	_ =	sdelay $0x1  }
0x9f: {  	s20 =	simm.s32 $_scs_section_size  }
0xa0: {  	s5 =	simm.s32 $_size__tile_overlayer_lowered;
	s6 =	simm.s32 $_tile_overlayer_lowered  }
0xa1: {  	s7 =	simm.s32 $0x1BFF;
	s21 =	sshll.u32 s6, $0x1;
	s4 =	sadd.s32 s20, s19  }
0xa2: {  	s22 =	simm.s32 $0x0;
	s5 =	sshll.u32 s5, $0x1;
	s6 =	sadd.s32 s21, s4  }
0xa3: {  	[timem:s22], [sflag:s7] =	dma.local [hbm:s6], s5  }
0xa4: {  	_ =	swait.ge [sflag:s7], s5  }
0xa5: {  	s5 =	ssub.s32 $0x0, s5;
	[sflag:s7] =	ssyncset.done $0x0  }
0xa6: {  	[sflag:s7] =	ssyncadd.s32 s5;
	_ =	sdelay $0x1  }
0xa7: {  	s23 =	simm.s32 $0x1B8B  }
0xa8: {  	_ =	swait.ge [sflag:s23], $0x1  }
0xa9: {  	[sflag:s23] =	ssyncset.done $0x0  }
0xaa: {  	[sflag:s23] =	ssyncadd.s32 $0xFFFFFFFF  }
0xab: {  	s5 =	sld [smem:$0x0]  }
0xac: {  	s6 =	sand.u32 $0xFFFFFFFE, s1  }
0xad: {  	p0 =	sne.s32 s1, s6  }
0xae: {  	s6 =	sshll.u32 @p0 s6, $0xE  }
0xaf: {  	s6 =	sadd.s32 @p0 $0x11B8D, s6;
	s7 =	sshll.u32 @p0 s5, $0x11  }
0xb0: {  	s6 =	sor.u32 @p0 s7, s6  }
0xb1: {  	[sflag:s6] =	ssyncadd.remote.s32 @p0 $0x1;
	_ =	sdelay $0x1  }
0xb2: {  	s6 =	simm.s32 @p0 $0x1B8D  }
0xb3: {  	_ =	swait.eq @p0 [sflag:s6], $0x1  }
0xb4: {  	[sflag:s6] =	ssyncadd.s32 @p0 $0xFFFFFFFF  }
0xb5: {  	s7 =	sshll.u32 @!p0 s1, $0xE  }
0xb6: {  	s7 =	sor.u32 @!p0 $0x4000, s7;
	s6 =	simm.s32 @!p0 $0x1B8D  }
0xb7: {  	s5 =	sshll.u32 @!p0 s5, $0x11;
	s7 =	sadd.s32 @!p0 $0x11B8D, s7;
	_ =	swait.eq @!p0 [sflag:s6], $0x1  }
0xb8: {  	s5 =	sor.u32 @!p0 s5, s7;
	[sflag:s6] =	ssyncadd.s32 @!p0 $0xFFFFFFFF  }
0xb9: {  	s25 =	simm.s32 $0x1B8E;
	s24 =	sld [smem:$0x3FFE];
	[sflag:s5] =	ssyncadd.remote.s32 @!p0 $0x1  }
0xba: {  	s26 =	simm.s32 $execute0_lowered;
	[smem:$0x3FD2] =	sst s25  }
0xbb: {  	s6 =	sshll.u32 s26, $0x1;
	_ =	strace $0x80000049;
	[dreg:$0x1] =	wrdreg $0xFFFFFFFF  }
0xbc: {  	s28 =	simm.s32 $_size_execute0_lowered;
	s4 =	sadd.s32 s4, s6;
	[dreg:$0x0] =	wrdreg $0x0  }
0xbd: {  	s6 =	sshll.u32 s28, $0x1;
	[dreg:$0x2] =	wrdreg s4  }
0xbe: {  	[dreg:$0x3] =	wrdreg s6  }
0xbf: {  	[dreg:$0x4] =	wrdreg $0xC0  }
0xc0: {  	_ =	task [dreg:s22], $0x5FFFF  }
0xc1: {  	[dreg:$0x1] =	wrdreg $0xFFFFFFFF  }
0xc2: {  	[dreg:$0x0] =	wrdreg $0x60  }
0xc3: {  	[dreg:$0x2] =	wrdreg s17  }
0xc4: {  	[dreg:$0x3] =	wrdreg s24  }
0xc5: {  	[dreg:$0x4] =	wrdreg $0x90000  }
0xc6: {  	[dreg:$0x5] =	wrdreg $0xC  }
0xc7: {  	_ =	task.clear_ibuf [dreg:s22], $0x6FFFF;
	_ =	strace $0x90000049  }
0xc8: {  	s29 =	simm.s32 $0xC;
	_ =	strace $0x8000004B  }
0xc9: {  	_ =	swait.ge [sflag:s29], $0x1  }
0xca: {  	[sflag:s29] =	ssyncadd.s32 $0xFFFFFFFF  }
0xcb: {  	_ =	strace $0x9000004B  }
0xcc: {  	_ =	sfence  }
0xcd: {  	s30 =	sld [smem:$0x0];
	_ =	sdelay $0x2  }
0xce: {  	s31 =	sshll.u32 s1, $0xD;
	s1 =	sshrl.u32 s1, $0x2  }
0xcf: {  	s4 =	sand.u32 $0x4000, s31;
	s1 =	sadd.s32 s1, s30  }
0xd0: {  	s0 =	sor.u32 s4, s0;
	s1 =	sshll.u32 s1, $0x11  }
0xd1: {  	s0 =	sor.u32 s1, s0  }
0xd2: {  	s0 =	sadd.s32 $0x8F2B, s0  }
0xd3: {  	[sflag:s0] =	ssyncadd.remote.s32 $0x1  }
0xd4: {  	_ =	sfence.sel $0xFFFF  }
0xd5: {  	[dreg:$0x0] =	wrdreg $0xFFFFFFFF;
	(pc) =	sbr.abs _section_cstart, $3  }
0xd6: {  	[dreg:$0x1] =	wrdreg $0xFFFFFFFF  }
0xd7: {  	_ =	task.clear_ibuf [dreg:s22], $0x2FFFF;
	_ =	strace $0x9FFFFFFF  }
0xd8: {  	(tm) =	ssettm $0x7FFFFFFF  }
0xd9: {  	_ =	shalt  }
tec
execute0_lowered:
.L_overlay_start_1:
0x0: {  	(tag) =	ssettag $0x1  }
0x1: {  	s2 =	rddreg [dreg:$0x0]  }
0x2: {  	s1 =	srdreg.scid;
	s7 =	rddreg [dreg:$0x1]  }
0x3: {  	s0 =	stileid.u32;
	s3 =	rddreg [dreg:$0x2];
	s4 =	simm.s32 $0x0  }
0x4: {  	s18 =	simm.s32 $0x80;
	s19 =	simm.s32 $0x1;
	s6 =	smul.u32 $0x2800, s0  }
0x5: {  	s5 =	sand.u32 $0x1, s1;
	s1 =	rddreg [dreg:$0x3];
	s10 =	smul.u32 $0x4F000, s0  }
0x6: {  	s23 =	simm.s32 $0x0;
	[smem:$0x7FF] =	sst s4;
	s15 =	smul.u32 $0x13800, s0  }
0x7: {  	s13 =	sadd.s32 $0xC1C00, s7;
	s16 =	smul.u32 $0x4E000, s0;
	s22 =	sadd.s32 $0x138000, s3  }
0x8: {  	s20 =	sshll.u32 s0, $0x6;
	p0 =	sne.s32 s0, $0xF;
	s8 =	smul.u32 $0x28000, s5  }
0x9: {  	_ =	strace $0x8000004A;
	s9 =	ssub.s32 $0x2, s5;
	s12 =	smul.u32 $0x138800, s5  }
0xa: {  	s20 =	sor.u32 $0x1C02, s20;
	s22 =	sshrl.u32 @!p0 s22, $0x3;
	s29 =	sshrl.u32 s9, $0x1  }
0xb: {  	s30 =	sshrl.u32 s10, $0x2;
	s31 =	sshrl.u32 s16, $0x2;
	s16 =	simm.s32 $0x2800  }
0xc: {  	s8 =	sadd.s32 s6, s8;
	s6 =	sshrl.u32 s6, $0x3;
	s14 =	ssub.s32 s9, s29  }
0xd: {  	s15 =	sadd.s32 s15, s12;
	s17 =	sshrl.u32 s12, $0x3;
	s21 =	sadd.s32 s31, s3  }
0xe: {  	s8 =	sshrl.u32 s8, $0x3;
	s11 =	sadd.s32 s6, s7;
	s6 =	sadd.s32 s30, s3  }
0xf: {  	s15 =	sshrl.u32 s15, $0x3;
	s14 =	smax.u32 s14, $0x1;
	s21 =	sshrl.u32 s21, $0x3  }
0x10: {  	s8 =	sadd.s32 s8, s7;
	s7 =	sadd.s32 $0x64A00, s11;
	s9 =	sadd.s32 $0x8000, s6  }
0x11: {  	s10 =	sadd.s32 $0xC000, s6;
	s11 =	sadd.s32 $0x10000, s6;
	s12 =	sadd.s32 s13, s15  }
0x12: {  	s13 =	sadd.s32 s13, s17;
	s15 =	simm.s32 $0x2;
	s17 =	simm.s32 $0x5000  }
0x13: {  	v0 =	vimm.f32 $0.0e+00;
	s5 =	sadd.s32 $0xB7C00, s8;
	s8 =	sadd.s32 $0x4000, s6;
	s13 =	sadd.s32 $0x27000, s13  }
.LBB2_1:
0x14: {  	[tilespmem:s4], [sflag:$0x2] =	stream.linear.gather [hbm4b:s5+s4], $0x2780, $0x38;
	[tilespmem:$0x1CC00] =	vst v63  }
0x15: {  	_ =	swait.ge [sflag:s15], $0x2780  }
0x16: {  	[sflag:s15] =	ssyncset.done $0x0  }
0x17: {  	[sflag:s15] =	ssyncadd.s32 $0xFFFFD880  }
0x18: {  	[tilespmem:s16], [sflag:$0x2] =	stream.linear.gather [hbm4b:s7+s4], $0x2780, $0x38;
	[tilespmem:$0x1CC00] =	vst v63  }
0x19: {  	_ =	swait.ge [sflag:s15], $0x2780  }
0x1a: {  	[sflag:s15] =	ssyncset.done $0x0  }
0x1b: {  	s24 =	simm.s32 $0x0;
	s25 =	simm.s32 $0x200;
	[sflag:s15] =	ssyncadd.s32 $0xFFFFD880  }
.LBB2_2:
0x1c: {  	p1 =	sne.s32 s25, $0xFE00;
	[tilespmem:s24+$0x5070] =	vst v0  }
0x1d: {  	[tilespmem:s24+$0x5000] =	vst v0  }
0x1e: {  	[tilespmem:s24+$0x5010] =	vst v0  }
.Ltmp0:
0x1f: {  	[tilespmem:s24+$0x5020] =	vst v0;
	(pc) =	sbr.rel @p1 .LBB2_2-.Ltmp0, $4  }
0x20: {  	[tilespmem:s24+$0x5030] =	vst v0  }
0x21: {  	[tilespmem:s24+$0x5040] =	vst v0  }
0x22: {  	[tilespmem:s24+$0x5050] =	vst v0  }
0x23: {  	[tilespmem:s24+$0x5060] =	vst v0;
	s24 =	sshra.s32 s25, $0x2;
	s25 =	sadd.s32 $0x200, s25  }
0x24: {  	[tilespmem:s24+$0x5070] =	vst v0  }
0x25: {  	[tilespmem:s24+$0x5000] =	vst v0  }
0x26: {  	[tilespmem:s24+$0x5010] =	vst v0  }
0x27: {  	[tilespmem:s24+$0x5020] =	vst v0  }
0x28: {  	[tilespmem:s24+$0x5030] =	vst v0  }
0x29: {  	[tilespmem:s24+$0x5040] =	vst v0  }
0x2a: {  	[tilespmem:s24+$0x5050] =	vst v0  }
0x2b: {  	[tilespmem:s24+$0x5060] =	vst v0  }
0x2c: {  	[spmem:s6] =	stream.linear.scatter [tilespmem:s17], [sflag:$0x2], $0x4000, $0x38;
	[tilespmem:$0x1CC00] =	vst v63  }
0x2d: {  	_ =	swait.ge [sflag:s15], $0x4000  }
0x2e: {  	[sflag:s15] =	ssyncset.done $0x0  }
0x2f: {  	[sflag:s15] =	ssyncadd.s32 $0xFFFFC000  }
0x30: {  	[spmem:s8] =	stream.linear.scatter [tilespmem:s17], [sflag:$0x2], $0x4000, $0x38;
	[tilespmem:$0x1CC00] =	vst v63  }
0x31: {  	_ =	swait.ge [sflag:s15], $0x4000  }
0x32: {  	[sflag:s15] =	ssyncset.done $0x0  }
0x33: {  	[sflag:s15] =	ssyncadd.s32 $0xFFFFC000  }
0x34: {  	[spmem:s9] =	stream.linear.scatter [tilespmem:s17], [sflag:$0x2], $0x4000, $0x38;
	[tilespmem:$0x1CC00] =	vst v63  }
0x35: {  	_ =	swait.ge [sflag:s15], $0x4000  }
0x36: {  	[sflag:s15] =	ssyncset.done $0x0  }
0x37: {  	[sflag:s15] =	ssyncadd.s32 $0xFFFFC000  }
0x38: {  	[spmem:s10] =	stream.linear.scatter [tilespmem:s17], [sflag:$0x2], $0x4000, $0x38;
	[tilespmem:$0x1CC00] =	vst v63  }
0x39: {  	_ =	swait.ge [sflag:s15], $0x4000  }
0x3a: {  	[sflag:s15] =	ssyncset.done $0x0  }
0x3b: {  	[sflag:s15] =	ssyncadd.s32 $0xFFFFC000  }
0x3c: {  	[spmem:s11] =	stream.linear.scatter [tilespmem:s17], [sflag:$0x2], $0x3C00, $0x38;
	[tilespmem:$0x1CC00] =	vst v63  }
0x3d: {  	_ =	swait.ge [sflag:s15], $0x3C00  }
0x3e: {  	[sflag:s15] =	ssyncset.done $0x0  }
0x3f: {  	[sflag:s15] =	ssyncadd.s32 $0xFFFFC400  }
0x40: {  	s30 =	simm.s32 $0x0;
	[bflag:$0x0] =	sbarrier.arrive $0xFFFF  }
0x41: {  	[tilespmem:s17], [sflag:$0x1] =	stream.indirect.gather [hbm4b:s2+s18], $0x80, s30, s18, $0xb8;
	[tilespmem:$0x1CC00] =	vst v63  }
0x42: {  	_ =	swait.ge [sflag:s19], $0x4000  }
0x43: {  	[sflag:s19] =	ssyncset.done $0x0  }
0x44: {  	s31 =	simm.s32 $0x2800;
	[sflag:s19] =	ssyncadd.s32 $0xFFFFC000  }
0x45: {  	[spmem:s3] =	stream.indirect.scatter.add.f32 [tilespmem:s17], [sflag:$0x2], $0x80, s31, s18, $0xb8;
	[tilespmem:$0x1CC00] =	vst v63  }
0x46: {  	_ =	swait.ge [sflag:s15], $0x4000  }
0x47: {  	s24 =	simm.s32 $0x200;
	s25 =	simm.s32 $0x400;
	[sflag:s15] =	ssyncset.done $0x0  }
.LBB2_4:
0x48: {  	s26 =	sshra.s32 s24, $0x2  }
0x49: {  	[sflag:s15] =	ssyncadd.s32 $0xFFFFC000;
	s24 =	smov.u32 s25;
	s28 =	sadd.s32 $0x200, s25  }
0x4a: {  	[tilespmem:s17], [sflag:$0x1] =	stream.indirect.gather [hbm4b:s2+s18], $0x80, s26, s18, $0xb8;
	[tilespmem:$0x1CC00] =	vst v63  }
0x4b: {  	p1 =	sne.s32 s25, $0x9C00;
	_ =	swait.ge [sflag:s19], $0x4000  }
.Ltmp1:
0x4c: {  	[sflag:s19] =	ssyncset.done $0x0;
	(pc) =	sbr.rel @p1 .LBB2_4-.Ltmp1, $4  }
0x4d: {  	s25 =	sadd.s32 $0x2800, s26;
	[sflag:s19] =	ssyncadd.s32 $0xFFFFC000  }
0x4e: {  	[spmem:s3] =	stream.indirect.scatter.add.f32 [tilespmem:s17], [sflag:$0x2], $0x80, s25, s18, $0xb8;
	[tilespmem:$0x1CC00] =	vst v63  }
0x4f: {  	_ =	swait.ge [sflag:s15], $0x4000  }
0x50: {  	s25 =	smov.u32 s28;
	[sflag:s15] =	ssyncset.done $0x0  }
0x51: {  	s24 =	sshra.s32 s24, $0x2;
	[sflag:s15] =	ssyncadd.s32 $0xFFFFC000  }
0x52: {  	[tilespmem:s17], [sflag:$0x1] =	stream.indirect.gather [hbm4b:s2+s18], $0x80, s24, s18, $0xb8;
	[tilespmem:$0x1CC00] =	vst v63  }
0x53: {  	_ =	swait.ge [sflag:s19], $0x4000  }
0x54: {  	[sflag:s19] =	ssyncset.done $0x0  }
0x55: {  	s24 =	sadd.s32 $0x2800, s24;
	[sflag:s19] =	ssyncadd.s32 $0xFFFFC000  }
0x56: {  	[spmem:s3] =	stream.indirect.scatter.add.f32 [tilespmem:s17], [sflag:$0x2], $0x80, s24, s18, $0xb8;
	[tilespmem:$0x1CC00] =	vst v63  }
0x57: {  	_ =	swait.ge [sflag:s15], $0x4000  }
0x58: {  	[sflag:s15] =	ssyncset.done $0x0  }
0x59: {  	[sflag:s15] =	ssyncadd.s32 $0xFFFFC000  }
0x5a: {  	[bflag:$0x0] =	sbarrier.arrive $0xFFFF  }
0x5b: {  	[hbm:s12], [sflag:s20] =	dma.local [spmem:s21], $0x2700  }
0x5c: {  	s23 =	sadd.s32 $0x1, s23;
	_ =	swait.ge [sflag:s15], $0x2700  }
0x5d: {  	p1 =	sne.s32 s23, s14;
	[sflag:s15] =	ssyncset.done $0x0  }
.Ltmp2:
0x5e: {  	s24 =	simm.s32 @!p0 $0x2;
	[sflag:s15] =	ssyncadd.s32 $0xFFFFD900;
	(pc) =	sbr.rel @p1 .LBB2_1-.Ltmp2, $4  }
0x5f: {  	[hbm:s13], [sflag:s20] =	dma.local @!p0 [spmem:s22], $0x100  }
0x60: {  	_ =	swait.ge @!p0 [sflag:s24], $0x100  }
0x61: {  	[sflag:s24] =	ssyncset.done @!p0 $0x0  }
0x62: {  	[sflag:s24] =	ssyncadd.s32 @!p0 $0xFFFFFF00  }
0x63: {  	_ =	sfence.sel $0x180000  }
0x64: {  	[bflag:$0x0] =	sbarrier.arrive $0xFFFF  }
0x65: {  	p0 =	sne.s32 s0, $0x0;
	_ =	strace $0x9000004A  }
0x66: {  	s0 =	sadd.s32 @!p0 $0x100000, s1;
	[bflag:$0x2] =	sbarrier.arrive $0xFFFF  }
0x67: {  	[sflag:s0] =	ssyncadd.tile.s32 @!p0 $0x1;
	_ =	shalt  }
.Lfunc_end2:
_tile_overlayer_lowered:
.L_overlay_start_2:
0x68: {  	(tag) =	ssettag $0x2  }
0x69: {  	s0 =	rddreg [dreg:$0x0];
	s2 =	stileid.u32  }
0x6a: {  	s1 =	rddreg [dreg:$0x1];
	p0 =	sne.s32 s2, $0x0  }
0x6b: {  	s3 =	rddreg [dreg:$0x2];
	[bflag:$0x3] =	sbarrier.arrive $0xFFFF;
	s2 =	simm.s32 @!p0 $0x1C02  }
0x6c: {  	[timem:s3], [sflag:s2] =	dma.local @!p0 [hbm:s0], s1  }
0x6d: {  	s0 =	simm.s32 @!p0 $0x2  }
0x6e: {  	_ =	swait.ge @!p0 [sflag:s0], s1  }
0x6f: {  	s1 =	ssub.s32 @!p0 $0x0, s1;
	[sflag:s0] =	ssyncset.done @!p0 $0x0  }
0x70: {  	[sflag:s0] =	ssyncadd.s32 @!p0 s1  }
0x71: {  	[bflag:$0x3] =	sbarrier.arrive $0xFFFF  }
0x72: {  	_ =	shalt  }

// kernel: kernel.24.cloned.1.call-start
scs
__scs_entry_jumppad:
0x0: {  	(pc) =	sbr.rel $0x88, $3  }
0x1: {  	(tag) =	ssettag $0x0;
	lr =	simm.s32 $0x1  }
0x2: {  	[smem:$0x3F85] =	sst lr;
	_ =	strace $0xD0000000  }
0x3: {  	_ = 	snop  }
0x4: {  	_ = 	snop  }
0x5: {  	_ = 	snop  }
0x6: {  	_ = 	snop  }
0x7: {  	_ = 	snop  }
__scs_overlays_trampoline_lowered:
0x8: {  	[smem:$0x3F94] =	sst s0  }
0x9: {  	[smem:$0x3F95] =	sst s1  }
0xa: {  	[smem:$0x3F96] =	sst s2  }
0xb: {  	[smem:$0x3F97] =	sst s3  }
0xc: {  	[smem:$0x3F98] =	sst s4  }
0xd: {  	[smem:$0x3F99] =	sst s5  }
0xe: {  	[smem:$0x3F9A] =	sst s6  }
0xf: {  	[smem:$0x3F9B] =	sst s7  }
0x10: {  	[smem:$0x3F9C] =	sst s8  }
0x11: {  	[smem:$0x3F9D] =	sst s9;
	s0 =	simm.s32 @!p0 $0x0  }
0x12: {  	s1 =	sld [smem:$0x3F83];
	s0 =	simm.s32 @p0 $0x1  }
0x13: {  	[smem:$0x3F9E] =	sst s0;
	s0 =	simm.s32 @!p1 $0x0  }
0x14: {  	s2 =	sld [smem:$0x3F82];
	s0 =	simm.s32 @p1 $0x1  }
0x15: {  	[smem:$0x3F9F] =	sst s0;
	s0 =	simm.s32 @!p2 $0x0  }
0x16: {  	s3 =	sld [smem:$0x3FDB];
	s0 =	simm.s32 @p2 $0x1  }
0x17: {  	s4 =	simm.s32 $0x1BF5;
	[smem:$0x3FA1] =	sst s0  }
0x18: {  	s0 =	sld [smem:$0x3F84];
	_ =	swait.ge [sflag:s4], $0x0  }
0x19: {  	s7 =	sld [smem:$0x3F85]  }
0x1a: {  	s8 =	sadd.s32 $0xFFFFE003, lr  }
0x1b: {  	s9 =	sadd.s32 $0xFFFFFEF7, lr;
	s5 =	simm.s32 $0xFFFFFFFF;
	p2 =	slt.u32 s8, $0xFFFFF086  }
0x1c: {  	p1 =	slt.u32 s9, $0xF7A;
	s5 =	simm.s32 @!p2 $0x0  }
0x1d: {  	s5 =	simm.s32 @p1 $0x1;
	p0 =	seq.s32 s7, s2  }
0x1e: {  	s7 =	smul.u32 @!p0 $0xF7A, s2;
	p2 =	seq.s32 @!p0 s5, $0x0  }
0x1f: {  	s9 =	smul.u32 $0xF7A, s1;
	s8 =	simm.s32 @!p0 $0x1BF5;
	p2 =	por !p2, p0  }
0x20: {  	[sflag:s8] =	ssyncset.s32 @!p0 $0xFFFFF086;
	s6 =	sadd.s32 @!p0 s3, s7;
	s7 =	simm.s32 @!p0 $0x108  }
0x21: {  	s3 =	sadd.s32 s3, s9;
	s6 =	sadd.s32 @!p0 $0x88, s6;
	s7 =	simm.s32 @p2 $0x1082  }
0x22: {  	[simem:s7], [sflag:s8] =	dma.local @!p0 [hbm:s6], $0xF7A  }
0x23: {  	s9 =	sor.u32 $0xD0000000, s2;
	s6 =	simm.s32 $0x108;
	_ =	swait.ge @!p0 [sflag:s8], $0x0  }
0x24: {  	s3 =	sadd.s32 $0x88, s3;
	s6 =	simm.s32 @!p1 $0x1082;
	[sflag:s4] =	ssyncset.s32 $0xFFFFF086  }
0x25: {  	[simem:s6], [sflag:s4] =	dma.local [hbm:s3], $0xF7A  }
0x26: {  	[smem:$0x3F85] =	sst s1;
	(tag) =	ssettag s2;
	_ =	strace s9  }
0x27: {  	s1 =	sld [smem:$0x3F95]  }
0x28: {  	s2 =	sld [smem:$0x3F96]  }
0x29: {  	s4 =	sld [smem:$0x3F98]  }
0x2a: {  	p0 =	seq.s32 s5, $0x0;
	s5 =	sld [smem:$0x3F99]  }
0x2b: {  	s6 =	sld [smem:$0x3F9A]  }
0x2c: {  	s7 =	sld [smem:$0x3F9B]  }
0x2d: {  	s3 =	simm.s32 $0x108;
	s8 =	sld [smem:$0x3F9C]  }
0x2e: {  	s3 =	simm.s32 @!p0 $0x1082;
	s9 =	sld [smem:$0x3F9D]  }
0x2f: {  	lr =	sadd.s32 s0, s3;
	s0 =	sld [smem:$0x3F94]  }
0x30: {  	s3 =	sld [smem:$0x3F97]  }
0x31: {  	[smem:$0x3FA0] =	sst s10  }
0x32: {  	s10 =	sld [smem:$0x3F9E];
	_ =	sdelay $0x3  }
0x33: {  	p0 =	seq.s32 s10, $0x1;
	s10 =	sld [smem:$0x3FA0];
	_ =	sdelay $0x3  }
0x34: {  	[smem:$0x3FA0] =	sst s10  }
0x35: {  	s10 =	sld [smem:$0x3F9F];
	_ =	sdelay $0x3  }
0x36: {  	p1 =	seq.s32 s10, $0x1;
	s10 =	sld [smem:$0x3FA0];
	_ =	sdelay $0x3  }
0x37: {  	[smem:$0x3FA0] =	sst s10  }
0x38: {  	s10 =	sld [smem:$0x3FA1]  }
0x39: {  	_ = 	snop;
	(pc) =	sbr.ind lr, $3  }
0x3a: {  	_ = 	snop  }
0x3b: {  	_ = 	snop  }
0x3c: {  	p2 =	seq.s32 s10, $0x1;
	s10 =	sld [smem:$0x3FA0]  }
0x3d: {  	_ =	shalt  }
0x3e: {  	_ =	shalt  }
0x3f: {  	_ =	shalt  }
0x40: {  	_ =	shalt  }
0x41: {  	_ =	shalt  }
0x42: {  	_ =	shalt  }
0x43: {  	_ =	shalt  }
0x44: {  	_ =	shalt  }
0x45: {  	_ =	shalt  }
0x46: {  	_ =	shalt  }
0x47: {  	_ =	shalt  }
0x48: {  	_ =	shalt  }
0x49: {  	_ =	shalt  }
0x4a: {  	_ =	shalt  }
0x4b: {  	_ =	shalt  }
0x4c: {  	_ =	shalt  }
0x4d: {  	_ =	shalt  }
0x4e: {  	_ =	shalt  }
0x4f: {  	_ =	shalt  }
0x50: {  	_ =	shalt  }
0x51: {  	_ =	shalt  }
0x52: {  	_ =	shalt  }
0x53: {  	_ =	shalt  }
0x54: {  	_ =	shalt  }
0x55: {  	_ =	shalt  }
0x56: {  	_ =	shalt  }
0x57: {  	_ =	shalt  }
0x58: {  	_ =	shalt  }
0x59: {  	_ =	shalt  }
0x5a: {  	_ =	shalt  }
0x5b: {  	_ =	shalt  }
0x5c: {  	_ =	shalt  }
0x5d: {  	_ =	shalt  }
0x5e: {  	_ =	shalt  }
0x5f: {  	_ =	shalt  }
0x60: {  	_ =	shalt  }
0x61: {  	_ =	shalt  }
0x62: {  	_ =	shalt  }
0x63: {  	_ =	shalt  }
0x64: {  	_ =	shalt  }
0x65: {  	_ =	shalt  }
0x66: {  	_ =	shalt  }
0x67: {  	_ =	shalt  }
0x68: {  	_ =	shalt  }
0x69: {  	_ =	shalt  }
0x6a: {  	_ =	shalt  }
0x6b: {  	_ =	shalt  }
0x6c: {  	_ =	shalt  }
0x6d: {  	_ =	shalt  }
0x6e: {  	_ =	shalt  }
0x6f: {  	_ =	shalt  }
0x70: {  	_ =	shalt  }
0x71: {  	_ =	shalt  }
0x72: {  	_ =	shalt  }
0x73: {  	_ =	shalt  }
0x74: {  	_ =	shalt  }
0x75: {  	_ =	shalt  }
0x76: {  	_ =	shalt  }
0x77: {  	_ =	shalt  }
0x78: {  	_ =	shalt  }
0x79: {  	_ =	shalt  }
0x7a: {  	_ =	shalt  }
0x7b: {  	_ =	shalt  }
0x7c: {  	_ =	shalt  }
0x7d: {  	_ =	shalt  }
0x7e: {  	_ =	shalt  }
0x7f: {  	_ =	shalt  }
0x80: {  	_ =	shalt  }
0x81: {  	_ =	shalt  }
0x82: {  	_ =	shalt  }
0x83: {  	_ =	shalt  }
0x84: {  	_ =	shalt  }
0x85: {  	_ =	shalt  }
0x86: {  	_ =	shalt  }
0x87: {  	_ =	shalt  }
.Lfunc_end0:
.L_simem_size_0:
called_computation.3_lowered:
.L_overlay_start_0:
0x88: {  	s2 =	sld [smem:$0x3FD9]  }
0x89: {  	s3 =	sld [smem:$0x3FFE];
	_ =	sdelay $0x1  }
0x8a: {  	s1 =	srdreg.scid  }
0x8b: {  	s0 =	sand.u32 $0x1, s1  }
0x8c: {  	s15 =	sshll.u32 s0, $0xA;
	s2 =	sadd.s32 s3, s2  }
0x8d: {  	s2 =	sadd.s32 s2, s15  }
0x8e: {  	[smem:$0x3FAC] =	sst s2  }
0x8f: {  	_ = 	snop  }
0x90: {  	s2 =	sld [smem:$0x3FD0];
	_ =	sdelay $0x2  }
0x91: {  	s16 =	simm.s32 $0xD;
	s4 =	simm.s32 $0x10  }
0x92: {  	[smem:s4], [sflag:s16] =	dma.local [hbm:s2], $0x1  }
0x93: {  	_ =	swait.eq [sflag:s16], $0x1  }
0x94: {  	[sflag:s16] =	ssyncset.done $0x0  }
0x95: {  	[sflag:s16] =	ssyncadd.s32 $0xFFFFFFFF  }
0x96: {  	s17 =	sld [smem:$0x10];
	(tm) =	ssettm $0x1  }
0x97: {  	s18 =	sld [smem:$0x3FFB];
	_ =	sdelay $0x3  }
0x98: {  	_ =	strace s18  }
0x99: {  	s2 =	sld [smem:$0x3FFC];
	_ =	sdelay $0x3  }
0x9a: {  	_ =	strace s2  }
0x9b: {  	s2 =	sld [smem:$0x3FFD];
	_ =	sdelay $0x3  }
0x9c: {  	_ =	strace s2  }
0x9d: {  	_ =	strace $0x8FFFFFFF  }
0x9e: {  	s19 =	sld [smem:$0x3FDB];
	_ =	sdelay $0x1  }
0x9f: {  	s20 =	simm.s32 $_scs_section_size  }
0xa0: {  	s5 =	simm.s32 $_size__tile_overlayer_lowered;
	s6 =	simm.s32 $_tile_overlayer_lowered  }
0xa1: {  	s7 =	simm.s32 $0x1BFF;
	s21 =	sshll.u32 s6, $0x1;
	s4 =	sadd.s32 s20, s19  }
0xa2: {  	s22 =	simm.s32 $0x0;
	s5 =	sshll.u32 s5, $0x1;
	s6 =	sadd.s32 s21, s4  }
0xa3: {  	[timem:s22], [sflag:s7] =	dma.local [hbm:s6], s5  }
0xa4: {  	_ =	swait.ge [sflag:s7], s5  }
0xa5: {  	s5 =	ssub.s32 $0x0, s5;
	[sflag:s7] =	ssyncset.done $0x0  }
0xa6: {  	[sflag:s7] =	ssyncadd.s32 s5;
	_ =	sdelay $0x1  }
0xa7: {  	s23 =	simm.s32 $0x1B8B  }
0xa8: {  	_ =	swait.ge [sflag:s23], $0x1  }
0xa9: {  	[sflag:s23] =	ssyncset.done $0x0  }
0xaa: {  	[sflag:s23] =	ssyncadd.s32 $0xFFFFFFFF  }
0xab: {  	s5 =	sld [smem:$0x0]  }
0xac: {  	s6 =	sand.u32 $0xFFFFFFFE, s1  }
0xad: {  	p0 =	sne.s32 s1, s6  }
0xae: {  	s6 =	sshll.u32 @p0 s6, $0xE  }
0xaf: {  	s6 =	sadd.s32 @p0 $0x11B8D, s6;
	s7 =	sshll.u32 @p0 s5, $0x11  }
0xb0: {  	s6 =	sor.u32 @p0 s7, s6  }
0xb1: {  	[sflag:s6] =	ssyncadd.remote.s32 @p0 $0x1;
	_ =	sdelay $0x1  }
0xb2: {  	s6 =	simm.s32 @p0 $0x1B8D  }
0xb3: {  	_ =	swait.eq @p0 [sflag:s6], $0x1  }
0xb4: {  	[sflag:s6] =	ssyncadd.s32 @p0 $0xFFFFFFFF  }
0xb5: {  	s7 =	sshll.u32 @!p0 s1, $0xE  }
0xb6: {  	s7 =	sor.u32 @!p0 $0x4000, s7;
	s6 =	simm.s32 @!p0 $0x1B8D  }
0xb7: {  	s5 =	sshll.u32 @!p0 s5, $0x11;
	s7 =	sadd.s32 @!p0 $0x11B8D, s7;
	_ =	swait.eq @!p0 [sflag:s6], $0x1  }
0xb8: {  	s5 =	sor.u32 @!p0 s5, s7;
	[sflag:s6] =	ssyncadd.s32 @!p0 $0xFFFFFFFF  }
0xb9: {  	s25 =	simm.s32 $0x1B8E;
	s24 =	sld [smem:$0x3FFE];
	[sflag:s5] =	ssyncadd.remote.s32 @!p0 $0x1  }
0xba: {  	s26 =	simm.s32 $execute0_lowered;
	[smem:$0x3FD2] =	sst s25  }
0xbb: {  	s6 =	sshll.u32 s26, $0x1;
	_ =	strace $0x8000004C;
	[dreg:$0x1] =	wrdreg $0xFFFFFFFF  }
0xbc: {  	s28 =	simm.s32 $_size_execute0_lowered;
	s4 =	sadd.s32 s4, s6;
	[dreg:$0x0] =	wrdreg $0x0  }
0xbd: {  	s6 =	sshll.u32 s28, $0x1;
	[dreg:$0x2] =	wrdreg s4  }
0xbe: {  	[dreg:$0x3] =	wrdreg s6  }
0xbf: {  	[dreg:$0x4] =	wrdreg $0xC0  }
0xc0: {  	_ =	task [dreg:s22], $0x5FFFF  }
0xc1: {  	[dreg:$0x1] =	wrdreg $0xFFFFFFFF  }
0xc2: {  	[dreg:$0x0] =	wrdreg $0x60  }
0xc3: {  	[dreg:$0x2] =	wrdreg s17  }
0xc4: {  	[dreg:$0x3] =	wrdreg s24  }
0xc5: {  	[dreg:$0x4] =	wrdreg $0x90000  }
0xc6: {  	[dreg:$0x5] =	wrdreg $0xA  }
0xc7: {  	_ =	task.clear_ibuf [dreg:s22], $0x6FFFF;
	_ =	strace $0x9000004C  }
0xc8: {  	s29 =	simm.s32 $0xA;
	_ =	strace $0x8000004E  }
0xc9: {  	_ =	swait.ge [sflag:s29], $0x1  }
0xca: {  	[sflag:s29] =	ssyncadd.s32 $0xFFFFFFFF  }
0xcb: {  	_ =	strace $0x9000004E  }
0xcc: {  	_ =	sfence  }
0xcd: {  	s30 =	sld [smem:$0x0];
	_ =	sdelay $0x2  }
0xce: {  	s31 =	sshll.u32 s1, $0xD;
	s1 =	sshrl.u32 s1, $0x2  }
0xcf: {  	s4 =	sand.u32 $0x4000, s31;
	s1 =	sadd.s32 s1, s30  }
0xd0: {  	s0 =	sor.u32 s4, s0;
	s1 =	sshll.u32 s1, $0x11  }
0xd1: {  	s0 =	sor.u32 s1, s0  }
0xd2: {  	s0 =	sadd.s32 $0x8F2B, s0  }
0xd3: {  	[sflag:s0] =	ssyncadd.remote.s32 $0x1  }
0xd4: {  	_ =	sfence.sel $0xFFFF  }
0xd5: {  	[dreg:$0x0] =	wrdreg $0xFFFFFFFF;
	(pc) =	sbr.abs _section_cstart, $3  }
0xd6: {  	[dreg:$0x1] =	wrdreg $0xFFFFFFFF  }
0xd7: {  	_ =	task.clear_ibuf [dreg:s22], $0x2FFFF;
	_ =	strace $0x9FFFFFFF  }
0xd8: {  	(tm) =	ssettm $0x7FFFFFFF  }
0xd9: {  	_ =	shalt  }
tec
execute0_lowered:
.L_overlay_start_1:
0x0: {  	(tag) =	ssettag $0x1  }
0x1: {  	s2 =	rddreg [dreg:$0x0]  }
0x2: {  	s1 =	srdreg.scid;
	s7 =	rddreg [dreg:$0x1]  }
0x3: {  	s0 =	stileid.u32;
	s3 =	rddreg [dreg:$0x2];
	s4 =	simm.s32 $0x0  }
0x4: {  	s18 =	simm.s32 $0x80;
	s19 =	simm.s32 $0x1;
	s6 =	smul.u32 $0x2800, s0  }
0x5: {  	s5 =	sand.u32 $0x1, s1;
	s1 =	rddreg [dreg:$0x3];
	s10 =	smul.u32 $0x4F000, s0  }
0x6: {  	s23 =	simm.s32 $0x0;
	[smem:$0x7FF] =	sst s4;
	s15 =	smul.u32 $0x13800, s0  }
0x7: {  	s13 =	sadd.s32 $0x11EE00, s7;
	s16 =	smul.u32 $0x4E000, s0;
	s22 =	sadd.s32 $0x138000, s3  }
0x8: {  	s20 =	sshll.u32 s0, $0x6;
	p0 =	sne.s32 s0, $0xF;
	s8 =	smul.u32 $0x28000, s5  }
0x9: {  	_ =	strace $0x8000004D;
	s9 =	ssub.s32 $0x2, s5;
	s12 =	smul.u32 $0x138800, s5  }
0xa: {  	s20 =	sor.u32 $0x1C02, s20;
	s22 =	sshrl.u32 @!p0 s22, $0x3;
	s29 =	sshrl.u32 s9, $0x1  }
0xb: {  	s30 =	sshrl.u32 s10, $0x2;
	s31 =	sshrl.u32 s16, $0x2;
	s16 =	simm.s32 $0x2800  }
0xc: {  	s8 =	sadd.s32 s6, s8;
	s6 =	sshrl.u32 s6, $0x3;
	s14 =	ssub.s32 s9, s29  }
0xd: {  	s15 =	sadd.s32 s15, s12;
	s17 =	sshrl.u32 s12, $0x3;
	s21 =	sadd.s32 s31, s3  }
0xe: {  	s8 =	sshrl.u32 s8, $0x3;
	s11 =	sadd.s32 s6, s7;
	s6 =	sadd.s32 s30, s3  }
0xf: {  	s15 =	sshrl.u32 s15, $0x3;
	s14 =	smax.u32 s14, $0x1;
	s21 =	sshrl.u32 s21, $0x3  }
0x10: {  	s8 =	sadd.s32 s8, s7;
	s7 =	sadd.s32 $0x10FE00, s11;
	s9 =	sadd.s32 $0x8000, s6  }
0x11: {  	s10 =	sadd.s32 $0xC000, s6;
	s11 =	sadd.s32 $0x10000, s6;
	s12 =	sadd.s32 s13, s15  }
0x12: {  	s13 =	sadd.s32 s13, s17;
	s15 =	simm.s32 $0x2;
	s17 =	simm.s32 $0x5000  }
0x13: {  	v0 =	vimm.f32 $0.0e+00;
	s5 =	sadd.s32 $0x114E00, s8;
	s8 =	sadd.s32 $0x4000, s6;
	s13 =	sadd.s32 $0x27000, s13  }
.LBB2_1:
0x14: {  	[tilespmem:s4], [sflag:$0x2] =	stream.linear.gather [hbm4b:s5+s4], $0x2780, $0x38;
	[tilespmem:$0x1CC00] =	vst v63  }
0x15: {  	_ =	swait.ge [sflag:s15], $0x2780  }
0x16: {  	[sflag:s15] =	ssyncset.done $0x0  }
0x17: {  	[sflag:s15] =	ssyncadd.s32 $0xFFFFD880  }
0x18: {  	[tilespmem:s16], [sflag:$0x2] =	stream.linear.gather [hbm4b:s7+s4], $0x2780, $0x38;
	[tilespmem:$0x1CC00] =	vst v63  }
0x19: {  	_ =	swait.ge [sflag:s15], $0x2780  }
0x1a: {  	[sflag:s15] =	ssyncset.done $0x0  }
0x1b: {  	s24 =	simm.s32 $0x0;
	s25 =	simm.s32 $0x200;
	[sflag:s15] =	ssyncadd.s32 $0xFFFFD880  }
.LBB2_2:
0x1c: {  	p1 =	sne.s32 s25, $0xFE00;
	[tilespmem:s24+$0x5070] =	vst v0  }
0x1d: {  	[tilespmem:s24+$0x5000] =	vst v0  }
0x1e: {  	[tilespmem:s24+$0x5010] =	vst v0  }
.Ltmp0:
0x1f: {  	[tilespmem:s24+$0x5020] =	vst v0;
	(pc) =	sbr.rel @p1 .LBB2_2-.Ltmp0, $4  }
0x20: {  	[tilespmem:s24+$0x5030] =	vst v0  }
0x21: {  	[tilespmem:s24+$0x5040] =	vst v0  }
0x22: {  	[tilespmem:s24+$0x5050] =	vst v0  }
0x23: {  	[tilespmem:s24+$0x5060] =	vst v0;
	s24 =	sshra.s32 s25, $0x2;
	s25 =	sadd.s32 $0x200, s25  }
0x24: {  	[tilespmem:s24+$0x5070] =	vst v0  }
0x25: {  	[tilespmem:s24+$0x5000] =	vst v0  }
0x26: {  	[tilespmem:s24+$0x5010] =	vst v0  }
0x27: {  	[tilespmem:s24+$0x5020] =	vst v0  }
0x28: {  	[tilespmem:s24+$0x5030] =	vst v0  }
0x29: {  	[tilespmem:s24+$0x5040] =	vst v0  }
0x2a: {  	[tilespmem:s24+$0x5050] =	vst v0  }
0x2b: {  	[tilespmem:s24+$0x5060] =	vst v0  }
0x2c: {  	[spmem:s6] =	stream.linear.scatter [tilespmem:s17], [sflag:$0x2], $0x4000, $0x38;
	[tilespmem:$0x1CC00] =	vst v63  }
0x2d: {  	_ =	swait.ge [sflag:s15], $0x4000  }
0x2e: {  	[sflag:s15] =	ssyncset.done $0x0  }
0x2f: {  	[sflag:s15] =	ssyncadd.s32 $0xFFFFC000  }
0x30: {  	[spmem:s8] =	stream.linear.scatter [tilespmem:s17], [sflag:$0x2], $0x4000, $0x38;
	[tilespmem:$0x1CC00] =	vst v63  }
0x31: {  	_ =	swait.ge [sflag:s15], $0x4000  }
0x32: {  	[sflag:s15] =	ssyncset.done $0x0  }
0x33: {  	[sflag:s15] =	ssyncadd.s32 $0xFFFFC000  }
0x34: {  	[spmem:s9] =	stream.linear.scatter [tilespmem:s17], [sflag:$0x2], $0x4000, $0x38;
	[tilespmem:$0x1CC00] =	vst v63  }
0x35: {  	_ =	swait.ge [sflag:s15], $0x4000  }
0x36: {  	[sflag:s15] =	ssyncset.done $0x0  }
0x37: {  	[sflag:s15] =	ssyncadd.s32 $0xFFFFC000  }
0x38: {  	[spmem:s10] =	stream.linear.scatter [tilespmem:s17], [sflag:$0x2], $0x4000, $0x38;
	[tilespmem:$0x1CC00] =	vst v63  }
0x39: {  	_ =	swait.ge [sflag:s15], $0x4000  }
0x3a: {  	[sflag:s15] =	ssyncset.done $0x0  }
0x3b: {  	[sflag:s15] =	ssyncadd.s32 $0xFFFFC000  }
0x3c: {  	[spmem:s11] =	stream.linear.scatter [tilespmem:s17], [sflag:$0x2], $0x3C00, $0x38;
	[tilespmem:$0x1CC00] =	vst v63  }
0x3d: {  	_ =	swait.ge [sflag:s15], $0x3C00  }
0x3e: {  	[sflag:s15] =	ssyncset.done $0x0  }
0x3f: {  	[sflag:s15] =	ssyncadd.s32 $0xFFFFC400  }
0x40: {  	s30 =	simm.s32 $0x0;
	[bflag:$0x0] =	sbarrier.arrive $0xFFFF  }
0x41: {  	[tilespmem:s17], [sflag:$0x1] =	stream.indirect.gather [hbm4b:s2+s18], $0x80, s30, s18, $0xb8;
	[tilespmem:$0x1CC00] =	vst v63  }
0x42: {  	_ =	swait.ge [sflag:s19], $0x4000  }
0x43: {  	[sflag:s19] =	ssyncset.done $0x0  }
0x44: {  	s31 =	simm.s32 $0x2800;
	[sflag:s19] =	ssyncadd.s32 $0xFFFFC000  }
0x45: {  	[spmem:s3] =	stream.indirect.scatter.add.f32 [tilespmem:s17], [sflag:$0x2], $0x80, s31, s18, $0xb8;
	[tilespmem:$0x1CC00] =	vst v63  }
0x46: {  	_ =	swait.ge [sflag:s15], $0x4000  }
0x47: {  	s24 =	simm.s32 $0x200;
	s25 =	simm.s32 $0x400;
	[sflag:s15] =	ssyncset.done $0x0  }
.LBB2_4:
0x48: {  	s26 =	sshra.s32 s24, $0x2  }
0x49: {  	[sflag:s15] =	ssyncadd.s32 $0xFFFFC000;
	s24 =	smov.u32 s25;
	s28 =	sadd.s32 $0x200, s25  }
0x4a: {  	[tilespmem:s17], [sflag:$0x1] =	stream.indirect.gather [hbm4b:s2+s18], $0x80, s26, s18, $0xb8;
	[tilespmem:$0x1CC00] =	vst v63  }
0x4b: {  	p1 =	sne.s32 s25, $0x9C00;
	_ =	swait.ge [sflag:s19], $0x4000  }
.Ltmp1:
0x4c: {  	[sflag:s19] =	ssyncset.done $0x0;
	(pc) =	sbr.rel @p1 .LBB2_4-.Ltmp1, $4  }
0x4d: {  	s25 =	sadd.s32 $0x2800, s26;
	[sflag:s19] =	ssyncadd.s32 $0xFFFFC000  }
0x4e: {  	[spmem:s3] =	stream.indirect.scatter.add.f32 [tilespmem:s17], [sflag:$0x2], $0x80, s25, s18, $0xb8;
	[tilespmem:$0x1CC00] =	vst v63  }
0x4f: {  	_ =	swait.ge [sflag:s15], $0x4000  }
0x50: {  	s25 =	smov.u32 s28;
	[sflag:s15] =	ssyncset.done $0x0  }
0x51: {  	s24 =	sshra.s32 s24, $0x2;
	[sflag:s15] =	ssyncadd.s32 $0xFFFFC000  }
0x52: {  	[tilespmem:s17], [sflag:$0x1] =	stream.indirect.gather [hbm4b:s2+s18], $0x80, s24, s18, $0xb8;
	[tilespmem:$0x1CC00] =	vst v63  }
0x53: {  	_ =	swait.ge [sflag:s19], $0x4000  }
0x54: {  	[sflag:s19] =	ssyncset.done $0x0  }
0x55: {  	s24 =	sadd.s32 $0x2800, s24;
	[sflag:s19] =	ssyncadd.s32 $0xFFFFC000  }
0x56: {  	[spmem:s3] =	stream.indirect.scatter.add.f32 [tilespmem:s17], [sflag:$0x2], $0x80, s24, s18, $0xb8;
	[tilespmem:$0x1CC00] =	vst v63  }
0x57: {  	_ =	swait.ge [sflag:s15], $0x4000  }
0x58: {  	[sflag:s15] =	ssyncset.done $0x0  }
0x59: {  	[sflag:s15] =	ssyncadd.s32 $0xFFFFC000  }
0x5a: {  	[bflag:$0x0] =	sbarrier.arrive $0xFFFF  }
0x5b: {  	[hbm:s12], [sflag:s20] =	dma.local [spmem:s21], $0x2700  }
0x5c: {  	s23 =	sadd.s32 $0x1, s23;
	_ =	swait.ge [sflag:s15], $0x2700  }
0x5d: {  	p1 =	sne.s32 s23, s14;
	[sflag:s15] =	ssyncset.done $0x0  }
.Ltmp2:
0x5e: {  	s24 =	simm.s32 @!p0 $0x2;
	[sflag:s15] =	ssyncadd.s32 $0xFFFFD900;
	(pc) =	sbr.rel @p1 .LBB2_1-.Ltmp2, $4  }
0x5f: {  	[hbm:s13], [sflag:s20] =	dma.local @!p0 [spmem:s22], $0x100  }
0x60: {  	_ =	swait.ge @!p0 [sflag:s24], $0x100  }
0x61: {  	[sflag:s24] =	ssyncset.done @!p0 $0x0  }
0x62: {  	[sflag:s24] =	ssyncadd.s32 @!p0 $0xFFFFFF00  }
0x63: {  	_ =	sfence.sel $0x180000  }
0x64: {  	[bflag:$0x0] =	sbarrier.arrive $0xFFFF  }
0x65: {  	p0 =	sne.s32 s0, $0x0;
	_ =	strace $0x9000004D  }
0x66: {  	s0 =	sadd.s32 @!p0 $0x100000, s1;
	[bflag:$0x2] =	sbarrier.arrive $0xFFFF  }
0x67: {  	[sflag:s0] =	ssyncadd.tile.s32 @!p0 $0x1;
	_ =	shalt  }
.Lfunc_end2:
_tile_overlayer_lowered:
.L_overlay_start_2:
0x68: {  	(tag) =	ssettag $0x2  }
0x69: {  	s0 =	rddreg [dreg:$0x0];
	s2 =	stileid.u32  }
0x6a: {  	s1 =	rddreg [dreg:$0x1];
	p0 =	sne.s32 s2, $0x0  }
0x6b: {  	s3 =	rddreg [dreg:$0x2];
	[bflag:$0x3] =	sbarrier.arrive $0xFFFF;
	s2 =	simm.s32 @!p0 $0x1C02  }
0x6c: {  	[timem:s3], [sflag:s2] =	dma.local @!p0 [hbm:s0], s1  }
0x6d: {  	s0 =	simm.s32 @!p0 $0x2  }
0x6e: {  	_ =	swait.ge @!p0 [sflag:s0], s1  }
0x6f: {  	s1 =	ssub.s32 @!p0 $0x0, s1;
	[sflag:s0] =	ssyncset.done @!p0 $0x0  }
0x70: {  	[sflag:s0] =	ssyncadd.s32 @!p0 s1  }
0x71: {  	[bflag:$0x3] =	sbarrier.arrive $0xFFFF  }
0x72: {  	_ =	shalt  }

// kernel: kernel.27.cloned.1.call-start
scs
__scs_entry_jumppad:
0x0: {  	(pc) =	sbr.rel $0x88, $3  }
0x1: {  	(tag) =	ssettag $0x0;
	lr =	simm.s32 $0x1  }
0x2: {  	[smem:$0x3F85] =	sst lr;
	_ =	strace $0xD0000000  }
0x3: {  	_ = 	snop  }
0x4: {  	_ = 	snop  }
0x5: {  	_ = 	snop  }
0x6: {  	_ = 	snop  }
0x7: {  	_ = 	snop  }
__scs_overlays_trampoline_lowered:
0x8: {  	[smem:$0x3F94] =	sst s0  }
0x9: {  	[smem:$0x3F95] =	sst s1  }
0xa: {  	[smem:$0x3F96] =	sst s2  }
0xb: {  	[smem:$0x3F97] =	sst s3  }
0xc: {  	[smem:$0x3F98] =	sst s4  }
0xd: {  	[smem:$0x3F99] =	sst s5  }
0xe: {  	[smem:$0x3F9A] =	sst s6  }
0xf: {  	[smem:$0x3F9B] =	sst s7  }
0x10: {  	[smem:$0x3F9C] =	sst s8  }
0x11: {  	[smem:$0x3F9D] =	sst s9;
	s0 =	simm.s32 @!p0 $0x0  }
0x12: {  	s1 =	sld [smem:$0x3F83];
	s0 =	simm.s32 @p0 $0x1  }
0x13: {  	[smem:$0x3F9E] =	sst s0;
	s0 =	simm.s32 @!p1 $0x0  }
0x14: {  	s2 =	sld [smem:$0x3F82];
	s0 =	simm.s32 @p1 $0x1  }
0x15: {  	[smem:$0x3F9F] =	sst s0;
	s0 =	simm.s32 @!p2 $0x0  }
0x16: {  	s3 =	sld [smem:$0x3FDB];
	s0 =	simm.s32 @p2 $0x1  }
0x17: {  	s4 =	simm.s32 $0x1BF5;
	[smem:$0x3FA1] =	sst s0  }
0x18: {  	s0 =	sld [smem:$0x3F84];
	_ =	swait.ge [sflag:s4], $0x0  }
0x19: {  	s7 =	sld [smem:$0x3F85]  }
0x1a: {  	s8 =	sadd.s32 $0xFFFFE003, lr  }
0x1b: {  	s9 =	sadd.s32 $0xFFFFFEF7, lr;
	s5 =	simm.s32 $0xFFFFFFFF;
	p2 =	slt.u32 s8, $0xFFFFF086  }
0x1c: {  	p1 =	slt.u32 s9, $0xF7A;
	s5 =	simm.s32 @!p2 $0x0  }
0x1d: {  	s5 =	simm.s32 @p1 $0x1;
	p0 =	seq.s32 s7, s2  }
0x1e: {  	s7 =	smul.u32 @!p0 $0xF7A, s2;
	p2 =	seq.s32 @!p0 s5, $0x0  }
0x1f: {  	s9 =	smul.u32 $0xF7A, s1;
	s8 =	simm.s32 @!p0 $0x1BF5;
	p2 =	por !p2, p0  }
0x20: {  	[sflag:s8] =	ssyncset.s32 @!p0 $0xFFFFF086;
	s6 =	sadd.s32 @!p0 s3, s7;
	s7 =	simm.s32 @!p0 $0x108  }
0x21: {  	s3 =	sadd.s32 s3, s9;
	s6 =	sadd.s32 @!p0 $0x88, s6;
	s7 =	simm.s32 @p2 $0x1082  }
0x22: {  	[simem:s7], [sflag:s8] =	dma.local @!p0 [hbm:s6], $0xF7A  }
0x23: {  	s9 =	sor.u32 $0xD0000000, s2;
	s6 =	simm.s32 $0x108;
	_ =	swait.ge @!p0 [sflag:s8], $0x0  }
0x24: {  	s3 =	sadd.s32 $0x88, s3;
	s6 =	simm.s32 @!p1 $0x1082;
	[sflag:s4] =	ssyncset.s32 $0xFFFFF086  }
0x25: {  	[simem:s6], [sflag:s4] =	dma.local [hbm:s3], $0xF7A  }
0x26: {  	[smem:$0x3F85] =	sst s1;
	(tag) =	ssettag s2;
	_ =	strace s9  }
0x27: {  	s1 =	sld [smem:$0x3F95]  }
0x28: {  	s2 =	sld [smem:$0x3F96]  }
0x29: {  	s4 =	sld [smem:$0x3F98]  }
0x2a: {  	p0 =	seq.s32 s5, $0x0;
	s5 =	sld [smem:$0x3F99]  }
0x2b: {  	s6 =	sld [smem:$0x3F9A]  }
0x2c: {  	s7 =	sld [smem:$0x3F9B]  }
0x2d: {  	s3 =	simm.s32 $0x108;
	s8 =	sld [smem:$0x3F9C]  }
0x2e: {  	s3 =	simm.s32 @!p0 $0x1082;
	s9 =	sld [smem:$0x3F9D]  }
0x2f: {  	lr =	sadd.s32 s0, s3;
	s0 =	sld [smem:$0x3F94]  }
0x30: {  	s3 =	sld [smem:$0x3F97]  }
0x31: {  	[smem:$0x3FA0] =	sst s10  }
0x32: {  	s10 =	sld [smem:$0x3F9E];
	_ =	sdelay $0x3  }
0x33: {  	p0 =	seq.s32 s10, $0x1;
	s10 =	sld [smem:$0x3FA0];
	_ =	sdelay $0x3  }
0x34: {  	[smem:$0x3FA0] =	sst s10  }
0x35: {  	s10 =	sld [smem:$0x3F9F];
	_ =	sdelay $0x3  }
0x36: {  	p1 =	seq.s32 s10, $0x1;
	s10 =	sld [smem:$0x3FA0];
	_ =	sdelay $0x3  }
0x37: {  	[smem:$0x3FA0] =	sst s10  }
0x38: {  	s10 =	sld [smem:$0x3FA1]  }
0x39: {  	_ = 	snop;
	(pc) =	sbr.ind lr, $3  }
0x3a: {  	_ = 	snop  }
0x3b: {  	_ = 	snop  }
0x3c: {  	p2 =	seq.s32 s10, $0x1;
	s10 =	sld [smem:$0x3FA0]  }
0x3d: {  	_ =	shalt  }
0x3e: {  	_ =	shalt  }
0x3f: {  	_ =	shalt  }
0x40: {  	_ =	shalt  }
0x41: {  	_ =	shalt  }
0x42: {  	_ =	shalt  }
0x43: {  	_ =	shalt  }
0x44: {  	_ =	shalt  }
0x45: {  	_ =	shalt  }
0x46: {  	_ =	shalt  }
0x47: {  	_ =	shalt  }
0x48: {  	_ =	shalt  }
0x49: {  	_ =	shalt  }
0x4a: {  	_ =	shalt  }
0x4b: {  	_ =	shalt  }
0x4c: {  	_ =	shalt  }
0x4d: {  	_ =	shalt  }
0x4e: {  	_ =	shalt  }
0x4f: {  	_ =	shalt  }
0x50: {  	_ =	shalt  }
0x51: {  	_ =	shalt  }
0x52: {  	_ =	shalt  }
0x53: {  	_ =	shalt  }
0x54: {  	_ =	shalt  }
0x55: {  	_ =	shalt  }
0x56: {  	_ =	shalt  }
0x57: {  	_ =	shalt  }
0x58: {  	_ =	shalt  }
0x59: {  	_ =	shalt  }
0x5a: {  	_ =	shalt  }
0x5b: {  	_ =	shalt  }
0x5c: {  	_ =	shalt  }
0x5d: {  	_ =	shalt  }
0x5e: {  	_ =	shalt  }
0x5f: {  	_ =	shalt  }
0x60: {  	_ =	shalt  }
0x61: {  	_ =	shalt  }
0x62: {  	_ =	shalt  }
0x63: {  	_ =	shalt  }
0x64: {  	_ =	shalt  }
0x65: {  	_ =	shalt  }
0x66: {  	_ =	shalt  }
0x67: {  	_ =	shalt  }
0x68: {  	_ =	shalt  }
0x69: {  	_ =	shalt  }
0x6a: {  	_ =	shalt  }
0x6b: {  	_ =	shalt  }
0x6c: {  	_ =	shalt  }
0x6d: {  	_ =	shalt  }
0x6e: {  	_ =	shalt  }
0x6f: {  	_ =	shalt  }
0x70: {  	_ =	shalt  }
0x71: {  	_ =	shalt  }
0x72: {  	_ =	shalt  }
0x73: {  	_ =	shalt  }
0x74: {  	_ =	shalt  }
0x75: {  	_ =	shalt  }
0x76: {  	_ =	shalt  }
0x77: {  	_ =	shalt  }
0x78: {  	_ =	shalt  }
0x79: {  	_ =	shalt  }
0x7a: {  	_ =	shalt  }
0x7b: {  	_ =	shalt  }
0x7c: {  	_ =	shalt  }
0x7d: {  	_ =	shalt  }
0x7e: {  	_ =	shalt  }
0x7f: {  	_ =	shalt  }
0x80: {  	_ =	shalt  }
0x81: {  	_ =	shalt  }
0x82: {  	_ =	shalt  }
0x83: {  	_ =	shalt  }
0x84: {  	_ =	shalt  }
0x85: {  	_ =	shalt  }
0x86: {  	_ =	shalt  }
0x87: {  	_ =	shalt  }
.Lfunc_end0:
.L_simem_size_0:
called_computation.4_lowered:
.L_overlay_start_0:
0x88: {  	s2 =	sld [smem:$0x3FD9]  }
0x89: {  	s3 =	sld [smem:$0x3FFE];
	_ =	sdelay $0x1  }
0x8a: {  	s1 =	srdreg.scid  }
0x8b: {  	s0 =	sand.u32 $0x1, s1  }
0x8c: {  	s15 =	sshll.u32 s0, $0xA;
	s2 =	sadd.s32 s3, s2  }
0x8d: {  	s2 =	sadd.s32 s2, s15  }
0x8e: {  	[smem:$0x3FAC] =	sst s2  }
0x8f: {  	_ = 	snop  }
0x90: {  	s2 =	sld [smem:$0x3FD0];
	_ =	sdelay $0x2  }
0x91: {  	s16 =	simm.s32 $0xD;
	s4 =	simm.s32 $0x10  }
0x92: {  	[smem:s4], [sflag:s16] =	dma.local [hbm:s2], $0x1  }
0x93: {  	_ =	swait.eq [sflag:s16], $0x1  }
0x94: {  	[sflag:s16] =	ssyncset.done $0x0  }
0x95: {  	[sflag:s16] =	ssyncadd.s32 $0xFFFFFFFF  }
0x96: {  	s17 =	sld [smem:$0x10];
	(tm) =	ssettm $0x1  }
0x97: {  	s18 =	sld [smem:$0x3FFB];
	_ =	sdelay $0x3  }
0x98: {  	_ =	strace s18  }
0x99: {  	s2 =	sld [smem:$0x3FFC];
	_ =	sdelay $0x3  }
0x9a: {  	_ =	strace s2  }
0x9b: {  	s2 =	sld [smem:$0x3FFD];
	_ =	sdelay $0x3  }
0x9c: {  	_ =	strace s2  }
0x9d: {  	_ =	strace $0x8FFFFFFF  }
0x9e: {  	s19 =	sld [smem:$0x3FDB];
	_ =	sdelay $0x1  }
0x9f: {  	s20 =	simm.s32 $_scs_section_size  }
0xa0: {  	s5 =	simm.s32 $_size__tile_overlayer_lowered;
	s6 =	simm.s32 $_tile_overlayer_lowered  }
0xa1: {  	s7 =	simm.s32 $0x1BFF;
	s21 =	sshll.u32 s6, $0x1;
	s4 =	sadd.s32 s20, s19  }
0xa2: {  	s22 =	simm.s32 $0x0;
	s5 =	sshll.u32 s5, $0x1;
	s6 =	sadd.s32 s21, s4  }
0xa3: {  	[timem:s22], [sflag:s7] =	dma.local [hbm:s6], s5  }
0xa4: {  	_ =	swait.ge [sflag:s7], s5  }
0xa5: {  	s5 =	ssub.s32 $0x0, s5;
	[sflag:s7] =	ssyncset.done $0x0  }
0xa6: {  	[sflag:s7] =	ssyncadd.s32 s5;
	_ =	sdelay $0x1  }
0xa7: {  	s23 =	simm.s32 $0x1B8B  }
0xa8: {  	_ =	swait.ge [sflag:s23], $0x1  }
0xa9: {  	[sflag:s23] =	ssyncset.done $0x0  }
0xaa: {  	[sflag:s23] =	ssyncadd.s32 $0xFFFFFFFF  }
0xab: {  	s5 =	sld [smem:$0x0]  }
0xac: {  	s6 =	sand.u32 $0xFFFFFFFE, s1  }
0xad: {  	p0 =	sne.s32 s1, s6  }
0xae: {  	s6 =	sshll.u32 @p0 s6, $0xE  }
0xaf: {  	s6 =	sadd.s32 @p0 $0x11B8D, s6;
	s7 =	sshll.u32 @p0 s5, $0x11  }
0xb0: {  	s6 =	sor.u32 @p0 s7, s6  }
0xb1: {  	[sflag:s6] =	ssyncadd.remote.s32 @p0 $0x1;
	_ =	sdelay $0x1  }
0xb2: {  	s6 =	simm.s32 @p0 $0x1B8D  }
0xb3: {  	_ =	swait.eq @p0 [sflag:s6], $0x1  }
0xb4: {  	[sflag:s6] =	ssyncadd.s32 @p0 $0xFFFFFFFF  }
0xb5: {  	s7 =	sshll.u32 @!p0 s1, $0xE  }
0xb6: {  	s7 =	sor.u32 @!p0 $0x4000, s7;
	s6 =	simm.s32 @!p0 $0x1B8D  }
0xb7: {  	s5 =	sshll.u32 @!p0 s5, $0x11;
	s7 =	sadd.s32 @!p0 $0x11B8D, s7;
	_ =	swait.eq @!p0 [sflag:s6], $0x1  }
0xb8: {  	s5 =	sor.u32 @!p0 s5, s7;
	[sflag:s6] =	ssyncadd.s32 @!p0 $0xFFFFFFFF  }
0xb9: {  	s25 =	simm.s32 $0x1B8E;
	s24 =	sld [smem:$0x3FFE];
	[sflag:s5] =	ssyncadd.remote.s32 @!p0 $0x1  }
0xba: {  	s26 =	simm.s32 $execute0_lowered;
	[smem:$0x3FD2] =	sst s25  }
0xbb: {  	s6 =	sshll.u32 s26, $0x1;
	_ =	strace $0x80000055;
	[dreg:$0x1] =	wrdreg $0xFFFFFFFF  }
0xbc: {  	s28 =	simm.s32 $_size_execute0_lowered;
	s4 =	sadd.s32 s4, s6;
	[dreg:$0x0] =	wrdreg $0x0  }
0xbd: {  	s6 =	sshll.u32 s28, $0x1;
	[dreg:$0x2] =	wrdreg s4  }
0xbe: {  	[dreg:$0x3] =	wrdreg s6  }
0xbf: {  	[dreg:$0x4] =	wrdreg $0xC0  }
0xc0: {  	_ =	task [dreg:s22], $0x5FFFF  }
0xc1: {  	[dreg:$0x1] =	wrdreg $0xFFFFFFFF  }
0xc2: {  	[dreg:$0x0] =	wrdreg $0x60  }
0xc3: {  	[dreg:$0x2] =	wrdreg s17  }
0xc4: {  	[dreg:$0x3] =	wrdreg s24  }
0xc5: {  	[dreg:$0x4] =	wrdreg $0x90000  }
0xc6: {  	[dreg:$0x5] =	wrdreg $0x9  }
0xc7: {  	_ =	task.clear_ibuf [dreg:s22], $0x6FFFF;
	_ =	strace $0x90000055  }
0xc8: {  	s29 =	simm.s32 $0x9;
	_ =	strace $0x80000057  }
0xc9: {  	_ =	swait.ge [sflag:s29], $0x1  }
0xca: {  	[sflag:s29] =	ssyncadd.s32 $0xFFFFFFFF  }
0xcb: {  	_ =	strace $0x90000057  }
0xcc: {  	_ =	sfence  }
0xcd: {  	s30 =	sld [smem:$0x0];
	_ =	sdelay $0x2  }
0xce: {  	s31 =	sshll.u32 s1, $0xD;
	s1 =	sshrl.u32 s1, $0x2  }
0xcf: {  	s4 =	sand.u32 $0x4000, s31;
	s1 =	sadd.s32 s1, s30  }
0xd0: {  	s0 =	sor.u32 s4, s0;
	s1 =	sshll.u32 s1, $0x11  }
0xd1: {  	s0 =	sor.u32 s1, s0  }
0xd2: {  	s0 =	sadd.s32 $0x8F2B, s0  }
0xd3: {  	[sflag:s0] =	ssyncadd.remote.s32 $0x1  }
0xd4: {  	_ =	sfence.sel $0xFFFF  }
0xd5: {  	[dreg:$0x0] =	wrdreg $0xFFFFFFFF;
	(pc) =	sbr.abs _section_cstart, $3  }
0xd6: {  	[dreg:$0x1] =	wrdreg $0xFFFFFFFF  }
0xd7: {  	_ =	task.clear_ibuf [dreg:s22], $0x2FFFF;
	_ =	strace $0x9FFFFFFF  }
0xd8: {  	(tm) =	ssettm $0x7FFFFFFF  }
0xd9: {  	_ =	shalt  }
tec
execute0_lowered:
.L_overlay_start_1:
0x0: {  	(tag) =	ssettag $0x1  }
0x1: {  	s2 =	rddreg [dreg:$0x0]  }
0x2: {  	s1 =	srdreg.scid;
	s7 =	rddreg [dreg:$0x1]  }
0x3: {  	s0 =	stileid.u32;
	s3 =	rddreg [dreg:$0x2];
	s4 =	simm.s32 $0x0  }
0x4: {  	s18 =	simm.s32 $0x80;
	s19 =	simm.s32 $0x1;
	s6 =	smul.u32 $0x2800, s0  }
0x5: {  	s5 =	sand.u32 $0x1, s1;
	s1 =	rddreg [dreg:$0x3];
	s10 =	smul.u32 $0x4F000, s0  }
0x6: {  	s23 =	simm.s32 $0x0;
	[smem:$0x7FF] =	sst s4;
	s15 =	smul.u32 $0x13800, s0  }
0x7: {  	s13 =	sadd.s32 $0x172000, s7;
	s16 =	smul.u32 $0x4E000, s0;
	s22 =	sadd.s32 $0x138000, s3  }
0x8: {  	s20 =	sshll.u32 s0, $0x6;
	p0 =	sne.s32 s0, $0xF;
	s8 =	smul.u32 $0x28000, s5  }
0x9: {  	_ =	strace $0x80000056;
	s9 =	ssub.s32 $0x2, s5;
	s12 =	smul.u32 $0x138800, s5  }
0xa: {  	s20 =	sor.u32 $0x1C02, s20;
	s22 =	sshrl.u32 @!p0 s22, $0x3;
	s29 =	sshrl.u32 s9, $0x1  }
0xb: {  	s30 =	sshrl.u32 s10, $0x2;
	s31 =	sshrl.u32 s16, $0x2;
	s16 =	simm.s32 $0x2800  }
0xc: {  	s8 =	sadd.s32 s6, s8;
	s6 =	sshrl.u32 s6, $0x3;
	s14 =	ssub.s32 s9, s29  }
0xd: {  	s15 =	sadd.s32 s15, s12;
	s17 =	sshrl.u32 s12, $0x3;
	s21 =	sadd.s32 s31, s3  }
0xe: {  	s8 =	sshrl.u32 s8, $0x3;
	s11 =	sadd.s32 s6, s7;
	s6 =	sadd.s32 s30, s3  }
0xf: {  	s15 =	sshrl.u32 s15, $0x3;
	s14 =	smax.u32 s14, $0x1;
	s21 =	sshrl.u32 s21, $0x3  }
0x10: {  	s8 =	sadd.s32 s8, s7;
	s7 =	sadd.s32 $0x16D000, s11;
	s9 =	sadd.s32 $0x8000, s6  }
0x11: {  	s10 =	sadd.s32 $0xC000, s6;
	s11 =	sadd.s32 $0x10000, s6;
	s12 =	sadd.s32 s13, s15  }
0x12: {  	s13 =	sadd.s32 s13, s17;
	s15 =	simm.s32 $0x2;
	s17 =	simm.s32 $0x5000  }
0x13: {  	v0 =	vimm.f32 $0.0e+00;
	s5 =	sadd.s32 $0x1C0200, s8;
	s8 =	sadd.s32 $0x4000, s6;
	s13 =	sadd.s32 $0x27000, s13  }
.LBB2_1:
0x14: {  	[tilespmem:s4], [sflag:$0x2] =	stream.linear.gather [hbm4b:s5+s4], $0x2780, $0x38;
	[tilespmem:$0x1CC00] =	vst v63  }
0x15: {  	_ =	swait.ge [sflag:s15], $0x2780  }
0x16: {  	[sflag:s15] =	ssyncset.done $0x0  }
0x17: {  	[sflag:s15] =	ssyncadd.s32 $0xFFFFD880  }
0x18: {  	[tilespmem:s16], [sflag:$0x2] =	stream.linear.gather [hbm4b:s7+s4], $0x2780, $0x38;
	[tilespmem:$0x1CC00] =	vst v63  }
0x19: {  	_ =	swait.ge [sflag:s15], $0x2780  }
0x1a: {  	[sflag:s15] =	ssyncset.done $0x0  }
0x1b: {  	s24 =	simm.s32 $0x0;
	s25 =	simm.s32 $0x200;
	[sflag:s15] =	ssyncadd.s32 $0xFFFFD880  }
.LBB2_2:
0x1c: {  	p1 =	sne.s32 s25, $0xFE00;
	[tilespmem:s24+$0x5070] =	vst v0  }
0x1d: {  	[tilespmem:s24+$0x5000] =	vst v0  }
0x1e: {  	[tilespmem:s24+$0x5010] =	vst v0  }
.Ltmp0:
0x1f: {  	[tilespmem:s24+$0x5020] =	vst v0;
	(pc) =	sbr.rel @p1 .LBB2_2-.Ltmp0, $4  }
0x20: {  	[tilespmem:s24+$0x5030] =	vst v0  }
0x21: {  	[tilespmem:s24+$0x5040] =	vst v0  }
0x22: {  	[tilespmem:s24+$0x5050] =	vst v0  }
0x23: {  	[tilespmem:s24+$0x5060] =	vst v0;
	s24 =	sshra.s32 s25, $0x2;
	s25 =	sadd.s32 $0x200, s25  }
0x24: {  	[tilespmem:s24+$0x5070] =	vst v0  }
0x25: {  	[tilespmem:s24+$0x5000] =	vst v0  }
0x26: {  	[tilespmem:s24+$0x5010] =	vst v0  }
0x27: {  	[tilespmem:s24+$0x5020] =	vst v0  }
0x28: {  	[tilespmem:s24+$0x5030] =	vst v0  }
0x29: {  	[tilespmem:s24+$0x5040] =	vst v0  }
0x2a: {  	[tilespmem:s24+$0x5050] =	vst v0  }
0x2b: {  	[tilespmem:s24+$0x5060] =	vst v0  }
0x2c: {  	[spmem:s6] =	stream.linear.scatter [tilespmem:s17], [sflag:$0x2], $0x4000, $0x38;
	[tilespmem:$0x1CC00] =	vst v63  }
0x2d: {  	_ =	swait.ge [sflag:s15], $0x4000  }
0x2e: {  	[sflag:s15] =	ssyncset.done $0x0  }
0x2f: {  	[sflag:s15] =	ssyncadd.s32 $0xFFFFC000  }
0x30: {  	[spmem:s8] =	stream.linear.scatter [tilespmem:s17], [sflag:$0x2], $0x4000, $0x38;
	[tilespmem:$0x1CC00] =	vst v63  }
0x31: {  	_ =	swait.ge [sflag:s15], $0x4000  }
0x32: {  	[sflag:s15] =	ssyncset.done $0x0  }
0x33: {  	[sflag:s15] =	ssyncadd.s32 $0xFFFFC000  }
0x34: {  	[spmem:s9] =	stream.linear.scatter [tilespmem:s17], [sflag:$0x2], $0x4000, $0x38;
	[tilespmem:$0x1CC00] =	vst v63  }
0x35: {  	_ =	swait.ge [sflag:s15], $0x4000  }
0x36: {  	[sflag:s15] =	ssyncset.done $0x0  }
0x37: {  	[sflag:s15] =	ssyncadd.s32 $0xFFFFC000  }
0x38: {  	[spmem:s10] =	stream.linear.scatter [tilespmem:s17], [sflag:$0x2], $0x4000, $0x38;
	[tilespmem:$0x1CC00] =	vst v63  }
0x39: {  	_ =	swait.ge [sflag:s15], $0x4000  }
0x3a: {  	[sflag:s15] =	ssyncset.done $0x0  }
0x3b: {  	[sflag:s15] =	ssyncadd.s32 $0xFFFFC000  }
0x3c: {  	[spmem:s11] =	stream.linear.scatter [tilespmem:s17], [sflag:$0x2], $0x3C00, $0x38;
	[tilespmem:$0x1CC00] =	vst v63  }
0x3d: {  	_ =	swait.ge [sflag:s15], $0x3C00  }
0x3e: {  	[sflag:s15] =	ssyncset.done $0x0  }
0x3f: {  	[sflag:s15] =	ssyncadd.s32 $0xFFFFC400  }
0x40: {  	s30 =	simm.s32 $0x0;
	[bflag:$0x0] =	sbarrier.arrive $0xFFFF  }
0x41: {  	[tilespmem:s17], [sflag:$0x1] =	stream.indirect.gather [hbm4b:s2+s18], $0x80, s30, s18, $0xb8;
	[tilespmem:$0x1CC00] =	vst v63  }
0x42: {  	_ =	swait.ge [sflag:s19], $0x4000  }
0x43: {  	[sflag:s19] =	ssyncset.done $0x0  }
0x44: {  	s31 =	simm.s32 $0x2800;
	[sflag:s19] =	ssyncadd.s32 $0xFFFFC000  }
0x45: {  	[spmem:s3] =	stream.indirect.scatter.add.f32 [tilespmem:s17], [sflag:$0x2], $0x80, s31, s18, $0xb8;
	[tilespmem:$0x1CC00] =	vst v63  }
0x46: {  	_ =	swait.ge [sflag:s15], $0x4000  }
0x47: {  	s24 =	simm.s32 $0x200;
	s25 =	simm.s32 $0x400;
	[sflag:s15] =	ssyncset.done $0x0  }
.LBB2_4:
0x48: {  	s26 =	sshra.s32 s24, $0x2  }
0x49: {  	[sflag:s15] =	ssyncadd.s32 $0xFFFFC000;
	s24 =	smov.u32 s25;
	s28 =	sadd.s32 $0x200, s25  }
0x4a: {  	[tilespmem:s17], [sflag:$0x1] =	stream.indirect.gather [hbm4b:s2+s18], $0x80, s26, s18, $0xb8;
	[tilespmem:$0x1CC00] =	vst v63  }
0x4b: {  	p1 =	sne.s32 s25, $0x9C00;
	_ =	swait.ge [sflag:s19], $0x4000  }
.Ltmp1:
0x4c: {  	[sflag:s19] =	ssyncset.done $0x0;
	(pc) =	sbr.rel @p1 .LBB2_4-.Ltmp1, $4  }
0x4d: {  	s25 =	sadd.s32 $0x2800, s26;
	[sflag:s19] =	ssyncadd.s32 $0xFFFFC000  }
0x4e: {  	[spmem:s3] =	stream.indirect.scatter.add.f32 [tilespmem:s17], [sflag:$0x2], $0x80, s25, s18, $0xb8;
	[tilespmem:$0x1CC00] =	vst v63  }
0x4f: {  	_ =	swait.ge [sflag:s15], $0x4000  }
0x50: {  	s25 =	smov.u32 s28;
	[sflag:s15] =	ssyncset.done $0x0  }
0x51: {  	s24 =	sshra.s32 s24, $0x2;
	[sflag:s15] =	ssyncadd.s32 $0xFFFFC000  }
0x52: {  	[tilespmem:s17], [sflag:$0x1] =	stream.indirect.gather [hbm4b:s2+s18], $0x80, s24, s18, $0xb8;
	[tilespmem:$0x1CC00] =	vst v63  }
0x53: {  	_ =	swait.ge [sflag:s19], $0x4000  }
0x54: {  	[sflag:s19] =	ssyncset.done $0x0  }
0x55: {  	s24 =	sadd.s32 $0x2800, s24;
	[sflag:s19] =	ssyncadd.s32 $0xFFFFC000  }
0x56: {  	[spmem:s3] =	stream.indirect.scatter.add.f32 [tilespmem:s17], [sflag:$0x2], $0x80, s24, s18, $0xb8;
	[tilespmem:$0x1CC00] =	vst v63  }
0x57: {  	_ =	swait.ge [sflag:s15], $0x4000  }
0x58: {  	[sflag:s15] =	ssyncset.done $0x0  }
0x59: {  	[sflag:s15] =	ssyncadd.s32 $0xFFFFC000  }
0x5a: {  	[bflag:$0x0] =	sbarrier.arrive $0xFFFF  }
0x5b: {  	[hbm:s12], [sflag:s20] =	dma.local [spmem:s21], $0x2700  }
0x5c: {  	s23 =	sadd.s32 $0x1, s23;
	_ =	swait.ge [sflag:s15], $0x2700  }
0x5d: {  	p1 =	sne.s32 s23, s14;
	[sflag:s15] =	ssyncset.done $0x0  }
.Ltmp2:
0x5e: {  	s24 =	simm.s32 @!p0 $0x2;
	[sflag:s15] =	ssyncadd.s32 $0xFFFFD900;
	(pc) =	sbr.rel @p1 .LBB2_1-.Ltmp2, $4  }
0x5f: {  	[hbm:s13], [sflag:s20] =	dma.local @!p0 [spmem:s22], $0x100  }
0x60: {  	_ =	swait.ge @!p0 [sflag:s24], $0x100  }
0x61: {  	[sflag:s24] =	ssyncset.done @!p0 $0x0  }
0x62: {  	[sflag:s24] =	ssyncadd.s32 @!p0 $0xFFFFFF00  }
0x63: {  	_ =	sfence.sel $0x180000  }
0x64: {  	[bflag:$0x0] =	sbarrier.arrive $0xFFFF  }
0x65: {  	p0 =	sne.s32 s0, $0x0;
	_ =	strace $0x90000056  }
0x66: {  	s0 =	sadd.s32 @!p0 $0x100000, s1;
	[bflag:$0x2] =	sbarrier.arrive $0xFFFF  }
0x67: {  	[sflag:s0] =	ssyncadd.tile.s32 @!p0 $0x1;
	_ =	shalt  }
.Lfunc_end2:
_tile_overlayer_lowered:
.L_overlay_start_2:
0x68: {  	(tag) =	ssettag $0x2  }
0x69: {  	s0 =	rddreg [dreg:$0x0];
	s2 =	stileid.u32  }
0x6a: {  	s1 =	rddreg [dreg:$0x1];
	p0 =	sne.s32 s2, $0x0  }
0x6b: {  	s3 =	rddreg [dreg:$0x2];
	[bflag:$0x3] =	sbarrier.arrive $0xFFFF;
	s2 =	simm.s32 @!p0 $0x1C02  }
0x6c: {  	[timem:s3], [sflag:s2] =	dma.local @!p0 [hbm:s0], s1  }
0x6d: {  	s0 =	simm.s32 @!p0 $0x2  }
0x6e: {  	_ =	swait.ge @!p0 [sflag:s0], s1  }
0x6f: {  	s1 =	ssub.s32 @!p0 $0x0, s1;
	[sflag:s0] =	ssyncset.done @!p0 $0x0  }
0x70: {  	[sflag:s0] =	ssyncadd.s32 @!p0 s1  }
0x71: {  	[bflag:$0x3] =	sbarrier.arrive $0xFFFF  }
0x72: {  	_ =	shalt  }

// kernel: kernel.30.cloned.1.call-start
scs
__scs_entry_jumppad:
0x0: {  	(pc) =	sbr.rel $0x88, $3  }
0x1: {  	(tag) =	ssettag $0x0;
	lr =	simm.s32 $0x1  }
0x2: {  	[smem:$0x3F85] =	sst lr;
	_ =	strace $0xD0000000  }
0x3: {  	_ = 	snop  }
0x4: {  	_ = 	snop  }
0x5: {  	_ = 	snop  }
0x6: {  	_ = 	snop  }
0x7: {  	_ = 	snop  }
__scs_overlays_trampoline_lowered:
0x8: {  	[smem:$0x3F94] =	sst s0  }
0x9: {  	[smem:$0x3F95] =	sst s1  }
0xa: {  	[smem:$0x3F96] =	sst s2  }
0xb: {  	[smem:$0x3F97] =	sst s3  }
0xc: {  	[smem:$0x3F98] =	sst s4  }
0xd: {  	[smem:$0x3F99] =	sst s5  }
0xe: {  	[smem:$0x3F9A] =	sst s6  }
0xf: {  	[smem:$0x3F9B] =	sst s7  }
0x10: {  	[smem:$0x3F9C] =	sst s8  }
0x11: {  	[smem:$0x3F9D] =	sst s9;
	s0 =	simm.s32 @!p0 $0x0  }
0x12: {  	s1 =	sld [smem:$0x3F83];
	s0 =	simm.s32 @p0 $0x1  }
0x13: {  	[smem:$0x3F9E] =	sst s0;
	s0 =	simm.s32 @!p1 $0x0  }
0x14: {  	s2 =	sld [smem:$0x3F82];
	s0 =	simm.s32 @p1 $0x1  }
0x15: {  	[smem:$0x3F9F] =	sst s0;
	s0 =	simm.s32 @!p2 $0x0  }
0x16: {  	s3 =	sld [smem:$0x3FDB];
	s0 =	simm.s32 @p2 $0x1  }
0x17: {  	s4 =	simm.s32 $0x1BF5;
	[smem:$0x3FA1] =	sst s0  }
0x18: {  	s0 =	sld [smem:$0x3F84];
	_ =	swait.ge [sflag:s4], $0x0  }
0x19: {  	s7 =	sld [smem:$0x3F85]  }
0x1a: {  	s8 =	sadd.s32 $0xFFFFE003, lr  }
0x1b: {  	s9 =	sadd.s32 $0xFFFFFEF7, lr;
	s5 =	simm.s32 $0xFFFFFFFF;
	p2 =	slt.u32 s8, $0xFFFFF086  }
0x1c: {  	p1 =	slt.u32 s9, $0xF7A;
	s5 =	simm.s32 @!p2 $0x0  }
0x1d: {  	s5 =	simm.s32 @p1 $0x1;
	p0 =	seq.s32 s7, s2  }
0x1e: {  	s7 =	smul.u32 @!p0 $0xF7A, s2;
	p2 =	seq.s32 @!p0 s5, $0x0  }
0x1f: {  	s9 =	smul.u32 $0xF7A, s1;
	s8 =	simm.s32 @!p0 $0x1BF5;
	p2 =	por !p2, p0  }
0x20: {  	[sflag:s8] =	ssyncset.s32 @!p0 $0xFFFFF086;
	s6 =	sadd.s32 @!p0 s3, s7;
	s7 =	simm.s32 @!p0 $0x108  }
0x21: {  	s3 =	sadd.s32 s3, s9;
	s6 =	sadd.s32 @!p0 $0x88, s6;
	s7 =	simm.s32 @p2 $0x1082  }
0x22: {  	[simem:s7], [sflag:s8] =	dma.local @!p0 [hbm:s6], $0xF7A  }
0x23: {  	s9 =	sor.u32 $0xD0000000, s2;
	s6 =	simm.s32 $0x108;
	_ =	swait.ge @!p0 [sflag:s8], $0x0  }
0x24: {  	s3 =	sadd.s32 $0x88, s3;
	s6 =	simm.s32 @!p1 $0x1082;
	[sflag:s4] =	ssyncset.s32 $0xFFFFF086  }
0x25: {  	[simem:s6], [sflag:s4] =	dma.local [hbm:s3], $0xF7A  }
0x26: {  	[smem:$0x3F85] =	sst s1;
	(tag) =	ssettag s2;
	_ =	strace s9  }
0x27: {  	s1 =	sld [smem:$0x3F95]  }
0x28: {  	s2 =	sld [smem:$0x3F96]  }
0x29: {  	s4 =	sld [smem:$0x3F98]  }
0x2a: {  	p0 =	seq.s32 s5, $0x0;
	s5 =	sld [smem:$0x3F99]  }
0x2b: {  	s6 =	sld [smem:$0x3F9A]  }
0x2c: {  	s7 =	sld [smem:$0x3F9B]  }
0x2d: {  	s3 =	simm.s32 $0x108;
	s8 =	sld [smem:$0x3F9C]  }
0x2e: {  	s3 =	simm.s32 @!p0 $0x1082;
	s9 =	sld [smem:$0x3F9D]  }
0x2f: {  	lr =	sadd.s32 s0, s3;
	s0 =	sld [smem:$0x3F94]  }
0x30: {  	s3 =	sld [smem:$0x3F97]  }
0x31: {  	[smem:$0x3FA0] =	sst s10  }
0x32: {  	s10 =	sld [smem:$0x3F9E];
	_ =	sdelay $0x3  }
0x33: {  	p0 =	seq.s32 s10, $0x1;
	s10 =	sld [smem:$0x3FA0];
	_ =	sdelay $0x3  }
0x34: {  	[smem:$0x3FA0] =	sst s10  }
0x35: {  	s10 =	sld [smem:$0x3F9F];
	_ =	sdelay $0x3  }
0x36: {  	p1 =	seq.s32 s10, $0x1;
	s10 =	sld [smem:$0x3FA0];
	_ =	sdelay $0x3  }
0x37: {  	[smem:$0x3FA0] =	sst s10  }
0x38: {  	s10 =	sld [smem:$0x3FA1]  }
0x39: {  	_ = 	snop;
	(pc) =	sbr.ind lr, $3  }
0x3a: {  	_ = 	snop  }
0x3b: {  	_ = 	snop  }
0x3c: {  	p2 =	seq.s32 s10, $0x1;
	s10 =	sld [smem:$0x3FA0]  }
0x3d: {  	_ =	shalt  }
0x3e: {  	_ =	shalt  }
0x3f: {  	_ =	shalt  }
0x40: {  	_ =	shalt  }
0x41: {  	_ =	shalt  }
0x42: {  	_ =	shalt  }
0x43: {  	_ =	shalt  }
0x44: {  	_ =	shalt  }
0x45: {  	_ =	shalt  }
0x46: {  	_ =	shalt  }
0x47: {  	_ =	shalt  }
0x48: {  	_ =	shalt  }
0x49: {  	_ =	shalt  }
0x4a: {  	_ =	shalt  }
0x4b: {  	_ =	shalt  }
0x4c: {  	_ =	shalt  }
0x4d: {  	_ =	shalt  }
0x4e: {  	_ =	shalt  }
0x4f: {  	_ =	shalt  }
0x50: {  	_ =	shalt  }
0x51: {  	_ =	shalt  }
0x52: {  	_ =	shalt  }
0x53: {  	_ =	shalt  }
0x54: {  	_ =	shalt  }
0x55: {  	_ =	shalt  }
0x56: {  	_ =	shalt  }
0x57: {  	_ =	shalt  }
0x58: {  	_ =	shalt  }
0x59: {  	_ =	shalt  }
0x5a: {  	_ =	shalt  }
0x5b: {  	_ =	shalt  }
0x5c: {  	_ =	shalt  }
0x5d: {  	_ =	shalt  }
0x5e: {  	_ =	shalt  }
0x5f: {  	_ =	shalt  }
0x60: {  	_ =	shalt  }
0x61: {  	_ =	shalt  }
0x62: {  	_ =	shalt  }
0x63: {  	_ =	shalt  }
0x64: {  	_ =	shalt  }
0x65: {  	_ =	shalt  }
0x66: {  	_ =	shalt  }
0x67: {  	_ =	shalt  }
0x68: {  	_ =	shalt  }
0x69: {  	_ =	shalt  }
0x6a: {  	_ =	shalt  }
0x6b: {  	_ =	shalt  }
0x6c: {  	_ =	shalt  }
0x6d: {  	_ =	shalt  }
0x6e: {  	_ =	shalt  }
0x6f: {  	_ =	shalt  }
0x70: {  	_ =	shalt  }
0x71: {  	_ =	shalt  }
0x72: {  	_ =	shalt  }
0x73: {  	_ =	shalt  }
0x74: {  	_ =	shalt  }
0x75: {  	_ =	shalt  }
0x76: {  	_ =	shalt  }
0x77: {  	_ =	shalt  }
0x78: {  	_ =	shalt  }
0x79: {  	_ =	shalt  }
0x7a: {  	_ =	shalt  }
0x7b: {  	_ =	shalt  }
0x7c: {  	_ =	shalt  }
0x7d: {  	_ =	shalt  }
0x7e: {  	_ =	shalt  }
0x7f: {  	_ =	shalt  }
0x80: {  	_ =	shalt  }
0x81: {  	_ =	shalt  }
0x82: {  	_ =	shalt  }
0x83: {  	_ =	shalt  }
0x84: {  	_ =	shalt  }
0x85: {  	_ =	shalt  }
0x86: {  	_ =	shalt  }
0x87: {  	_ =	shalt  }
.Lfunc_end0:
.L_simem_size_0:
called_computation.5_lowered:
.L_overlay_start_0:
0x88: {  	s2 =	sld [smem:$0x3FD9]  }
0x89: {  	s3 =	sld [smem:$0x3FFE];
	_ =	sdelay $0x1  }
0x8a: {  	s1 =	srdreg.scid  }
0x8b: {  	s0 =	sand.u32 $0x1, s1  }
0x8c: {  	s17 =	sshll.u32 s0, $0xA;
	s2 =	sadd.s32 s3, s2  }
0x8d: {  	s2 =	sadd.s32 s2, s17  }
0x8e: {  	[smem:$0x3FAC] =	sst s2  }
0x8f: {  	_ = 	snop  }
0x90: {  	(tm) =	ssettm $0x1  }
0x91: {  	s18 =	sld [smem:$0x3FFB];
	_ =	sdelay $0x3  }
0x92: {  	_ =	strace s18  }
0x93: {  	s2 =	sld [smem:$0x3FFC];
	_ =	sdelay $0x3  }
0x94: {  	_ =	strace s2  }
0x95: {  	s2 =	sld [smem:$0x3FFD];
	_ =	sdelay $0x3  }
0x96: {  	_ =	strace s2  }
0x97: {  	_ =	strace $0x8FFFFFFF  }
0x98: {  	s19 =	sld [smem:$0x3FDB];
	_ =	sdelay $0x1  }
0x99: {  	s20 =	simm.s32 $_scs_section_size  }
0x9a: {  	s4 =	simm.s32 $_size__tile_overlayer_lowered;
	s5 =	simm.s32 $_tile_overlayer_lowered  }
0x9b: {  	s6 =	simm.s32 $0x1BFF;
	s21 =	sshll.u32 s5, $0x1;
	s3 =	sadd.s32 s20, s19  }
0x9c: {  	s22 =	simm.s32 $0x0;
	s4 =	sshll.u32 s4, $0x1;
	s5 =	sadd.s32 s21, s3  }
0x9d: {  	[timem:s22], [sflag:s6] =	dma.local [hbm:s5], s4  }
0x9e: {  	_ =	swait.ge [sflag:s6], s4  }
0x9f: {  	s4 =	ssub.s32 $0x0, s4;
	[sflag:s6] =	ssyncset.done $0x0  }
0xa0: {  	[sflag:s6] =	ssyncadd.s32 s4;
	_ =	sdelay $0x1  }
0xa1: {  	s23 =	simm.s32 $0x1B8B  }
0xa2: {  	_ =	swait.ge [sflag:s23], $0x1  }
0xa3: {  	[sflag:s23] =	ssyncset.done $0x0  }
0xa4: {  	[sflag:s23] =	ssyncadd.s32 $0xFFFFFFFF  }
0xa5: {  	s4 =	sld [smem:$0x0]  }
0xa6: {  	s5 =	sand.u32 $0xFFFFFFFE, s1  }
0xa7: {  	p0 =	sne.s32 s1, s5  }
0xa8: {  	s5 =	sshll.u32 @p0 s5, $0xE  }
0xa9: {  	s5 =	sadd.s32 @p0 $0x11B8D, s5;
	s6 =	sshll.u32 @p0 s4, $0x11  }
0xaa: {  	s5 =	sor.u32 @p0 s6, s5  }
0xab: {  	[sflag:s5] =	ssyncadd.remote.s32 @p0 $0x1;
	_ =	sdelay $0x1  }
0xac: {  	s5 =	simm.s32 @p0 $0x1B8D  }
0xad: {  	_ =	swait.eq @p0 [sflag:s5], $0x1  }
0xae: {  	[sflag:s5] =	ssyncadd.s32 @p0 $0xFFFFFFFF  }
0xaf: {  	s6 =	sshll.u32 @!p0 s1, $0xE  }
0xb0: {  	s6 =	sor.u32 @!p0 $0x4000, s6;
	s5 =	simm.s32 @!p0 $0x1B8D  }
0xb1: {  	s4 =	sshll.u32 @!p0 s4, $0x11;
	s6 =	sadd.s32 @!p0 $0x11B8D, s6;
	_ =	swait.eq @!p0 [sflag:s5], $0x1  }
0xb2: {  	s4 =	sor.u32 @!p0 s4, s6;
	[sflag:s5] =	ssyncadd.s32 @!p0 $0xFFFFFFFF  }
0xb3: {  	s25 =	simm.s32 $0x1B8E;
	s24 =	sld [smem:$0x3FFE];
	[sflag:s4] =	ssyncadd.remote.s32 @!p0 $0x1  }
0xb4: {  	s26 =	simm.s32 $execute0_lowered;
	[smem:$0x3FD2] =	sst s25  }
0xb5: {  	s5 =	sshll.u32 s26, $0x1;
	_ =	strace $0x80000052;
	[dreg:$0x1] =	wrdreg $0xFFFFFFFF  }
0xb6: {  	s28 =	simm.s32 $_size_execute0_lowered;
	s3 =	sadd.s32 s3, s5;
	[dreg:$0x0] =	wrdreg $0x0  }
0xb7: {  	s5 =	sshll.u32 s28, $0x1;
	[dreg:$0x2] =	wrdreg s3  }
0xb8: {  	[dreg:$0x3] =	wrdreg s5  }
0xb9: {  	[dreg:$0x4] =	wrdreg $0xC0  }
0xba: {  	_ =	task [dreg:s22], $0x5FFFF  }
0xbb: {  	[dreg:$0x1] =	wrdreg $0xFFFFFFFF  }
0xbc: {  	[dreg:$0x0] =	wrdreg $0x60  }
0xbd: {  	[dreg:$0x2] =	wrdreg s24  }
0xbe: {  	[dreg:$0x3] =	wrdreg $0x90000  }
0xbf: {  	[dreg:$0x4] =	wrdreg $0xB  }
0xc0: {  	_ =	task.clear_ibuf [dreg:s22], $0x5FFFF;
	_ =	strace $0x90000052  }
0xc1: {  	s29 =	simm.s32 $0xB;
	_ =	strace $0x80000054  }
0xc2: {  	_ =	swait.ge [sflag:s29], $0x1  }
0xc3: {  	[sflag:s29] =	ssyncadd.s32 $0xFFFFFFFF  }
0xc4: {  	_ =	strace $0x90000054  }
0xc5: {  	_ =	sfence  }
0xc6: {  	s30 =	sld [smem:$0x0];
	_ =	sdelay $0x2  }
0xc7: {  	s31 =	sshll.u32 s1, $0xD;
	s1 =	sshrl.u32 s1, $0x2  }
0xc8: {  	s4 =	sand.u32 $0x4000, s31;
	s1 =	sadd.s32 s1, s30  }
0xc9: {  	s0 =	sor.u32 s4, s0;
	s1 =	sshll.u32 s1, $0x11  }
0xca: {  	s0 =	sor.u32 s1, s0  }
0xcb: {  	s0 =	sadd.s32 $0x8F2B, s0  }
0xcc: {  	[sflag:s0] =	ssyncadd.remote.s32 $0x1  }
0xcd: {  	_ =	sfence.sel $0xFFFF  }
0xce: {  	[dreg:$0x0] =	wrdreg $0xFFFFFFFF;
	(pc) =	sbr.abs _section_cstart, $3  }
0xcf: {  	[dreg:$0x1] =	wrdreg $0xFFFFFFFF  }
0xd0: {  	_ =	task.clear_ibuf [dreg:s22], $0x2FFFF;
	_ =	strace $0x9FFFFFFF  }
0xd1: {  	(tm) =	ssettm $0x7FFFFFFF  }
tec
execute0_lowered:
.L_overlay_start_1:
0x0: {  	(tag) =	ssettag $0x1  }
0x1: {  	s1 =	srdreg.scid  }
0x2: {  	s0 =	stileid.u32;
	s7 =	rddreg [dreg:$0x0]  }
0x3: {  	s2 =	rddreg [dreg:$0x1];
	s3 =	simm.s32 $0x0;
	s18 =	simm.s32 $0x80  }
0x4: {  	s19 =	simm.s32 $0x1;
	s23 =	simm.s32 $0x0;
	s6 =	smul.u32 $0x2800, s0  }
0x5: {  	s5 =	sand.u32 $0x1, s1;
	s1 =	rddreg [dreg:$0x2];
	s10 =	smul.u32 $0x4F000, s0  }
0x6: {  	[smem:$0x7FF] =	sst s3;
	s13 =	sadd.s32 $0x23F600, s7;
	s15 =	smul.u32 $0x13800, s0  }
0x7: {  	s16 =	smul.u32 $0x4E000, s0;
	s22 =	sadd.s32 $0x138000, s2;
	s20 =	sshll.u32 s0, $0x6  }
0x8: {  	p0 =	sne.s32 s0, $0xF;
	s4 =	smul.u32 $0x28000, s5;
	_ =	strace $0x80000053  }
0x9: {  	s9 =	ssub.s32 $0x2, s5;
	s12 =	smul.u32 $0x138800, s5;
	s20 =	sor.u32 $0x1C02, s20  }
0xa: {  	s22 =	sshrl.u32 @!p0 s22, $0x3;
	s29 =	sshrl.u32 s9, $0x1;
	s30 =	sshrl.u32 s10, $0x2  }
0xb: {  	s31 =	sshrl.u32 s16, $0x2;
	s16 =	simm.s32 $0x2800;
	s4 =	sadd.s32 s6, s4  }
0xc: {  	s6 =	sshrl.u32 s6, $0x3;
	s14 =	ssub.s32 s9, s29;
	s15 =	sadd.s32 s15, s12  }
0xd: {  	s17 =	sshrl.u32 s12, $0x3;
	s21 =	sadd.s32 s31, s2;
	s8 =	sshrl.u32 s4, $0x3  }
0xe: {  	s4 =	sadd.s32 $0xC1C00, s7;
	s11 =	sadd.s32 s6, s7;
	s6 =	sadd.s32 s30, s2  }
0xf: {  	s15 =	sshrl.u32 s15, $0x3;
	s14 =	smax.u32 s14, $0x1;
	s21 =	sshrl.u32 s21, $0x3  }
0x10: {  	s8 =	sadd.s32 s8, s7;
	s7 =	sadd.s32 $0x64A00, s11;
	s9 =	sadd.s32 $0x8000, s6  }
0x11: {  	s10 =	sadd.s32 $0xC000, s6;
	s11 =	sadd.s32 $0x10000, s6;
	s12 =	sadd.s32 s13, s15  }
0x12: {  	s13 =	sadd.s32 s13, s17;
	s15 =	simm.s32 $0x2;
	s17 =	simm.s32 $0x5000  }
0x13: {  	v0 =	vimm.f32 $0.0e+00;
	s5 =	sadd.s32 $0xB7C00, s8;
	s8 =	sadd.s32 $0x4000, s6;
	s13 =	sadd.s32 $0x27000, s13  }
.LBB2_1:
0x14: {  	[tilespmem:s3], [sflag:$0x2] =	stream.linear.gather [hbm4b:s5+s3], $0x2780, $0x38;
	[tilespmem:$0x1CC00] =	vst v63  }
0x15: {  	_ =	swait.ge [sflag:s15], $0x2780  }
0x16: {  	[sflag:s15] =	ssyncset.done $0x0  }
0x17: {  	[sflag:s15] =	ssyncadd.s32 $0xFFFFD880  }
0x18: {  	[tilespmem:s16], [sflag:$0x2] =	stream.linear.gather [hbm4b:s7+s3], $0x2780, $0x38;
	[tilespmem:$0x1CC00] =	vst v63  }
0x19: {  	_ =	swait.ge [sflag:s15], $0x2780  }
0x1a: {  	[sflag:s15] =	ssyncset.done $0x0  }
0x1b: {  	s24 =	simm.s32 $0x0;
	s25 =	simm.s32 $0x200;
	[sflag:s15] =	ssyncadd.s32 $0xFFFFD880  }
.LBB2_2:
0x1c: {  	p1 =	sne.s32 s25, $0xFE00;
	[tilespmem:s24+$0x5070] =	vst v0  }
0x1d: {  	[tilespmem:s24+$0x5000] =	vst v0  }
0x1e: {  	[tilespmem:s24+$0x5010] =	vst v0  }
.Ltmp0:
0x1f: {  	[tilespmem:s24+$0x5020] =	vst v0;
	(pc) =	sbr.rel @p1 .LBB2_2-.Ltmp0, $4  }
0x20: {  	[tilespmem:s24+$0x5030] =	vst v0  }
0x21: {  	[tilespmem:s24+$0x5040] =	vst v0  }
0x22: {  	[tilespmem:s24+$0x5050] =	vst v0  }
0x23: {  	[tilespmem:s24+$0x5060] =	vst v0;
	s24 =	sshra.s32 s25, $0x2;
	s25 =	sadd.s32 $0x200, s25  }
0x24: {  	[tilespmem:s24+$0x5070] =	vst v0  }
0x25: {  	[tilespmem:s24+$0x5000] =	vst v0  }
0x26: {  	[tilespmem:s24+$0x5010] =	vst v0  }
0x27: {  	[tilespmem:s24+$0x5020] =	vst v0  }
0x28: {  	[tilespmem:s24+$0x5030] =	vst v0  }
0x29: {  	[tilespmem:s24+$0x5040] =	vst v0  }
0x2a: {  	[tilespmem:s24+$0x5050] =	vst v0  }
0x2b: {  	[tilespmem:s24+$0x5060] =	vst v0  }
0x2c: {  	[spmem:s6] =	stream.linear.scatter [tilespmem:s17], [sflag:$0x2], $0x4000, $0x38;
	[tilespmem:$0x1CC00] =	vst v63  }
0x2d: {  	_ =	swait.ge [sflag:s15], $0x4000  }
0x2e: {  	[sflag:s15] =	ssyncset.done $0x0  }
0x2f: {  	[sflag:s15] =	ssyncadd.s32 $0xFFFFC000  }
0x30: {  	[spmem:s8] =	stream.linear.scatter [tilespmem:s17], [sflag:$0x2], $0x4000, $0x38;
	[tilespmem:$0x1CC00] =	vst v63  }
0x31: {  	_ =	swait.ge [sflag:s15], $0x4000  }
0x32: {  	[sflag:s15] =	ssyncset.done $0x0  }
0x33: {  	[sflag:s15] =	ssyncadd.s32 $0xFFFFC000  }
0x34: {  	[spmem:s9] =	stream.linear.scatter [tilespmem:s17], [sflag:$0x2], $0x4000, $0x38;
	[tilespmem:$0x1CC00] =	vst v63  }
0x35: {  	_ =	swait.ge [sflag:s15], $0x4000  }
0x36: {  	[sflag:s15] =	ssyncset.done $0x0  }
0x37: {  	[sflag:s15] =	ssyncadd.s32 $0xFFFFC000  }
0x38: {  	[spmem:s10] =	stream.linear.scatter [tilespmem:s17], [sflag:$0x2], $0x4000, $0x38;
	[tilespmem:$0x1CC00] =	vst v63  }
0x39: {  	_ =	swait.ge [sflag:s15], $0x4000  }
0x3a: {  	[sflag:s15] =	ssyncset.done $0x0  }
0x3b: {  	[sflag:s15] =	ssyncadd.s32 $0xFFFFC000  }
0x3c: {  	[spmem:s11] =	stream.linear.scatter [tilespmem:s17], [sflag:$0x2], $0x3C00, $0x38;
	[tilespmem:$0x1CC00] =	vst v63  }
0x3d: {  	_ =	swait.ge [sflag:s15], $0x3C00  }
0x3e: {  	[sflag:s15] =	ssyncset.done $0x0  }
0x3f: {  	[sflag:s15] =	ssyncadd.s32 $0xFFFFC400  }
0x40: {  	s30 =	simm.s32 $0x0;
	[bflag:$0x0] =	sbarrier.arrive $0xFFFF  }
0x41: {  	[tilespmem:s17], [sflag:$0x1] =	stream.indirect.gather [hbm4b:s4+s18], $0x80, s30, s18, $0xb8;
	[tilespmem:$0x1CC00] =	vst v63  }
0x42: {  	_ =	swait.ge [sflag:s19], $0x4000  }
0x43: {  	[sflag:s19] =	ssyncset.done $0x0  }
0x44: {  	s31 =	simm.s32 $0x2800;
	[sflag:s19] =	ssyncadd.s32 $0xFFFFC000  }
0x45: {  	[spmem:s2] =	stream.indirect.scatter.add.f32 [tilespmem:s17], [sflag:$0x2], $0x80, s31, s18, $0xb8;
	[tilespmem:$0x1CC00] =	vst v63  }
0x46: {  	_ =	swait.ge [sflag:s15], $0x4000  }
0x47: {  	s24 =	simm.s32 $0x200;
	s25 =	simm.s32 $0x400;
	[sflag:s15] =	ssyncset.done $0x0  }
.LBB2_4:
0x48: {  	s26 =	sshra.s32 s24, $0x2  }
0x49: {  	[sflag:s15] =	ssyncadd.s32 $0xFFFFC000;
	s24 =	smov.u32 s25;
	s28 =	sadd.s32 $0x200, s25  }
0x4a: {  	[tilespmem:s17], [sflag:$0x1] =	stream.indirect.gather [hbm4b:s4+s18], $0x80, s26, s18, $0xb8;
	[tilespmem:$0x1CC00] =	vst v63  }
0x4b: {  	p1 =	sne.s32 s25, $0x9C00;
	_ =	swait.ge [sflag:s19], $0x4000  }
.Ltmp1:
0x4c: {  	[sflag:s19] =	ssyncset.done $0x0;
	(pc) =	sbr.rel @p1 .LBB2_4-.Ltmp1, $4  }
0x4d: {  	s25 =	sadd.s32 $0x2800, s26;
	[sflag:s19] =	ssyncadd.s32 $0xFFFFC000  }
0x4e: {  	[spmem:s2] =	stream.indirect.scatter.add.f32 [tilespmem:s17], [sflag:$0x2], $0x80, s25, s18, $0xb8;
	[tilespmem:$0x1CC00] =	vst v63  }
0x4f: {  	_ =	swait.ge [sflag:s15], $0x4000  }
0x50: {  	s25 =	smov.u32 s28;
	[sflag:s15] =	ssyncset.done $0x0  }
0x51: {  	s24 =	sshra.s32 s24, $0x2;
	[sflag:s15] =	ssyncadd.s32 $0xFFFFC000  }
0x52: {  	[tilespmem:s17], [sflag:$0x1] =	stream.indirect.gather [hbm4b:s4+s18], $0x80, s24, s18, $0xb8;
	[tilespmem:$0x1CC00] =	vst v63  }
0x53: {  	_ =	swait.ge [sflag:s19], $0x4000  }
0x54: {  	[sflag:s19] =	ssyncset.done $0x0  }
0x55: {  	s24 =	sadd.s32 $0x2800, s24;
	[sflag:s19] =	ssyncadd.s32 $0xFFFFC000  }
0x56: {  	[spmem:s2] =	stream.indirect.scatter.add.f32 [tilespmem:s17], [sflag:$0x2], $0x80, s24, s18, $0xb8;
	[tilespmem:$0x1CC00] =	vst v63  }
0x57: {  	_ =	swait.ge [sflag:s15], $0x4000  }
0x58: {  	[sflag:s15] =	ssyncset.done $0x0  }
0x59: {  	[sflag:s15] =	ssyncadd.s32 $0xFFFFC000  }
0x5a: {  	[bflag:$0x0] =	sbarrier.arrive $0xFFFF  }
0x5b: {  	[hbm:s12], [sflag:s20] =	dma.local [spmem:s21], $0x2700  }
0x5c: {  	s23 =	sadd.s32 $0x1, s23;
	_ =	swait.ge [sflag:s15], $0x2700  }
0x5d: {  	p1 =	sne.s32 s23, s14;
	[sflag:s15] =	ssyncset.done $0x0  }
.Ltmp2:
0x5e: {  	s24 =	simm.s32 @!p0 $0x2;
	[sflag:s15] =	ssyncadd.s32 $0xFFFFD900;
	(pc) =	sbr.rel @p1 .LBB2_1-.Ltmp2, $4  }
0x5f: {  	[hbm:s13], [sflag:s20] =	dma.local @!p0 [spmem:s22], $0x100  }
0x60: {  	_ =	swait.ge @!p0 [sflag:s24], $0x100  }
0x61: {  	[sflag:s24] =	ssyncset.done @!p0 $0x0  }
0x62: {  	[sflag:s24] =	ssyncadd.s32 @!p0 $0xFFFFFF00  }
0x63: {  	_ =	sfence.sel $0x180000  }
0x64: {  	[bflag:$0x0] =	sbarrier.arrive $0xFFFF  }
0x65: {  	p0 =	sne.s32 s0, $0x0;
	_ =	strace $0x90000053  }
0x66: {  	s0 =	sadd.s32 @!p0 $0x100000, s1;
	[bflag:$0x2] =	sbarrier.arrive $0xFFFF  }
0x67: {  	[sflag:s0] =	ssyncadd.tile.s32 @!p0 $0x1;
	_ =	shalt  }
.Lfunc_end2:
_tile_overlayer_lowered:
.L_overlay_start_2:
0x68: {  	(tag) =	ssettag $0x2  }
0x69: {  	s0 =	rddreg [dreg:$0x0];
	s2 =	stileid.u32  }
0x6a: {  	s1 =	rddreg [dreg:$0x1];
	p0 =	sne.s32 s2, $0x0  }
0x6b: {  	s3 =	rddreg [dreg:$0x2];
	[bflag:$0x3] =	sbarrier.arrive $0xFFFF;
	s2 =	simm.s32 @!p0 $0x1C02  }
0x6c: {  	[timem:s3], [sflag:s2] =	dma.local @!p0 [hbm:s0], s1  }
0x6d: {  	s0 =	simm.s32 @!p0 $0x2  }
0x6e: {  	_ =	swait.ge @!p0 [sflag:s0], s1  }
0x6f: {  	s1 =	ssub.s32 @!p0 $0x0, s1;
	[sflag:s0] =	ssyncset.done @!p0 $0x0  }
0x70: {  	[sflag:s0] =	ssyncadd.s32 @!p0 s1  }
0x71: {  	[bflag:$0x3] =	sbarrier.arrive $0xFFFF  }
0x72: {  	_ =	shalt  }

// kernel: kernel.33.cloned.1.call-start
scs
__scs_entry_jumppad:
0x0: {  	(pc) =	sbr.rel $0x88, $3  }
0x1: {  	(tag) =	ssettag $0x0;
	lr =	simm.s32 $0x1  }
0x2: {  	[smem:$0x3F85] =	sst lr;
	_ =	strace $0xD0000000  }
0x3: {  	_ = 	snop  }
0x4: {  	_ = 	snop  }
0x5: {  	_ = 	snop  }
0x6: {  	_ = 	snop  }
0x7: {  	_ = 	snop  }
__scs_overlays_trampoline_lowered:
0x8: {  	[smem:$0x3F94] =	sst s0  }
0x9: {  	[smem:$0x3F95] =	sst s1  }
0xa: {  	[smem:$0x3F96] =	sst s2  }
0xb: {  	[smem:$0x3F97] =	sst s3  }
0xc: {  	[smem:$0x3F98] =	sst s4  }
0xd: {  	[smem:$0x3F99] =	sst s5  }
0xe: {  	[smem:$0x3F9A] =	sst s6  }
0xf: {  	[smem:$0x3F9B] =	sst s7  }
0x10: {  	[smem:$0x3F9C] =	sst s8  }
0x11: {  	[smem:$0x3F9D] =	sst s9;
	s0 =	simm.s32 @!p0 $0x0  }
0x12: {  	s1 =	sld [smem:$0x3F83];
	s0 =	simm.s32 @p0 $0x1  }
0x13: {  	[smem:$0x3F9E] =	sst s0;
	s0 =	simm.s32 @!p1 $0x0  }
0x14: {  	s2 =	sld [smem:$0x3F82];
	s0 =	simm.s32 @p1 $0x1  }
0x15: {  	[smem:$0x3F9F] =	sst s0;
	s0 =	simm.s32 @!p2 $0x0  }
0x16: {  	s3 =	sld [smem:$0x3FDB];
	s0 =	simm.s32 @p2 $0x1  }
0x17: {  	s4 =	simm.s32 $0x1BF5;
	[smem:$0x3FA1] =	sst s0  }
0x18: {  	s0 =	sld [smem:$0x3F84];
	_ =	swait.ge [sflag:s4], $0x0  }
0x19: {  	s7 =	sld [smem:$0x3F85]  }
0x1a: {  	s8 =	sadd.s32 $0xFFFFE003, lr  }
0x1b: {  	s9 =	sadd.s32 $0xFFFFFEF7, lr;
	s5 =	simm.s32 $0xFFFFFFFF;
	p2 =	slt.u32 s8, $0xFFFFF086  }
0x1c: {  	p1 =	slt.u32 s9, $0xF7A;
	s5 =	simm.s32 @!p2 $0x0  }
0x1d: {  	s5 =	simm.s32 @p1 $0x1;
	p0 =	seq.s32 s7, s2  }
0x1e: {  	s7 =	smul.u32 @!p0 $0xF7A, s2;
	p2 =	seq.s32 @!p0 s5, $0x0  }
0x1f: {  	s9 =	smul.u32 $0xF7A, s1;
	s8 =	simm.s32 @!p0 $0x1BF5;
	p2 =	por !p2, p0  }
0x20: {  	[sflag:s8] =	ssyncset.s32 @!p0 $0xFFFFF086;
	s6 =	sadd.s32 @!p0 s3, s7;
	s7 =	simm.s32 @!p0 $0x108  }
0x21: {  	s3 =	sadd.s32 s3, s9;
	s6 =	sadd.s32 @!p0 $0x88, s6;
	s7 =	simm.s32 @p2 $0x1082  }
0x22: {  	[simem:s7], [sflag:s8] =	dma.local @!p0 [hbm:s6], $0xF7A  }
0x23: {  	s9 =	sor.u32 $0xD0000000, s2;
	s6 =	simm.s32 $0x108;
	_ =	swait.ge @!p0 [sflag:s8], $0x0  }
0x24: {  	s3 =	sadd.s32 $0x88, s3;
	s6 =	simm.s32 @!p1 $0x1082;
	[sflag:s4] =	ssyncset.s32 $0xFFFFF086  }
0x25: {  	[simem:s6], [sflag:s4] =	dma.local [hbm:s3], $0xF7A  }
0x26: {  	[smem:$0x3F85] =	sst s1;
	(tag) =	ssettag s2;
	_ =	strace s9  }
0x27: {  	s1 =	sld [smem:$0x3F95]  }
0x28: {  	s2 =	sld [smem:$0x3F96]  }
0x29: {  	s4 =	sld [smem:$0x3F98]  }
0x2a: {  	p0 =	seq.s32 s5, $0x0;
	s5 =	sld [smem:$0x3F99]  }
0x2b: {  	s6 =	sld [smem:$0x3F9A]  }
0x2c: {  	s7 =	sld [smem:$0x3F9B]  }
0x2d: {  	s3 =	simm.s32 $0x108;
	s8 =	sld [smem:$0x3F9C]  }
0x2e: {  	s3 =	simm.s32 @!p0 $0x1082;
	s9 =	sld [smem:$0x3F9D]  }
0x2f: {  	lr =	sadd.s32 s0, s3;
	s0 =	sld [smem:$0x3F94]  }
0x30: {  	s3 =	sld [smem:$0x3F97]  }
0x31: {  	[smem:$0x3FA0] =	sst s10  }
0x32: {  	s10 =	sld [smem:$0x3F9E];
	_ =	sdelay $0x3  }
0x33: {  	p0 =	seq.s32 s10, $0x1;
	s10 =	sld [smem:$0x3FA0];
	_ =	sdelay $0x3  }
0x34: {  	[smem:$0x3FA0] =	sst s10  }
0x35: {  	s10 =	sld [smem:$0x3F9F];
	_ =	sdelay $0x3  }
0x36: {  	p1 =	seq.s32 s10, $0x1;
	s10 =	sld [smem:$0x3FA0];
	_ =	sdelay $0x3  }
0x37: {  	[smem:$0x3FA0] =	sst s10  }
0x38: {  	s10 =	sld [smem:$0x3FA1]  }
0x39: {  	_ = 	snop;
	(pc) =	sbr.ind lr, $3  }
0x3a: {  	_ = 	snop  }
0x3b: {  	_ = 	snop  }
0x3c: {  	p2 =	seq.s32 s10, $0x1;
	s10 =	sld [smem:$0x3FA0]  }
0x3d: {  	_ =	shalt  }
0x3e: {  	_ =	shalt  }
0x3f: {  	_ =	shalt  }
0x40: {  	_ =	shalt  }
0x41: {  	_ =	shalt  }
0x42: {  	_ =	shalt  }
0x43: {  	_ =	shalt  }
0x44: {  	_ =	shalt  }
0x45: {  	_ =	shalt  }
0x46: {  	_ =	shalt  }
0x47: {  	_ =	shalt  }
0x48: {  	_ =	shalt  }
0x49: {  	_ =	shalt  }
0x4a: {  	_ =	shalt  }
0x4b: {  	_ =	shalt  }
0x4c: {  	_ =	shalt  }
0x4d: {  	_ =	shalt  }
0x4e: {  	_ =	shalt  }
0x4f: {  	_ =	shalt  }
0x50: {  	_ =	shalt  }
0x51: {  	_ =	shalt  }
0x52: {  	_ =	shalt  }
0x53: {  	_ =	shalt  }
0x54: {  	_ =	shalt  }
0x55: {  	_ =	shalt  }
0x56: {  	_ =	shalt  }
0x57: {  	_ =	shalt  }
0x58: {  	_ =	shalt  }
0x59: {  	_ =	shalt  }
0x5a: {  	_ =	shalt  }
0x5b: {  	_ =	shalt  }
0x5c: {  	_ =	shalt  }
0x5d: {  	_ =	shalt  }
0x5e: {  	_ =	shalt  }
0x5f: {  	_ =	shalt  }
0x60: {  	_ =	shalt  }
0x61: {  	_ =	shalt  }
0x62: {  	_ =	shalt  }
0x63: {  	_ =	shalt  }
0x64: {  	_ =	shalt  }
0x65: {  	_ =	shalt  }
0x66: {  	_ =	shalt  }
0x67: {  	_ =	shalt  }
0x68: {  	_ =	shalt  }
0x69: {  	_ =	shalt  }
0x6a: {  	_ =	shalt  }
0x6b: {  	_ =	shalt  }
0x6c: {  	_ =	shalt  }
0x6d: {  	_ =	shalt  }
0x6e: {  	_ =	shalt  }
0x6f: {  	_ =	shalt  }
0x70: {  	_ =	shalt  }
0x71: {  	_ =	shalt  }
0x72: {  	_ =	shalt  }
0x73: {  	_ =	shalt  }
0x74: {  	_ =	shalt  }
0x75: {  	_ =	shalt  }
0x76: {  	_ =	shalt  }
0x77: {  	_ =	shalt  }
0x78: {  	_ =	shalt  }
0x79: {  	_ =	shalt  }
0x7a: {  	_ =	shalt  }
0x7b: {  	_ =	shalt  }
0x7c: {  	_ =	shalt  }
0x7d: {  	_ =	shalt  }
0x7e: {  	_ =	shalt  }
0x7f: {  	_ =	shalt  }
0x80: {  	_ =	shalt  }
0x81: {  	_ =	shalt  }
0x82: {  	_ =	shalt  }
0x83: {  	_ =	shalt  }
0x84: {  	_ =	shalt  }
0x85: {  	_ =	shalt  }
0x86: {  	_ =	shalt  }
0x87: {  	_ =	shalt  }
.Lfunc_end0:
.L_simem_size_0:
called_computation.6_lowered:
.L_overlay_start_0:
0x88: {  	s2 =	sld [smem:$0x3FD9]  }
0x89: {  	s3 =	sld [smem:$0x3FFE];
	_ =	sdelay $0x1  }
0x8a: {  	s1 =	srdreg.scid  }
0x8b: {  	s0 =	sand.u32 $0x1, s1  }
0x8c: {  	s17 =	sshll.u32 s0, $0xA;
	s2 =	sadd.s32 s3, s2  }
0x8d: {  	s2 =	sadd.s32 s2, s17  }
0x8e: {  	[smem:$0x3FAC] =	sst s2  }
0x8f: {  	_ = 	snop  }
0x90: {  	(tm) =	ssettm $0x1  }
0x91: {  	s18 =	sld [smem:$0x3FFB];
	_ =	sdelay $0x3  }
0x92: {  	_ =	strace s18  }
0x93: {  	s2 =	sld [smem:$0x3FFC];
	_ =	sdelay $0x3  }
0x94: {  	_ =	strace s2  }
0x95: {  	s2 =	sld [smem:$0x3FFD];
	_ =	sdelay $0x3  }
0x96: {  	_ =	strace s2  }
0x97: {  	_ =	strace $0x8FFFFFFF  }
0x98: {  	s19 =	sld [smem:$0x3FDB];
	_ =	sdelay $0x1  }
0x99: {  	s20 =	simm.s32 $_scs_section_size  }
0x9a: {  	s4 =	simm.s32 $_size__tile_overlayer_lowered;
	s5 =	simm.s32 $_tile_overlayer_lowered  }
0x9b: {  	s6 =	simm.s32 $0x1BFF;
	s21 =	sshll.u32 s5, $0x1;
	s3 =	sadd.s32 s20, s19  }
0x9c: {  	s22 =	simm.s32 $0x0;
	s4 =	sshll.u32 s4, $0x1;
	s5 =	sadd.s32 s21, s3  }
0x9d: {  	[timem:s22], [sflag:s6] =	dma.local [hbm:s5], s4  }
0x9e: {  	_ =	swait.ge [sflag:s6], s4  }
0x9f: {  	s4 =	ssub.s32 $0x0, s4;
	[sflag:s6] =	ssyncset.done $0x0  }
0xa0: {  	[sflag:s6] =	ssyncadd.s32 s4;
	_ =	sdelay $0x1  }
0xa1: {  	s23 =	simm.s32 $0x1B8B  }
0xa2: {  	_ =	swait.ge [sflag:s23], $0x1  }
0xa3: {  	[sflag:s23] =	ssyncset.done $0x0  }
0xa4: {  	[sflag:s23] =	ssyncadd.s32 $0xFFFFFFFF  }
0xa5: {  	s4 =	sld [smem:$0x0]  }
0xa6: {  	s5 =	sand.u32 $0xFFFFFFFE, s1  }
0xa7: {  	p0 =	sne.s32 s1, s5  }
0xa8: {  	s5 =	sshll.u32 @p0 s5, $0xE  }
0xa9: {  	s5 =	sadd.s32 @p0 $0x11B8D, s5;
	s6 =	sshll.u32 @p0 s4, $0x11  }
0xaa: {  	s5 =	sor.u32 @p0 s6, s5  }
0xab: {  	[sflag:s5] =	ssyncadd.remote.s32 @p0 $0x1;
	_ =	sdelay $0x1  }
0xac: {  	s5 =	simm.s32 @p0 $0x1B8D  }
0xad: {  	_ =	swait.eq @p0 [sflag:s5], $0x1  }
0xae: {  	[sflag:s5] =	ssyncadd.s32 @p0 $0xFFFFFFFF  }
0xaf: {  	s6 =	sshll.u32 @!p0 s1, $0xE  }
0xb0: {  	s6 =	sor.u32 @!p0 $0x4000, s6;
	s5 =	simm.s32 @!p0 $0x1B8D  }
0xb1: {  	s4 =	sshll.u32 @!p0 s4, $0x11;
	s6 =	sadd.s32 @!p0 $0x11B8D, s6;
	_ =	swait.eq @!p0 [sflag:s5], $0x1  }
0xb2: {  	s4 =	sor.u32 @!p0 s4, s6;
	[sflag:s5] =	ssyncadd.s32 @!p0 $0xFFFFFFFF  }
0xb3: {  	s25 =	simm.s32 $0x1B8E;
	s24 =	sld [smem:$0x3FFE];
	[sflag:s4] =	ssyncadd.remote.s32 @!p0 $0x1  }
0xb4: {  	s26 =	simm.s32 $execute0_lowered;
	[smem:$0x3FD2] =	sst s25  }
0xb5: {  	s5 =	sshll.u32 s26, $0x1;
	_ =	strace $0x80000058;
	[dreg:$0x1] =	wrdreg $0xFFFFFFFF  }
0xb6: {  	s28 =	simm.s32 $_size_execute0_lowered;
	s3 =	sadd.s32 s3, s5;
	[dreg:$0x0] =	wrdreg $0x0  }
0xb7: {  	s5 =	sshll.u32 s28, $0x1;
	[dreg:$0x2] =	wrdreg s3  }
0xb8: {  	[dreg:$0x3] =	wrdreg s5  }
0xb9: {  	[dreg:$0x4] =	wrdreg $0xC0  }
0xba: {  	_ =	task [dreg:s22], $0x5FFFF  }
0xbb: {  	[dreg:$0x1] =	wrdreg $0xFFFFFFFF  }
0xbc: {  	[dreg:$0x0] =	wrdreg $0x60  }
0xbd: {  	[dreg:$0x2] =	wrdreg s24  }
0xbe: {  	[dreg:$0x3] =	wrdreg $0x90000  }
0xbf: {  	[dreg:$0x4] =	wrdreg $0xA  }
0xc0: {  	_ =	task.clear_ibuf [dreg:s22], $0x5FFFF;
	_ =	strace $0x90000058  }
0xc1: {  	s29 =	simm.s32 $0xA;
	_ =	strace $0x8000005A  }
0xc2: {  	_ =	swait.ge [sflag:s29], $0x1  }
0xc3: {  	[sflag:s29] =	ssyncadd.s32 $0xFFFFFFFF  }
0xc4: {  	_ =	strace $0x9000005A  }
0xc5: {  	_ =	sfence  }
0xc6: {  	s30 =	sld [smem:$0x0];
	_ =	sdelay $0x2  }
0xc7: {  	s31 =	sshll.u32 s1, $0xD;
	s1 =	sshrl.u32 s1, $0x2  }
0xc8: {  	s4 =	sand.u32 $0x4000, s31;
	s1 =	sadd.s32 s1, s30  }
0xc9: {  	s0 =	sor.u32 s4, s0;
	s1 =	sshll.u32 s1, $0x11  }
0xca: {  	s0 =	sor.u32 s1, s0  }
0xcb: {  	s0 =	sadd.s32 $0x8F2B, s0  }
0xcc: {  	[sflag:s0] =	ssyncadd.remote.s32 $0x1  }
0xcd: {  	_ =	sfence.sel $0xFFFF  }
0xce: {  	[dreg:$0x0] =	wrdreg $0xFFFFFFFF;
	(pc) =	sbr.abs _section_cstart, $3  }
0xcf: {  	[dreg:$0x1] =	wrdreg $0xFFFFFFFF  }
0xd0: {  	_ =	task.clear_ibuf [dreg:s22], $0x2FFFF;
	_ =	strace $0x9FFFFFFF  }
0xd1: {  	(tm) =	ssettm $0x7FFFFFFF  }
tec
execute0_lowered:
.L_overlay_start_1:
0x0: {  	(tag) =	ssettag $0x1  }
0x1: {  	s1 =	srdreg.scid  }
0x2: {  	s0 =	stileid.u32;
	s7 =	rddreg [dreg:$0x0]  }
0x3: {  	s2 =	rddreg [dreg:$0x1];
	s3 =	simm.s32 $0x0;
	s18 =	simm.s32 $0x80  }
0x4: {  	s19 =	simm.s32 $0x1;
	s23 =	simm.s32 $0x0;
	s6 =	smul.u32 $0x2800, s0  }
0x5: {  	s5 =	sand.u32 $0x1, s1;
	s1 =	rddreg [dreg:$0x2];
	s10 =	smul.u32 $0x4F000, s0  }
0x6: {  	[smem:$0x7FF] =	sst s3;
	s13 =	sadd.s32 $0x1CA200, s7;
	s15 =	smul.u32 $0x13800, s0  }
0x7: {  	s16 =	smul.u32 $0x4E000, s0;
	s22 =	sadd.s32 $0x138000, s2;
	s20 =	sshll.u32 s0, $0x6  }
0x8: {  	p0 =	sne.s32 s0, $0xF;
	s4 =	smul.u32 $0x28000, s5;
	_ =	strace $0x80000059  }
0x9: {  	s9 =	ssub.s32 $0x2, s5;
	s12 =	smul.u32 $0x138800, s5;
	s20 =	sor.u32 $0x1C02, s20  }
0xa: {  	s22 =	sshrl.u32 @!p0 s22, $0x3;
	s29 =	sshrl.u32 s9, $0x1;
	s30 =	sshrl.u32 s10, $0x2  }
0xb: {  	s31 =	sshrl.u32 s16, $0x2;
	s16 =	simm.s32 $0x2800;
	s4 =	sadd.s32 s6, s4  }
0xc: {  	s6 =	sshrl.u32 s6, $0x3;
	s14 =	ssub.s32 s9, s29;
	s15 =	sadd.s32 s15, s12  }
0xd: {  	s17 =	sshrl.u32 s12, $0x3;
	s21 =	sadd.s32 s31, s2;
	s8 =	sshrl.u32 s4, $0x3  }
0xe: {  	s4 =	sadd.s32 $0xC1C00, s7;
	s11 =	sadd.s32 s6, s7;
	s6 =	sadd.s32 s30, s2  }
0xf: {  	s15 =	sshrl.u32 s15, $0x3;
	s14 =	smax.u32 s14, $0x1;
	s21 =	sshrl.u32 s21, $0x3  }
0x10: {  	s8 =	sadd.s32 s8, s7;
	s7 =	sadd.s32 $0x10FE00, s11;
	s9 =	sadd.s32 $0x8000, s6  }
0x11: {  	s10 =	sadd.s32 $0xC000, s6;
	s11 =	sadd.s32 $0x10000, s6;
	s12 =	sadd.s32 s13, s15  }
0x12: {  	s13 =	sadd.s32 s13, s17;
	s15 =	simm.s32 $0x2;
	s17 =	simm.s32 $0x5000  }
0x13: {  	v0 =	vimm.f32 $0.0e+00;
	s5 =	sadd.s32 $0x114E00, s8;
	s8 =	sadd.s32 $0x4000, s6;
	s13 =	sadd.s32 $0x27000, s13  }
.LBB2_1:
0x14: {  	[tilespmem:s3], [sflag:$0x2] =	stream.linear.gather [hbm4b:s5+s3], $0x2780, $0x38;
	[tilespmem:$0x1CC00] =	vst v63  }
0x15: {  	_ =	swait.ge [sflag:s15], $0x2780  }
0x16: {  	[sflag:s15] =	ssyncset.done $0x0  }
0x17: {  	[sflag:s15] =	ssyncadd.s32 $0xFFFFD880  }
0x18: {  	[tilespmem:s16], [sflag:$0x2] =	stream.linear.gather [hbm4b:s7+s3], $0x2780, $0x38;
	[tilespmem:$0x1CC00] =	vst v63  }
0x19: {  	_ =	swait.ge [sflag:s15], $0x2780  }
0x1a: {  	[sflag:s15] =	ssyncset.done $0x0  }
0x1b: {  	s24 =	simm.s32 $0x0;
	s25 =	simm.s32 $0x200;
	[sflag:s15] =	ssyncadd.s32 $0xFFFFD880  }
.LBB2_2:
0x1c: {  	p1 =	sne.s32 s25, $0xFE00;
	[tilespmem:s24+$0x5070] =	vst v0  }
0x1d: {  	[tilespmem:s24+$0x5000] =	vst v0  }
0x1e: {  	[tilespmem:s24+$0x5010] =	vst v0  }
.Ltmp0:
0x1f: {  	[tilespmem:s24+$0x5020] =	vst v0;
	(pc) =	sbr.rel @p1 .LBB2_2-.Ltmp0, $4  }
0x20: {  	[tilespmem:s24+$0x5030] =	vst v0  }
0x21: {  	[tilespmem:s24+$0x5040] =	vst v0  }
0x22: {  	[tilespmem:s24+$0x5050] =	vst v0  }
0x23: {  	[tilespmem:s24+$0x5060] =	vst v0;
	s24 =	sshra.s32 s25, $0x2;
	s25 =	sadd.s32 $0x200, s25  }
0x24: {  	[tilespmem:s24+$0x5070] =	vst v0  }
0x25: {  	[tilespmem:s24+$0x5000] =	vst v0  }
0x26: {  	[tilespmem:s24+$0x5010] =	vst v0  }
0x27: {  	[tilespmem:s24+$0x5020] =	vst v0  }
0x28: {  	[tilespmem:s24+$0x5030] =	vst v0  }
0x29: {  	[tilespmem:s24+$0x5040] =	vst v0  }
0x2a: {  	[tilespmem:s24+$0x5050] =	vst v0  }
0x2b: {  	[tilespmem:s24+$0x5060] =	vst v0  }
0x2c: {  	[spmem:s6] =	stream.linear.scatter [tilespmem:s17], [sflag:$0x2], $0x4000, $0x38;
	[tilespmem:$0x1CC00] =	vst v63  }
0x2d: {  	_ =	swait.ge [sflag:s15], $0x4000  }
0x2e: {  	[sflag:s15] =	ssyncset.done $0x0  }
0x2f: {  	[sflag:s15] =	ssyncadd.s32 $0xFFFFC000  }
0x30: {  	[spmem:s8] =	stream.linear.scatter [tilespmem:s17], [sflag:$0x2], $0x4000, $0x38;
	[tilespmem:$0x1CC00] =	vst v63  }
0x31: {  	_ =	swait.ge [sflag:s15], $0x4000  }
0x32: {  	[sflag:s15] =	ssyncset.done $0x0  }
0x33: {  	[sflag:s15] =	ssyncadd.s32 $0xFFFFC000  }
0x34: {  	[spmem:s9] =	stream.linear.scatter [tilespmem:s17], [sflag:$0x2], $0x4000, $0x38;
	[tilespmem:$0x1CC00] =	vst v63  }
0x35: {  	_ =	swait.ge [sflag:s15], $0x4000  }
0x36: {  	[sflag:s15] =	ssyncset.done $0x0  }
0x37: {  	[sflag:s15] =	ssyncadd.s32 $0xFFFFC000  }
0x38: {  	[spmem:s10] =	stream.linear.scatter [tilespmem:s17], [sflag:$0x2], $0x4000, $0x38;
	[tilespmem:$0x1CC00] =	vst v63  }
0x39: {  	_ =	swait.ge [sflag:s15], $0x4000  }
0x3a: {  	[sflag:s15] =	ssyncset.done $0x0  }
0x3b: {  	[sflag:s15] =	ssyncadd.s32 $0xFFFFC000  }
0x3c: {  	[spmem:s11] =	stream.linear.scatter [tilespmem:s17], [sflag:$0x2], $0x3C00, $0x38;
	[tilespmem:$0x1CC00] =	vst v63  }
0x3d: {  	_ =	swait.ge [sflag:s15], $0x3C00  }
0x3e: {  	[sflag:s15] =	ssyncset.done $0x0  }
0x3f: {  	[sflag:s15] =	ssyncadd.s32 $0xFFFFC400  }
0x40: {  	s30 =	simm.s32 $0x0;
	[bflag:$0x0] =	sbarrier.arrive $0xFFFF  }
0x41: {  	[tilespmem:s17], [sflag:$0x1] =	stream.indirect.gather [hbm4b:s4+s18], $0x80, s30, s18, $0xb8;
	[tilespmem:$0x1CC00] =	vst v63  }
0x42: {  	_ =	swait.ge [sflag:s19], $0x4000  }
0x43: {  	[sflag:s19] =	ssyncset.done $0x0  }
0x44: {  	s31 =	simm.s32 $0x2800;
	[sflag:s19] =	ssyncadd.s32 $0xFFFFC000  }
0x45: {  	[spmem:s2] =	stream.indirect.scatter.add.f32 [tilespmem:s17], [sflag:$0x2], $0x80, s31, s18, $0xb8;
	[tilespmem:$0x1CC00] =	vst v63  }
0x46: {  	_ =	swait.ge [sflag:s15], $0x4000  }
0x47: {  	s24 =	simm.s32 $0x200;
	s25 =	simm.s32 $0x400;
	[sflag:s15] =	ssyncset.done $0x0  }
.LBB2_4:
0x48: {  	s26 =	sshra.s32 s24, $0x2  }
0x49: {  	[sflag:s15] =	ssyncadd.s32 $0xFFFFC000;
	s24 =	smov.u32 s25;
	s28 =	sadd.s32 $0x200, s25  }
0x4a: {  	[tilespmem:s17], [sflag:$0x1] =	stream.indirect.gather [hbm4b:s4+s18], $0x80, s26, s18, $0xb8;
	[tilespmem:$0x1CC00] =	vst v63  }
0x4b: {  	p1 =	sne.s32 s25, $0x9C00;
	_ =	swait.ge [sflag:s19], $0x4000  }
.Ltmp1:
0x4c: {  	[sflag:s19] =	ssyncset.done $0x0;
	(pc) =	sbr.rel @p1 .LBB2_4-.Ltmp1, $4  }
0x4d: {  	s25 =	sadd.s32 $0x2800, s26;
	[sflag:s19] =	ssyncadd.s32 $0xFFFFC000  }
0x4e: {  	[spmem:s2] =	stream.indirect.scatter.add.f32 [tilespmem:s17], [sflag:$0x2], $0x80, s25, s18, $0xb8;
	[tilespmem:$0x1CC00] =	vst v63  }
0x4f: {  	_ =	swait.ge [sflag:s15], $0x4000  }
0x50: {  	s25 =	smov.u32 s28;
	[sflag:s15] =	ssyncset.done $0x0  }
0x51: {  	s24 =	sshra.s32 s24, $0x2;
	[sflag:s15] =	ssyncadd.s32 $0xFFFFC000  }
0x52: {  	[tilespmem:s17], [sflag:$0x1] =	stream.indirect.gather [hbm4b:s4+s18], $0x80, s24, s18, $0xb8;
	[tilespmem:$0x1CC00] =	vst v63  }
0x53: {  	_ =	swait.ge [sflag:s19], $0x4000  }
0x54: {  	[sflag:s19] =	ssyncset.done $0x0  }
0x55: {  	s24 =	sadd.s32 $0x2800, s24;
	[sflag:s19] =	ssyncadd.s32 $0xFFFFC000  }
0x56: {  	[spmem:s2] =	stream.indirect.scatter.add.f32 [tilespmem:s17], [sflag:$0x2], $0x80, s24, s18, $0xb8;
	[tilespmem:$0x1CC00] =	vst v63  }
0x57: {  	_ =	swait.ge [sflag:s15], $0x4000  }
0x58: {  	[sflag:s15] =	ssyncset.done $0x0  }
0x59: {  	[sflag:s15] =	ssyncadd.s32 $0xFFFFC000  }
0x5a: {  	[bflag:$0x0] =	sbarrier.arrive $0xFFFF  }
0x5b: {  	[hbm:s12], [sflag:s20] =	dma.local [spmem:s21], $0x2700  }
0x5c: {  	s23 =	sadd.s32 $0x1, s23;
	_ =	swait.ge [sflag:s15], $0x2700  }
0x5d: {  	p1 =	sne.s32 s23, s14;
	[sflag:s15] =	ssyncset.done $0x0  }
.Ltmp2:
0x5e: {  	s24 =	simm.s32 @!p0 $0x2;
	[sflag:s15] =	ssyncadd.s32 $0xFFFFD900;
	(pc) =	sbr.rel @p1 .LBB2_1-.Ltmp2, $4  }
0x5f: {  	[hbm:s13], [sflag:s20] =	dma.local @!p0 [spmem:s22], $0x100  }
0x60: {  	_ =	swait.ge @!p0 [sflag:s24], $0x100  }
0x61: {  	[sflag:s24] =	ssyncset.done @!p0 $0x0  }
0x62: {  	[sflag:s24] =	ssyncadd.s32 @!p0 $0xFFFFFF00  }
0x63: {  	_ =	sfence.sel $0x180000  }
0x64: {  	[bflag:$0x0] =	sbarrier.arrive $0xFFFF  }
0x65: {  	p0 =	sne.s32 s0, $0x0;
	_ =	strace $0x90000059  }
0x66: {  	s0 =	sadd.s32 @!p0 $0x100000, s1;
	[bflag:$0x2] =	sbarrier.arrive $0xFFFF  }
0x67: {  	[sflag:s0] =	ssyncadd.tile.s32 @!p0 $0x1;
	_ =	shalt  }
.Lfunc_end2:
_tile_overlayer_lowered:
.L_overlay_start_2:
0x68: {  	(tag) =	ssettag $0x2  }
0x69: {  	s0 =	rddreg [dreg:$0x0];
	s2 =	stileid.u32  }
0x6a: {  	s1 =	rddreg [dreg:$0x1];
	p0 =	sne.s32 s2, $0x0  }
0x6b: {  	s3 =	rddreg [dreg:$0x2];
	[bflag:$0x3] =	sbarrier.arrive $0xFFFF;
	s2 =	simm.s32 @!p0 $0x1C02  }
0x6c: {  	[timem:s3], [sflag:s2] =	dma.local @!p0 [hbm:s0], s1  }
0x6d: {  	s0 =	simm.s32 @!p0 $0x2  }
0x6e: {  	_ =	swait.ge @!p0 [sflag:s0], s1  }
0x6f: {  	s1 =	ssub.s32 @!p0 $0x0, s1;
	[sflag:s0] =	ssyncset.done @!p0 $0x0  }
0x70: {  	[sflag:s0] =	ssyncadd.s32 @!p0 s1  }
0x71: {  	[bflag:$0x3] =	sbarrier.arrive $0xFFFF  }
0x72: {  	_ =	shalt  }

</sc_bundles>
